<compile_context>
chip_gen: v7x
topology: tpu7x:2x2x1
jax: 0.10.2.dev20260603
libtpu: 0.0.44.dev20260713+nightly
codegen_flags: <defaults>
</compile_context>

<pallas_src>
import functools

import jax
import jax.numpy as jnp
from jax import lax
from jax.experimental import pallas as pl
from jax.experimental.pallas import tpu as pltpu
from jax.experimental.pallas import tpu_sc as plsc

N = 10000
E = 160000
C = 256
HALF = 128
NC = 2
NS = 16
B = 64
NB = 160
NBC = 80
EPAD = NS * NB * B
NPAD = 10112
ZROWS = 632
OROWS = 624

_f32 = jnp.float32
_MESH = dict(core_axis_name="c", subcore_axis_name="s",
             num_cores=NC, num_subcores=NS)


def _sc_agg_kernel():
    @functools.partial(
        pl.kernel,
        out_type=jax.ShapeDtypeStruct((NC, N, HALF), _f32),
        mesh=plsc.VectorSubcoreMesh(**_MESH),
        scratch_types=[
            pltpu.VMEM((NB // 4, B), jnp.int32),
            pltpu.VMEM((NB // 4, B), jnp.int32),
            pltpu.VMEM((B, HALF), _f32),
            pltpu.VMEM((B, HALF), _f32),
            pltpu.VMEM((B, HALF), _f32),
            pltpu.VMEM((B, HALF), _f32),
            pltpu.VMEM_SHARED((NPAD, HALF), _f32),
            pltpu.SemaphoreType.DMA,
            pltpu.SemaphoreType.DMA,
            pltpu.SemaphoreType.DMA,
            pltpu.SemaphoreType.DMA,
        ],
    )
    def sc_agg(x2_hbm, idx2_hbm, dstp_hbm, agg_out,
               sidx, didx, r0, r1, r2, r3, agg_sh, g0, g1, g2, g3):
        c = lax.axis_index("c")
        s = lax.axis_index("s")
        rows_l = (r0, r1, r2, r3)
        gsems = (g0, g1, g2, g3)
        NBUF = 4
        NBH = NB // 4

        def zrows_body(i, _):
            for j in range(HALF // 16):
                r0[i, pl.ds(j * 16, 16)] = jnp.zeros((16,), _f32)
            return 0
        lax.fori_loop(0, B, zrows_body, 0)

        zbase = s * ZROWS
        for r in range(0, 576, 64):
            pltpu.sync_copy(r0, agg_sh.at[pl.ds(zbase + r, 64)])
        pltpu.sync_copy(r0.at[pl.ds(0, ZROWS - 576)],
                        agg_sh.at[pl.ds(zbase + 576, ZROWS - 576)])

        plsc.subcore_barrier()

        for h in range(4):
            pltpu.sync_copy(
                idx2_hbm.at[c].at[pl.ds(s * NB + h * NBH, NBH)], sidx)
            pltpu.sync_copy(
                dstp_hbm.at[pl.ds(s * NB + h * NBH, NBH)], didx)

            for k in range(NBUF):
                pltpu.async_copy(
                    x2_hbm.at[sidx.at[k]], rows_l[k], gsems[k])

            def qbody(q, _):
                base = q * NBUF
                scat = []
                for k in range(NBUF):
                    pltpu.make_async_copy(
                        x2_hbm.at[pl.ds(0, B)], rows_l[k],
                        gsems[k]).wait()
                    scat.append(pltpu.async_copy(
                        rows_l[k], agg_sh.at[didx.at[base + k]],
                        gsems[k], add=True))
                for k in range(NBUF):
                    scat[k].wait()
                    nxt = base + NBUF + k

                    @pl.when(nxt < NBH)
                    def _refill():
                        pltpu.async_copy(
                            x2_hbm.at[sidx.at[nxt]], rows_l[k],
                            gsems[k])
                return 0
            lax.fori_loop(0, NBH // NBUF, qbody, 0)

        plsc.subcore_barrier()

        obase = s * OROWS
        pltpu.sync_copy(agg_sh.at[pl.ds(obase, OROWS)],
                        agg_out.at[c].at[pl.ds(obase, OROWS)])

        @pl.when(s == NS - 1)
        def _tail():
            tbase = NS * OROWS
            pltpu.sync_copy(agg_sh.at[pl.ds(tbase, N - tbase)],
                            agg_out.at[c].at[pl.ds(tbase, N - tbase)])

    return sc_agg


def _sc_cnt_kernel():
    @functools.partial(
        pl.kernel,
        out_type=jax.ShapeDtypeStruct((NC, N, HALF), _f32),
        mesh=plsc.VectorSubcoreMesh(**_MESH),
        scratch_types=[
            pltpu.VMEM((NBC, B), jnp.int32),
            pltpu.VMEM((B, HALF), _f32),
            pltpu.VMEM_SHARED((NPAD, HALF), _f32),
            pltpu.SemaphoreType.DMA,
        ],
    )
    def sc_cnt(dstp_hbm, cnt_out, didx, ones_v, cnt_sh, sem):
        c = lax.axis_index("c")
        s = lax.axis_index("s")

        def fill_body_zero(i, _):
            for j in range(HALF // 16):
                ones_v[i, pl.ds(j * 16, 16)] = jnp.zeros((16,), _f32)
            return 0
        lax.fori_loop(0, B, fill_body_zero, 0)

        zbase = s * ZROWS
        for r in range(0, 576, 64):
            pltpu.sync_copy(ones_v, cnt_sh.at[pl.ds(zbase + r, 64)])
        pltpu.sync_copy(ones_v.at[pl.ds(0, ZROWS - 576)],
                        cnt_sh.at[pl.ds(zbase + 576, ZROWS - 576)])

        def fill_body_one(i, _):
            for j in range(HALF // 16):
                ones_v[i, pl.ds(j * 16, 16)] = jnp.ones((16,), _f32)
            return 0
        lax.fori_loop(0, B, fill_body_one, 0)

        pltpu.sync_copy(
            dstp_hbm.at[pl.ds((c * NS + s) * NBC, NBC)], didx)

        plsc.subcore_barrier()

        def ebody(b, _):
            pltpu.sync_copy(ones_v, cnt_sh.at[didx.at[b]], add=True)
            return 0
        lax.fori_loop(0, NBC, ebody, 0)

        plsc.subcore_barrier()

        obase = s * OROWS
        pltpu.sync_copy(cnt_sh.at[pl.ds(obase, OROWS)],
                        cnt_out.at[c].at[pl.ds(obase, OROWS)])

        @pl.when(s == NS - 1)
        def _tail():
            tbase = NS * OROWS
            pltpu.sync_copy(cnt_sh.at[pl.ds(tbase, N - tbase)],
                            cnt_out.at[c].at[pl.ds(tbase, N - tbase)])

    return sc_cnt


def _tc_layer(agg, cnt, x_il, wlt, wrt, b, *, relu, final):
    blk = 1000
    grid = (N // blk,)

    def body(a_r, cnt_r, x_r, wl_r, wr_r, b_r, o_r):
        deg = cnt_r[0, :, 0:1] + cnt_r[1, :, 0:1]
        rc = 1.0 / jnp.maximum(deg, 1.0)
        acc = jnp.dot(a_r[0] * rc, wl_r[0:HALF, :],
                      preferred_element_type=_f32)
        acc += jnp.dot(a_r[1] * rc, wl_r[HALF:C, :],
                       preferred_element_type=_f32)
        acc += jnp.dot(x_r[:, 0, :], wr_r[0:HALF, :],
                       preferred_element_type=_f32)
        acc += jnp.dot(x_r[:, 1, :], wr_r[HALF:C, :],
                       preferred_element_type=_f32)
        acc += b_r[...]
        if relu:
            acc = jnp.maximum(acc, 0.0)
        if final:
            o_r[...] = acc
        else:
            o_r[:, 0, :] = acc[:, 0:HALF]
            o_r[:, 1, :] = acc[:, HALF:C]

    in_specs = [
        pl.BlockSpec((NC, blk, HALF), lambda i: (0, i, 0)),
        pl.BlockSpec((NC, blk, HALF), lambda i: (0, i, 0)),
        pl.BlockSpec((blk, NC, HALF), lambda i: (i, 0, 0)),
        pl.BlockSpec((C, C), lambda i: (0, 0)),
        pl.BlockSpec((C, C), lambda i: (0, 0)),
        pl.BlockSpec((1, C), lambda i: (0, 0)),
    ]
    if final:
        out_spec = pl.BlockSpec((blk, C), lambda i: (i, 0))
        out_shape = jax.ShapeDtypeStruct((N, C), _f32)
    else:
        out_spec = pl.BlockSpec((blk, NC, HALF), lambda i: (i, 0, 0))
        out_shape = jax.ShapeDtypeStruct((N, NC, HALF), _f32)

    return pl.pallas_call(
        body, grid=grid, in_specs=in_specs, out_specs=out_spec,
        out_shape=out_shape,
    )(agg, cnt, x_il, wlt, wrt, b)


def kernel(x, edge_index, W1l, b1l, W1r, W2l, b2l, W2r):
    ei = edge_index.astype(jnp.int32)
    src, dst = ei[0], ei[1]
    pad = EPAD - E
    src_p = jnp.concatenate([src, jnp.zeros((pad,), jnp.int32)])
    idx2 = jnp.stack([src_p * 2, src_p * 2 + 1]).reshape(NC, NS * NB, B)
    dstp = jnp.concatenate(
        [dst, jnp.full((pad,), N, jnp.int32)]).reshape(NS * NB, B)

    x_il = x.reshape(N, NC, HALF)
    x2 = x.reshape(NC * N, HALF)

    sc_agg = _sc_agg_kernel()
    sc_cnt = _sc_cnt_kernel()

    cnt = sc_cnt(dstp)
    agg1 = sc_agg(x2, idx2, dstp)

    h_il = _tc_layer(agg1, cnt, x_il,
                     W1l.T, W1r.T, b1l.reshape(1, C),
                     relu=True, final=False)

    h2 = h_il.reshape(NC * N, HALF)
    agg2 = sc_agg(h2, idx2, dstp)

    out = _tc_layer(agg2, cnt, h_il,
                    W2l.T, W2r.T, b2l.reshape(1, C),
                    relu=False, final=True)
    return out

# --- scband reference (transcript-rebuilt; emitter-appended) ---
"""Pipeline reference for scband-gnn-21938692948528 (READ-ONLY COPY).

The authoritative reference and input builder live on the scoring server;
editing this copy changes nothing except your own understanding.
"""

import jax, jax.numpy as jnp
import numpy as np

N_NODES = 10000
N_EDGES = 160000
C = 256


def _sage_conv(x, edge_index, Wl, bl, Wr):
    # PyG SAGEConv with mean aggregation:
    # out = lin_l(mean_{j in N(i)} x_j) + lin_r(x_i)
    src = edge_index[0]
    dst = edge_index[1]
    msgs = jnp.take(x, src, axis=0)                                   # gather
    agg = jax.ops.segment_sum(msgs, dst, num_segments=x.shape[0])     # scatter-add
    ones = jnp.ones((edge_index.shape[1],), dtype=x.dtype)
    cnt = jax.ops.segment_sum(ones, dst, num_segments=x.shape[0])
    mean = agg / jnp.maximum(cnt, 1.0)[:, None]
    return mean @ Wl.T + bl + x @ Wr.T


def setup_inputs(seed: int = 0) -> dict:
    key = jax.random.key(seed)
    kx, ke, k1, k2, k3, k4, k5, k6 = jax.random.split(key, 8)
    x = jax.random.normal(kx, (N_NODES, C), dtype=jnp.float32)
    edge_index = jax.random.randint(ke, (2, N_EDGES), 0, N_NODES, dtype=jnp.int64)
    s = 1.0 / np.sqrt(C)
    W1l = jax.random.uniform(k1, (C, C), jnp.float32, -s, s)
    b1l = jax.random.uniform(k2, (C,), jnp.float32, -s, s)
    W1r = jax.random.uniform(k3, (C, C), jnp.float32, -s, s)
    W2l = jax.random.uniform(k4, (C, C), jnp.float32, -s, s)
    b2l = jax.random.uniform(k5, (C,), jnp.float32, -s, s)
    W2r = jax.random.uniform(k6, (C, C), jnp.float32, -s, s)
    return {"x": x, "edge_index": edge_index,
            "W1l": W1l, "b1l": b1l, "W1r": W1r,
            "W2l": W2l, "b2l": b2l, "W2r": W2r}


def reference(x, edge_index, W1l, b1l, W1r, W2l, b2l, W2r):
    h = _sage_conv(x, edge_index, W1l, b1l, W1r)
    h = jax.nn.relu(h)
    out = _sage_conv(h, edge_index, W2l, b2l, W2r)
    return out

if __name__ == "__main__":
    import jax
    _d = setup_inputs()
    print(jax.jit(kernel)(*tuple(_d.values())))

</pallas_src>

<mosaic_0001>
#map = affine_map<(d0, d1) -> (0, 0)>
#map1 = affine_map<(d0, d1) -> (0, 0, 0)>
module attributes {stable_mosaic.version = 14 : i64} {
  func.func @sc_cnt(%arg0: i32, %arg1: i32, %arg2: memref<2560x64xi32, #tpu.memory_space<hbm>>, %arg3: memref<2x10000x128xf32, #tpu.memory_space<hbm>>, %arg4: memref<80x64xi32, #tpu.memory_space<vmem>>, %arg5: memref<64x128xf32, #tpu.memory_space<vmem>>, %arg6: memref<10112x128xf32, #tpu.memory_space<vmem_shared>>, %arg7: memref<!tpu.dma_semaphore, #tpu.memory_space<semaphore_mem>>) attributes {dimension_semantics = [#tpu.dimension_semantics<core_parallel>, #tpu.dimension_semantics<subcore_parallel>], iteration_bounds = array<i64: 2, 16>, scalar_prefetch = 0 : i64, scratch_operands = 4 : i64, tpu.core_type = #tpu.core_type<sc_vector_subcore>, window_params = [{transform_indices = #map}, {transform_indices = #map1}]} {
    %scan3A = arith.constant 0 : i32
    %scan3A_0 = arith.constant 0 : i32
    %scan3A_1 = arith.constant 64 : i32
    %scan3A_2 = arith.addi %scan3A_0, %scan3A_1 : i32
    %scan3A_3 = arith.constant 1 : i32
    %scan3A_4 = scf.for %scan3A_50 = %scan3A_0 to %scan3A_2 step %scan3A_3 iter_args(%scan3A_51 = %scan3A) -> (i32)  : i32 {
      %broadcast_in_dim3A = arith.constant 0.000000e+00 : f32
      %broadcast_in_dim3A_52 = vector.broadcast %broadcast_in_dim3A : f32 to vector<16xf32>
      %swap3A = arith.index_cast %scan3A_50 : i32 to index
      %swap3A_53 = arith.constant 0 : index
      %swap3A_54 = tpu.vector_load %arg5[%swap3A, %swap3A_53] {strides = array<i32>} : memref<64x128xf32, #tpu.memory_space<vmem>>, vector<1x16xf32>,
      %swap3A_55 = vector.shape_cast %swap3A_54 : vector<1x16xf32> to vector<16xf32>
      %swap3A_56 = vector.shape_cast %broadcast_in_dim3A_52 : vector<16xf32> to vector<1x16xf32>
      tpu.vector_store %arg5[%swap3A, %swap3A_53], %swap3A_56 {strides = array<i32>} : memref<64x128xf32, #tpu.memory_space<vmem>>, vector<1x16xf32>,
      %broadcast_in_dim3A_57 = arith.constant 0.000000e+00 : f32
      %broadcast_in_dim3A_58 = vector.broadcast %broadcast_in_dim3A_57 : f32 to vector<16xf32>
      %swap3A_59 = arith.index_cast %scan3A_50 : i32 to index
      %swap3A_60 = arith.constant 16 : index
      %swap3A_61 = tpu.vector_load %arg5[%swap3A_59, %swap3A_60] {strides = array<i32>} : memref<64x128xf32, #tpu.memory_space<vmem>>, vector<1x16xf32>,
      %swap3A_62 = vector.shape_cast %swap3A_61 : vector<1x16xf32> to vector<16xf32>
      %swap3A_63 = vector.shape_cast %broadcast_in_dim3A_58 : vector<16xf32> to vector<1x16xf32>
      tpu.vector_store %arg5[%swap3A_59, %swap3A_60], %swap3A_63 {strides = array<i32>} : memref<64x128xf32, #tpu.memory_space<vmem>>, vector<1x16xf32>,
      %broadcast_in_dim3A_64 = arith.constant 0.000000e+00 : f32
      %broadcast_in_dim3A_65 = vector.broadcast %broadcast_in_dim3A_64 : f32 to vector<16xf32>
      %swap3A_66 = arith.index_cast %scan3A_50 : i32 to index
      %swap3A_67 = arith.constant 32 : index
      %swap3A_68 = tpu.vector_load %arg5[%swap3A_66, %swap3A_67] {strides = array<i32>} : memref<64x128xf32, #tpu.memory_space<vmem>>, vector<1x16xf32>,
      %swap3A_69 = vector.shape_cast %swap3A_68 : vector<1x16xf32> to vector<16xf32>
      %swap3A_70 = vector.shape_cast %broadcast_in_dim3A_65 : vector<16xf32> to vector<1x16xf32>
      tpu.vector_store %arg5[%swap3A_66, %swap3A_67], %swap3A_70 {strides = array<i32>} : memref<64x128xf32, #tpu.memory_space<vmem>>, vector<1x16xf32>,
      %broadcast_in_dim3A_71 = arith.constant 0.000000e+00 : f32
      %broadcast_in_dim3A_72 = vector.broadcast %broadcast_in_dim3A_71 : f32 to vector<16xf32>
      %swap3A_73 = arith.index_cast %scan3A_50 : i32 to index
      %swap3A_74 = arith.constant 48 : index
      %swap3A_75 = tpu.vector_load %arg5[%swap3A_73, %swap3A_74] {strides = array<i32>} : memref<64x128xf32, #tpu.memory_space<vmem>>, vector<1x16xf32>,
      %swap3A_76 = vector.shape_cast %swap3A_75 : vector<1x16xf32> to vector<16xf32>
      %swap3A_77 = vector.shape_cast %broadcast_in_dim3A_72 : vector<16xf32> to vector<1x16xf32>
      tpu.vector_store %arg5[%swap3A_73, %swap3A_74], %swap3A_77 {strides = array<i32>} : memref<64x128xf32, #tpu.memory_space<vmem>>, vector<1x16xf32>,
      %broadcast_in_dim3A_78 = arith.constant 0.000000e+00 : f32
      %broadcast_in_dim3A_79 = vector.broadcast %broadcast_in_dim3A_78 : f32 to vector<16xf32>
      %swap3A_80 = arith.index_cast %scan3A_50 : i32 to index
      %swap3A_81 = arith.constant 64 : index
      %swap3A_82 = tpu.vector_load %arg5[%swap3A_80, %swap3A_81] {strides = array<i32>} : memref<64x128xf32, #tpu.memory_space<vmem>>, vector<1x16xf32>,
      %swap3A_83 = vector.shape_cast %swap3A_82 : vector<1x16xf32> to vector<16xf32>
      %swap3A_84 = vector.shape_cast %broadcast_in_dim3A_79 : vector<16xf32> to vector<1x16xf32>
      tpu.vector_store %arg5[%swap3A_80, %swap3A_81], %swap3A_84 {strides = array<i32>} : memref<64x128xf32, #tpu.memory_space<vmem>>, vector<1x16xf32>,
      %broadcast_in_dim3A_85 = arith.constant 0.000000e+00 : f32
      %broadcast_in_dim3A_86 = vector.broadcast %broadcast_in_dim3A_85 : f32 to vector<16xf32>
      %swap3A_87 = arith.index_cast %scan3A_50 : i32 to index
      %swap3A_88 = arith.constant 80 : index
      %swap3A_89 = tpu.vector_load %arg5[%swap3A_87, %swap3A_88] {strides = array<i32>} : memref<64x128xf32, #tpu.memory_space<vmem>>, vector<1x16xf32>,
      %swap3A_90 = vector.shape_cast %swap3A_89 : vector<1x16xf32> to vector<16xf32>
      %swap3A_91 = vector.shape_cast %broadcast_in_dim3A_86 : vector<16xf32> to vector<1x16xf32>
      tpu.vector_store %arg5[%swap3A_87, %swap3A_88], %swap3A_91 {strides = array<i32>} : memref<64x128xf32, #tpu.memory_space<vmem>>, vector<1x16xf32>,
      %broadcast_in_dim3A_92 = arith.constant 0.000000e+00 : f32
      %broadcast_in_dim3A_93 = vector.broadcast %broadcast_in_dim3A_92 : f32 to vector<16xf32>
      %swap3A_94 = arith.index_cast %scan3A_50 : i32 to index
      %swap3A_95 = arith.constant 96 : index
      %swap3A_96 = tpu.vector_load %arg5[%swap3A_94, %swap3A_95] {strides = array<i32>} : memref<64x128xf32, #tpu.memory_space<vmem>>, vector<1x16xf32>,
      %swap3A_97 = vector.shape_cast %swap3A_96 : vector<1x16xf32> to vector<16xf32>
      %swap3A_98 = vector.shape_cast %broadcast_in_dim3A_93 : vector<16xf32> to vector<1x16xf32>
      tpu.vector_store %arg5[%swap3A_94, %swap3A_95], %swap3A_98 {strides = array<i32>} : memref<64x128xf32, #tpu.memory_space<vmem>>, vector<1x16xf32>,
      %broadcast_in_dim3A_99 = arith.constant 0.000000e+00 : f32
      %broadcast_in_dim3A_100 = vector.broadcast %broadcast_in_dim3A_99 : f32 to vector<16xf32>
      %swap3A_101 = arith.index_cast %scan3A_50 : i32 to index
      %swap3A_102 = arith.constant 112 : index
      %swap3A_103 = tpu.vector_load %arg5[%swap3A_101, %swap3A_102] {strides = array<i32>} : memref<64x128xf32, #tpu.memory_space<vmem>>, vector<1x16xf32>,
      %swap3A_104 = vector.shape_cast %swap3A_103 : vector<1x16xf32> to vector<16xf32>
      %swap3A_105 = vector.shape_cast %broadcast_in_dim3A_100 : vector<16xf32> to vector<1x16xf32>
      tpu.vector_store %arg5[%swap3A_101, %swap3A_102], %swap3A_105 {strides = array<i32>} : memref<64x128xf32, #tpu.memory_space<vmem>>, vector<1x16xf32>,
      %scan3A_106 = arith.constant 0 : i32
      scf.yield %scan3A_106 : i32
    }
    %scan3A_5 = arith.constant 64 : i32
    %mul3A = arith.constant 632 : i32
    %mul3A_6 = arith.muli %arg1, %mul3A : i32
    %add3A = arith.constant 0 : i32
    %add3A_7 = arith.addi %mul3A_6, %add3A : i32
    "tpu.region"() ({
      %run_scoped3A = tpu.sem_alloc : memref<!tpu.dma_semaphore, #tpu.memory_space<semaphore_mem>>
      %dma_start3A = arith.constant 0 : i32
      %dma_start3A_50 = tpu.memref_slice %arg6[%add3A_7, %dma_start3A] : memref<10112x128xf32, #tpu.memory_space<vmem_shared>> -> memref<64x128xf32, #tpu.memory_space<vmem_shared>>
      %dma_start3A_51 = arith.constant 0 : i32
      %dma_start3A_52 = tpu.memref_slice %arg6[%add3A_7, %dma_start3A_51] : memref<10112x128xf32, #tpu.memory_space<vmem_shared>> -> memref<64x128xf32, #tpu.memory_space<vmem_shared>>
      tpu.enqueue_dma source(%arg5 : memref<64x128xf32, #tpu.memory_space<vmem>>) target(%dma_start3A_52 : memref<64x128xf32, #tpu.memory_space<vmem_shared>>) target_semaphore(%run_scoped3A : memref<!tpu.dma_semaphore, #tpu.memory_space<semaphore_mem>>)
      %dma_wait3A = arith.constant 0 : i32
      %dma_wait3A_53 = tpu.memref_slice %arg6[%add3A_7, %dma_wait3A] : memref<10112x128xf32, #tpu.memory_space<vmem_shared>> -> memref<64x128xf32, #tpu.memory_space<vmem_shared>>
      %dma_wait3A_54 = arith.constant 0 : i32
      %dma_wait3A_55 = tpu.memref_slice %arg6[%add3A_7, %dma_wait3A_54] : memref<10112x128xf32, #tpu.memory_space<vmem_shared>> -> memref<64x128xf32, #tpu.memory_space<vmem_shared>>
      tpu.wait_dma2 semaphore(%run_scoped3A : memref<!tpu.dma_semaphore, #tpu.memory_space<semaphore_mem>>) src(%arg5 : memref<64x128xf32, #tpu.memory_space<vmem>>) dst(%dma_wait3A_55 : memref<64x128xf32, #tpu.memory_space<vmem_shared>>)
      tpu.yield
    }) : () -> ()
    %add3A_8 = arith.constant 64 : i32
    %add3A_9 = arith.addi %mul3A_6, %add3A_8 : i32
    "tpu.region"() ({
      %run_scoped3A = tpu.sem_alloc : memref<!tpu.dma_semaphore, #tpu.memory_space<semaphore_mem>>
      %dma_start3A = arith.constant 0 : i32
      %dma_start3A_50 = tpu.memref_slice %arg6[%add3A_9, %dma_start3A] : memref<10112x128xf32, #tpu.memory_space<vmem_shared>> -> memref<64x128xf32, #tpu.memory_space<vmem_shared>>
      %dma_start3A_51 = arith.constant 0 : i32
      %dma_start3A_52 = tpu.memref_slice %arg6[%add3A_9, %dma_start3A_51] : memref<10112x128xf32, #tpu.memory_space<vmem_shared>> -> memref<64x128xf32, #tpu.memory_space<vmem_shared>>
      tpu.enqueue_dma source(%arg5 : memref<64x128xf32, #tpu.memory_space<vmem>>) target(%dma_start3A_52 : memref<64x128xf32, #tpu.memory_space<vmem_shared>>) target_semaphore(%run_scoped3A : memref<!tpu.dma_semaphore, #tpu.memory_space<semaphore_mem>>)
      %dma_wait3A = arith.constant 0 : i32
      %dma_wait3A_53 = tpu.memref_slice %arg6[%add3A_9, %dma_wait3A] : memref<10112x128xf32, #tpu.memory_space<vmem_shared>> -> memref<64x128xf32, #tpu.memory_space<vmem_shared>>
      %dma_wait3A_54 = arith.constant 0 : i32
      %dma_wait3A_55 = tpu.memref_slice %arg6[%add3A_9, %dma_wait3A_54] : memref<10112x128xf32, #tpu.memory_space<vmem_shared>> -> memref<64x128xf32, #tpu.memory_space<vmem_shared>>
      tpu.wait_dma2 semaphore(%run_scoped3A : memref<!tpu.dma_semaphore, #tpu.memory_space<semaphore_mem>>) src(%arg5 : memref<64x128xf32, #tpu.memory_space<vmem>>) dst(%dma_wait3A_55 : memref<64x128xf32, #tpu.memory_space<vmem_shared>>)
      tpu.yield
    }) : () -> ()
    %add3A_10 = arith.constant 128 : i32
    %add3A_11 = arith.addi %mul3A_6, %add3A_10 : i32
    "tpu.region"() ({
      %run_scoped3A = tpu.sem_alloc : memref<!tpu.dma_semaphore, #tpu.memory_space<semaphore_mem>>
      %dma_start3A = arith.constant 0 : i32
      %dma_start3A_50 = tpu.memref_slice %arg6[%add3A_11, %dma_start3A] : memref<10112x128xf32, #tpu.memory_space<vmem_shared>> -> memref<64x128xf32, #tpu.memory_space<vmem_shared>>
      %dma_start3A_51 = arith.constant 0 : i32
      %dma_start3A_52 = tpu.memref_slice %arg6[%add3A_11, %dma_start3A_51] : memref<10112x128xf32, #tpu.memory_space<vmem_shared>> -> memref<64x128xf32, #tpu.memory_space<vmem_shared>>
      tpu.enqueue_dma source(%arg5 : memref<64x128xf32, #tpu.memory_space<vmem>>) target(%dma_start3A_52 : memref<64x128xf32, #tpu.memory_space<vmem_shared>>) target_semaphore(%run_scoped3A : memref<!tpu.dma_semaphore, #tpu.memory_space<semaphore_mem>>)
      %dma_wait3A = arith.constant 0 : i32
      %dma_wait3A_53 = tpu.memref_slice %arg6[%add3A_11, %dma_wait3A] : memref<10112x128xf32, #tpu.memory_space<vmem_shared>> -> memref<64x128xf32, #tpu.memory_space<vmem_shared>>
      %dma_wait3A_54 = arith.constant 0 : i32
      %dma_wait3A_55 = tpu.memref_slice %arg6[%add3A_11, %dma_wait3A_54] : memref<10112x128xf32, #tpu.memory_space<vmem_shared>> -> memref<64x128xf32, #tpu.memory_space<vmem_shared>>
      tpu.wait_dma2 semaphore(%run_scoped3A : memref<!tpu.dma_semaphore, #tpu.memory_space<semaphore_mem>>) src(%arg5 : memref<64x128xf32, #tpu.memory_space<vmem>>) dst(%dma_wait3A_55 : memref<64x128xf32, #tpu.memory_space<vmem_shared>>)
      tpu.yield
    }) : () -> ()
    %add3A_12 = arith.constant 192 : i32
    %add3A_13 = arith.addi %mul3A_6, %add3A_12 : i32
    "tpu.region"() ({
      %run_scoped3A = tpu.sem_alloc : memref<!tpu.dma_semaphore, #tpu.memory_space<semaphore_mem>>
      %dma_start3A = arith.constant 0 : i32
      %dma_start3A_50 = tpu.memref_slice %arg6[%add3A_13, %dma_start3A] : memref<10112x128xf32, #tpu.memory_space<vmem_shared>> -> memref<64x128xf32, #tpu.memory_space<vmem_shared>>
      %dma_start3A_51 = arith.constant 0 : i32
      %dma_start3A_52 = tpu.memref_slice %arg6[%add3A_13, %dma_start3A_51] : memref<10112x128xf32, #tpu.memory_space<vmem_shared>> -> memref<64x128xf32, #tpu.memory_space<vmem_shared>>
      tpu.enqueue_dma source(%arg5 : memref<64x128xf32, #tpu.memory_space<vmem>>) target(%dma_start3A_52 : memref<64x128xf32, #tpu.memory_space<vmem_shared>>) target_semaphore(%run_scoped3A : memref<!tpu.dma_semaphore, #tpu.memory_space<semaphore_mem>>)
      %dma_wait3A = arith.constant 0 : i32
      %dma_wait3A_53 = tpu.memref_slice %arg6[%add3A_13, %dma_wait3A] : memref<10112x128xf32, #tpu.memory_space<vmem_shared>> -> memref<64x128xf32, #tpu.memory_space<vmem_shared>>
      %dma_wait3A_54 = arith.constant 0 : i32
      %dma_wait3A_55 = tpu.memref_slice %arg6[%add3A_13, %dma_wait3A_54] : memref<10112x128xf32, #tpu.memory_space<vmem_shared>> -> memref<64x128xf32, #tpu.memory_space<vmem_shared>>
      tpu.wait_dma2 semaphore(%run_scoped3A : memref<!tpu.dma_semaphore, #tpu.memory_space<semaphore_mem>>) src(%arg5 : memref<64x128xf32, #tpu.memory_space<vmem>>) dst(%dma_wait3A_55 : memref<64x128xf32, #tpu.memory_space<vmem_shared>>)
      tpu.yield
    }) : () -> ()
    %add3A_14 = arith.constant 256 : i32
    %add3A_15 = arith.addi %mul3A_6, %add3A_14 : i32
    "tpu.region"() ({
      %run_scoped3A = tpu.sem_alloc : memref<!tpu.dma_semaphore, #tpu.memory_space<semaphore_mem>>
      %dma_start3A = arith.constant 0 : i32
      %dma_start3A_50 = tpu.memref_slice %arg6[%add3A_15, %dma_start3A] : memref<10112x128xf32, #tpu.memory_space<vmem_shared>> -> memref<64x128xf32, #tpu.memory_space<vmem_shared>>
      %dma_start3A_51 = arith.constant 0 : i32
      %dma_start3A_52 = tpu.memref_slice %arg6[%add3A_15, %dma_start3A_51] : memref<10112x128xf32, #tpu.memory_space<vmem_shared>> -> memref<64x128xf32, #tpu.memory_space<vmem_shared>>
      tpu.enqueue_dma source(%arg5 : memref<64x128xf32, #tpu.memory_space<vmem>>) target(%dma_start3A_52 : memref<64x128xf32, #tpu.memory_space<vmem_shared>>) target_semaphore(%run_scoped3A : memref<!tpu.dma_semaphore, #tpu.memory_space<semaphore_mem>>)
      %dma_wait3A = arith.constant 0 : i32
      %dma_wait3A_53 = tpu.memref_slice %arg6[%add3A_15, %dma_wait3A] : memref<10112x128xf32, #tpu.memory_space<vmem_shared>> -> memref<64x128xf32, #tpu.memory_space<vmem_shared>>
      %dma_wait3A_54 = arith.constant 0 : i32
      %dma_wait3A_55 = tpu.memref_slice %arg6[%add3A_15, %dma_wait3A_54] : memref<10112x128xf32, #tpu.memory_space<vmem_shared>> -> memref<64x128xf32, #tpu.memory_space<vmem_shared>>
      tpu.wait_dma2 semaphore(%run_scoped3A : memref<!tpu.dma_semaphore, #tpu.memory_space<semaphore_mem>>) src(%arg5 : memref<64x128xf32, #tpu.memory_space<vmem>>) dst(%dma_wait3A_55 : memref<64x128xf32, #tpu.memory_space<vmem_shared>>)
      tpu.yield
    }) : () -> ()
    %add3A_16 = arith.constant 320 : i32
    %add3A_17 = arith.addi %mul3A_6, %add3A_16 : i32
    "tpu.region"() ({
      %run_scoped3A = tpu.sem_alloc : memref<!tpu.dma_semaphore, #tpu.memory_space<semaphore_mem>>
      %dma_start3A = arith.constant 0 : i32
      %dma_start3A_50 = tpu.memref_slice %arg6[%add3A_17, %dma_start3A] : memref<10112x128xf32, #tpu.memory_space<vmem_shared>> -> memref<64x128xf32, #tpu.memory_space<vmem_shared>>
      %dma_start3A_51 = arith.constant 0 : i32
      %dma_start3A_52 = tpu.memref_slice %arg6[%add3A_17, %dma_start3A_51] : memref<10112x128xf32, #tpu.memory_space<vmem_shared>> -> memref<64x128xf32, #tpu.memory_space<vmem_shared>>
      tpu.enqueue_dma source(%arg5 : memref<64x128xf32, #tpu.memory_space<vmem>>) target(%dma_start3A_52 : memref<64x128xf32, #tpu.memory_space<vmem_shared>>) target_semaphore(%run_scoped3A : memref<!tpu.dma_semaphore, #tpu.memory_space<semaphore_mem>>)
      %dma_wait3A = arith.constant 0 : i32
      %dma_wait3A_53 = tpu.memref_slice %arg6[%add3A_17, %dma_wait3A] : memref<10112x128xf32, #tpu.memory_space<vmem_shared>> -> memref<64x128xf32, #tpu.memory_space<vmem_shared>>
      %dma_wait3A_54 = arith.constant 0 : i32
      %dma_wait3A_55 = tpu.memref_slice %arg6[%add3A_17, %dma_wait3A_54] : memref<10112x128xf32, #tpu.memory_space<vmem_shared>> -> memref<64x128xf32, #tpu.memory_space<vmem_shared>>
      tpu.wait_dma2 semaphore(%run_scoped3A : memref<!tpu.dma_semaphore, #tpu.memory_space<semaphore_mem>>) src(%arg5 : memref<64x128xf32, #tpu.memory_space<vmem>>) dst(%dma_wait3A_55 : memref<64x128xf32, #tpu.memory_space<vmem_shared>>)
      tpu.yield
    }) : () -> ()
    %add3A_18 = arith.constant 384 : i32
    %add3A_19 = arith.addi %mul3A_6, %add3A_18 : i32
    "tpu.region"() ({
      %run_scoped3A = tpu.sem_alloc : memref<!tpu.dma_semaphore, #tpu.memory_space<semaphore_mem>>
      %dma_start3A = arith.constant 0 : i32
      %dma_start3A_50 = tpu.memref_slice %arg6[%add3A_19, %dma_start3A] : memref<10112x128xf32, #tpu.memory_space<vmem_shared>> -> memref<64x128xf32, #tpu.memory_space<vmem_shared>>
      %dma_start3A_51 = arith.constant 0 : i32
      %dma_start3A_52 = tpu.memref_slice %arg6[%add3A_19, %dma_start3A_51] : memref<10112x128xf32, #tpu.memory_space<vmem_shared>> -> memref<64x128xf32, #tpu.memory_space<vmem_shared>>
      tpu.enqueue_dma source(%arg5 : memref<64x128xf32, #tpu.memory_space<vmem>>) target(%dma_start3A_52 : memref<64x128xf32, #tpu.memory_space<vmem_shared>>) target_semaphore(%run_scoped3A : memref<!tpu.dma_semaphore, #tpu.memory_space<semaphore_mem>>)
      %dma_wait3A = arith.constant 0 : i32
      %dma_wait3A_53 = tpu.memref_slice %arg6[%add3A_19, %dma_wait3A] : memref<10112x128xf32, #tpu.memory_space<vmem_shared>> -> memref<64x128xf32, #tpu.memory_space<vmem_shared>>
      %dma_wait3A_54 = arith.constant 0 : i32
      %dma_wait3A_55 = tpu.memref_slice %arg6[%add3A_19, %dma_wait3A_54] : memref<10112x128xf32, #tpu.memory_space<vmem_shared>> -> memref<64x128xf32, #tpu.memory_space<vmem_shared>>
      tpu.wait_dma2 semaphore(%run_scoped3A : memref<!tpu.dma_semaphore, #tpu.memory_space<semaphore_mem>>) src(%arg5 : memref<64x128xf32, #tpu.memory_space<vmem>>) dst(%dma_wait3A_55 : memref<64x128xf32, #tpu.memory_space<vmem_shared>>)
      tpu.yield
    }) : () -> ()
    %add3A_20 = arith.constant 448 : i32
    %add3A_21 = arith.addi %mul3A_6, %add3A_20 : i32
    "tpu.region"() ({
      %run_scoped3A = tpu.sem_alloc : memref<!tpu.dma_semaphore, #tpu.memory_space<semaphore_mem>>
      %dma_start3A = arith.constant 0 : i32
      %dma_start3A_50 = tpu.memref_slice %arg6[%add3A_21, %dma_start3A] : memref<10112x128xf32, #tpu.memory_space<vmem_shared>> -> memref<64x128xf32, #tpu.memory_space<vmem_shared>>
      %dma_start3A_51 = arith.constant 0 : i32
      %dma_start3A_52 = tpu.memref_slice %arg6[%add3A_21, %dma_start3A_51] : memref<10112x128xf32, #tpu.memory_space<vmem_shared>> -> memref<64x128xf32, #tpu.memory_space<vmem_shared>>
      tpu.enqueue_dma source(%arg5 : memref<64x128xf32, #tpu.memory_space<vmem>>) target(%dma_start3A_52 : memref<64x128xf32, #tpu.memory_space<vmem_shared>>) target_semaphore(%run_scoped3A : memref<!tpu.dma_semaphore, #tpu.memory_space<semaphore_mem>>)
      %dma_wait3A = arith.constant 0 : i32
      %dma_wait3A_53 = tpu.memref_slice %arg6[%add3A_21, %dma_wait3A] : memref<10112x128xf32, #tpu.memory_space<vmem_shared>> -> memref<64x128xf32, #tpu.memory_space<vmem_shared>>
      %dma_wait3A_54 = arith.constant 0 : i32
      %dma_wait3A_55 = tpu.memref_slice %arg6[%add3A_21, %dma_wait3A_54] : memref<10112x128xf32, #tpu.memory_space<vmem_shared>> -> memref<64x128xf32, #tpu.memory_space<vmem_shared>>
      tpu.wait_dma2 semaphore(%run_scoped3A : memref<!tpu.dma_semaphore, #tpu.memory_space<semaphore_mem>>) src(%arg5 : memref<64x128xf32, #tpu.memory_space<vmem>>) dst(%dma_wait3A_55 : memref<64x128xf32, #tpu.memory_space<vmem_shared>>)
      tpu.yield
    }) : () -> ()
    %add3A_22 = arith.constant 512 : i32
    %add3A_23 = arith.addi %mul3A_6, %add3A_22 : i32
    "tpu.region"() ({
      %run_scoped3A = tpu.sem_alloc : memref<!tpu.dma_semaphore, #tpu.memory_space<semaphore_mem>>
      %dma_start3A = arith.constant 0 : i32
      %dma_start3A_50 = tpu.memref_slice %arg6[%add3A_23, %dma_start3A] : memref<10112x128xf32, #tpu.memory_space<vmem_shared>> -> memref<64x128xf32, #tpu.memory_space<vmem_shared>>
      %dma_start3A_51 = arith.constant 0 : i32
      %dma_start3A_52 = tpu.memref_slice %arg6[%add3A_23, %dma_start3A_51] : memref<10112x128xf32, #tpu.memory_space<vmem_shared>> -> memref<64x128xf32, #tpu.memory_space<vmem_shared>>
      tpu.enqueue_dma source(%arg5 : memref<64x128xf32, #tpu.memory_space<vmem>>) target(%dma_start3A_52 : memref<64x128xf32, #tpu.memory_space<vmem_shared>>) target_semaphore(%run_scoped3A : memref<!tpu.dma_semaphore, #tpu.memory_space<semaphore_mem>>)
      %dma_wait3A = arith.constant 0 : i32
      %dma_wait3A_53 = tpu.memref_slice %arg6[%add3A_23, %dma_wait3A] : memref<10112x128xf32, #tpu.memory_space<vmem_shared>> -> memref<64x128xf32, #tpu.memory_space<vmem_shared>>
      %dma_wait3A_54 = arith.constant 0 : i32
      %dma_wait3A_55 = tpu.memref_slice %arg6[%add3A_23, %dma_wait3A_54] : memref<10112x128xf32, #tpu.memory_space<vmem_shared>> -> memref<64x128xf32, #tpu.memory_space<vmem_shared>>
      tpu.wait_dma2 semaphore(%run_scoped3A : memref<!tpu.dma_semaphore, #tpu.memory_space<semaphore_mem>>) src(%arg5 : memref<64x128xf32, #tpu.memory_space<vmem>>) dst(%dma_wait3A_55 : memref<64x128xf32, #tpu.memory_space<vmem_shared>>)
      tpu.yield
    }) : () -> ()
    %add3A_24 = arith.constant 576 : i32
    %add3A_25 = arith.addi %mul3A_6, %add3A_24 : i32
    "tpu.region"() ({
      %run_scoped3A = tpu.sem_alloc : memref<!tpu.dma_semaphore, #tpu.memory_space<semaphore_mem>>
      %dma_start3A = arith.constant 0 : i32
      %dma_start3A_50 = arith.constant 0 : i32
      %dma_start3A_51 = tpu.memref_slice %arg5[%dma_start3A, %dma_start3A_50] : memref<64x128xf32, #tpu.memory_space<vmem>> -> memref<56x128xf32, #tpu.memory_space<vmem>>
      %dma_start3A_52 = arith.constant 0 : i32
      %dma_start3A_53 = tpu.memref_slice %arg6[%add3A_25, %dma_start3A_52] : memref<10112x128xf32, #tpu.memory_space<vmem_shared>> -> memref<56x128xf32, #tpu.memory_space<vmem_shared>>
      %dma_start3A_54 = arith.constant 0 : i32
      %dma_start3A_55 = tpu.memref_slice %arg6[%add3A_25, %dma_start3A_54] : memref<10112x128xf32, #tpu.memory_space<vmem_shared>> -> memref<56x128xf32, #tpu.memory_space<vmem_shared>>
      %dma_start3A_56 = arith.constant 0 : i32
      %dma_start3A_57 = arith.constant 0 : i32
      %dma_start3A_58 = tpu.memref_slice %arg5[%dma_start3A_56, %dma_start3A_57] : memref<64x128xf32, #tpu.memory_space<vmem>> -> memref<56x128xf32, #tpu.memory_space<vmem>>
      tpu.enqueue_dma source(%dma_start3A_58 : memref<56x128xf32, #tpu.memory_space<vmem>>) target(%dma_start3A_55 : memref<56x128xf32, #tpu.memory_space<vmem_shared>>) target_semaphore(%run_scoped3A : memref<!tpu.dma_semaphore, #tpu.memory_space<semaphore_mem>>)
      %dma_wait3A = arith.constant 0 : i32
      %dma_wait3A_59 = arith.constant 0 : i32
      %dma_wait3A_60 = tpu.memref_slice %arg5[%dma_wait3A, %dma_wait3A_59] : memref<64x128xf32, #tpu.memory_space<vmem>> -> memref<56x128xf32, #tpu.memory_space<vmem>>
      %dma_wait3A_61 = arith.constant 0 : i32
      %dma_wait3A_62 = tpu.memref_slice %arg6[%add3A_25, %dma_wait3A_61] : memref<10112x128xf32, #tpu.memory_space<vmem_shared>> -> memref<56x128xf32, #tpu.memory_space<vmem_shared>>
      %dma_wait3A_63 = arith.constant 0 : i32
      %dma_wait3A_64 = tpu.memref_slice %arg6[%add3A_25, %dma_wait3A_63] : memref<10112x128xf32, #tpu.memory_space<vmem_shared>> -> memref<56x128xf32, #tpu.memory_space<vmem_shared>>
      %dma_wait3A_65 = arith.constant 0 : i32
      %dma_wait3A_66 = arith.constant 0 : i32
      %dma_wait3A_67 = tpu.memref_slice %arg5[%dma_wait3A_65, %dma_wait3A_66] : memref<64x128xf32, #tpu.memory_space<vmem>> -> memref<56x128xf32, #tpu.memory_space<vmem>>
      tpu.wait_dma2 semaphore(%run_scoped3A : memref<!tpu.dma_semaphore, #tpu.memory_space<semaphore_mem>>) src(%dma_wait3A_67 : memref<56x128xf32, #tpu.memory_space<vmem>>) dst(%dma_wait3A_64 : memref<56x128xf32, #tpu.memory_space<vmem_shared>>)
      tpu.yield
    }) : () -> ()
    %scan3A_26 = arith.constant 0 : i32
    %scan3A_27 = arith.constant 0 : i32
    %scan3A_28 = arith.constant 64 : i32
    %scan3A_29 = arith.addi %scan3A_27, %scan3A_28 : i32
    %scan3A_30 = arith.constant 1 : i32
    %scan3A_31 = scf.for %scan3A_50 = %scan3A_27 to %scan3A_29 step %scan3A_30 iter_args(%scan3A_51 = %scan3A_26) -> (i32)  : i32 {
      %broadcast_in_dim3A = arith.constant 1.000000e+00 : f32
      %broadcast_in_dim3A_52 = vector.broadcast %broadcast_in_dim3A : f32 to vector<16xf32>
      %swap3A = arith.index_cast %scan3A_50 : i32 to index
      %swap3A_53 = arith.constant 0 : index
      %swap3A_54 = tpu.vector_load %arg5[%swap3A, %swap3A_53] {strides = array<i32>} : memref<64x128xf32, #tpu.memory_space<vmem>>, vector<1x16xf32>,
      %swap3A_55 = vector.shape_cast %swap3A_54 : vector<1x16xf32> to vector<16xf32>
      %swap3A_56 = vector.shape_cast %broadcast_in_dim3A_52 : vector<16xf32> to vector<1x16xf32>
      tpu.vector_store %arg5[%swap3A, %swap3A_53], %swap3A_56 {strides = array<i32>} : memref<64x128xf32, #tpu.memory_space<vmem>>, vector<1x16xf32>,
      %broadcast_in_dim3A_57 = arith.constant 1.000000e+00 : f32
      %broadcast_in_dim3A_58 = vector.broadcast %broadcast_in_dim3A_57 : f32 to vector<16xf32>
      %swap3A_59 = arith.index_cast %scan3A_50 : i32 to index
      %swap3A_60 = arith.constant 16 : index
      %swap3A_61 = tpu.vector_load %arg5[%swap3A_59, %swap3A_60] {strides = array<i32>} : memref<64x128xf32, #tpu.memory_space<vmem>>, vector<1x16xf32>,
      %swap3A_62 = vector.shape_cast %swap3A_61 : vector<1x16xf32> to vector<16xf32>
      %swap3A_63 = vector.shape_cast %broadcast_in_dim3A_58 : vector<16xf32> to vector<1x16xf32>
      tpu.vector_store %arg5[%swap3A_59, %swap3A_60], %swap3A_63 {strides = array<i32>} : memref<64x128xf32, #tpu.memory_space<vmem>>, vector<1x16xf32>,
      %broadcast_in_dim3A_64 = arith.constant 1.000000e+00 : f32
      %broadcast_in_dim3A_65 = vector.broadcast %broadcast_in_dim3A_64 : f32 to vector<16xf32>
      %swap3A_66 = arith.index_cast %scan3A_50 : i32 to index
      %swap3A_67 = arith.constant 32 : index
      %swap3A_68 = tpu.vector_load %arg5[%swap3A_66, %swap3A_67] {strides = array<i32>} : memref<64x128xf32, #tpu.memory_space<vmem>>, vector<1x16xf32>,
      %swap3A_69 = vector.shape_cast %swap3A_68 : vector<1x16xf32> to vector<16xf32>
      %swap3A_70 = vector.shape_cast %broadcast_in_dim3A_65 : vector<16xf32> to vector<1x16xf32>
      tpu.vector_store %arg5[%swap3A_66, %swap3A_67], %swap3A_70 {strides = array<i32>} : memref<64x128xf32, #tpu.memory_space<vmem>>, vector<1x16xf32>,
      %broadcast_in_dim3A_71 = arith.constant 1.000000e+00 : f32
      %broadcast_in_dim3A_72 = vector.broadcast %broadcast_in_dim3A_71 : f32 to vector<16xf32>
      %swap3A_73 = arith.index_cast %scan3A_50 : i32 to index
      %swap3A_74 = arith.constant 48 : index
      %swap3A_75 = tpu.vector_load %arg5[%swap3A_73, %swap3A_74] {strides = array<i32>} : memref<64x128xf32, #tpu.memory_space<vmem>>, vector<1x16xf32>,
      %swap3A_76 = vector.shape_cast %swap3A_75 : vector<1x16xf32> to vector<16xf32>
      %swap3A_77 = vector.shape_cast %broadcast_in_dim3A_72 : vector<16xf32> to vector<1x16xf32>
      tpu.vector_store %arg5[%swap3A_73, %swap3A_74], %swap3A_77 {strides = array<i32>} : memref<64x128xf32, #tpu.memory_space<vmem>>, vector<1x16xf32>,
      %broadcast_in_dim3A_78 = arith.constant 1.000000e+00 : f32
      %broadcast_in_dim3A_79 = vector.broadcast %broadcast_in_dim3A_78 : f32 to vector<16xf32>
      %swap3A_80 = arith.index_cast %scan3A_50 : i32 to index
      %swap3A_81 = arith.constant 64 : index
      %swap3A_82 = tpu.vector_load %arg5[%swap3A_80, %swap3A_81] {strides = array<i32>} : memref<64x128xf32, #tpu.memory_space<vmem>>, vector<1x16xf32>,
      %swap3A_83 = vector.shape_cast %swap3A_82 : vector<1x16xf32> to vector<16xf32>
      %swap3A_84 = vector.shape_cast %broadcast_in_dim3A_79 : vector<16xf32> to vector<1x16xf32>
      tpu.vector_store %arg5[%swap3A_80, %swap3A_81], %swap3A_84 {strides = array<i32>} : memref<64x128xf32, #tpu.memory_space<vmem>>, vector<1x16xf32>,
      %broadcast_in_dim3A_85 = arith.constant 1.000000e+00 : f32
      %broadcast_in_dim3A_86 = vector.broadcast %broadcast_in_dim3A_85 : f32 to vector<16xf32>
      %swap3A_87 = arith.index_cast %scan3A_50 : i32 to index
      %swap3A_88 = arith.constant 80 : index
      %swap3A_89 = tpu.vector_load %arg5[%swap3A_87, %swap3A_88] {strides = array<i32>} : memref<64x128xf32, #tpu.memory_space<vmem>>, vector<1x16xf32>,
      %swap3A_90 = vector.shape_cast %swap3A_89 : vector<1x16xf32> to vector<16xf32>
      %swap3A_91 = vector.shape_cast %broadcast_in_dim3A_86 : vector<16xf32> to vector<1x16xf32>
      tpu.vector_store %arg5[%swap3A_87, %swap3A_88], %swap3A_91 {strides = array<i32>} : memref<64x128xf32, #tpu.memory_space<vmem>>, vector<1x16xf32>,
      %broadcast_in_dim3A_92 = arith.constant 1.000000e+00 : f32
      %broadcast_in_dim3A_93 = vector.broadcast %broadcast_in_dim3A_92 : f32 to vector<16xf32>
      %swap3A_94 = arith.index_cast %scan3A_50 : i32 to index
      %swap3A_95 = arith.constant 96 : index
      %swap3A_96 = tpu.vector_load %arg5[%swap3A_94, %swap3A_95] {strides = array<i32>} : memref<64x128xf32, #tpu.memory_space<vmem>>, vector<1x16xf32>,
      %swap3A_97 = vector.shape_cast %swap3A_96 : vector<1x16xf32> to vector<16xf32>
      %swap3A_98 = vector.shape_cast %broadcast_in_dim3A_93 : vector<16xf32> to vector<1x16xf32>
      tpu.vector_store %arg5[%swap3A_94, %swap3A_95], %swap3A_98 {strides = array<i32>} : memref<64x128xf32, #tpu.memory_space<vmem>>, vector<1x16xf32>,
      %broadcast_in_dim3A_99 = arith.constant 1.000000e+00 : f32
      %broadcast_in_dim3A_100 = vector.broadcast %broadcast_in_dim3A_99 : f32 to vector<16xf32>
      %swap3A_101 = arith.index_cast %scan3A_50 : i32 to index
      %swap3A_102 = arith.constant 112 : index
      %swap3A_103 = tpu.vector_load %arg5[%swap3A_101, %swap3A_102] {strides = array<i32>} : memref<64x128xf32, #tpu.memory_space<vmem>>, vector<1x16xf32>,
      %swap3A_104 = vector.shape_cast %swap3A_103 : vector<1x16xf32> to vector<16xf32>
      %swap3A_105 = vector.shape_cast %broadcast_in_dim3A_100 : vector<16xf32> to vector<1x16xf32>
      tpu.vector_store %arg5[%swap3A_101, %swap3A_102], %swap3A_105 {strides = array<i32>} : memref<64x128xf32, #tpu.memory_space<vmem>>, vector<1x16xf32>,
      %scan3A_106 = arith.constant 0 : i32
      scf.yield %scan3A_106 : i32
    }
    %scan3A_32 = arith.constant 64 : i32
    %mul3A_33 = arith.constant 16 : i32
    %mul3A_34 = arith.muli %arg0, %mul3A_33 : i32
    %add3A_35 = arith.addi %mul3A_34, %arg1 : i32
    %mul3A_36 = arith.constant 80 : i32
    %mul3A_37 = arith.muli %add3A_35, %mul3A_36 : i32
    "tpu.region"() ({
      %run_scoped3A = tpu.sem_alloc : memref<!tpu.dma_semaphore, #tpu.memory_space<semaphore_mem>>
      %dma_start3A = arith.constant 0 : i32
      %dma_start3A_50 = tpu.memref_slice %arg2[%mul3A_37, %dma_start3A] : memref<2560x64xi32, #tpu.memory_space<hbm>> -> memref<80x64xi32, #tpu.memory_space<hbm>>
      %dma_start3A_51 = arith.constant 0 : i32
      %dma_start3A_52 = tpu.memref_slice %arg2[%mul3A_37, %dma_start3A_51] : memref<2560x64xi32, #tpu.memory_space<hbm>> -> memref<80x64xi32, #tpu.memory_space<hbm>>
      tpu.enqueue_dma source(%dma_start3A_52 : memref<80x64xi32, #tpu.memory_space<hbm>>) target(%arg4 : memref<80x64xi32, #tpu.memory_space<vmem>>) target_semaphore(%run_scoped3A : memref<!tpu.dma_semaphore, #tpu.memory_space<semaphore_mem>>)
      %dma_wait3A = arith.constant 0 : i32
      %dma_wait3A_53 = tpu.memref_slice %arg2[%mul3A_37, %dma_wait3A] : memref<2560x64xi32, #tpu.memory_space<hbm>> -> memref<80x64xi32, #tpu.memory_space<hbm>>
      %dma_wait3A_54 = arith.constant 0 : i32
      %dma_wait3A_55 = tpu.memref_slice %arg2[%mul3A_37, %dma_wait3A_54] : memref<2560x64xi32, #tpu.memory_space<hbm>> -> memref<80x64xi32, #tpu.memory_space<hbm>>
      tpu.wait_dma2 semaphore(%run_scoped3A : memref<!tpu.dma_semaphore, #tpu.memory_space<semaphore_mem>>) src(%dma_wait3A_55 : memref<80x64xi32, #tpu.memory_space<hbm>>) dst(%arg4 : memref<80x64xi32, #tpu.memory_space<vmem>>)
      tpu.yield
    }) : () -> ()
    %barrier3A = arith.constant 0 : index
    tpu.barrier barrier_id(%barrier3A)
    %scan3A_38 = arith.constant 0 : i32
    %scan3A_39 = arith.constant 0 : i32
    %scan3A_40 = arith.constant 80 : i32
    %scan3A_41 = arith.addi %scan3A_39, %scan3A_40 : i32
    %scan3A_42 = arith.constant 1 : i32
    %scan3A_43 = scf.for %scan3A_50 = %scan3A_39 to %scan3A_41 step %scan3A_42 iter_args(%scan3A_51 = %scan3A_38) -> (i32)  : i32 {
      "tpu.region"() ({
        %run_scoped3A = tpu.sem_alloc : memref<!tpu.dma_semaphore, #tpu.memory_space<semaphore_mem>>
        %dma_start3A = arith.constant 0 : i32
        %dma_start3A_53 = tpu.memref_slice %arg4[%scan3A_50, %dma_start3A] : memref<80x64xi32, #tpu.memory_space<vmem>> -> memref<1x64xi32, #tpu.memory_space<vmem>>
        %dma_start3A_54 = tpu.memref_squeeze %dma_start3A_53 : memref<1x64xi32, #tpu.memory_space<vmem>> -> memref<64xi32, #tpu.memory_space<vmem>>
        %dma_start3A_55 = arith.constant 0 : i32
        %dma_start3A_56 = arith.constant 0 : i32
        %dma_start3A_57 = tpu.memref_slice %arg6[%dma_start3A_55, %dma_start3A_56] : memref<10112x128xf32, #tpu.memory_space<vmem_shared>> -> memref<10112x128xf32, #tpu.memory_space<vmem_shared>>
        tpu.enqueue_indirect_dma source(%arg5 : memref<64x128xf32, #tpu.memory_space<vmem>>) target(%dma_start3A_57 : memref<10112x128xf32, #tpu.memory_space<vmem_shared>>) offsets(%dma_start3A_54 : memref<64xi32, #tpu.memory_space<vmem>>) semaphore(%run_scoped3A : memref<!tpu.dma_semaphore, #tpu.memory_space<semaphore_mem>>) {add = true}
        %dma_wait3A = arith.constant 0 : i32
        %dma_wait3A_58 = tpu.memref_slice %arg4[%scan3A_50, %dma_wait3A] : memref<80x64xi32, #tpu.memory_space<vmem>> -> memref<1x64xi32, #tpu.memory_space<vmem>>
        %dma_wait3A_59 = tpu.memref_squeeze %dma_wait3A_58 : memref<1x64xi32, #tpu.memory_space<vmem>> -> memref<64xi32, #tpu.memory_space<vmem>>
        %dma_wait3A_60 = arith.constant 0 : i32
        %dma_wait3A_61 = arith.constant 0 : i32
        %dma_wait3A_62 = tpu.memref_slice %arg6[%dma_wait3A_60, %dma_wait3A_61] : memref<10112x128xf32, #tpu.memory_space<vmem_shared>> -> memref<10112x128xf32, #tpu.memory_space<vmem_shared>>
        tpu.wait_indirect_dma semaphore(%run_scoped3A : memref<!tpu.dma_semaphore, #tpu.memory_space<semaphore_mem>>) src(%arg5 : memref<64x128xf32, #tpu.memory_space<vmem>>) dst(%dma_wait3A_62 : memref<10112x128xf32, #tpu.memory_space<vmem_shared>>)
        tpu.yield
      }) : () -> ()
      %scan3A_52 = arith.constant 0 : i32
      scf.yield %scan3A_52 : i32
    }
    %scan3A_44 = arith.constant 80 : i32
    %barrier3A_45 = arith.constant 0 : index
    tpu.barrier barrier_id(%barrier3A_45)
    %mul3A_46 = arith.constant 624 : i32
    %mul3A_47 = arith.muli %arg1, %mul3A_46 : i32
    "tpu.region"() ({
      %run_scoped3A = tpu.sem_alloc : memref<!tpu.dma_semaphore, #tpu.memory_space<semaphore_mem>>
      %dma_start3A = arith.constant 0 : i32
      %dma_start3A_50 = arith.constant 0 : i32
      %dma_start3A_51 = tpu.memref_slice %arg3[%arg0, %dma_start3A, %dma_start3A_50] : memref<2x10000x128xf32, #tpu.memory_space<hbm>> -> memref<1x10000x128xf32, #tpu.memory_space<hbm>>
      %dma_start3A_52 = tpu.memref_squeeze %dma_start3A_51 : memref<1x10000x128xf32, #tpu.memory_space<hbm>> -> memref<10000x128xf32, #tpu.memory_space<hbm>>
      %dma_start3A_53 = arith.constant 0 : i32
      %dma_start3A_54 = tpu.memref_slice %dma_start3A_52[%mul3A_47, %dma_start3A_53] : memref<10000x128xf32, #tpu.memory_space<hbm>> -> memref<624x128xf32, #tpu.memory_space<hbm>>
      %dma_start3A_55 = arith.constant 0 : i32
      %dma_start3A_56 = tpu.memref_slice %arg6[%mul3A_47, %dma_start3A_55] : memref<10112x128xf32, #tpu.memory_space<vmem_shared>> -> memref<624x128xf32, #tpu.memory_space<vmem_shared>>
      tpu.enqueue_dma source(%dma_start3A_56 : memref<624x128xf32, #tpu.memory_space<vmem_shared>>) target(%dma_start3A_54 : memref<624x128xf32, #tpu.memory_space<hbm>>) target_semaphore(%run_scoped3A : memref<!tpu.dma_semaphore, #tpu.memory_space<semaphore_mem>>)
      %dma_wait3A = arith.constant 0 : i32
      %dma_wait3A_57 = arith.constant 0 : i32
      %dma_wait3A_58 = tpu.memref_slice %arg3[%arg0, %dma_wait3A, %dma_wait3A_57] : memref<2x10000x128xf32, #tpu.memory_space<hbm>> -> memref<1x10000x128xf32, #tpu.memory_space<hbm>>
      %dma_wait3A_59 = tpu.memref_squeeze %dma_wait3A_58 : memref<1x10000x128xf32, #tpu.memory_space<hbm>> -> memref<10000x128xf32, #tpu.memory_space<hbm>>
      %dma_wait3A_60 = arith.constant 0 : i32
      %dma_wait3A_61 = tpu.memref_slice %dma_wait3A_59[%mul3A_47, %dma_wait3A_60] : memref<10000x128xf32, #tpu.memory_space<hbm>> -> memref<624x128xf32, #tpu.memory_space<hbm>>
      %dma_wait3A_62 = arith.constant 0 : i32
      %dma_wait3A_63 = tpu.memref_slice %arg6[%mul3A_47, %dma_wait3A_62] : memref<10112x128xf32, #tpu.memory_space<vmem_shared>> -> memref<624x128xf32, #tpu.memory_space<vmem_shared>>
      tpu.wait_dma2 semaphore(%run_scoped3A : memref<!tpu.dma_semaphore, #tpu.memory_space<semaphore_mem>>) src(%dma_wait3A_63 : memref<624x128xf32, #tpu.memory_space<vmem_shared>>) dst(%dma_wait3A_61 : memref<624x128xf32, #tpu.memory_space<hbm>>)
      tpu.yield
    }) : () -> ()
    %eq3A = arith.constant 15 : i32
    %eq3A_48 = arith.cmpi eq, %arg1, %eq3A : i32
    %convert_element_type3A = arith.extui %eq3A_48 : i1 to i32
    %cond3A = arith.constant 0 : i32
    %cond3A_49 = arith.cmpi ne, %convert_element_type3A, %cond3A : i32
    scf.if %cond3A_49 {
      "tpu.region"() ({
        %run_scoped3A = tpu.sem_alloc : memref<!tpu.dma_semaphore, #tpu.memory_space<semaphore_mem>>
        %dma_start3A = arith.constant 0 : i32
        %dma_start3A_50 = arith.constant 0 : i32
        %dma_start3A_51 = tpu.memref_slice %arg3[%arg0, %dma_start3A, %dma_start3A_50] : memref<2x10000x128xf32, #tpu.memory_space<hbm>> -> memref<1x10000x128xf32, #tpu.memory_space<hbm>>
        %dma_start3A_52 = tpu.memref_squeeze %dma_start3A_51 : memref<1x10000x128xf32, #tpu.memory_space<hbm>> -> memref<10000x128xf32, #tpu.memory_space<hbm>>
        %dma_start3A_53 = arith.constant 9984 : i32
        %dma_start3A_54 = arith.constant 0 : i32
        %dma_start3A_55 = tpu.memref_slice %dma_start3A_52[%dma_start3A_53, %dma_start3A_54] : memref<10000x128xf32, #tpu.memory_space<hbm>> -> memref<16x128xf32, #tpu.memory_space<hbm>>
        %dma_start3A_56 = arith.constant 9984 : i32
        %dma_start3A_57 = arith.constant 0 : i32
        %dma_start3A_58 = tpu.memref_slice %arg6[%dma_start3A_56, %dma_start3A_57] : memref<10112x128xf32, #tpu.memory_space<vmem_shared>> -> memref<16x128xf32, #tpu.memory_space<vmem_shared>>
        tpu.enqueue_dma source(%dma_start3A_58 : memref<16x128xf32, #tpu.memory_space<vmem_shared>>) target(%dma_start3A_55 : memref<16x128xf32, #tpu.memory_space<hbm>>) target_semaphore(%run_scoped3A : memref<!tpu.dma_semaphore, #tpu.memory_space<semaphore_mem>>)
        %dma_wait3A = arith.constant 0 : i32
        %dma_wait3A_59 = arith.constant 0 : i32
        %dma_wait3A_60 = tpu.memref_slice %arg3[%arg0, %dma_wait3A, %dma_wait3A_59] : memref<2x10000x128xf32, #tpu.memory_space<hbm>> -> memref<1x10000x128xf32, #tpu.memory_space<hbm>>
        %dma_wait3A_61 = tpu.memref_squeeze %dma_wait3A_60 : memref<1x10000x128xf32, #tpu.memory_space<hbm>> -> memref<10000x128xf32, #tpu.memory_space<hbm>>
        %dma_wait3A_62 = arith.constant 9984 : i32
        %dma_wait3A_63 = arith.constant 0 : i32
        %dma_wait3A_64 = tpu.memref_slice %dma_wait3A_61[%dma_wait3A_62, %dma_wait3A_63] : memref<10000x128xf32, #tpu.memory_space<hbm>> -> memref<16x128xf32, #tpu.memory_space<hbm>>
        %dma_wait3A_65 = arith.constant 9984 : i32
        %dma_wait3A_66 = arith.constant 0 : i32
        %dma_wait3A_67 = tpu.memref_slice %arg6[%dma_wait3A_65, %dma_wait3A_66] : memref<10112x128xf32, #tpu.memory_space<vmem_shared>> -> memref<16x128xf32, #tpu.memory_space<vmem_shared>>
        tpu.wait_dma2 semaphore(%run_scoped3A : memref<!tpu.dma_semaphore, #tpu.memory_space<semaphore_mem>>) src(%dma_wait3A_67 : memref<16x128xf32, #tpu.memory_space<vmem_shared>>) dst(%dma_wait3A_64 : memref<16x128xf32, #tpu.memory_space<hbm>>)
        tpu.yield
      }) : () -> ()
    } else {
    }
    return
  }
}

#map = affine_map<(d0, d1) -> (0, 0)>
#map1 = affine_map<(d0, d1) -> (0, 0, 0)>
module attributes {stable_mosaic.version = 14 : i64} {
  func.func @sc_agg(%arg0: i32, %arg1: i32, %arg2: memref<20000x128xf32, #tpu.memory_space<hbm>>, %arg3: memref<2x2560x64xi32, #tpu.memory_space<hbm>>, %arg4: memref<2560x64xi32, #tpu.memory_space<hbm>>, %arg5: memref<2x10000x128xf32, #tpu.memory_space<hbm>>, %arg6: memref<40x64xi32, #tpu.memory_space<vmem>>, %arg7: memref<40x64xi32, #tpu.memory_space<vmem>>, %arg8: memref<64x128xf32, #tpu.memory_space<vmem>>, %arg9: memref<64x128xf32, #tpu.memory_space<vmem>>, %arg10: memref<64x128xf32, #tpu.memory_space<vmem>>, %arg11: memref<64x128xf32, #tpu.memory_space<vmem>>, %arg12: memref<10112x128xf32, #tpu.memory_space<vmem_shared>>, %arg13: memref<!tpu.dma_semaphore, #tpu.memory_space<semaphore_mem>>, %arg14: memref<!tpu.dma_semaphore, #tpu.memory_space<semaphore_mem>>, %arg15: memref<!tpu.dma_semaphore, #tpu.memory_space<semaphore_mem>>, %arg16: memref<!tpu.dma_semaphore, #tpu.memory_space<semaphore_mem>>) attributes {dimension_semantics = [#tpu.dimension_semantics<core_parallel>, #tpu.dimension_semantics<subcore_parallel>], iteration_bounds = array<i64: 2, 16>, scalar_prefetch = 0 : i64, scratch_operands = 11 : i64, tpu.core_type = #tpu.core_type<sc_vector_subcore>, window_params = [{transform_indices = #map}, {transform_indices = #map1}, {transform_indices = #map}, {transform_indices = #map1}]} {
    %scan3A = arith.constant 0 : i32
    %scan3A_0 = arith.constant 0 : i32
    %scan3A_1 = arith.constant 64 : i32
    %scan3A_2 = arith.addi %scan3A_0, %scan3A_1 : i32
    %scan3A_3 = arith.constant 1 : i32
    %scan3A_4 = scf.for %scan3A_202 = %scan3A_0 to %scan3A_2 step %scan3A_3 iter_args(%scan3A_203 = %scan3A) -> (i32)  : i32 {
      %broadcast_in_dim3A = arith.constant 0.000000e+00 : f32
      %broadcast_in_dim3A_204 = vector.broadcast %broadcast_in_dim3A : f32 to vector<16xf32>
      %swap3A = arith.index_cast %scan3A_202 : i32 to index
      %swap3A_205 = arith.constant 0 : index
      %swap3A_206 = tpu.vector_load %arg8[%swap3A, %swap3A_205] {strides = array<i32>} : memref<64x128xf32, #tpu.memory_space<vmem>>, vector<1x16xf32>,
      %swap3A_207 = vector.shape_cast %swap3A_206 : vector<1x16xf32> to vector<16xf32>
      %swap3A_208 = vector.shape_cast %broadcast_in_dim3A_204 : vector<16xf32> to vector<1x16xf32>
      tpu.vector_store %arg8[%swap3A, %swap3A_205], %swap3A_208 {strides = array<i32>} : memref<64x128xf32, #tpu.memory_space<vmem>>, vector<1x16xf32>,
      %broadcast_in_dim3A_209 = arith.constant 0.000000e+00 : f32
      %broadcast_in_dim3A_210 = vector.broadcast %broadcast_in_dim3A_209 : f32 to vector<16xf32>
      %swap3A_211 = arith.index_cast %scan3A_202 : i32 to index
      %swap3A_212 = arith.constant 16 : index
      %swap3A_213 = tpu.vector_load %arg8[%swap3A_211, %swap3A_212] {strides = array<i32>} : memref<64x128xf32, #tpu.memory_space<vmem>>, vector<1x16xf32>,
      %swap3A_214 = vector.shape_cast %swap3A_213 : vector<1x16xf32> to vector<16xf32>
      %swap3A_215 = vector.shape_cast %broadcast_in_dim3A_210 : vector<16xf32> to vector<1x16xf32>
      tpu.vector_store %arg8[%swap3A_211, %swap3A_212], %swap3A_215 {strides = array<i32>} : memref<64x128xf32, #tpu.memory_space<vmem>>, vector<1x16xf32>,
      %broadcast_in_dim3A_216 = arith.constant 0.000000e+00 : f32
      %broadcast_in_dim3A_217 = vector.broadcast %broadcast_in_dim3A_216 : f32 to vector<16xf32>
      %swap3A_218 = arith.index_cast %scan3A_202 : i32 to index
      %swap3A_219 = arith.constant 32 : index
      %swap3A_220 = tpu.vector_load %arg8[%swap3A_218, %swap3A_219] {strides = array<i32>} : memref<64x128xf32, #tpu.memory_space<vmem>>, vector<1x16xf32>,
      %swap3A_221 = vector.shape_cast %swap3A_220 : vector<1x16xf32> to vector<16xf32>
      %swap3A_222 = vector.shape_cast %broadcast_in_dim3A_217 : vector<16xf32> to vector<1x16xf32>
      tpu.vector_store %arg8[%swap3A_218, %swap3A_219], %swap3A_222 {strides = array<i32>} : memref<64x128xf32, #tpu.memory_space<vmem>>, vector<1x16xf32>,
      %broadcast_in_dim3A_223 = arith.constant 0.000000e+00 : f32
      %broadcast_in_dim3A_224 = vector.broadcast %broadcast_in_dim3A_223 : f32 to vector<16xf32>
      %swap3A_225 = arith.index_cast %scan3A_202 : i32 to index
      %swap3A_226 = arith.constant 48 : index
      %swap3A_227 = tpu.vector_load %arg8[%swap3A_225, %swap3A_226] {strides = array<i32>} : memref<64x128xf32, #tpu.memory_space<vmem>>, vector<1x16xf32>,
      %swap3A_228 = vector.shape_cast %swap3A_227 : vector<1x16xf32> to vector<16xf32>
      %swap3A_229 = vector.shape_cast %broadcast_in_dim3A_224 : vector<16xf32> to vector<1x16xf32>
      tpu.vector_store %arg8[%swap3A_225, %swap3A_226], %swap3A_229 {strides = array<i32>} : memref<64x128xf32, #tpu.memory_space<vmem>>, vector<1x16xf32>,
      %broadcast_in_dim3A_230 = arith.constant 0.000000e+00 : f32
      %broadcast_in_dim3A_231 = vector.broadcast %broadcast_in_dim3A_230 : f32 to vector<16xf32>
      %swap3A_232 = arith.index_cast %scan3A_202 : i32 to index
      %swap3A_233 = arith.constant 64 : index
      %swap3A_234 = tpu.vector_load %arg8[%swap3A_232, %swap3A_233] {strides = array<i32>} : memref<64x128xf32, #tpu.memory_space<vmem>>, vector<1x16xf32>,
      %swap3A_235 = vector.shape_cast %swap3A_234 : vector<1x16xf32> to vector<16xf32>
      %swap3A_236 = vector.shape_cast %broadcast_in_dim3A_231 : vector<16xf32> to vector<1x16xf32>
      tpu.vector_store %arg8[%swap3A_232, %swap3A_233], %swap3A_236 {strides = array<i32>} : memref<64x128xf32, #tpu.memory_space<vmem>>, vector<1x16xf32>,
      %broadcast_in_dim3A_237 = arith.constant 0.000000e+00 : f32
      %broadcast_in_dim3A_238 = vector.broadcast %broadcast_in_dim3A_237 : f32 to vector<16xf32>
      %swap3A_239 = arith.index_cast %scan3A_202 : i32 to index
      %swap3A_240 = arith.constant 80 : index
      %swap3A_241 = tpu.vector_load %arg8[%swap3A_239, %swap3A_240] {strides = array<i32>} : memref<64x128xf32, #tpu.memory_space<vmem>>, vector<1x16xf32>,
      %swap3A_242 = vector.shape_cast %swap3A_241 : vector<1x16xf32> to vector<16xf32>
      %swap3A_243 = vector.shape_cast %broadcast_in_dim3A_238 : vector<16xf32> to vector<1x16xf32>
      tpu.vector_store %arg8[%swap3A_239, %swap3A_240], %swap3A_243 {strides = array<i32>} : memref<64x128xf32, #tpu.memory_space<vmem>>, vector<1x16xf32>,
      %broadcast_in_dim3A_244 = arith.constant 0.000000e+00 : f32
      %broadcast_in_dim3A_245 = vector.broadcast %broadcast_in_dim3A_244 : f32 to vector<16xf32>
      %swap3A_246 = arith.index_cast %scan3A_202 : i32 to index
      %swap3A_247 = arith.constant 96 : index
      %swap3A_248 = tpu.vector_load %arg8[%swap3A_246, %swap3A_247] {strides = array<i32>} : memref<64x128xf32, #tpu.memory_space<vmem>>, vector<1x16xf32>,
      %swap3A_249 = vector.shape_cast %swap3A_248 : vector<1x16xf32> to vector<16xf32>
      %swap3A_250 = vector.shape_cast %broadcast_in_dim3A_245 : vector<16xf32> to vector<1x16xf32>
      tpu.vector_store %arg8[%swap3A_246, %swap3A_247], %swap3A_250 {strides = array<i32>} : memref<64x128xf32, #tpu.memory_space<vmem>>, vector<1x16xf32>,
      %broadcast_in_dim3A_251 = arith.constant 0.000000e+00 : f32
      %broadcast_in_dim3A_252 = vector.broadcast %broadcast_in_dim3A_251 : f32 to vector<16xf32>
      %swap3A_253 = arith.index_cast %scan3A_202 : i32 to index
      %swap3A_254 = arith.constant 112 : index
      %swap3A_255 = tpu.vector_load %arg8[%swap3A_253, %swap3A_254] {strides = array<i32>} : memref<64x128xf32, #tpu.memory_space<vmem>>, vector<1x16xf32>,
      %swap3A_256 = vector.shape_cast %swap3A_255 : vector<1x16xf32> to vector<16xf32>
      %swap3A_257 = vector.shape_cast %broadcast_in_dim3A_252 : vector<16xf32> to vector<1x16xf32>
      tpu.vector_store %arg8[%swap3A_253, %swap3A_254], %swap3A_257 {strides = array<i32>} : memref<64x128xf32, #tpu.memory_space<vmem>>, vector<1x16xf32>,
      %scan3A_258 = arith.constant 0 : i32
      scf.yield %scan3A_258 : i32
    }
    %scan3A_5 = arith.constant 64 : i32
    %mul3A = arith.constant 632 : i32
    %mul3A_6 = arith.muli %arg1, %mul3A : i32
    %add3A = arith.constant 0 : i32
    %add3A_7 = arith.addi %mul3A_6, %add3A : i32
    "tpu.region"() ({
      %run_scoped3A = tpu.sem_alloc : memref<!tpu.dma_semaphore, #tpu.memory_space<semaphore_mem>>
      %dma_start3A_202 = arith.constant 0 : i32
      %dma_start3A_203 = tpu.memref_slice %arg12[%add3A_7, %dma_start3A_202] : memref<10112x128xf32, #tpu.memory_space<vmem_shared>> -> memref<64x128xf32, #tpu.memory_space<vmem_shared>>
      %dma_start3A_204 = arith.constant 0 : i32
      %dma_start3A_205 = tpu.memref_slice %arg12[%add3A_7, %dma_start3A_204] : memref<10112x128xf32, #tpu.memory_space<vmem_shared>> -> memref<64x128xf32, #tpu.memory_space<vmem_shared>>
      tpu.enqueue_dma source(%arg8 : memref<64x128xf32, #tpu.memory_space<vmem>>) target(%dma_start3A_205 : memref<64x128xf32, #tpu.memory_space<vmem_shared>>) target_semaphore(%run_scoped3A : memref<!tpu.dma_semaphore, #tpu.memory_space<semaphore_mem>>)
      %dma_wait3A = arith.constant 0 : i32
      %dma_wait3A_206 = tpu.memref_slice %arg12[%add3A_7, %dma_wait3A] : memref<10112x128xf32, #tpu.memory_space<vmem_shared>> -> memref<64x128xf32, #tpu.memory_space<vmem_shared>>
      %dma_wait3A_207 = arith.constant 0 : i32
      %dma_wait3A_208 = tpu.memref_slice %arg12[%add3A_7, %dma_wait3A_207] : memref<10112x128xf32, #tpu.memory_space<vmem_shared>> -> memref<64x128xf32, #tpu.memory_space<vmem_shared>>
      tpu.wait_dma2 semaphore(%run_scoped3A : memref<!tpu.dma_semaphore, #tpu.memory_space<semaphore_mem>>) src(%arg8 : memref<64x128xf32, #tpu.memory_space<vmem>>) dst(%dma_wait3A_208 : memref<64x128xf32, #tpu.memory_space<vmem_shared>>)
      tpu.yield
    }) : () -> ()
    %add3A_8 = arith.constant 64 : i32
    %add3A_9 = arith.addi %mul3A_6, %add3A_8 : i32
    "tpu.region"() ({
      %run_scoped3A = tpu.sem_alloc : memref<!tpu.dma_semaphore, #tpu.memory_space<semaphore_mem>>
      %dma_start3A_202 = arith.constant 0 : i32
      %dma_start3A_203 = tpu.memref_slice %arg12[%add3A_9, %dma_start3A_202] : memref<10112x128xf32, #tpu.memory_space<vmem_shared>> -> memref<64x128xf32, #tpu.memory_space<vmem_shared>>
      %dma_start3A_204 = arith.constant 0 : i32
      %dma_start3A_205 = tpu.memref_slice %arg12[%add3A_9, %dma_start3A_204] : memref<10112x128xf32, #tpu.memory_space<vmem_shared>> -> memref<64x128xf32, #tpu.memory_space<vmem_shared>>
      tpu.enqueue_dma source(%arg8 : memref<64x128xf32, #tpu.memory_space<vmem>>) target(%dma_start3A_205 : memref<64x128xf32, #tpu.memory_space<vmem_shared>>) target_semaphore(%run_scoped3A : memref<!tpu.dma_semaphore, #tpu.memory_space<semaphore_mem>>)
      %dma_wait3A = arith.constant 0 : i32
      %dma_wait3A_206 = tpu.memref_slice %arg12[%add3A_9, %dma_wait3A] : memref<10112x128xf32, #tpu.memory_space<vmem_shared>> -> memref<64x128xf32, #tpu.memory_space<vmem_shared>>
      %dma_wait3A_207 = arith.constant 0 : i32
      %dma_wait3A_208 = tpu.memref_slice %arg12[%add3A_9, %dma_wait3A_207] : memref<10112x128xf32, #tpu.memory_space<vmem_shared>> -> memref<64x128xf32, #tpu.memory_space<vmem_shared>>
      tpu.wait_dma2 semaphore(%run_scoped3A : memref<!tpu.dma_semaphore, #tpu.memory_space<semaphore_mem>>) src(%arg8 : memref<64x128xf32, #tpu.memory_space<vmem>>) dst(%dma_wait3A_208 : memref<64x128xf32, #tpu.memory_space<vmem_shared>>)
      tpu.yield
    }) : () -> ()
    %add3A_10 = arith.constant 128 : i32
    %add3A_11 = arith.addi %mul3A_6, %add3A_10 : i32
    "tpu.region"() ({
      %run_scoped3A = tpu.sem_alloc : memref<!tpu.dma_semaphore, #tpu.memory_space<semaphore_mem>>
      %dma_start3A_202 = arith.constant 0 : i32
      %dma_start3A_203 = tpu.memref_slice %arg12[%add3A_11, %dma_start3A_202] : memref<10112x128xf32, #tpu.memory_space<vmem_shared>> -> memref<64x128xf32, #tpu.memory_space<vmem_shared>>
      %dma_start3A_204 = arith.constant 0 : i32
      %dma_start3A_205 = tpu.memref_slice %arg12[%add3A_11, %dma_start3A_204] : memref<10112x128xf32, #tpu.memory_space<vmem_shared>> -> memref<64x128xf32, #tpu.memory_space<vmem_shared>>
      tpu.enqueue_dma source(%arg8 : memref<64x128xf32, #tpu.memory_space<vmem>>) target(%dma_start3A_205 : memref<64x128xf32, #tpu.memory_space<vmem_shared>>) target_semaphore(%run_scoped3A : memref<!tpu.dma_semaphore, #tpu.memory_space<semaphore_mem>>)
      %dma_wait3A = arith.constant 0 : i32
      %dma_wait3A_206 = tpu.memref_slice %arg12[%add3A_11, %dma_wait3A] : memref<10112x128xf32, #tpu.memory_space<vmem_shared>> -> memref<64x128xf32, #tpu.memory_space<vmem_shared>>
      %dma_wait3A_207 = arith.constant 0 : i32
      %dma_wait3A_208 = tpu.memref_slice %arg12[%add3A_11, %dma_wait3A_207] : memref<10112x128xf32, #tpu.memory_space<vmem_shared>> -> memref<64x128xf32, #tpu.memory_space<vmem_shared>>
      tpu.wait_dma2 semaphore(%run_scoped3A : memref<!tpu.dma_semaphore, #tpu.memory_space<semaphore_mem>>) src(%arg8 : memref<64x128xf32, #tpu.memory_space<vmem>>) dst(%dma_wait3A_208 : memref<64x128xf32, #tpu.memory_space<vmem_shared>>)
      tpu.yield
    }) : () -> ()
    %add3A_12 = arith.constant 192 : i32
    %add3A_13 = arith.addi %mul3A_6, %add3A_12 : i32
    "tpu.region"() ({
      %run_scoped3A = tpu.sem_alloc : memref<!tpu.dma_semaphore, #tpu.memory_space<semaphore_mem>>
      %dma_start3A_202 = arith.constant 0 : i32
      %dma_start3A_203 = tpu.memref_slice %arg12[%add3A_13, %dma_start3A_202] : memref<10112x128xf32, #tpu.memory_space<vmem_shared>> -> memref<64x128xf32, #tpu.memory_space<vmem_shared>>
      %dma_start3A_204 = arith.constant 0 : i32
      %dma_start3A_205 = tpu.memref_slice %arg12[%add3A_13, %dma_start3A_204] : memref<10112x128xf32, #tpu.memory_space<vmem_shared>> -> memref<64x128xf32, #tpu.memory_space<vmem_shared>>
      tpu.enqueue_dma source(%arg8 : memref<64x128xf32, #tpu.memory_space<vmem>>) target(%dma_start3A_205 : memref<64x128xf32, #tpu.memory_space<vmem_shared>>) target_semaphore(%run_scoped3A : memref<!tpu.dma_semaphore, #tpu.memory_space<semaphore_mem>>)
      %dma_wait3A = arith.constant 0 : i32
      %dma_wait3A_206 = tpu.memref_slice %arg12[%add3A_13, %dma_wait3A] : memref<10112x128xf32, #tpu.memory_space<vmem_shared>> -> memref<64x128xf32, #tpu.memory_space<vmem_shared>>
      %dma_wait3A_207 = arith.constant 0 : i32
      %dma_wait3A_208 = tpu.memref_slice %arg12[%add3A_13, %dma_wait3A_207] : memref<10112x128xf32, #tpu.memory_space<vmem_shared>> -> memref<64x128xf32, #tpu.memory_space<vmem_shared>>
      tpu.wait_dma2 semaphore(%run_scoped3A : memref<!tpu.dma_semaphore, #tpu.memory_space<semaphore_mem>>) src(%arg8 : memref<64x128xf32, #tpu.memory_space<vmem>>) dst(%dma_wait3A_208 : memref<64x128xf32, #tpu.memory_space<vmem_shared>>)
      tpu.yield
    }) : () -> ()
    %add3A_14 = arith.constant 256 : i32
    %add3A_15 = arith.addi %mul3A_6, %add3A_14 : i32
    "tpu.region"() ({
      %run_scoped3A = tpu.sem_alloc : memref<!tpu.dma_semaphore, #tpu.memory_space<semaphore_mem>>
      %dma_start3A_202 = arith.constant 0 : i32
      %dma_start3A_203 = tpu.memref_slice %arg12[%add3A_15, %dma_start3A_202] : memref<10112x128xf32, #tpu.memory_space<vmem_shared>> -> memref<64x128xf32, #tpu.memory_space<vmem_shared>>
      %dma_start3A_204 = arith.constant 0 : i32
      %dma_start3A_205 = tpu.memref_slice %arg12[%add3A_15, %dma_start3A_204] : memref<10112x128xf32, #tpu.memory_space<vmem_shared>> -> memref<64x128xf32, #tpu.memory_space<vmem_shared>>
      tpu.enqueue_dma source(%arg8 : memref<64x128xf32, #tpu.memory_space<vmem>>) target(%dma_start3A_205 : memref<64x128xf32, #tpu.memory_space<vmem_shared>>) target_semaphore(%run_scoped3A : memref<!tpu.dma_semaphore, #tpu.memory_space<semaphore_mem>>)
      %dma_wait3A = arith.constant 0 : i32
      %dma_wait3A_206 = tpu.memref_slice %arg12[%add3A_15, %dma_wait3A] : memref<10112x128xf32, #tpu.memory_space<vmem_shared>> -> memref<64x128xf32, #tpu.memory_space<vmem_shared>>
      %dma_wait3A_207 = arith.constant 0 : i32
      %dma_wait3A_208 = tpu.memref_slice %arg12[%add3A_15, %dma_wait3A_207] : memref<10112x128xf32, #tpu.memory_space<vmem_shared>> -> memref<64x128xf32, #tpu.memory_space<vmem_shared>>
      tpu.wait_dma2 semaphore(%run_scoped3A : memref<!tpu.dma_semaphore, #tpu.memory_space<semaphore_mem>>) src(%arg8 : memref<64x128xf32, #tpu.memory_space<vmem>>) dst(%dma_wait3A_208 : memref<64x128xf32, #tpu.memory_space<vmem_shared>>)
      tpu.yield
    }) : () -> ()
    %add3A_16 = arith.constant 320 : i32
    %add3A_17 = arith.addi %mul3A_6, %add3A_16 : i32
    "tpu.region"() ({
      %run_scoped3A = tpu.sem_alloc : memref<!tpu.dma_semaphore, #tpu.memory_space<semaphore_mem>>
      %dma_start3A_202 = arith.constant 0 : i32
      %dma_start3A_203 = tpu.memref_slice %arg12[%add3A_17, %dma_start3A_202] : memref<10112x128xf32, #tpu.memory_space<vmem_shared>> -> memref<64x128xf32, #tpu.memory_space<vmem_shared>>
      %dma_start3A_204 = arith.constant 0 : i32
      %dma_start3A_205 = tpu.memref_slice %arg12[%add3A_17, %dma_start3A_204] : memref<10112x128xf32, #tpu.memory_space<vmem_shared>> -> memref<64x128xf32, #tpu.memory_space<vmem_shared>>
      tpu.enqueue_dma source(%arg8 : memref<64x128xf32, #tpu.memory_space<vmem>>) target(%dma_start3A_205 : memref<64x128xf32, #tpu.memory_space<vmem_shared>>) target_semaphore(%run_scoped3A : memref<!tpu.dma_semaphore, #tpu.memory_space<semaphore_mem>>)
      %dma_wait3A = arith.constant 0 : i32
      %dma_wait3A_206 = tpu.memref_slice %arg12[%add3A_17, %dma_wait3A] : memref<10112x128xf32, #tpu.memory_space<vmem_shared>> -> memref<64x128xf32, #tpu.memory_space<vmem_shared>>
      %dma_wait3A_207 = arith.constant 0 : i32
      %dma_wait3A_208 = tpu.memref_slice %arg12[%add3A_17, %dma_wait3A_207] : memref<10112x128xf32, #tpu.memory_space<vmem_shared>> -> memref<64x128xf32, #tpu.memory_space<vmem_shared>>
      tpu.wait_dma2 semaphore(%run_scoped3A : memref<!tpu.dma_semaphore, #tpu.memory_space<semaphore_mem>>) src(%arg8 : memref<64x128xf32, #tpu.memory_space<vmem>>) dst(%dma_wait3A_208 : memref<64x128xf32, #tpu.memory_space<vmem_shared>>)
      tpu.yield
    }) : () -> ()
    %add3A_18 = arith.constant 384 : i32
    %add3A_19 = arith.addi %mul3A_6, %add3A_18 : i32
    "tpu.region"() ({
      %run_scoped3A = tpu.sem_alloc : memref<!tpu.dma_semaphore, #tpu.memory_space<semaphore_mem>>
      %dma_start3A_202 = arith.constant 0 : i32
      %dma_start3A_203 = tpu.memref_slice %arg12[%add3A_19, %dma_start3A_202] : memref<10112x128xf32, #tpu.memory_space<vmem_shared>> -> memref<64x128xf32, #tpu.memory_space<vmem_shared>>
      %dma_start3A_204 = arith.constant 0 : i32
      %dma_start3A_205 = tpu.memref_slice %arg12[%add3A_19, %dma_start3A_204] : memref<10112x128xf32, #tpu.memory_space<vmem_shared>> -> memref<64x128xf32, #tpu.memory_space<vmem_shared>>
      tpu.enqueue_dma source(%arg8 : memref<64x128xf32, #tpu.memory_space<vmem>>) target(%dma_start3A_205 : memref<64x128xf32, #tpu.memory_space<vmem_shared>>) target_semaphore(%run_scoped3A : memref<!tpu.dma_semaphore, #tpu.memory_space<semaphore_mem>>)
      %dma_wait3A = arith.constant 0 : i32
      %dma_wait3A_206 = tpu.memref_slice %arg12[%add3A_19, %dma_wait3A] : memref<10112x128xf32, #tpu.memory_space<vmem_shared>> -> memref<64x128xf32, #tpu.memory_space<vmem_shared>>
      %dma_wait3A_207 = arith.constant 0 : i32
      %dma_wait3A_208 = tpu.memref_slice %arg12[%add3A_19, %dma_wait3A_207] : memref<10112x128xf32, #tpu.memory_space<vmem_shared>> -> memref<64x128xf32, #tpu.memory_space<vmem_shared>>
      tpu.wait_dma2 semaphore(%run_scoped3A : memref<!tpu.dma_semaphore, #tpu.memory_space<semaphore_mem>>) src(%arg8 : memref<64x128xf32, #tpu.memory_space<vmem>>) dst(%dma_wait3A_208 : memref<64x128xf32, #tpu.memory_space<vmem_shared>>)
      tpu.yield
    }) : () -> ()
    %add3A_20 = arith.constant 448 : i32
    %add3A_21 = arith.addi %mul3A_6, %add3A_20 : i32
    "tpu.region"() ({
      %run_scoped3A = tpu.sem_alloc : memref<!tpu.dma_semaphore, #tpu.memory_space<semaphore_mem>>
      %dma_start3A_202 = arith.constant 0 : i32
      %dma_start3A_203 = tpu.memref_slice %arg12[%add3A_21, %dma_start3A_202] : memref<10112x128xf32, #tpu.memory_space<vmem_shared>> -> memref<64x128xf32, #tpu.memory_space<vmem_shared>>
      %dma_start3A_204 = arith.constant 0 : i32
      %dma_start3A_205 = tpu.memref_slice %arg12[%add3A_21, %dma_start3A_204] : memref<10112x128xf32, #tpu.memory_space<vmem_shared>> -> memref<64x128xf32, #tpu.memory_space<vmem_shared>>
      tpu.enqueue_dma source(%arg8 : memref<64x128xf32, #tpu.memory_space<vmem>>) target(%dma_start3A_205 : memref<64x128xf32, #tpu.memory_space<vmem_shared>>) target_semaphore(%run_scoped3A : memref<!tpu.dma_semaphore, #tpu.memory_space<semaphore_mem>>)
      %dma_wait3A = arith.constant 0 : i32
      %dma_wait3A_206 = tpu.memref_slice %arg12[%add3A_21, %dma_wait3A] : memref<10112x128xf32, #tpu.memory_space<vmem_shared>> -> memref<64x128xf32, #tpu.memory_space<vmem_shared>>
      %dma_wait3A_207 = arith.constant 0 : i32
      %dma_wait3A_208 = tpu.memref_slice %arg12[%add3A_21, %dma_wait3A_207] : memref<10112x128xf32, #tpu.memory_space<vmem_shared>> -> memref<64x128xf32, #tpu.memory_space<vmem_shared>>
      tpu.wait_dma2 semaphore(%run_scoped3A : memref<!tpu.dma_semaphore, #tpu.memory_space<semaphore_mem>>) src(%arg8 : memref<64x128xf32, #tpu.memory_space<vmem>>) dst(%dma_wait3A_208 : memref<64x128xf32, #tpu.memory_space<vmem_shared>>)
      tpu.yield
    }) : () -> ()
    %add3A_22 = arith.constant 512 : i32
    %add3A_23 = arith.addi %mul3A_6, %add3A_22 : i32
    "tpu.region"() ({
      %run_scoped3A = tpu.sem_alloc : memref<!tpu.dma_semaphore, #tpu.memory_space<semaphore_mem>>
      %dma_start3A_202 = arith.constant 0 : i32
      %dma_start3A_203 = tpu.memref_slice %arg12[%add3A_23, %dma_start3A_202] : memref<10112x128xf32, #tpu.memory_space<vmem_shared>> -> memref<64x128xf32, #tpu.memory_space<vmem_shared>>
      %dma_start3A_204 = arith.constant 0 : i32
      %dma_start3A_205 = tpu.memref_slice %arg12[%add3A_23, %dma_start3A_204] : memref<10112x128xf32, #tpu.memory_space<vmem_shared>> -> memref<64x128xf32, #tpu.memory_space<vmem_shared>>
      tpu.enqueue_dma source(%arg8 : memref<64x128xf32, #tpu.memory_space<vmem>>) target(%dma_start3A_205 : memref<64x128xf32, #tpu.memory_space<vmem_shared>>) target_semaphore(%run_scoped3A : memref<!tpu.dma_semaphore, #tpu.memory_space<semaphore_mem>>)
      %dma_wait3A = arith.constant 0 : i32
      %dma_wait3A_206 = tpu.memref_slice %arg12[%add3A_23, %dma_wait3A] : memref<10112x128xf32, #tpu.memory_space<vmem_shared>> -> memref<64x128xf32, #tpu.memory_space<vmem_shared>>
      %dma_wait3A_207 = arith.constant 0 : i32
      %dma_wait3A_208 = tpu.memref_slice %arg12[%add3A_23, %dma_wait3A_207] : memref<10112x128xf32, #tpu.memory_space<vmem_shared>> -> memref<64x128xf32, #tpu.memory_space<vmem_shared>>
      tpu.wait_dma2 semaphore(%run_scoped3A : memref<!tpu.dma_semaphore, #tpu.memory_space<semaphore_mem>>) src(%arg8 : memref<64x128xf32, #tpu.memory_space<vmem>>) dst(%dma_wait3A_208 : memref<64x128xf32, #tpu.memory_space<vmem_shared>>)
      tpu.yield
    }) : () -> ()
    %add3A_24 = arith.constant 576 : i32
    %add3A_25 = arith.addi %mul3A_6, %add3A_24 : i32
    "tpu.region"() ({
      %run_scoped3A = tpu.sem_alloc : memref<!tpu.dma_semaphore, #tpu.memory_space<semaphore_mem>>
      %dma_start3A_202 = arith.constant 0 : i32
      %dma_start3A_203 = arith.constant 0 : i32
      %dma_start3A_204 = tpu.memref_slice %arg8[%dma_start3A_202, %dma_start3A_203] : memref<64x128xf32, #tpu.memory_space<vmem>> -> memref<56x128xf32, #tpu.memory_space<vmem>>
      %dma_start3A_205 = arith.constant 0 : i32
      %dma_start3A_206 = tpu.memref_slice %arg12[%add3A_25, %dma_start3A_205] : memref<10112x128xf32, #tpu.memory_space<vmem_shared>> -> memref<56x128xf32, #tpu.memory_space<vmem_shared>>
      %dma_start3A_207 = arith.constant 0 : i32
      %dma_start3A_208 = tpu.memref_slice %arg12[%add3A_25, %dma_start3A_207] : memref<10112x128xf32, #tpu.memory_space<vmem_shared>> -> memref<56x128xf32, #tpu.memory_space<vmem_shared>>
      %dma_start3A_209 = arith.constant 0 : i32
      %dma_start3A_210 = arith.constant 0 : i32
      %dma_start3A_211 = tpu.memref_slice %arg8[%dma_start3A_209, %dma_start3A_210] : memref<64x128xf32, #tpu.memory_space<vmem>> -> memref<56x128xf32, #tpu.memory_space<vmem>>
      tpu.enqueue_dma source(%dma_start3A_211 : memref<56x128xf32, #tpu.memory_space<vmem>>) target(%dma_start3A_208 : memref<56x128xf32, #tpu.memory_space<vmem_shared>>) target_semaphore(%run_scoped3A : memref<!tpu.dma_semaphore, #tpu.memory_space<semaphore_mem>>)
      %dma_wait3A = arith.constant 0 : i32
      %dma_wait3A_212 = arith.constant 0 : i32
      %dma_wait3A_213 = tpu.memref_slice %arg8[%dma_wait3A, %dma_wait3A_212] : memref<64x128xf32, #tpu.memory_space<vmem>> -> memref<56x128xf32, #tpu.memory_space<vmem>>
      %dma_wait3A_214 = arith.constant 0 : i32
      %dma_wait3A_215 = tpu.memref_slice %arg12[%add3A_25, %dma_wait3A_214] : memref<10112x128xf32, #tpu.memory_space<vmem_shared>> -> memref<56x128xf32, #tpu.memory_space<vmem_shared>>
      %dma_wait3A_216 = arith.constant 0 : i32
      %dma_wait3A_217 = tpu.memref_slice %arg12[%add3A_25, %dma_wait3A_216] : memref<10112x128xf32, #tpu.memory_space<vmem_shared>> -> memref<56x128xf32, #tpu.memory_space<vmem_shared>>
      %dma_wait3A_218 = arith.constant 0 : i32
      %dma_wait3A_219 = arith.constant 0 : i32
      %dma_wait3A_220 = tpu.memref_slice %arg8[%dma_wait3A_218, %dma_wait3A_219] : memref<64x128xf32, #tpu.memory_space<vmem>> -> memref<56x128xf32, #tpu.memory_space<vmem>>
      tpu.wait_dma2 semaphore(%run_scoped3A : memref<!tpu.dma_semaphore, #tpu.memory_space<semaphore_mem>>) src(%dma_wait3A_220 : memref<56x128xf32, #tpu.memory_space<vmem>>) dst(%dma_wait3A_217 : memref<56x128xf32, #tpu.memory_space<vmem_shared>>)
      tpu.yield
    }) : () -> ()
    %barrier3A = arith.constant 0 : index
    tpu.barrier barrier_id(%barrier3A)
    %mul3A_26 = arith.constant 160 : i32
    %mul3A_27 = arith.muli %arg1, %mul3A_26 : i32
    %add3A_28 = arith.constant 0 : i32
    %add3A_29 = arith.addi %mul3A_27, %add3A_28 : i32
    "tpu.region"() ({
      %run_scoped3A = tpu.sem_alloc : memref<!tpu.dma_semaphore, #tpu.memory_space<semaphore_mem>>
      %dma_start3A_202 = arith.constant 0 : i32
      %dma_start3A_203 = arith.constant 0 : i32
      %dma_start3A_204 = tpu.memref_slice %arg3[%arg0, %dma_start3A_202, %dma_start3A_203] : memref<2x2560x64xi32, #tpu.memory_space<hbm>> -> memref<1x2560x64xi32, #tpu.memory_space<hbm>>
      %dma_start3A_205 = tpu.memref_squeeze %dma_start3A_204 : memref<1x2560x64xi32, #tpu.memory_space<hbm>> -> memref<2560x64xi32, #tpu.memory_space<hbm>>
      %dma_start3A_206 = arith.constant 0 : i32
      %dma_start3A_207 = tpu.memref_slice %dma_start3A_205[%add3A_29, %dma_start3A_206] : memref<2560x64xi32, #tpu.memory_space<hbm>> -> memref<40x64xi32, #tpu.memory_space<hbm>>
      %dma_start3A_208 = arith.constant 0 : i32
      %dma_start3A_209 = arith.constant 0 : i32
      %dma_start3A_210 = tpu.memref_slice %arg3[%arg0, %dma_start3A_208, %dma_start3A_209] : memref<2x2560x64xi32, #tpu.memory_space<hbm>> -> memref<1x2560x64xi32, #tpu.memory_space<hbm>>
      %dma_start3A_211 = tpu.memref_squeeze %dma_start3A_210 : memref<1x2560x64xi32, #tpu.memory_space<hbm>> -> memref<2560x64xi32, #tpu.memory_space<hbm>>
      %dma_start3A_212 = arith.constant 0 : i32
      %dma_start3A_213 = tpu.memref_slice %dma_start3A_211[%add3A_29, %dma_start3A_212] : memref<2560x64xi32, #tpu.memory_space<hbm>> -> memref<40x64xi32, #tpu.memory_space<hbm>>
      tpu.enqueue_dma source(%dma_start3A_213 : memref<40x64xi32, #tpu.memory_space<hbm>>) target(%arg6 : memref<40x64xi32, #tpu.memory_space<vmem>>) target_semaphore(%run_scoped3A : memref<!tpu.dma_semaphore, #tpu.memory_space<semaphore_mem>>)
      %dma_wait3A = arith.constant 0 : i32
      %dma_wait3A_214 = arith.constant 0 : i32
      %dma_wait3A_215 = tpu.memref_slice %arg3[%arg0, %dma_wait3A, %dma_wait3A_214] : memref<2x2560x64xi32, #tpu.memory_space<hbm>> -> memref<1x2560x64xi32, #tpu.memory_space<hbm>>
      %dma_wait3A_216 = tpu.memref_squeeze %dma_wait3A_215 : memref<1x2560x64xi32, #tpu.memory_space<hbm>> -> memref<2560x64xi32, #tpu.memory_space<hbm>>
      %dma_wait3A_217 = arith.constant 0 : i32
      %dma_wait3A_218 = tpu.memref_slice %dma_wait3A_216[%add3A_29, %dma_wait3A_217] : memref<2560x64xi32, #tpu.memory_space<hbm>> -> memref<40x64xi32, #tpu.memory_space<hbm>>
      %dma_wait3A_219 = arith.constant 0 : i32
      %dma_wait3A_220 = arith.constant 0 : i32
      %dma_wait3A_221 = tpu.memref_slice %arg3[%arg0, %dma_wait3A_219, %dma_wait3A_220] : memref<2x2560x64xi32, #tpu.memory_space<hbm>> -> memref<1x2560x64xi32, #tpu.memory_space<hbm>>
      %dma_wait3A_222 = tpu.memref_squeeze %dma_wait3A_221 : memref<1x2560x64xi32, #tpu.memory_space<hbm>> -> memref<2560x64xi32, #tpu.memory_space<hbm>>
      %dma_wait3A_223 = arith.constant 0 : i32
      %dma_wait3A_224 = tpu.memref_slice %dma_wait3A_222[%add3A_29, %dma_wait3A_223] : memref<2560x64xi32, #tpu.memory_space<hbm>> -> memref<40x64xi32, #tpu.memory_space<hbm>>
      tpu.wait_dma2 semaphore(%run_scoped3A : memref<!tpu.dma_semaphore, #tpu.memory_space<semaphore_mem>>) src(%dma_wait3A_224 : memref<40x64xi32, #tpu.memory_space<hbm>>) dst(%arg6 : memref<40x64xi32, #tpu.memory_space<vmem>>)
      tpu.yield
    }) : () -> ()
    %mul3A_30 = arith.constant 160 : i32
    %mul3A_31 = arith.muli %arg1, %mul3A_30 : i32
    %add3A_32 = arith.constant 0 : i32
    %add3A_33 = arith.addi %mul3A_31, %add3A_32 : i32
    "tpu.region"() ({
      %run_scoped3A = tpu.sem_alloc : memref<!tpu.dma_semaphore, #tpu.memory_space<semaphore_mem>>
      %dma_start3A_202 = arith.constant 0 : i32
      %dma_start3A_203 = tpu.memref_slice %arg4[%add3A_33, %dma_start3A_202] : memref<2560x64xi32, #tpu.memory_space<hbm>> -> memref<40x64xi32, #tpu.memory_space<hbm>>
      %dma_start3A_204 = arith.constant 0 : i32
      %dma_start3A_205 = tpu.memref_slice %arg4[%add3A_33, %dma_start3A_204] : memref<2560x64xi32, #tpu.memory_space<hbm>> -> memref<40x64xi32, #tpu.memory_space<hbm>>
      tpu.enqueue_dma source(%dma_start3A_205 : memref<40x64xi32, #tpu.memory_space<hbm>>) target(%arg7 : memref<40x64xi32, #tpu.memory_space<vmem>>) target_semaphore(%run_scoped3A : memref<!tpu.dma_semaphore, #tpu.memory_space<semaphore_mem>>)
      %dma_wait3A = arith.constant 0 : i32
      %dma_wait3A_206 = tpu.memref_slice %arg4[%add3A_33, %dma_wait3A] : memref<2560x64xi32, #tpu.memory_space<hbm>> -> memref<40x64xi32, #tpu.memory_space<hbm>>
      %dma_wait3A_207 = arith.constant 0 : i32
      %dma_wait3A_208 = tpu.memref_slice %arg4[%add3A_33, %dma_wait3A_207] : memref<2560x64xi32, #tpu.memory_space<hbm>> -> memref<40x64xi32, #tpu.memory_space<hbm>>
      tpu.wait_dma2 semaphore(%run_scoped3A : memref<!tpu.dma_semaphore, #tpu.memory_space<semaphore_mem>>) src(%dma_wait3A_208 : memref<40x64xi32, #tpu.memory_space<hbm>>) dst(%arg7 : memref<40x64xi32, #tpu.memory_space<vmem>>)
      tpu.yield
    }) : () -> ()
    %dma_start3A = arith.constant 0 : i32
    %dma_start3A_34 = arith.constant 0 : i32
    %dma_start3A_35 = tpu.memref_slice %arg6[%dma_start3A, %dma_start3A_34] : memref<40x64xi32, #tpu.memory_space<vmem>> -> memref<1x64xi32, #tpu.memory_space<vmem>>
    %dma_start3A_36 = tpu.memref_squeeze %dma_start3A_35 : memref<1x64xi32, #tpu.memory_space<vmem>> -> memref<64xi32, #tpu.memory_space<vmem>>
    %dma_start3A_37 = arith.constant 0 : i32
    %dma_start3A_38 = arith.constant 0 : i32
    %dma_start3A_39 = tpu.memref_slice %arg2[%dma_start3A_37, %dma_start3A_38] : memref<20000x128xf32, #tpu.memory_space<hbm>> -> memref<20000x128xf32, #tpu.memory_space<hbm>>
    tpu.enqueue_indirect_dma source(%dma_start3A_39 : memref<20000x128xf32, #tpu.memory_space<hbm>>) target(%arg8 : memref<64x128xf32, #tpu.memory_space<vmem>>) offsets(%dma_start3A_36 : memref<64xi32, #tpu.memory_space<vmem>>) semaphore(%arg13 : memref<!tpu.dma_semaphore, #tpu.memory_space<semaphore_mem>>)
    %dma_start3A_40 = arith.constant 1 : i32
    %dma_start3A_41 = arith.constant 0 : i32
    %dma_start3A_42 = tpu.memref_slice %arg6[%dma_start3A_40, %dma_start3A_41] : memref<40x64xi32, #tpu.memory_space<vmem>> -> memref<1x64xi32, #tpu.memory_space<vmem>>
    %dma_start3A_43 = tpu.memref_squeeze %dma_start3A_42 : memref<1x64xi32, #tpu.memory_space<vmem>> -> memref<64xi32, #tpu.memory_space<vmem>>
    %dma_start3A_44 = arith.constant 0 : i32
    %dma_start3A_45 = arith.constant 0 : i32
    %dma_start3A_46 = tpu.memref_slice %arg2[%dma_start3A_44, %dma_start3A_45] : memref<20000x128xf32, #tpu.memory_space<hbm>> -> memref<20000x128xf32, #tpu.memory_space<hbm>>
    tpu.enqueue_indirect_dma source(%dma_start3A_46 : memref<20000x128xf32, #tpu.memory_space<hbm>>) target(%arg9 : memref<64x128xf32, #tpu.memory_space<vmem>>) offsets(%dma_start3A_43 : memref<64xi32, #tpu.memory_space<vmem>>) semaphore(%arg14 : memref<!tpu.dma_semaphore, #tpu.memory_space<semaphore_mem>>)
    %dma_start3A_47 = arith.constant 2 : i32
    %dma_start3A_48 = arith.constant 0 : i32
    %dma_start3A_49 = tpu.memref_slice %arg6[%dma_start3A_47, %dma_start3A_48] : memref<40x64xi32, #tpu.memory_space<vmem>> -> memref<1x64xi32, #tpu.memory_space<vmem>>
    %dma_start3A_50 = tpu.memref_squeeze %dma_start3A_49 : memref<1x64xi32, #tpu.memory_space<vmem>> -> memref<64xi32, #tpu.memory_space<vmem>>
    %dma_start3A_51 = arith.constant 0 : i32
    %dma_start3A_52 = arith.constant 0 : i32
    %dma_start3A_53 = tpu.memref_slice %arg2[%dma_start3A_51, %dma_start3A_52] : memref<20000x128xf32, #tpu.memory_space<hbm>> -> memref<20000x128xf32, #tpu.memory_space<hbm>>
    tpu.enqueue_indirect_dma source(%dma_start3A_53 : memref<20000x128xf32, #tpu.memory_space<hbm>>) target(%arg10 : memref<64x128xf32, #tpu.memory_space<vmem>>) offsets(%dma_start3A_50 : memref<64xi32, #tpu.memory_space<vmem>>) semaphore(%arg15 : memref<!tpu.dma_semaphore, #tpu.memory_space<semaphore_mem>>)
    %dma_start3A_54 = arith.constant 3 : i32
    %dma_start3A_55 = arith.constant 0 : i32
    %dma_start3A_56 = tpu.memref_slice %arg6[%dma_start3A_54, %dma_start3A_55] : memref<40x64xi32, #tpu.memory_space<vmem>> -> memref<1x64xi32, #tpu.memory_space<vmem>>
    %dma_start3A_57 = tpu.memref_squeeze %dma_start3A_56 : memref<1x64xi32, #tpu.memory_space<vmem>> -> memref<64xi32, #tpu.memory_space<vmem>>
    %dma_start3A_58 = arith.constant 0 : i32
    %dma_start3A_59 = arith.constant 0 : i32
    %dma_start3A_60 = tpu.memref_slice %arg2[%dma_start3A_58, %dma_start3A_59] : memref<20000x128xf32, #tpu.memory_space<hbm>> -> memref<20000x128xf32, #tpu.memory_space<hbm>>
    tpu.enqueue_indirect_dma source(%dma_start3A_60 : memref<20000x128xf32, #tpu.memory_space<hbm>>) target(%arg11 : memref<64x128xf32, #tpu.memory_space<vmem>>) offsets(%dma_start3A_57 : memref<64xi32, #tpu.memory_space<vmem>>) semaphore(%arg16 : memref<!tpu.dma_semaphore, #tpu.memory_space<semaphore_mem>>)
    %scan3A_61 = arith.constant 0 : i32
    %scan3A_62 = arith.constant 0 : i32
    %scan3A_63 = arith.constant 10 : i32
    %scan3A_64 = arith.addi %scan3A_62, %scan3A_63 : i32
    %scan3A_65 = arith.constant 1 : i32
    %scan3A_66 = scf.for %scan3A_202 = %scan3A_62 to %scan3A_64 step %scan3A_65 iter_args(%scan3A_203 = %scan3A_61) -> (i32)  : i32 {
      %mul3A_204 = arith.constant 4 : i32
      %mul3A_205 = arith.muli %scan3A_202, %mul3A_204 : i32
      %dma_wait3A = arith.constant 0 : i32
      %dma_wait3A_206 = arith.constant 0 : i32
      %dma_wait3A_207 = tpu.memref_slice %arg2[%dma_wait3A, %dma_wait3A_206] : memref<20000x128xf32, #tpu.memory_space<hbm>> -> memref<64x128xf32, #tpu.memory_space<hbm>>
      %dma_wait3A_208 = arith.constant 0 : i32
      %dma_wait3A_209 = arith.constant 0 : i32
      %dma_wait3A_210 = tpu.memref_slice %arg2[%dma_wait3A_208, %dma_wait3A_209] : memref<20000x128xf32, #tpu.memory_space<hbm>> -> memref<64x128xf32, #tpu.memory_space<hbm>>
      tpu.wait_dma2 semaphore(%arg13 : memref<!tpu.dma_semaphore, #tpu.memory_space<semaphore_mem>>) src(%dma_wait3A_210 : memref<64x128xf32, #tpu.memory_space<hbm>>) dst(%arg8 : memref<64x128xf32, #tpu.memory_space<vmem>>)
      %add3A_211 = arith.constant 0 : i32
      %add3A_212 = arith.addi %mul3A_205, %add3A_211 : i32
      %dma_start3A_213 = arith.constant 0 : i32
      %dma_start3A_214 = tpu.memref_slice %arg7[%add3A_212, %dma_start3A_213] : memref<40x64xi32, #tpu.memory_space<vmem>> -> memref<1x64xi32, #tpu.memory_space<vmem>>
      %dma_start3A_215 = tpu.memref_squeeze %dma_start3A_214 : memref<1x64xi32, #tpu.memory_space<vmem>> -> memref<64xi32, #tpu.memory_space<vmem>>
      %dma_start3A_216 = arith.constant 0 : i32
      %dma_start3A_217 = arith.constant 0 : i32
      %dma_start3A_218 = tpu.memref_slice %arg12[%dma_start3A_216, %dma_start3A_217] : memref<10112x128xf32, #tpu.memory_space<vmem_shared>> -> memref<10112x128xf32, #tpu.memory_space<vmem_shared>>
      tpu.enqueue_indirect_dma source(%arg8 : memref<64x128xf32, #tpu.memory_space<vmem>>) target(%dma_start3A_218 : memref<10112x128xf32, #tpu.memory_space<vmem_shared>>) offsets(%dma_start3A_215 : memref<64xi32, #tpu.memory_space<vmem>>) semaphore(%arg13 : memref<!tpu.dma_semaphore, #tpu.memory_space<semaphore_mem>>) {add = true}
      %dma_wait3A_219 = arith.constant 0 : i32
      %dma_wait3A_220 = arith.constant 0 : i32
      %dma_wait3A_221 = tpu.memref_slice %arg2[%dma_wait3A_219, %dma_wait3A_220] : memref<20000x128xf32, #tpu.memory_space<hbm>> -> memref<64x128xf32, #tpu.memory_space<hbm>>
      %dma_wait3A_222 = arith.constant 0 : i32
      %dma_wait3A_223 = arith.constant 0 : i32
      %dma_wait3A_224 = tpu.memref_slice %arg2[%dma_wait3A_222, %dma_wait3A_223] : memref<20000x128xf32, #tpu.memory_space<hbm>> -> memref<64x128xf32, #tpu.memory_space<hbm>>
      tpu.wait_dma2 semaphore(%arg14 : memref<!tpu.dma_semaphore, #tpu.memory_space<semaphore_mem>>) src(%dma_wait3A_224 : memref<64x128xf32, #tpu.memory_space<hbm>>) dst(%arg9 : memref<64x128xf32, #tpu.memory_space<vmem>>)
      %add3A_225 = arith.constant 1 : i32
      %add3A_226 = arith.addi %mul3A_205, %add3A_225 : i32
      %dma_start3A_227 = arith.constant 0 : i32
      %dma_start3A_228 = tpu.memref_slice %arg7[%add3A_226, %dma_start3A_227] : memref<40x64xi32, #tpu.memory_space<vmem>> -> memref<1x64xi32, #tpu.memory_space<vmem>>
      %dma_start3A_229 = tpu.memref_squeeze %dma_start3A_228 : memref<1x64xi32, #tpu.memory_space<vmem>> -> memref<64xi32, #tpu.memory_space<vmem>>
      %dma_start3A_230 = arith.constant 0 : i32
      %dma_start3A_231 = arith.constant 0 : i32
      %dma_start3A_232 = tpu.memref_slice %arg12[%dma_start3A_230, %dma_start3A_231] : memref<10112x128xf32, #tpu.memory_space<vmem_shared>> -> memref<10112x128xf32, #tpu.memory_space<vmem_shared>>
      tpu.enqueue_indirect_dma source(%arg9 : memref<64x128xf32, #tpu.memory_space<vmem>>) target(%dma_start3A_232 : memref<10112x128xf32, #tpu.memory_space<vmem_shared>>) offsets(%dma_start3A_229 : memref<64xi32, #tpu.memory_space<vmem>>) semaphore(%arg14 : memref<!tpu.dma_semaphore, #tpu.memory_space<semaphore_mem>>) {add = true}
      %dma_wait3A_233 = arith.constant 0 : i32
      %dma_wait3A_234 = arith.constant 0 : i32
      %dma_wait3A_235 = tpu.memref_slice %arg2[%dma_wait3A_233, %dma_wait3A_234] : memref<20000x128xf32, #tpu.memory_space<hbm>> -> memref<64x128xf32, #tpu.memory_space<hbm>>
      %dma_wait3A_236 = arith.constant 0 : i32
      %dma_wait3A_237 = arith.constant 0 : i32
      %dma_wait3A_238 = tpu.memref_slice %arg2[%dma_wait3A_236, %dma_wait3A_237] : memref<20000x128xf32, #tpu.memory_space<hbm>> -> memref<64x128xf32, #tpu.memory_space<hbm>>
      tpu.wait_dma2 semaphore(%arg15 : memref<!tpu.dma_semaphore, #tpu.memory_space<semaphore_mem>>) src(%dma_wait3A_238 : memref<64x128xf32, #tpu.memory_space<hbm>>) dst(%arg10 : memref<64x128xf32, #tpu.memory_space<vmem>>)
      %add3A_239 = arith.constant 2 : i32
      %add3A_240 = arith.addi %mul3A_205, %add3A_239 : i32
      %dma_start3A_241 = arith.constant 0 : i32
      %dma_start3A_242 = tpu.memref_slice %arg7[%add3A_240, %dma_start3A_241] : memref<40x64xi32, #tpu.memory_space<vmem>> -> memref<1x64xi32, #tpu.memory_space<vmem>>
      %dma_start3A_243 = tpu.memref_squeeze %dma_start3A_242 : memref<1x64xi32, #tpu.memory_space<vmem>> -> memref<64xi32, #tpu.memory_space<vmem>>
      %dma_start3A_244 = arith.constant 0 : i32
      %dma_start3A_245 = arith.constant 0 : i32
      %dma_start3A_246 = tpu.memref_slice %arg12[%dma_start3A_244, %dma_start3A_245] : memref<10112x128xf32, #tpu.memory_space<vmem_shared>> -> memref<10112x128xf32, #tpu.memory_space<vmem_shared>>
      tpu.enqueue_indirect_dma source(%arg10 : memref<64x128xf32, #tpu.memory_space<vmem>>) target(%dma_start3A_246 : memref<10112x128xf32, #tpu.memory_space<vmem_shared>>) offsets(%dma_start3A_243 : memref<64xi32, #tpu.memory_space<vmem>>) semaphore(%arg15 : memref<!tpu.dma_semaphore, #tpu.memory_space<semaphore_mem>>) {add = true}
      %dma_wait3A_247 = arith.constant 0 : i32
      %dma_wait3A_248 = arith.constant 0 : i32
      %dma_wait3A_249 = tpu.memref_slice %arg2[%dma_wait3A_247, %dma_wait3A_248] : memref<20000x128xf32, #tpu.memory_space<hbm>> -> memref<64x128xf32, #tpu.memory_space<hbm>>
      %dma_wait3A_250 = arith.constant 0 : i32
      %dma_wait3A_251 = arith.constant 0 : i32
      %dma_wait3A_252 = tpu.memref_slice %arg2[%dma_wait3A_250, %dma_wait3A_251] : memref<20000x128xf32, #tpu.memory_space<hbm>> -> memref<64x128xf32, #tpu.memory_space<hbm>>
      tpu.wait_dma2 semaphore(%arg16 : memref<!tpu.dma_semaphore, #tpu.memory_space<semaphore_mem>>) src(%dma_wait3A_252 : memref<64x128xf32, #tpu.memory_space<hbm>>) dst(%arg11 : memref<64x128xf32, #tpu.memory_space<vmem>>)
      %add3A_253 = arith.constant 3 : i32
      %add3A_254 = arith.addi %mul3A_205, %add3A_253 : i32
      %dma_start3A_255 = arith.constant 0 : i32
      %dma_start3A_256 = tpu.memref_slice %arg7[%add3A_254, %dma_start3A_255] : memref<40x64xi32, #tpu.memory_space<vmem>> -> memref<1x64xi32, #tpu.memory_space<vmem>>
      %dma_start3A_257 = tpu.memref_squeeze %dma_start3A_256 : memref<1x64xi32, #tpu.memory_space<vmem>> -> memref<64xi32, #tpu.memory_space<vmem>>
      %dma_start3A_258 = arith.constant 0 : i32
      %dma_start3A_259 = arith.constant 0 : i32
      %dma_start3A_260 = tpu.memref_slice %arg12[%dma_start3A_258, %dma_start3A_259] : memref<10112x128xf32, #tpu.memory_space<vmem_shared>> -> memref<10112x128xf32, #tpu.memory_space<vmem_shared>>
      tpu.enqueue_indirect_dma source(%arg11 : memref<64x128xf32, #tpu.memory_space<vmem>>) target(%dma_start3A_260 : memref<10112x128xf32, #tpu.memory_space<vmem_shared>>) offsets(%dma_start3A_257 : memref<64xi32, #tpu.memory_space<vmem>>) semaphore(%arg16 : memref<!tpu.dma_semaphore, #tpu.memory_space<semaphore_mem>>) {add = true}
      %dma_wait3A_261 = arith.constant 0 : i32
      %dma_wait3A_262 = tpu.memref_slice %arg7[%add3A_212, %dma_wait3A_261] : memref<40x64xi32, #tpu.memory_space<vmem>> -> memref<1x64xi32, #tpu.memory_space<vmem>>
      %dma_wait3A_263 = tpu.memref_squeeze %dma_wait3A_262 : memref<1x64xi32, #tpu.memory_space<vmem>> -> memref<64xi32, #tpu.memory_space<vmem>>
      %dma_wait3A_264 = arith.constant 0 : i32
      %dma_wait3A_265 = arith.constant 0 : i32
      %dma_wait3A_266 = tpu.memref_slice %arg12[%dma_wait3A_264, %dma_wait3A_265] : memref<10112x128xf32, #tpu.memory_space<vmem_shared>> -> memref<10112x128xf32, #tpu.memory_space<vmem_shared>>
      tpu.wait_indirect_dma semaphore(%arg13 : memref<!tpu.dma_semaphore, #tpu.memory_space<semaphore_mem>>) src(%arg8 : memref<64x128xf32, #tpu.memory_space<vmem>>) dst(%dma_wait3A_266 : memref<10112x128xf32, #tpu.memory_space<vmem_shared>>)
      %add3A_267 = arith.constant 4 : i32
      %add3A_268 = arith.addi %mul3A_205, %add3A_267 : i32
      %add3A_269 = arith.constant 0 : i32
      %add3A_270 = arith.addi %add3A_268, %add3A_269 : i32
      %lt3A = arith.constant 40 : i32
      %lt3A_271 = arith.cmpi slt, %add3A_270, %lt3A : i32
      %convert_element_type3A_272 = arith.extui %lt3A_271 : i1 to i32
      %cond3A_273 = arith.constant 0 : i32
      %cond3A_274 = arith.cmpi ne, %convert_element_type3A_272, %cond3A_273 : i32
      scf.if %cond3A_274 {
        %dma_start3A_321 = arith.constant 0 : i32
        %dma_start3A_322 = tpu.memref_slice %arg6[%add3A_270, %dma_start3A_321] : memref<40x64xi32, #tpu.memory_space<vmem>> -> memref<1x64xi32, #tpu.memory_space<vmem>>
        %dma_start3A_323 = tpu.memref_squeeze %dma_start3A_322 : memref<1x64xi32, #tpu.memory_space<vmem>> -> memref<64xi32, #tpu.memory_space<vmem>>
        %dma_start3A_324 = arith.constant 0 : i32
        %dma_start3A_325 = arith.constant 0 : i32
        %dma_start3A_326 = tpu.memref_slice %arg2[%dma_start3A_324, %dma_start3A_325] : memref<20000x128xf32, #tpu.memory_space<hbm>> -> memref<20000x128xf32, #tpu.memory_space<hbm>>
        tpu.enqueue_indirect_dma source(%dma_start3A_326 : memref<20000x128xf32, #tpu.memory_space<hbm>>) target(%arg8 : memref<64x128xf32, #tpu.memory_space<vmem>>) offsets(%dma_start3A_323 : memref<64xi32, #tpu.memory_space<vmem>>) semaphore(%arg13 : memref<!tpu.dma_semaphore, #tpu.memory_space<semaphore_mem>>)
      } else {
      }
      %dma_wait3A_275 = arith.constant 0 : i32
      %dma_wait3A_276 = tpu.memref_slice %arg7[%add3A_226, %dma_wait3A_275] : memref<40x64xi32, #tpu.memory_space<vmem>> -> memref<1x64xi32, #tpu.memory_space<vmem>>
      %dma_wait3A_277 = tpu.memref_squeeze %dma_wait3A_276 : memref<1x64xi32, #tpu.memory_space<vmem>> -> memref<64xi32, #tpu.memory_space<vmem>>
      %dma_wait3A_278 = arith.constant 0 : i32
      %dma_wait3A_279 = arith.constant 0 : i32
      %dma_wait3A_280 = tpu.memref_slice %arg12[%dma_wait3A_278, %dma_wait3A_279] : memref<10112x128xf32, #tpu.memory_space<vmem_shared>> -> memref<10112x128xf32, #tpu.memory_space<vmem_shared>>
      tpu.wait_indirect_dma semaphore(%arg14 : memref<!tpu.dma_semaphore, #tpu.memory_space<semaphore_mem>>) src(%arg9 : memref<64x128xf32, #tpu.memory_space<vmem>>) dst(%dma_wait3A_280 : memref<10112x128xf32, #tpu.memory_space<vmem_shared>>)
      %add3A_281 = arith.constant 4 : i32
      %add3A_282 = arith.addi %mul3A_205, %add3A_281 : i32
      %add3A_283 = arith.constant 1 : i32
      %add3A_284 = arith.addi %add3A_282, %add3A_283 : i32
      %lt3A_285 = arith.constant 40 : i32
      %lt3A_286 = arith.cmpi slt, %add3A_284, %lt3A_285 : i32
      %convert_element_type3A_287 = arith.extui %lt3A_286 : i1 to i32
      %cond3A_288 = arith.constant 0 : i32
      %cond3A_289 = arith.cmpi ne, %convert_element_type3A_287, %cond3A_288 : i32
      scf.if %cond3A_289 {
        %dma_start3A_321 = arith.constant 0 : i32
        %dma_start3A_322 = tpu.memref_slice %arg6[%add3A_284, %dma_start3A_321] : memref<40x64xi32, #tpu.memory_space<vmem>> -> memref<1x64xi32, #tpu.memory_space<vmem>>
        %dma_start3A_323 = tpu.memref_squeeze %dma_start3A_322 : memref<1x64xi32, #tpu.memory_space<vmem>> -> memref<64xi32, #tpu.memory_space<vmem>>
        %dma_start3A_324 = arith.constant 0 : i32
        %dma_start3A_325 = arith.constant 0 : i32
        %dma_start3A_326 = tpu.memref_slice %arg2[%dma_start3A_324, %dma_start3A_325] : memref<20000x128xf32, #tpu.memory_space<hbm>> -> memref<20000x128xf32, #tpu.memory_space<hbm>>
        tpu.enqueue_indirect_dma source(%dma_start3A_326 : memref<20000x128xf32, #tpu.memory_space<hbm>>) target(%arg9 : memref<64x128xf32, #tpu.memory_space<vmem>>) offsets(%dma_start3A_323 : memref<64xi32, #tpu.memory_space<vmem>>) semaphore(%arg14 : memref<!tpu.dma_semaphore, #tpu.memory_space<semaphore_mem>>)
      } else {
      }
      %dma_wait3A_290 = arith.constant 0 : i32
      %dma_wait3A_291 = tpu.memref_slice %arg7[%add3A_240, %dma_wait3A_290] : memref<40x64xi32, #tpu.memory_space<vmem>> -> memref<1x64xi32, #tpu.memory_space<vmem>>
      %dma_wait3A_292 = tpu.memref_squeeze %dma_wait3A_291 : memref<1x64xi32, #tpu.memory_space<vmem>> -> memref<64xi32, #tpu.memory_space<vmem>>
      %dma_wait3A_293 = arith.constant 0 : i32
      %dma_wait3A_294 = arith.constant 0 : i32
      %dma_wait3A_295 = tpu.memref_slice %arg12[%dma_wait3A_293, %dma_wait3A_294] : memref<10112x128xf32, #tpu.memory_space<vmem_shared>> -> memref<10112x128xf32, #tpu.memory_space<vmem_shared>>
      tpu.wait_indirect_dma semaphore(%arg15 : memref<!tpu.dma_semaphore, #tpu.memory_space<semaphore_mem>>) src(%arg10 : memref<64x128xf32, #tpu.memory_space<vmem>>) dst(%dma_wait3A_295 : memref<10112x128xf32, #tpu.memory_space<vmem_shared>>)
      %add3A_296 = arith.constant 4 : i32
      %add3A_297 = arith.addi %mul3A_205, %add3A_296 : i32
      %add3A_298 = arith.constant 2 : i32
      %add3A_299 = arith.addi %add3A_297, %add3A_298 : i32
      %lt3A_300 = arith.constant 40 : i32
      %lt3A_301 = arith.cmpi slt, %add3A_299, %lt3A_300 : i32
      %convert_element_type3A_302 = arith.extui %lt3A_301 : i1 to i32
      %cond3A_303 = arith.constant 0 : i32
      %cond3A_304 = arith.cmpi ne, %convert_element_type3A_302, %cond3A_303 : i32
      scf.if %cond3A_304 {
        %dma_start3A_321 = arith.constant 0 : i32
        %dma_start3A_322 = tpu.memref_slice %arg6[%add3A_299, %dma_start3A_321] : memref<40x64xi32, #tpu.memory_space<vmem>> -> memref<1x64xi32, #tpu.memory_space<vmem>>
        %dma_start3A_323 = tpu.memref_squeeze %dma_start3A_322 : memref<1x64xi32, #tpu.memory_space<vmem>> -> memref<64xi32, #tpu.memory_space<vmem>>
        %dma_start3A_324 = arith.constant 0 : i32
        %dma_start3A_325 = arith.constant 0 : i32
        %dma_start3A_326 = tpu.memref_slice %arg2[%dma_start3A_324, %dma_start3A_325] : memref<20000x128xf32, #tpu.memory_space<hbm>> -> memref<20000x128xf32, #tpu.memory_space<hbm>>
        tpu.enqueue_indirect_dma source(%dma_start3A_326 : memref<20000x128xf32, #tpu.memory_space<hbm>>) target(%arg10 : memref<64x128xf32, #tpu.memory_space<vmem>>) offsets(%dma_start3A_323 : memref<64xi32, #tpu.memory_space<vmem>>) semaphore(%arg15 : memref<!tpu.dma_semaphore, #tpu.memory_space<semaphore_mem>>)
      } else {
      }
      %dma_wait3A_305 = arith.constant 0 : i32
      %dma_wait3A_306 = tpu.memref_slice %arg7[%add3A_254, %dma_wait3A_305] : memref<40x64xi32, #tpu.memory_space<vmem>> -> memref<1x64xi32, #tpu.memory_space<vmem>>
      %dma_wait3A_307 = tpu.memref_squeeze %dma_wait3A_306 : memref<1x64xi32, #tpu.memory_space<vmem>> -> memref<64xi32, #tpu.memory_space<vmem>>
      %dma_wait3A_308 = arith.constant 0 : i32
      %dma_wait3A_309 = arith.constant 0 : i32
      %dma_wait3A_310 = tpu.memref_slice %arg12[%dma_wait3A_308, %dma_wait3A_309] : memref<10112x128xf32, #tpu.memory_space<vmem_shared>> -> memref<10112x128xf32, #tpu.memory_space<vmem_shared>>
      tpu.wait_indirect_dma semaphore(%arg16 : memref<!tpu.dma_semaphore, #tpu.memory_space<semaphore_mem>>) src(%arg11 : memref<64x128xf32, #tpu.memory_space<vmem>>) dst(%dma_wait3A_310 : memref<10112x128xf32, #tpu.memory_space<vmem_shared>>)
      %add3A_311 = arith.constant 4 : i32
      %add3A_312 = arith.addi %mul3A_205, %add3A_311 : i32
      %add3A_313 = arith.constant 3 : i32
      %add3A_314 = arith.addi %add3A_312, %add3A_313 : i32
      %lt3A_315 = arith.constant 40 : i32
      %lt3A_316 = arith.cmpi slt, %add3A_314, %lt3A_315 : i32
      %convert_element_type3A_317 = arith.extui %lt3A_316 : i1 to i32
      %cond3A_318 = arith.constant 0 : i32
      %cond3A_319 = arith.cmpi ne, %convert_element_type3A_317, %cond3A_318 : i32
      scf.if %cond3A_319 {
        %dma_start3A_321 = arith.constant 0 : i32
        %dma_start3A_322 = tpu.memref_slice %arg6[%add3A_314, %dma_start3A_321] : memref<40x64xi32, #tpu.memory_space<vmem>> -> memref<1x64xi32, #tpu.memory_space<vmem>>
        %dma_start3A_323 = tpu.memref_squeeze %dma_start3A_322 : memref<1x64xi32, #tpu.memory_space<vmem>> -> memref<64xi32, #tpu.memory_space<vmem>>
        %dma_start3A_324 = arith.constant 0 : i32
        %dma_start3A_325 = arith.constant 0 : i32
        %dma_start3A_326 = tpu.memref_slice %arg2[%dma_start3A_324, %dma_start3A_325] : memref<20000x128xf32, #tpu.memory_space<hbm>> -> memref<20000x128xf32, #tpu.memory_space<hbm>>
        tpu.enqueue_indirect_dma source(%dma_start3A_326 : memref<20000x128xf32, #tpu.memory_space<hbm>>) target(%arg11 : memref<64x128xf32, #tpu.memory_space<vmem>>) offsets(%dma_start3A_323 : memref<64xi32, #tpu.memory_space<vmem>>) semaphore(%arg16 : memref<!tpu.dma_semaphore, #tpu.memory_space<semaphore_mem>>)
      } else {
      }
      %scan3A_320 = arith.constant 0 : i32
      scf.yield %scan3A_320 : i32
    }
    %scan3A_67 = arith.constant 10 : i32
    %mul3A_68 = arith.constant 160 : i32
    %mul3A_69 = arith.muli %arg1, %mul3A_68 : i32
    %add3A_70 = arith.constant 40 : i32
    %add3A_71 = arith.addi %mul3A_69, %add3A_70 : i32
    "tpu.region"() ({
      %run_scoped3A = tpu.sem_alloc : memref<!tpu.dma_semaphore, #tpu.memory_space<semaphore_mem>>
      %dma_start3A_202 = arith.constant 0 : i32
      %dma_start3A_203 = arith.constant 0 : i32
      %dma_start3A_204 = tpu.memref_slice %arg3[%arg0, %dma_start3A_202, %dma_start3A_203] : memref<2x2560x64xi32, #tpu.memory_space<hbm>> -> memref<1x2560x64xi32, #tpu.memory_space<hbm>>
      %dma_start3A_205 = tpu.memref_squeeze %dma_start3A_204 : memref<1x2560x64xi32, #tpu.memory_space<hbm>> -> memref<2560x64xi32, #tpu.memory_space<hbm>>
      %dma_start3A_206 = arith.constant 0 : i32
      %dma_start3A_207 = tpu.memref_slice %dma_start3A_205[%add3A_71, %dma_start3A_206] : memref<2560x64xi32, #tpu.memory_space<hbm>> -> memref<40x64xi32, #tpu.memory_space<hbm>>
      %dma_start3A_208 = arith.constant 0 : i32
      %dma_start3A_209 = arith.constant 0 : i32
      %dma_start3A_210 = tpu.memref_slice %arg3[%arg0, %dma_start3A_208, %dma_start3A_209] : memref<2x2560x64xi32, #tpu.memory_space<hbm>> -> memref<1x2560x64xi32, #tpu.memory_space<hbm>>
      %dma_start3A_211 = tpu.memref_squeeze %dma_start3A_210 : memref<1x2560x64xi32, #tpu.memory_space<hbm>> -> memref<2560x64xi32, #tpu.memory_space<hbm>>
      %dma_start3A_212 = arith.constant 0 : i32
      %dma_start3A_213 = tpu.memref_slice %dma_start3A_211[%add3A_71, %dma_start3A_212] : memref<2560x64xi32, #tpu.memory_space<hbm>> -> memref<40x64xi32, #tpu.memory_space<hbm>>
      tpu.enqueue_dma source(%dma_start3A_213 : memref<40x64xi32, #tpu.memory_space<hbm>>) target(%arg6 : memref<40x64xi32, #tpu.memory_space<vmem>>) target_semaphore(%run_scoped3A : memref<!tpu.dma_semaphore, #tpu.memory_space<semaphore_mem>>)
      %dma_wait3A = arith.constant 0 : i32
      %dma_wait3A_214 = arith.constant 0 : i32
      %dma_wait3A_215 = tpu.memref_slice %arg3[%arg0, %dma_wait3A, %dma_wait3A_214] : memref<2x2560x64xi32, #tpu.memory_space<hbm>> -> memref<1x2560x64xi32, #tpu.memory_space<hbm>>
      %dma_wait3A_216 = tpu.memref_squeeze %dma_wait3A_215 : memref<1x2560x64xi32, #tpu.memory_space<hbm>> -> memref<2560x64xi32, #tpu.memory_space<hbm>>
      %dma_wait3A_217 = arith.constant 0 : i32
      %dma_wait3A_218 = tpu.memref_slice %dma_wait3A_216[%add3A_71, %dma_wait3A_217] : memref<2560x64xi32, #tpu.memory_space<hbm>> -> memref<40x64xi32, #tpu.memory_space<hbm>>
      %dma_wait3A_219 = arith.constant 0 : i32
      %dma_wait3A_220 = arith.constant 0 : i32
      %dma_wait3A_221 = tpu.memref_slice %arg3[%arg0, %dma_wait3A_219, %dma_wait3A_220] : memref<2x2560x64xi32, #tpu.memory_space<hbm>> -> memref<1x2560x64xi32, #tpu.memory_space<hbm>>
      %dma_wait3A_222 = tpu.memref_squeeze %dma_wait3A_221 : memref<1x2560x64xi32, #tpu.memory_space<hbm>> -> memref<2560x64xi32, #tpu.memory_space<hbm>>
      %dma_wait3A_223 = arith.constant 0 : i32
      %dma_wait3A_224 = tpu.memref_slice %dma_wait3A_222[%add3A_71, %dma_wait3A_223] : memref<2560x64xi32, #tpu.memory_space<hbm>> -> memref<40x64xi32, #tpu.memory_space<hbm>>
      tpu.wait_dma2 semaphore(%run_scoped3A : memref<!tpu.dma_semaphore, #tpu.memory_space<semaphore_mem>>) src(%dma_wait3A_224 : memref<40x64xi32, #tpu.memory_space<hbm>>) dst(%arg6 : memref<40x64xi32, #tpu.memory_space<vmem>>)
      tpu.yield
    }) : () -> ()
    %mul3A_72 = arith.constant 160 : i32
    %mul3A_73 = arith.muli %arg1, %mul3A_72 : i32
    %add3A_74 = arith.constant 40 : i32
    %add3A_75 = arith.addi %mul3A_73, %add3A_74 : i32
    "tpu.region"() ({
      %run_scoped3A = tpu.sem_alloc : memref<!tpu.dma_semaphore, #tpu.memory_space<semaphore_mem>>
      %dma_start3A_202 = arith.constant 0 : i32
      %dma_start3A_203 = tpu.memref_slice %arg4[%add3A_75, %dma_start3A_202] : memref<2560x64xi32, #tpu.memory_space<hbm>> -> memref<40x64xi32, #tpu.memory_space<hbm>>
      %dma_start3A_204 = arith.constant 0 : i32
      %dma_start3A_205 = tpu.memref_slice %arg4[%add3A_75, %dma_start3A_204] : memref<2560x64xi32, #tpu.memory_space<hbm>> -> memref<40x64xi32, #tpu.memory_space<hbm>>
      tpu.enqueue_dma source(%dma_start3A_205 : memref<40x64xi32, #tpu.memory_space<hbm>>) target(%arg7 : memref<40x64xi32, #tpu.memory_space<vmem>>) target_semaphore(%run_scoped3A : memref<!tpu.dma_semaphore, #tpu.memory_space<semaphore_mem>>)
      %dma_wait3A = arith.constant 0 : i32
      %dma_wait3A_206 = tpu.memref_slice %arg4[%add3A_75, %dma_wait3A] : memref<2560x64xi32, #tpu.memory_space<hbm>> -> memref<40x64xi32, #tpu.memory_space<hbm>>
      %dma_wait3A_207 = arith.constant 0 : i32
      %dma_wait3A_208 = tpu.memref_slice %arg4[%add3A_75, %dma_wait3A_207] : memref<2560x64xi32, #tpu.memory_space<hbm>> -> memref<40x64xi32, #tpu.memory_space<hbm>>
      tpu.wait_dma2 semaphore(%run_scoped3A : memref<!tpu.dma_semaphore, #tpu.memory_space<semaphore_mem>>) src(%dma_wait3A_208 : memref<40x64xi32, #tpu.memory_space<hbm>>) dst(%arg7 : memref<40x64xi32, #tpu.memory_space<vmem>>)
      tpu.yield
    }) : () -> ()
    %dma_start3A_76 = arith.constant 0 : i32
    %dma_start3A_77 = arith.constant 0 : i32
    %dma_start3A_78 = tpu.memref_slice %arg6[%dma_start3A_76, %dma_start3A_77] : memref<40x64xi32, #tpu.memory_space<vmem>> -> memref<1x64xi32, #tpu.memory_space<vmem>>
    %dma_start3A_79 = tpu.memref_squeeze %dma_start3A_78 : memref<1x64xi32, #tpu.memory_space<vmem>> -> memref<64xi32, #tpu.memory_space<vmem>>
    %dma_start3A_80 = arith.constant 0 : i32
    %dma_start3A_81 = arith.constant 0 : i32
    %dma_start3A_82 = tpu.memref_slice %arg2[%dma_start3A_80, %dma_start3A_81] : memref<20000x128xf32, #tpu.memory_space<hbm>> -> memref<20000x128xf32, #tpu.memory_space<hbm>>
    tpu.enqueue_indirect_dma source(%dma_start3A_82 : memref<20000x128xf32, #tpu.memory_space<hbm>>) target(%arg8 : memref<64x128xf32, #tpu.memory_space<vmem>>) offsets(%dma_start3A_79 : memref<64xi32, #tpu.memory_space<vmem>>) semaphore(%arg13 : memref<!tpu.dma_semaphore, #tpu.memory_space<semaphore_mem>>)
    %dma_start3A_83 = arith.constant 1 : i32
    %dma_start3A_84 = arith.constant 0 : i32
    %dma_start3A_85 = tpu.memref_slice %arg6[%dma_start3A_83, %dma_start3A_84] : memref<40x64xi32, #tpu.memory_space<vmem>> -> memref<1x64xi32, #tpu.memory_space<vmem>>
    %dma_start3A_86 = tpu.memref_squeeze %dma_start3A_85 : memref<1x64xi32, #tpu.memory_space<vmem>> -> memref<64xi32, #tpu.memory_space<vmem>>
    %dma_start3A_87 = arith.constant 0 : i32
    %dma_start3A_88 = arith.constant 0 : i32
    %dma_start3A_89 = tpu.memref_slice %arg2[%dma_start3A_87, %dma_start3A_88] : memref<20000x128xf32, #tpu.memory_space<hbm>> -> memref<20000x128xf32, #tpu.memory_space<hbm>>
    tpu.enqueue_indirect_dma source(%dma_start3A_89 : memref<20000x128xf32, #tpu.memory_space<hbm>>) target(%arg9 : memref<64x128xf32, #tpu.memory_space<vmem>>) offsets(%dma_start3A_86 : memref<64xi32, #tpu.memory_space<vmem>>) semaphore(%arg14 : memref<!tpu.dma_semaphore, #tpu.memory_space<semaphore_mem>>)
    %dma_start3A_90 = arith.constant 2 : i32
    %dma_start3A_91 = arith.constant 0 : i32
    %dma_start3A_92 = tpu.memref_slice %arg6[%dma_start3A_90, %dma_start3A_91] : memref<40x64xi32, #tpu.memory_space<vmem>> -> memref<1x64xi32, #tpu.memory_space<vmem>>
    %dma_start3A_93 = tpu.memref_squeeze %dma_start3A_92 : memref<1x64xi32, #tpu.memory_space<vmem>> -> memref<64xi32, #tpu.memory_space<vmem>>
    %dma_start3A_94 = arith.constant 0 : i32
    %dma_start3A_95 = arith.constant 0 : i32
    %dma_start3A_96 = tpu.memref_slice %arg2[%dma_start3A_94, %dma_start3A_95] : memref<20000x128xf32, #tpu.memory_space<hbm>> -> memref<20000x128xf32, #tpu.memory_space<hbm>>
    tpu.enqueue_indirect_dma source(%dma_start3A_96 : memref<20000x128xf32, #tpu.memory_space<hbm>>) target(%arg10 : memref<64x128xf32, #tpu.memory_space<vmem>>) offsets(%dma_start3A_93 : memref<64xi32, #tpu.memory_space<vmem>>) semaphore(%arg15 : memref<!tpu.dma_semaphore, #tpu.memory_space<semaphore_mem>>)
    %dma_start3A_97 = arith.constant 3 : i32
    %dma_start3A_98 = arith.constant 0 : i32
    %dma_start3A_99 = tpu.memref_slice %arg6[%dma_start3A_97, %dma_start3A_98] : memref<40x64xi32, #tpu.memory_space<vmem>> -> memref<1x64xi32, #tpu.memory_space<vmem>>
    %dma_start3A_100 = tpu.memref_squeeze %dma_start3A_99 : memref<1x64xi32, #tpu.memory_space<vmem>> -> memref<64xi32, #tpu.memory_space<vmem>>
    %dma_start3A_101 = arith.constant 0 : i32
    %dma_start3A_102 = arith.constant 0 : i32
    %dma_start3A_103 = tpu.memref_slice %arg2[%dma_start3A_101, %dma_start3A_102] : memref<20000x128xf32, #tpu.memory_space<hbm>> -> memref<20000x128xf32, #tpu.memory_space<hbm>>
    tpu.enqueue_indirect_dma source(%dma_start3A_103 : memref<20000x128xf32, #tpu.memory_space<hbm>>) target(%arg11 : memref<64x128xf32, #tpu.memory_space<vmem>>) offsets(%dma_start3A_100 : memref<64xi32, #tpu.memory_space<vmem>>) semaphore(%arg16 : memref<!tpu.dma_semaphore, #tpu.memory_space<semaphore_mem>>)
    %scan3A_104 = arith.constant 0 : i32
    %scan3A_105 = arith.constant 0 : i32
    %scan3A_106 = arith.constant 10 : i32
    %scan3A_107 = arith.addi %scan3A_105, %scan3A_106 : i32
    %scan3A_108 = arith.constant 1 : i32
    %scan3A_109 = scf.for %scan3A_202 = %scan3A_105 to %scan3A_107 step %scan3A_108 iter_args(%scan3A_203 = %scan3A_104) -> (i32)  : i32 {
      %mul3A_204 = arith.constant 4 : i32
      %mul3A_205 = arith.muli %scan3A_202, %mul3A_204 : i32
      %dma_wait3A = arith.constant 0 : i32
      %dma_wait3A_206 = arith.constant 0 : i32
      %dma_wait3A_207 = tpu.memref_slice %arg2[%dma_wait3A, %dma_wait3A_206] : memref<20000x128xf32, #tpu.memory_space<hbm>> -> memref<64x128xf32, #tpu.memory_space<hbm>>
      %dma_wait3A_208 = arith.constant 0 : i32
      %dma_wait3A_209 = arith.constant 0 : i32
      %dma_wait3A_210 = tpu.memref_slice %arg2[%dma_wait3A_208, %dma_wait3A_209] : memref<20000x128xf32, #tpu.memory_space<hbm>> -> memref<64x128xf32, #tpu.memory_space<hbm>>
      tpu.wait_dma2 semaphore(%arg13 : memref<!tpu.dma_semaphore, #tpu.memory_space<semaphore_mem>>) src(%dma_wait3A_210 : memref<64x128xf32, #tpu.memory_space<hbm>>) dst(%arg8 : memref<64x128xf32, #tpu.memory_space<vmem>>)
      %add3A_211 = arith.constant 0 : i32
      %add3A_212 = arith.addi %mul3A_205, %add3A_211 : i32
      %dma_start3A_213 = arith.constant 0 : i32
      %dma_start3A_214 = tpu.memref_slice %arg7[%add3A_212, %dma_start3A_213] : memref<40x64xi32, #tpu.memory_space<vmem>> -> memref<1x64xi32, #tpu.memory_space<vmem>>
      %dma_start3A_215 = tpu.memref_squeeze %dma_start3A_214 : memref<1x64xi32, #tpu.memory_space<vmem>> -> memref<64xi32, #tpu.memory_space<vmem>>
      %dma_start3A_216 = arith.constant 0 : i32
      %dma_start3A_217 = arith.constant 0 : i32
      %dma_start3A_218 = tpu.memref_slice %arg12[%dma_start3A_216, %dma_start3A_217] : memref<10112x128xf32, #tpu.memory_space<vmem_shared>> -> memref<10112x128xf32, #tpu.memory_space<vmem_shared>>
      tpu.enqueue_indirect_dma source(%arg8 : memref<64x128xf32, #tpu.memory_space<vmem>>) target(%dma_start3A_218 : memref<10112x128xf32, #tpu.memory_space<vmem_shared>>) offsets(%dma_start3A_215 : memref<64xi32, #tpu.memory_space<vmem>>) semaphore(%arg13 : memref<!tpu.dma_semaphore, #tpu.memory_space<semaphore_mem>>) {add = true}
      %dma_wait3A_219 = arith.constant 0 : i32
      %dma_wait3A_220 = arith.constant 0 : i32
      %dma_wait3A_221 = tpu.memref_slice %arg2[%dma_wait3A_219, %dma_wait3A_220] : memref<20000x128xf32, #tpu.memory_space<hbm>> -> memref<64x128xf32, #tpu.memory_space<hbm>>
      %dma_wait3A_222 = arith.constant 0 : i32
      %dma_wait3A_223 = arith.constant 0 : i32
      %dma_wait3A_224 = tpu.memref_slice %arg2[%dma_wait3A_222, %dma_wait3A_223] : memref<20000x128xf32, #tpu.memory_space<hbm>> -> memref<64x128xf32, #tpu.memory_space<hbm>>
      tpu.wait_dma2 semaphore(%arg14 : memref<!tpu.dma_semaphore, #tpu.memory_space<semaphore_mem>>) src(%dma_wait3A_224 : memref<64x128xf32, #tpu.memory_space<hbm>>) dst(%arg9 : memref<64x128xf32, #tpu.memory_space<vmem>>)
      %add3A_225 = arith.constant 1 : i32
      %add3A_226 = arith.addi %mul3A_205, %add3A_225 : i32
      %dma_start3A_227 = arith.constant 0 : i32
      %dma_start3A_228 = tpu.memref_slice %arg7[%add3A_226, %dma_start3A_227] : memref<40x64xi32, #tpu.memory_space<vmem>> -> memref<1x64xi32, #tpu.memory_space<vmem>>
      %dma_start3A_229 = tpu.memref_squeeze %dma_start3A_228 : memref<1x64xi32, #tpu.memory_space<vmem>> -> memref<64xi32, #tpu.memory_space<vmem>>
      %dma_start3A_230 = arith.constant 0 : i32
      %dma_start3A_231 = arith.constant 0 : i32
      %dma_start3A_232 = tpu.memref_slice %arg12[%dma_start3A_230, %dma_start3A_231] : memref<10112x128xf32, #tpu.memory_space<vmem_shared>> -> memref<10112x128xf32, #tpu.memory_space<vmem_shared>>
      tpu.enqueue_indirect_dma source(%arg9 : memref<64x128xf32, #tpu.memory_space<vmem>>) target(%dma_start3A_232 : memref<10112x128xf32, #tpu.memory_space<vmem_shared>>) offsets(%dma_start3A_229 : memref<64xi32, #tpu.memory_space<vmem>>) semaphore(%arg14 : memref<!tpu.dma_semaphore, #tpu.memory_space<semaphore_mem>>) {add = true}
      %dma_wait3A_233 = arith.constant 0 : i32
      %dma_wait3A_234 = arith.constant 0 : i32
      %dma_wait3A_235 = tpu.memref_slice %arg2[%dma_wait3A_233, %dma_wait3A_234] : memref<20000x128xf32, #tpu.memory_space<hbm>> -> memref<64x128xf32, #tpu.memory_space<hbm>>
      %dma_wait3A_236 = arith.constant 0 : i32
      %dma_wait3A_237 = arith.constant 0 : i32
      %dma_wait3A_238 = tpu.memref_slice %arg2[%dma_wait3A_236, %dma_wait3A_237] : memref<20000x128xf32, #tpu.memory_space<hbm>> -> memref<64x128xf32, #tpu.memory_space<hbm>>
      tpu.wait_dma2 semaphore(%arg15 : memref<!tpu.dma_semaphore, #tpu.memory_space<semaphore_mem>>) src(%dma_wait3A_238 : memref<64x128xf32, #tpu.memory_space<hbm>>) dst(%arg10 : memref<64x128xf32, #tpu.memory_space<vmem>>)
      %add3A_239 = arith.constant 2 : i32
      %add3A_240 = arith.addi %mul3A_205, %add3A_239 : i32
      %dma_start3A_241 = arith.constant 0 : i32
      %dma_start3A_242 = tpu.memref_slice %arg7[%add3A_240, %dma_start3A_241] : memref<40x64xi32, #tpu.memory_space<vmem>> -> memref<1x64xi32, #tpu.memory_space<vmem>>
      %dma_start3A_243 = tpu.memref_squeeze %dma_start3A_242 : memref<1x64xi32, #tpu.memory_space<vmem>> -> memref<64xi32, #tpu.memory_space<vmem>>
      %dma_start3A_244 = arith.constant 0 : i32
      %dma_start3A_245 = arith.constant 0 : i32
      %dma_start3A_246 = tpu.memref_slice %arg12[%dma_start3A_244, %dma_start3A_245] : memref<10112x128xf32, #tpu.memory_space<vmem_shared>> -> memref<10112x128xf32, #tpu.memory_space<vmem_shared>>
      tpu.enqueue_indirect_dma source(%arg10 : memref<64x128xf32, #tpu.memory_space<vmem>>) target(%dma_start3A_246 : memref<10112x128xf32, #tpu.memory_space<vmem_shared>>) offsets(%dma_start3A_243 : memref<64xi32, #tpu.memory_space<vmem>>) semaphore(%arg15 : memref<!tpu.dma_semaphore, #tpu.memory_space<semaphore_mem>>) {add = true}
      %dma_wait3A_247 = arith.constant 0 : i32
      %dma_wait3A_248 = arith.constant 0 : i32
      %dma_wait3A_249 = tpu.memref_slice %arg2[%dma_wait3A_247, %dma_wait3A_248] : memref<20000x128xf32, #tpu.memory_space<hbm>> -> memref<64x128xf32, #tpu.memory_space<hbm>>
      %dma_wait3A_250 = arith.constant 0 : i32
      %dma_wait3A_251 = arith.constant 0 : i32
      %dma_wait3A_252 = tpu.memref_slice %arg2[%dma_wait3A_250, %dma_wait3A_251] : memref<20000x128xf32, #tpu.memory_space<hbm>> -> memref<64x128xf32, #tpu.memory_space<hbm>>
      tpu.wait_dma2 semaphore(%arg16 : memref<!tpu.dma_semaphore, #tpu.memory_space<semaphore_mem>>) src(%dma_wait3A_252 : memref<64x128xf32, #tpu.memory_space<hbm>>) dst(%arg11 : memref<64x128xf32, #tpu.memory_space<vmem>>)
      %add3A_253 = arith.constant 3 : i32
      %add3A_254 = arith.addi %mul3A_205, %add3A_253 : i32
      %dma_start3A_255 = arith.constant 0 : i32
      %dma_start3A_256 = tpu.memref_slice %arg7[%add3A_254, %dma_start3A_255] : memref<40x64xi32, #tpu.memory_space<vmem>> -> memref<1x64xi32, #tpu.memory_space<vmem>>
      %dma_start3A_257 = tpu.memref_squeeze %dma_start3A_256 : memref<1x64xi32, #tpu.memory_space<vmem>> -> memref<64xi32, #tpu.memory_space<vmem>>
      %dma_start3A_258 = arith.constant 0 : i32
      %dma_start3A_259 = arith.constant 0 : i32
      %dma_start3A_260 = tpu.memref_slice %arg12[%dma_start3A_258, %dma_start3A_259] : memref<10112x128xf32, #tpu.memory_space<vmem_shared>> -> memref<10112x128xf32, #tpu.memory_space<vmem_shared>>
      tpu.enqueue_indirect_dma source(%arg11 : memref<64x128xf32, #tpu.memory_space<vmem>>) target(%dma_start3A_260 : memref<10112x128xf32, #tpu.memory_space<vmem_shared>>) offsets(%dma_start3A_257 : memref<64xi32, #tpu.memory_space<vmem>>) semaphore(%arg16 : memref<!tpu.dma_semaphore, #tpu.memory_space<semaphore_mem>>) {add = true}
      %dma_wait3A_261 = arith.constant 0 : i32
      %dma_wait3A_262 = tpu.memref_slice %arg7[%add3A_212, %dma_wait3A_261] : memref<40x64xi32, #tpu.memory_space<vmem>> -> memref<1x64xi32, #tpu.memory_space<vmem>>
      %dma_wait3A_263 = tpu.memref_squeeze %dma_wait3A_262 : memref<1x64xi32, #tpu.memory_space<vmem>> -> memref<64xi32, #tpu.memory_space<vmem>>
      %dma_wait3A_264 = arith.constant 0 : i32
      %dma_wait3A_265 = arith.constant 0 : i32
      %dma_wait3A_266 = tpu.memref_slice %arg12[%dma_wait3A_264, %dma_wait3A_265] : memref<10112x128xf32, #tpu.memory_space<vmem_shared>> -> memref<10112x128xf32, #tpu.memory_space<vmem_shared>>
      tpu.wait_indirect_dma semaphore(%arg13 : memref<!tpu.dma_semaphore, #tpu.memory_space<semaphore_mem>>) src(%arg8 : memref<64x128xf32, #tpu.memory_space<vmem>>) dst(%dma_wait3A_266 : memref<10112x128xf32, #tpu.memory_space<vmem_shared>>)
      %add3A_267 = arith.constant 4 : i32
      %add3A_268 = arith.addi %mul3A_205, %add3A_267 : i32
      %add3A_269 = arith.constant 0 : i32
      %add3A_270 = arith.addi %add3A_268, %add3A_269 : i32
      %lt3A = arith.constant 40 : i32
      %lt3A_271 = arith.cmpi slt, %add3A_270, %lt3A : i32
      %convert_element_type3A_272 = arith.extui %lt3A_271 : i1 to i32
      %cond3A_273 = arith.constant 0 : i32
      %cond3A_274 = arith.cmpi ne, %convert_element_type3A_272, %cond3A_273 : i32
      scf.if %cond3A_274 {
        %dma_start3A_321 = arith.constant 0 : i32
        %dma_start3A_322 = tpu.memref_slice %arg6[%add3A_270, %dma_start3A_321] : memref<40x64xi32, #tpu.memory_space<vmem>> -> memref<1x64xi32, #tpu.memory_space<vmem>>
        %dma_start3A_323 = tpu.memref_squeeze %dma_start3A_322 : memref<1x64xi32, #tpu.memory_space<vmem>> -> memref<64xi32, #tpu.memory_space<vmem>>
        %dma_start3A_324 = arith.constant 0 : i32
        %dma_start3A_325 = arith.constant 0 : i32
        %dma_start3A_326 = tpu.memref_slice %arg2[%dma_start3A_324, %dma_start3A_325] : memref<20000x128xf32, #tpu.memory_space<hbm>> -> memref<20000x128xf32, #tpu.memory_space<hbm>>
        tpu.enqueue_indirect_dma source(%dma_start3A_326 : memref<20000x128xf32, #tpu.memory_space<hbm>>) target(%arg8 : memref<64x128xf32, #tpu.memory_space<vmem>>) offsets(%dma_start3A_323 : memref<64xi32, #tpu.memory_space<vmem>>) semaphore(%arg13 : memref<!tpu.dma_semaphore, #tpu.memory_space<semaphore_mem>>)
      } else {
      }
      %dma_wait3A_275 = arith.constant 0 : i32
      %dma_wait3A_276 = tpu.memref_slice %arg7[%add3A_226, %dma_wait3A_275] : memref<40x64xi32, #tpu.memory_space<vmem>> -> memref<1x64xi32, #tpu.memory_space<vmem>>
      %dma_wait3A_277 = tpu.memref_squeeze %dma_wait3A_276 : memref<1x64xi32, #tpu.memory_space<vmem>> -> memref<64xi32, #tpu.memory_space<vmem>>
      %dma_wait3A_278 = arith.constant 0 : i32
      %dma_wait3A_279 = arith.constant 0 : i32
      %dma_wait3A_280 = tpu.memref_slice %arg12[%dma_wait3A_278, %dma_wait3A_279] : memref<10112x128xf32, #tpu.memory_space<vmem_shared>> -> memref<10112x128xf32, #tpu.memory_space<vmem_shared>>
      tpu.wait_indirect_dma semaphore(%arg14 : memref<!tpu.dma_semaphore, #tpu.memory_space<semaphore_mem>>) src(%arg9 : memref<64x128xf32, #tpu.memory_space<vmem>>) dst(%dma_wait3A_280 : memref<10112x128xf32, #tpu.memory_space<vmem_shared>>)
      %add3A_281 = arith.constant 4 : i32
      %add3A_282 = arith.addi %mul3A_205, %add3A_281 : i32
      %add3A_283 = arith.constant 1 : i32
      %add3A_284 = arith.addi %add3A_282, %add3A_283 : i32
      %lt3A_285 = arith.constant 40 : i32
      %lt3A_286 = arith.cmpi slt, %add3A_284, %lt3A_285 : i32
      %convert_element_type3A_287 = arith.extui %lt3A_286 : i1 to i32
      %cond3A_288 = arith.constant 0 : i32
      %cond3A_289 = arith.cmpi ne, %convert_element_type3A_287, %cond3A_288 : i32
      scf.if %cond3A_289 {
        %dma_start3A_321 = arith.constant 0 : i32
        %dma_start3A_322 = tpu.memref_slice %arg6[%add3A_284, %dma_start3A_321] : memref<40x64xi32, #tpu.memory_space<vmem>> -> memref<1x64xi32, #tpu.memory_space<vmem>>
        %dma_start3A_323 = tpu.memref_squeeze %dma_start3A_322 : memref<1x64xi32, #tpu.memory_space<vmem>> -> memref<64xi32, #tpu.memory_space<vmem>>
        %dma_start3A_324 = arith.constant 0 : i32
        %dma_start3A_325 = arith.constant 0 : i32
        %dma_start3A_326 = tpu.memref_slice %arg2[%dma_start3A_324, %dma_start3A_325] : memref<20000x128xf32, #tpu.memory_space<hbm>> -> memref<20000x128xf32, #tpu.memory_space<hbm>>
        tpu.enqueue_indirect_dma source(%dma_start3A_326 : memref<20000x128xf32, #tpu.memory_space<hbm>>) target(%arg9 : memref<64x128xf32, #tpu.memory_space<vmem>>) offsets(%dma_start3A_323 : memref<64xi32, #tpu.memory_space<vmem>>) semaphore(%arg14 : memref<!tpu.dma_semaphore, #tpu.memory_space<semaphore_mem>>)
      } else {
      }
      %dma_wait3A_290 = arith.constant 0 : i32
      %dma_wait3A_291 = tpu.memref_slice %arg7[%add3A_240, %dma_wait3A_290] : memref<40x64xi32, #tpu.memory_space<vmem>> -> memref<1x64xi32, #tpu.memory_space<vmem>>
      %dma_wait3A_292 = tpu.memref_squeeze %dma_wait3A_291 : memref<1x64xi32, #tpu.memory_space<vmem>> -> memref<64xi32, #tpu.memory_space<vmem>>
      %dma_wait3A_293 = arith.constant 0 : i32
      %dma_wait3A_294 = arith.constant 0 : i32
      %dma_wait3A_295 = tpu.memref_slice %arg12[%dma_wait3A_293, %dma_wait3A_294] : memref<10112x128xf32, #tpu.memory_space<vmem_shared>> -> memref<10112x128xf32, #tpu.memory_space<vmem_shared>>
      tpu.wait_indirect_dma semaphore(%arg15 : memref<!tpu.dma_semaphore, #tpu.memory_space<semaphore_mem>>) src(%arg10 : memref<64x128xf32, #tpu.memory_space<vmem>>) dst(%dma_wait3A_295 : memref<10112x128xf32, #tpu.memory_space<vmem_shared>>)
      %add3A_296 = arith.constant 4 : i32
      %add3A_297 = arith.addi %mul3A_205, %add3A_296 : i32
      %add3A_298 = arith.constant 2 : i32
      %add3A_299 = arith.addi %add3A_297, %add3A_298 : i32
      %lt3A_300 = arith.constant 40 : i32
      %lt3A_301 = arith.cmpi slt, %add3A_299, %lt3A_300 : i32
      %convert_element_type3A_302 = arith.extui %lt3A_301 : i1 to i32
      %cond3A_303 = arith.constant 0 : i32
      %cond3A_304 = arith.cmpi ne, %convert_element_type3A_302, %cond3A_303 : i32
      scf.if %cond3A_304 {
        %dma_start3A_321 = arith.constant 0 : i32
        %dma_start3A_322 = tpu.memref_slice %arg6[%add3A_299, %dma_start3A_321] : memref<40x64xi32, #tpu.memory_space<vmem>> -> memref<1x64xi32, #tpu.memory_space<vmem>>
        %dma_start3A_323 = tpu.memref_squeeze %dma_start3A_322 : memref<1x64xi32, #tpu.memory_space<vmem>> -> memref<64xi32, #tpu.memory_space<vmem>>
        %dma_start3A_324 = arith.constant 0 : i32
        %dma_start3A_325 = arith.constant 0 : i32
        %dma_start3A_326 = tpu.memref_slice %arg2[%dma_start3A_324, %dma_start3A_325] : memref<20000x128xf32, #tpu.memory_space<hbm>> -> memref<20000x128xf32, #tpu.memory_space<hbm>>
        tpu.enqueue_indirect_dma source(%dma_start3A_326 : memref<20000x128xf32, #tpu.memory_space<hbm>>) target(%arg10 : memref<64x128xf32, #tpu.memory_space<vmem>>) offsets(%dma_start3A_323 : memref<64xi32, #tpu.memory_space<vmem>>) semaphore(%arg15 : memref<!tpu.dma_semaphore, #tpu.memory_space<semaphore_mem>>)
      } else {
      }
      %dma_wait3A_305 = arith.constant 0 : i32
      %dma_wait3A_306 = tpu.memref_slice %arg7[%add3A_254, %dma_wait3A_305] : memref<40x64xi32, #tpu.memory_space<vmem>> -> memref<1x64xi32, #tpu.memory_space<vmem>>
      %dma_wait3A_307 = tpu.memref_squeeze %dma_wait3A_306 : memref<1x64xi32, #tpu.memory_space<vmem>> -> memref<64xi32, #tpu.memory_space<vmem>>
      %dma_wait3A_308 = arith.constant 0 : i32
      %dma_wait3A_309 = arith.constant 0 : i32
      %dma_wait3A_310 = tpu.memref_slice %arg12[%dma_wait3A_308, %dma_wait3A_309] : memref<10112x128xf32, #tpu.memory_space<vmem_shared>> -> memref<10112x128xf32, #tpu.memory_space<vmem_shared>>
      tpu.wait_indirect_dma semaphore(%arg16 : memref<!tpu.dma_semaphore, #tpu.memory_space<semaphore_mem>>) src(%arg11 : memref<64x128xf32, #tpu.memory_space<vmem>>) dst(%dma_wait3A_310 : memref<10112x128xf32, #tpu.memory_space<vmem_shared>>)
      %add3A_311 = arith.constant 4 : i32
      %add3A_312 = arith.addi %mul3A_205, %add3A_311 : i32
      %add3A_313 = arith.constant 3 : i32
      %add3A_314 = arith.addi %add3A_312, %add3A_313 : i32
      %lt3A_315 = arith.constant 40 : i32
      %lt3A_316 = arith.cmpi slt, %add3A_314, %lt3A_315 : i32
      %convert_element_type3A_317 = arith.extui %lt3A_316 : i1 to i32
      %cond3A_318 = arith.constant 0 : i32
      %cond3A_319 = arith.cmpi ne, %convert_element_type3A_317, %cond3A_318 : i32
      scf.if %cond3A_319 {
        %dma_start3A_321 = arith.constant 0 : i32
        %dma_start3A_322 = tpu.memref_slice %arg6[%add3A_314, %dma_start3A_321] : memref<40x64xi32, #tpu.memory_space<vmem>> -> memref<1x64xi32, #tpu.memory_space<vmem>>
        %dma_start3A_323 = tpu.memref_squeeze %dma_start3A_322 : memref<1x64xi32, #tpu.memory_space<vmem>> -> memref<64xi32, #tpu.memory_space<vmem>>
        %dma_start3A_324 = arith.constant 0 : i32
        %dma_start3A_325 = arith.constant 0 : i32
        %dma_start3A_326 = tpu.memref_slice %arg2[%dma_start3A_324, %dma_start3A_325] : memref<20000x128xf32, #tpu.memory_space<hbm>> -> memref<20000x128xf32, #tpu.memory_space<hbm>>
        tpu.enqueue_indirect_dma source(%dma_start3A_326 : memref<20000x128xf32, #tpu.memory_space<hbm>>) target(%arg11 : memref<64x128xf32, #tpu.memory_space<vmem>>) offsets(%dma_start3A_323 : memref<64xi32, #tpu.memory_space<vmem>>) semaphore(%arg16 : memref<!tpu.dma_semaphore, #tpu.memory_space<semaphore_mem>>)
      } else {
      }
      %scan3A_320 = arith.constant 0 : i32
      scf.yield %scan3A_320 : i32
    }
    %scan3A_110 = arith.constant 10 : i32
    %mul3A_111 = arith.constant 160 : i32
    %mul3A_112 = arith.muli %arg1, %mul3A_111 : i32
    %add3A_113 = arith.constant 80 : i32
    %add3A_114 = arith.addi %mul3A_112, %add3A_113 : i32
    "tpu.region"() ({
      %run_scoped3A = tpu.sem_alloc : memref<!tpu.dma_semaphore, #tpu.memory_space<semaphore_mem>>
      %dma_start3A_202 = arith.constant 0 : i32
      %dma_start3A_203 = arith.constant 0 : i32
      %dma_start3A_204 = tpu.memref_slice %arg3[%arg0, %dma_start3A_202, %dma_start3A_203] : memref<2x2560x64xi32, #tpu.memory_space<hbm>> -> memref<1x2560x64xi32, #tpu.memory_space<hbm>>
      %dma_start3A_205 = tpu.memref_squeeze %dma_start3A_204 : memref<1x2560x64xi32, #tpu.memory_space<hbm>> -> memref<2560x64xi32, #tpu.memory_space<hbm>>
      %dma_start3A_206 = arith.constant 0 : i32
      %dma_start3A_207 = tpu.memref_slice %dma_start3A_205[%add3A_114, %dma_start3A_206] : memref<2560x64xi32, #tpu.memory_space<hbm>> -> memref<40x64xi32, #tpu.memory_space<hbm>>
      %dma_start3A_208 = arith.constant 0 : i32
      %dma_start3A_209 = arith.constant 0 : i32
      %dma_start3A_210 = tpu.memref_slice %arg3[%arg0, %dma_start3A_208, %dma_start3A_209] : memref<2x2560x64xi32, #tpu.memory_space<hbm>> -> memref<1x2560x64xi32, #tpu.memory_space<hbm>>
      %dma_start3A_211 = tpu.memref_squeeze %dma_start3A_210 : memref<1x2560x64xi32, #tpu.memory_space<hbm>> -> memref<2560x64xi32, #tpu.memory_space<hbm>>
      %dma_start3A_212 = arith.constant 0 : i32
      %dma_start3A_213 = tpu.memref_slice %dma_start3A_211[%add3A_114, %dma_start3A_212] : memref<2560x64xi32, #tpu.memory_space<hbm>> -> memref<40x64xi32, #tpu.memory_space<hbm>>
      tpu.enqueue_dma source(%dma_start3A_213 : memref<40x64xi32, #tpu.memory_space<hbm>>) target(%arg6 : memref<40x64xi32, #tpu.memory_space<vmem>>) target_semaphore(%run_scoped3A : memref<!tpu.dma_semaphore, #tpu.memory_space<semaphore_mem>>)
      %dma_wait3A = arith.constant 0 : i32
      %dma_wait3A_214 = arith.constant 0 : i32
      %dma_wait3A_215 = tpu.memref_slice %arg3[%arg0, %dma_wait3A, %dma_wait3A_214] : memref<2x2560x64xi32, #tpu.memory_space<hbm>> -> memref<1x2560x64xi32, #tpu.memory_space<hbm>>
      %dma_wait3A_216 = tpu.memref_squeeze %dma_wait3A_215 : memref<1x2560x64xi32, #tpu.memory_space<hbm>> -> memref<2560x64xi32, #tpu.memory_space<hbm>>
      %dma_wait3A_217 = arith.constant 0 : i32
      %dma_wait3A_218 = tpu.memref_slice %dma_wait3A_216[%add3A_114, %dma_wait3A_217] : memref<2560x64xi32, #tpu.memory_space<hbm>> -> memref<40x64xi32, #tpu.memory_space<hbm>>
      %dma_wait3A_219 = arith.constant 0 : i32
      %dma_wait3A_220 = arith.constant 0 : i32
      %dma_wait3A_221 = tpu.memref_slice %arg3[%arg0, %dma_wait3A_219, %dma_wait3A_220] : memref<2x2560x64xi32, #tpu.memory_space<hbm>> -> memref<1x2560x64xi32, #tpu.memory_space<hbm>>
      %dma_wait3A_222 = tpu.memref_squeeze %dma_wait3A_221 : memref<1x2560x64xi32, #tpu.memory_space<hbm>> -> memref<2560x64xi32, #tpu.memory_space<hbm>>
      %dma_wait3A_223 = arith.constant 0 : i32
      %dma_wait3A_224 = tpu.memref_slice %dma_wait3A_222[%add3A_114, %dma_wait3A_223] : memref<2560x64xi32, #tpu.memory_space<hbm>> -> memref<40x64xi32, #tpu.memory_space<hbm>>
      tpu.wait_dma2 semaphore(%run_scoped3A : memref<!tpu.dma_semaphore, #tpu.memory_space<semaphore_mem>>) src(%dma_wait3A_224 : memref<40x64xi32, #tpu.memory_space<hbm>>) dst(%arg6 : memref<40x64xi32, #tpu.memory_space<vmem>>)
      tpu.yield
    }) : () -> ()
    %mul3A_115 = arith.constant 160 : i32
    %mul3A_116 = arith.muli %arg1, %mul3A_115 : i32
    %add3A_117 = arith.constant 80 : i32
    %add3A_118 = arith.addi %mul3A_116, %add3A_117 : i32
    "tpu.region"() ({
      %run_scoped3A = tpu.sem_alloc : memref<!tpu.dma_semaphore, #tpu.memory_space<semaphore_mem>>
      %dma_start3A_202 = arith.constant 0 : i32
      %dma_start3A_203 = tpu.memref_slice %arg4[%add3A_118, %dma_start3A_202] : memref<2560x64xi32, #tpu.memory_space<hbm>> -> memref<40x64xi32, #tpu.memory_space<hbm>>
      %dma_start3A_204 = arith.constant 0 : i32
      %dma_start3A_205 = tpu.memref_slice %arg4[%add3A_118, %dma_start3A_204] : memref<2560x64xi32, #tpu.memory_space<hbm>> -> memref<40x64xi32, #tpu.memory_space<hbm>>
      tpu.enqueue_dma source(%dma_start3A_205 : memref<40x64xi32, #tpu.memory_space<hbm>>) target(%arg7 : memref<40x64xi32, #tpu.memory_space<vmem>>) target_semaphore(%run_scoped3A : memref<!tpu.dma_semaphore, #tpu.memory_space<semaphore_mem>>)
      %dma_wait3A = arith.constant 0 : i32
      %dma_wait3A_206 = tpu.memref_slice %arg4[%add3A_118, %dma_wait3A] : memref<2560x64xi32, #tpu.memory_space<hbm>> -> memref<40x64xi32, #tpu.memory_space<hbm>>
      %dma_wait3A_207 = arith.constant 0 : i32
      %dma_wait3A_208 = tpu.memref_slice %arg4[%add3A_118, %dma_wait3A_207] : memref<2560x64xi32, #tpu.memory_space<hbm>> -> memref<40x64xi32, #tpu.memory_space<hbm>>
      tpu.wait_dma2 semaphore(%run_scoped3A : memref<!tpu.dma_semaphore, #tpu.memory_space<semaphore_mem>>) src(%dma_wait3A_208 : memref<40x64xi32, #tpu.memory_space<hbm>>) dst(%arg7 : memref<40x64xi32, #tpu.memory_space<vmem>>)
      tpu.yield
    }) : () -> ()
    %dma_start3A_119 = arith.constant 0 : i32
    %dma_start3A_120 = arith.constant 0 : i32
    %dma_start3A_121 = tpu.memref_slice %arg6[%dma_start3A_119, %dma_start3A_120] : memref<40x64xi32, #tpu.memory_space<vmem>> -> memref<1x64xi32, #tpu.memory_space<vmem>>
    %dma_start3A_122 = tpu.memref_squeeze %dma_start3A_121 : memref<1x64xi32, #tpu.memory_space<vmem>> -> memref<64xi32, #tpu.memory_space<vmem>>
    %dma_start3A_123 = arith.constant 0 : i32
    %dma_start3A_124 = arith.constant 0 : i32
    %dma_start3A_125 = tpu.memref_slice %arg2[%dma_start3A_123, %dma_start3A_124] : memref<20000x128xf32, #tpu.memory_space<hbm>> -> memref<20000x128xf32, #tpu.memory_space<hbm>>
    tpu.enqueue_indirect_dma source(%dma_start3A_125 : memref<20000x128xf32, #tpu.memory_space<hbm>>) target(%arg8 : memref<64x128xf32, #tpu.memory_space<vmem>>) offsets(%dma_start3A_122 : memref<64xi32, #tpu.memory_space<vmem>>) semaphore(%arg13 : memref<!tpu.dma_semaphore, #tpu.memory_space<semaphore_mem>>)
    %dma_start3A_126 = arith.constant 1 : i32
    %dma_start3A_127 = arith.constant 0 : i32
    %dma_start3A_128 = tpu.memref_slice %arg6[%dma_start3A_126, %dma_start3A_127] : memref<40x64xi32, #tpu.memory_space<vmem>> -> memref<1x64xi32, #tpu.memory_space<vmem>>
    %dma_start3A_129 = tpu.memref_squeeze %dma_start3A_128 : memref<1x64xi32, #tpu.memory_space<vmem>> -> memref<64xi32, #tpu.memory_space<vmem>>
    %dma_start3A_130 = arith.constant 0 : i32
    %dma_start3A_131 = arith.constant 0 : i32
    %dma_start3A_132 = tpu.memref_slice %arg2[%dma_start3A_130, %dma_start3A_131] : memref<20000x128xf32, #tpu.memory_space<hbm>> -> memref<20000x128xf32, #tpu.memory_space<hbm>>
    tpu.enqueue_indirect_dma source(%dma_start3A_132 : memref<20000x128xf32, #tpu.memory_space<hbm>>) target(%arg9 : memref<64x128xf32, #tpu.memory_space<vmem>>) offsets(%dma_start3A_129 : memref<64xi32, #tpu.memory_space<vmem>>) semaphore(%arg14 : memref<!tpu.dma_semaphore, #tpu.memory_space<semaphore_mem>>)
    %dma_start3A_133 = arith.constant 2 : i32
    %dma_start3A_134 = arith.constant 0 : i32
    %dma_start3A_135 = tpu.memref_slice %arg6[%dma_start3A_133, %dma_start3A_134] : memref<40x64xi32, #tpu.memory_space<vmem>> -> memref<1x64xi32, #tpu.memory_space<vmem>>
    %dma_start3A_136 = tpu.memref_squeeze %dma_start3A_135 : memref<1x64xi32, #tpu.memory_space<vmem>> -> memref<64xi32, #tpu.memory_space<vmem>>
    %dma_start3A_137 = arith.constant 0 : i32
    %dma_start3A_138 = arith.constant 0 : i32
    %dma_start3A_139 = tpu.memref_slice %arg2[%dma_start3A_137, %dma_start3A_138] : memref<20000x128xf32, #tpu.memory_space<hbm>> -> memref<20000x128xf32, #tpu.memory_space<hbm>>
    tpu.enqueue_indirect_dma source(%dma_start3A_139 : memref<20000x128xf32, #tpu.memory_space<hbm>>) target(%arg10 : memref<64x128xf32, #tpu.memory_space<vmem>>) offsets(%dma_start3A_136 : memref<64xi32, #tpu.memory_space<vmem>>) semaphore(%arg15 : memref<!tpu.dma_semaphore, #tpu.memory_space<semaphore_mem>>)
    %dma_start3A_140 = arith.constant 3 : i32
    %dma_start3A_141 = arith.constant 0 : i32
    %dma_start3A_142 = tpu.memref_slice %arg6[%dma_start3A_140, %dma_start3A_141] : memref<40x64xi32, #tpu.memory_space<vmem>> -> memref<1x64xi32, #tpu.memory_space<vmem>>
    %dma_start3A_143 = tpu.memref_squeeze %dma_start3A_142 : memref<1x64xi32, #tpu.memory_space<vmem>> -> memref<64xi32, #tpu.memory_space<vmem>>
    %dma_start3A_144 = arith.constant 0 : i32
    %dma_start3A_145 = arith.constant 0 : i32
    %dma_start3A_146 = tpu.memref_slice %arg2[%dma_start3A_144, %dma_start3A_145] : memref<20000x128xf32, #tpu.memory_space<hbm>> -> memref<20000x128xf32, #tpu.memory_space<hbm>>
    tpu.enqueue_indirect_dma source(%dma_start3A_146 : memref<20000x128xf32, #tpu.memory_space<hbm>>) target(%arg11 : memref<64x128xf32, #tpu.memory_space<vmem>>) offsets(%dma_start3A_143 : memref<64xi32, #tpu.memory_space<vmem>>) semaphore(%arg16 : memref<!tpu.dma_semaphore, #tpu.memory_space<semaphore_mem>>)
    %scan3A_147 = arith.constant 0 : i32
    %scan3A_148 = arith.constant 0 : i32
    %scan3A_149 = arith.constant 10 : i32
    %scan3A_150 = arith.addi %scan3A_148, %scan3A_149 : i32
    %scan3A_151 = arith.constant 1 : i32
    %scan3A_152 = scf.for %scan3A_202 = %scan3A_148 to %scan3A_150 step %scan3A_151 iter_args(%scan3A_203 = %scan3A_147) -> (i32)  : i32 {
      %mul3A_204 = arith.constant 4 : i32
      %mul3A_205 = arith.muli %scan3A_202, %mul3A_204 : i32
      %dma_wait3A = arith.constant 0 : i32
      %dma_wait3A_206 = arith.constant 0 : i32
      %dma_wait3A_207 = tpu.memref_slice %arg2[%dma_wait3A, %dma_wait3A_206] : memref<20000x128xf32, #tpu.memory_space<hbm>> -> memref<64x128xf32, #tpu.memory_space<hbm>>
      %dma_wait3A_208 = arith.constant 0 : i32
      %dma_wait3A_209 = arith.constant 0 : i32
      %dma_wait3A_210 = tpu.memref_slice %arg2[%dma_wait3A_208, %dma_wait3A_209] : memref<20000x128xf32, #tpu.memory_space<hbm>> -> memref<64x128xf32, #tpu.memory_space<hbm>>
      tpu.wait_dma2 semaphore(%arg13 : memref<!tpu.dma_semaphore, #tpu.memory_space<semaphore_mem>>) src(%dma_wait3A_210 : memref<64x128xf32, #tpu.memory_space<hbm>>) dst(%arg8 : memref<64x128xf32, #tpu.memory_space<vmem>>)
      %add3A_211 = arith.constant 0 : i32
      %add3A_212 = arith.addi %mul3A_205, %add3A_211 : i32
      %dma_start3A_213 = arith.constant 0 : i32
      %dma_start3A_214 = tpu.memref_slice %arg7[%add3A_212, %dma_start3A_213] : memref<40x64xi32, #tpu.memory_space<vmem>> -> memref<1x64xi32, #tpu.memory_space<vmem>>
      %dma_start3A_215 = tpu.memref_squeeze %dma_start3A_214 : memref<1x64xi32, #tpu.memory_space<vmem>> -> memref<64xi32, #tpu.memory_space<vmem>>
      %dma_start3A_216 = arith.constant 0 : i32
      %dma_start3A_217 = arith.constant 0 : i32
      %dma_start3A_218 = tpu.memref_slice %arg12[%dma_start3A_216, %dma_start3A_217] : memref<10112x128xf32, #tpu.memory_space<vmem_shared>> -> memref<10112x128xf32, #tpu.memory_space<vmem_shared>>
      tpu.enqueue_indirect_dma source(%arg8 : memref<64x128xf32, #tpu.memory_space<vmem>>) target(%dma_start3A_218 : memref<10112x128xf32, #tpu.memory_space<vmem_shared>>) offsets(%dma_start3A_215 : memref<64xi32, #tpu.memory_space<vmem>>) semaphore(%arg13 : memref<!tpu.dma_semaphore, #tpu.memory_space<semaphore_mem>>) {add = true}
      %dma_wait3A_219 = arith.constant 0 : i32
      %dma_wait3A_220 = arith.constant 0 : i32
      %dma_wait3A_221 = tpu.memref_slice %arg2[%dma_wait3A_219, %dma_wait3A_220] : memref<20000x128xf32, #tpu.memory_space<hbm>> -> memref<64x128xf32, #tpu.memory_space<hbm>>
      %dma_wait3A_222 = arith.constant 0 : i32
      %dma_wait3A_223 = arith.constant 0 : i32
      %dma_wait3A_224 = tpu.memref_slice %arg2[%dma_wait3A_222, %dma_wait3A_223] : memref<20000x128xf32, #tpu.memory_space<hbm>> -> memref<64x128xf32, #tpu.memory_space<hbm>>
      tpu.wait_dma2 semaphore(%arg14 : memref<!tpu.dma_semaphore, #tpu.memory_space<semaphore_mem>>) src(%dma_wait3A_224 : memref<64x128xf32, #tpu.memory_space<hbm>>) dst(%arg9 : memref<64x128xf32, #tpu.memory_space<vmem>>)
      %add3A_225 = arith.constant 1 : i32
      %add3A_226 = arith.addi %mul3A_205, %add3A_225 : i32
      %dma_start3A_227 = arith.constant 0 : i32
      %dma_start3A_228 = tpu.memref_slice %arg7[%add3A_226, %dma_start3A_227] : memref<40x64xi32, #tpu.memory_space<vmem>> -> memref<1x64xi32, #tpu.memory_space<vmem>>
      %dma_start3A_229 = tpu.memref_squeeze %dma_start3A_228 : memref<1x64xi32, #tpu.memory_space<vmem>> -> memref<64xi32, #tpu.memory_space<vmem>>
      %dma_start3A_230 = arith.constant 0 : i32
      %dma_start3A_231 = arith.constant 0 : i32
      %dma_start3A_232 = tpu.memref_slice %arg12[%dma_start3A_230, %dma_start3A_231] : memref<10112x128xf32, #tpu.memory_space<vmem_shared>> -> memref<10112x128xf32, #tpu.memory_space<vmem_shared>>
      tpu.enqueue_indirect_dma source(%arg9 : memref<64x128xf32, #tpu.memory_space<vmem>>) target(%dma_start3A_232 : memref<10112x128xf32, #tpu.memory_space<vmem_shared>>) offsets(%dma_start3A_229 : memref<64xi32, #tpu.memory_space<vmem>>) semaphore(%arg14 : memref<!tpu.dma_semaphore, #tpu.memory_space<semaphore_mem>>) {add = true}
      %dma_wait3A_233 = arith.constant 0 : i32
      %dma_wait3A_234 = arith.constant 0 : i32
      %dma_wait3A_235 = tpu.memref_slice %arg2[%dma_wait3A_233, %dma_wait3A_234] : memref<20000x128xf32, #tpu.memory_space<hbm>> -> memref<64x128xf32, #tpu.memory_space<hbm>>
      %dma_wait3A_236 = arith.constant 0 : i32
      %dma_wait3A_237 = arith.constant 0 : i32
      %dma_wait3A_238 = tpu.memref_slice %arg2[%dma_wait3A_236, %dma_wait3A_237] : memref<20000x128xf32, #tpu.memory_space<hbm>> -> memref<64x128xf32, #tpu.memory_space<hbm>>
      tpu.wait_dma2 semaphore(%arg15 : memref<!tpu.dma_semaphore, #tpu.memory_space<semaphore_mem>>) src(%dma_wait3A_238 : memref<64x128xf32, #tpu.memory_space<hbm>>) dst(%arg10 : memref<64x128xf32, #tpu.memory_space<vmem>>)
      %add3A_239 = arith.constant 2 : i32
      %add3A_240 = arith.addi %mul3A_205, %add3A_239 : i32
      %dma_start3A_241 = arith.constant 0 : i32
      %dma_start3A_242 = tpu.memref_slice %arg7[%add3A_240, %dma_start3A_241] : memref<40x64xi32, #tpu.memory_space<vmem>> -> memref<1x64xi32, #tpu.memory_space<vmem>>
      %dma_start3A_243 = tpu.memref_squeeze %dma_start3A_242 : memref<1x64xi32, #tpu.memory_space<vmem>> -> memref<64xi32, #tpu.memory_space<vmem>>
      %dma_start3A_244 = arith.constant 0 : i32
      %dma_start3A_245 = arith.constant 0 : i32
      %dma_start3A_246 = tpu.memref_slice %arg12[%dma_start3A_244, %dma_start3A_245] : memref<10112x128xf32, #tpu.memory_space<vmem_shared>> -> memref<10112x128xf32, #tpu.memory_space<vmem_shared>>
      tpu.enqueue_indirect_dma source(%arg10 : memref<64x128xf32, #tpu.memory_space<vmem>>) target(%dma_start3A_246 : memref<10112x128xf32, #tpu.memory_space<vmem_shared>>) offsets(%dma_start3A_243 : memref<64xi32, #tpu.memory_space<vmem>>) semaphore(%arg15 : memref<!tpu.dma_semaphore, #tpu.memory_space<semaphore_mem>>) {add = true}
      %dma_wait3A_247 = arith.constant 0 : i32
      %dma_wait3A_248 = arith.constant 0 : i32
      %dma_wait3A_249 = tpu.memref_slice %arg2[%dma_wait3A_247, %dma_wait3A_248] : memref<20000x128xf32, #tpu.memory_space<hbm>> -> memref<64x128xf32, #tpu.memory_space<hbm>>
      %dma_wait3A_250 = arith.constant 0 : i32
      %dma_wait3A_251 = arith.constant 0 : i32
      %dma_wait3A_252 = tpu.memref_slice %arg2[%dma_wait3A_250, %dma_wait3A_251] : memref<20000x128xf32, #tpu.memory_space<hbm>> -> memref<64x128xf32, #tpu.memory_space<hbm>>
      tpu.wait_dma2 semaphore(%arg16 : memref<!tpu.dma_semaphore, #tpu.memory_space<semaphore_mem>>) src(%dma_wait3A_252 : memref<64x128xf32, #tpu.memory_space<hbm>>) dst(%arg11 : memref<64x128xf32, #tpu.memory_space<vmem>>)
      %add3A_253 = arith.constant 3 : i32
      %add3A_254 = arith.addi %mul3A_205, %add3A_253 : i32
      %dma_start3A_255 = arith.constant 0 : i32
      %dma_start3A_256 = tpu.memref_slice %arg7[%add3A_254, %dma_start3A_255] : memref<40x64xi32, #tpu.memory_space<vmem>> -> memref<1x64xi32, #tpu.memory_space<vmem>>
      %dma_start3A_257 = tpu.memref_squeeze %dma_start3A_256 : memref<1x64xi32, #tpu.memory_space<vmem>> -> memref<64xi32, #tpu.memory_space<vmem>>
      %dma_start3A_258 = arith.constant 0 : i32
      %dma_start3A_259 = arith.constant 0 : i32
      %dma_start3A_260 = tpu.memref_slice %arg12[%dma_start3A_258, %dma_start3A_259] : memref<10112x128xf32, #tpu.memory_space<vmem_shared>> -> memref<10112x128xf32, #tpu.memory_space<vmem_shared>>
      tpu.enqueue_indirect_dma source(%arg11 : memref<64x128xf32, #tpu.memory_space<vmem>>) target(%dma_start3A_260 : memref<10112x128xf32, #tpu.memory_space<vmem_shared>>) offsets(%dma_start3A_257 : memref<64xi32, #tpu.memory_space<vmem>>) semaphore(%arg16 : memref<!tpu.dma_semaphore, #tpu.memory_space<semaphore_mem>>) {add = true}
      %dma_wait3A_261 = arith.constant 0 : i32
      %dma_wait3A_262 = tpu.memref_slice %arg7[%add3A_212, %dma_wait3A_261] : memref<40x64xi32, #tpu.memory_space<vmem>> -> memref<1x64xi32, #tpu.memory_space<vmem>>
      %dma_wait3A_263 = tpu.memref_squeeze %dma_wait3A_262 : memref<1x64xi32, #tpu.memory_space<vmem>> -> memref<64xi32, #tpu.memory_space<vmem>>
      %dma_wait3A_264 = arith.constant 0 : i32
      %dma_wait3A_265 = arith.constant 0 : i32
      %dma_wait3A_266 = tpu.memref_slice %arg12[%dma_wait3A_264, %dma_wait3A_265] : memref<10112x128xf32, #tpu.memory_space<vmem_shared>> -> memref<10112x128xf32, #tpu.memory_space<vmem_shared>>
      tpu.wait_indirect_dma semaphore(%arg13 : memref<!tpu.dma_semaphore, #tpu.memory_space<semaphore_mem>>) src(%arg8 : memref<64x128xf32, #tpu.memory_space<vmem>>) dst(%dma_wait3A_266 : memref<10112x128xf32, #tpu.memory_space<vmem_shared>>)
      %add3A_267 = arith.constant 4 : i32
      %add3A_268 = arith.addi %mul3A_205, %add3A_267 : i32
      %add3A_269 = arith.constant 0 : i32
      %add3A_270 = arith.addi %add3A_268, %add3A_269 : i32
      %lt3A = arith.constant 40 : i32
      %lt3A_271 = arith.cmpi slt, %add3A_270, %lt3A : i32
      %convert_element_type3A_272 = arith.extui %lt3A_271 : i1 to i32
      %cond3A_273 = arith.constant 0 : i32
      %cond3A_274 = arith.cmpi ne, %convert_element_type3A_272, %cond3A_273 : i32
      scf.if %cond3A_274 {
        %dma_start3A_321 = arith.constant 0 : i32
        %dma_start3A_322 = tpu.memref_slice %arg6[%add3A_270, %dma_start3A_321] : memref<40x64xi32, #tpu.memory_space<vmem>> -> memref<1x64xi32, #tpu.memory_space<vmem>>
        %dma_start3A_323 = tpu.memref_squeeze %dma_start3A_322 : memref<1x64xi32, #tpu.memory_space<vmem>> -> memref<64xi32, #tpu.memory_space<vmem>>
        %dma_start3A_324 = arith.constant 0 : i32
        %dma_start3A_325 = arith.constant 0 : i32
        %dma_start3A_326 = tpu.memref_slice %arg2[%dma_start3A_324, %dma_start3A_325] : memref<20000x128xf32, #tpu.memory_space<hbm>> -> memref<20000x128xf32, #tpu.memory_space<hbm>>
        tpu.enqueue_indirect_dma source(%dma_start3A_326 : memref<20000x128xf32, #tpu.memory_space<hbm>>) target(%arg8 : memref<64x128xf32, #tpu.memory_space<vmem>>) offsets(%dma_start3A_323 : memref<64xi32, #tpu.memory_space<vmem>>) semaphore(%arg13 : memref<!tpu.dma_semaphore, #tpu.memory_space<semaphore_mem>>)
      } else {
      }
      %dma_wait3A_275 = arith.constant 0 : i32
      %dma_wait3A_276 = tpu.memref_slice %arg7[%add3A_226, %dma_wait3A_275] : memref<40x64xi32, #tpu.memory_space<vmem>> -> memref<1x64xi32, #tpu.memory_space<vmem>>
      %dma_wait3A_277 = tpu.memref_squeeze %dma_wait3A_276 : memref<1x64xi32, #tpu.memory_space<vmem>> -> memref<64xi32, #tpu.memory_space<vmem>>
      %dma_wait3A_278 = arith.constant 0 : i32
      %dma_wait3A_279 = arith.constant 0 : i32
      %dma_wait3A_280 = tpu.memref_slice %arg12[%dma_wait3A_278, %dma_wait3A_279] : memref<10112x128xf32, #tpu.memory_space<vmem_shared>> -> memref<10112x128xf32, #tpu.memory_space<vmem_shared>>
      tpu.wait_indirect_dma semaphore(%arg14 : memref<!tpu.dma_semaphore, #tpu.memory_space<semaphore_mem>>) src(%arg9 : memref<64x128xf32, #tpu.memory_space<vmem>>) dst(%dma_wait3A_280 : memref<10112x128xf32, #tpu.memory_space<vmem_shared>>)
      %add3A_281 = arith.constant 4 : i32
      %add3A_282 = arith.addi %mul3A_205, %add3A_281 : i32
      %add3A_283 = arith.constant 1 : i32
      %add3A_284 = arith.addi %add3A_282, %add3A_283 : i32
      %lt3A_285 = arith.constant 40 : i32
      %lt3A_286 = arith.cmpi slt, %add3A_284, %lt3A_285 : i32
      %convert_element_type3A_287 = arith.extui %lt3A_286 : i1 to i32
      %cond3A_288 = arith.constant 0 : i32
      %cond3A_289 = arith.cmpi ne, %convert_element_type3A_287, %cond3A_288 : i32
      scf.if %cond3A_289 {
        %dma_start3A_321 = arith.constant 0 : i32
        %dma_start3A_322 = tpu.memref_slice %arg6[%add3A_284, %dma_start3A_321] : memref<40x64xi32, #tpu.memory_space<vmem>> -> memref<1x64xi32, #tpu.memory_space<vmem>>
        %dma_start3A_323 = tpu.memref_squeeze %dma_start3A_322 : memref<1x64xi32, #tpu.memory_space<vmem>> -> memref<64xi32, #tpu.memory_space<vmem>>
        %dma_start3A_324 = arith.constant 0 : i32
        %dma_start3A_325 = arith.constant 0 : i32
        %dma_start3A_326 = tpu.memref_slice %arg2[%dma_start3A_324, %dma_start3A_325] : memref<20000x128xf32, #tpu.memory_space<hbm>> -> memref<20000x128xf32, #tpu.memory_space<hbm>>
        tpu.enqueue_indirect_dma source(%dma_start3A_326 : memref<20000x128xf32, #tpu.memory_space<hbm>>) target(%arg9 : memref<64x128xf32, #tpu.memory_space<vmem>>) offsets(%dma_start3A_323 : memref<64xi32, #tpu.memory_space<vmem>>) semaphore(%arg14 : memref<!tpu.dma_semaphore, #tpu.memory_space<semaphore_mem>>)
      } else {
      }
      %dma_wait3A_290 = arith.constant 0 : i32
      %dma_wait3A_291 = tpu.memref_slice %arg7[%add3A_240, %dma_wait3A_290] : memref<40x64xi32, #tpu.memory_space<vmem>> -> memref<1x64xi32, #tpu.memory_space<vmem>>
      %dma_wait3A_292 = tpu.memref_squeeze %dma_wait3A_291 : memref<1x64xi32, #tpu.memory_space<vmem>> -> memref<64xi32, #tpu.memory_space<vmem>>
      %dma_wait3A_293 = arith.constant 0 : i32
      %dma_wait3A_294 = arith.constant 0 : i32
      %dma_wait3A_295 = tpu.memref_slice %arg12[%dma_wait3A_293, %dma_wait3A_294] : memref<10112x128xf32, #tpu.memory_space<vmem_shared>> -> memref<10112x128xf32, #tpu.memory_space<vmem_shared>>
      tpu.wait_indirect_dma semaphore(%arg15 : memref<!tpu.dma_semaphore, #tpu.memory_space<semaphore_mem>>) src(%arg10 : memref<64x128xf32, #tpu.memory_space<vmem>>) dst(%dma_wait3A_295 : memref<10112x128xf32, #tpu.memory_space<vmem_shared>>)
      %add3A_296 = arith.constant 4 : i32
      %add3A_297 = arith.addi %mul3A_205, %add3A_296 : i32
      %add3A_298 = arith.constant 2 : i32
      %add3A_299 = arith.addi %add3A_297, %add3A_298 : i32
      %lt3A_300 = arith.constant 40 : i32
      %lt3A_301 = arith.cmpi slt, %add3A_299, %lt3A_300 : i32
      %convert_element_type3A_302 = arith.extui %lt3A_301 : i1 to i32
      %cond3A_303 = arith.constant 0 : i32
      %cond3A_304 = arith.cmpi ne, %convert_element_type3A_302, %cond3A_303 : i32
      scf.if %cond3A_304 {
        %dma_start3A_321 = arith.constant 0 : i32
        %dma_start3A_322 = tpu.memref_slice %arg6[%add3A_299, %dma_start3A_321] : memref<40x64xi32, #tpu.memory_space<vmem>> -> memref<1x64xi32, #tpu.memory_space<vmem>>
        %dma_start3A_323 = tpu.memref_squeeze %dma_start3A_322 : memref<1x64xi32, #tpu.memory_space<vmem>> -> memref<64xi32, #tpu.memory_space<vmem>>
        %dma_start3A_324 = arith.constant 0 : i32
        %dma_start3A_325 = arith.constant 0 : i32
        %dma_start3A_326 = tpu.memref_slice %arg2[%dma_start3A_324, %dma_start3A_325] : memref<20000x128xf32, #tpu.memory_space<hbm>> -> memref<20000x128xf32, #tpu.memory_space<hbm>>
        tpu.enqueue_indirect_dma source(%dma_start3A_326 : memref<20000x128xf32, #tpu.memory_space<hbm>>) target(%arg10 : memref<64x128xf32, #tpu.memory_space<vmem>>) offsets(%dma_start3A_323 : memref<64xi32, #tpu.memory_space<vmem>>) semaphore(%arg15 : memref<!tpu.dma_semaphore, #tpu.memory_space<semaphore_mem>>)
      } else {
      }
      %dma_wait3A_305 = arith.constant 0 : i32
      %dma_wait3A_306 = tpu.memref_slice %arg7[%add3A_254, %dma_wait3A_305] : memref<40x64xi32, #tpu.memory_space<vmem>> -> memref<1x64xi32, #tpu.memory_space<vmem>>
      %dma_wait3A_307 = tpu.memref_squeeze %dma_wait3A_306 : memref<1x64xi32, #tpu.memory_space<vmem>> -> memref<64xi32, #tpu.memory_space<vmem>>
      %dma_wait3A_308 = arith.constant 0 : i32
      %dma_wait3A_309 = arith.constant 0 : i32
      %dma_wait3A_310 = tpu.memref_slice %arg12[%dma_wait3A_308, %dma_wait3A_309] : memref<10112x128xf32, #tpu.memory_space<vmem_shared>> -> memref<10112x128xf32, #tpu.memory_space<vmem_shared>>
      tpu.wait_indirect_dma semaphore(%arg16 : memref<!tpu.dma_semaphore, #tpu.memory_space<semaphore_mem>>) src(%arg11 : memref<64x128xf32, #tpu.memory_space<vmem>>) dst(%dma_wait3A_310 : memref<10112x128xf32, #tpu.memory_space<vmem_shared>>)
      %add3A_311 = arith.constant 4 : i32
      %add3A_312 = arith.addi %mul3A_205, %add3A_311 : i32
      %add3A_313 = arith.constant 3 : i32
      %add3A_314 = arith.addi %add3A_312, %add3A_313 : i32
      %lt3A_315 = arith.constant 40 : i32
      %lt3A_316 = arith.cmpi slt, %add3A_314, %lt3A_315 : i32
      %convert_element_type3A_317 = arith.extui %lt3A_316 : i1 to i32
      %cond3A_318 = arith.constant 0 : i32
      %cond3A_319 = arith.cmpi ne, %convert_element_type3A_317, %cond3A_318 : i32
      scf.if %cond3A_319 {
        %dma_start3A_321 = arith.constant 0 : i32
        %dma_start3A_322 = tpu.memref_slice %arg6[%add3A_314, %dma_start3A_321] : memref<40x64xi32, #tpu.memory_space<vmem>> -> memref<1x64xi32, #tpu.memory_space<vmem>>
        %dma_start3A_323 = tpu.memref_squeeze %dma_start3A_322 : memref<1x64xi32, #tpu.memory_space<vmem>> -> memref<64xi32, #tpu.memory_space<vmem>>
        %dma_start3A_324 = arith.constant 0 : i32
        %dma_start3A_325 = arith.constant 0 : i32
        %dma_start3A_326 = tpu.memref_slice %arg2[%dma_start3A_324, %dma_start3A_325] : memref<20000x128xf32, #tpu.memory_space<hbm>> -> memref<20000x128xf32, #tpu.memory_space<hbm>>
        tpu.enqueue_indirect_dma source(%dma_start3A_326 : memref<20000x128xf32, #tpu.memory_space<hbm>>) target(%arg11 : memref<64x128xf32, #tpu.memory_space<vmem>>) offsets(%dma_start3A_323 : memref<64xi32, #tpu.memory_space<vmem>>) semaphore(%arg16 : memref<!tpu.dma_semaphore, #tpu.memory_space<semaphore_mem>>)
      } else {
      }
      %scan3A_320 = arith.constant 0 : i32
      scf.yield %scan3A_320 : i32
    }
    %scan3A_153 = arith.constant 10 : i32
    %mul3A_154 = arith.constant 160 : i32
    %mul3A_155 = arith.muli %arg1, %mul3A_154 : i32
    %add3A_156 = arith.constant 120 : i32
    %add3A_157 = arith.addi %mul3A_155, %add3A_156 : i32
    "tpu.region"() ({
      %run_scoped3A = tpu.sem_alloc : memref<!tpu.dma_semaphore, #tpu.memory_space<semaphore_mem>>
      %dma_start3A_202 = arith.constant 0 : i32
      %dma_start3A_203 = arith.constant 0 : i32
      %dma_start3A_204 = tpu.memref_slice %arg3[%arg0, %dma_start3A_202, %dma_start3A_203] : memref<2x2560x64xi32, #tpu.memory_space<hbm>> -> memref<1x2560x64xi32, #tpu.memory_space<hbm>>
      %dma_start3A_205 = tpu.memref_squeeze %dma_start3A_204 : memref<1x2560x64xi32, #tpu.memory_space<hbm>> -> memref<2560x64xi32, #tpu.memory_space<hbm>>
      %dma_start3A_206 = arith.constant 0 : i32
      %dma_start3A_207 = tpu.memref_slice %dma_start3A_205[%add3A_157, %dma_start3A_206] : memref<2560x64xi32, #tpu.memory_space<hbm>> -> memref<40x64xi32, #tpu.memory_space<hbm>>
      %dma_start3A_208 = arith.constant 0 : i32
      %dma_start3A_209 = arith.constant 0 : i32
      %dma_start3A_210 = tpu.memref_slice %arg3[%arg0, %dma_start3A_208, %dma_start3A_209] : memref<2x2560x64xi32, #tpu.memory_space<hbm>> -> memref<1x2560x64xi32, #tpu.memory_space<hbm>>
      %dma_start3A_211 = tpu.memref_squeeze %dma_start3A_210 : memref<1x2560x64xi32, #tpu.memory_space<hbm>> -> memref<2560x64xi32, #tpu.memory_space<hbm>>
      %dma_start3A_212 = arith.constant 0 : i32
      %dma_start3A_213 = tpu.memref_slice %dma_start3A_211[%add3A_157, %dma_start3A_212] : memref<2560x64xi32, #tpu.memory_space<hbm>> -> memref<40x64xi32, #tpu.memory_space<hbm>>
      tpu.enqueue_dma source(%dma_start3A_213 : memref<40x64xi32, #tpu.memory_space<hbm>>) target(%arg6 : memref<40x64xi32, #tpu.memory_space<vmem>>) target_semaphore(%run_scoped3A : memref<!tpu.dma_semaphore, #tpu.memory_space<semaphore_mem>>)
      %dma_wait3A = arith.constant 0 : i32
      %dma_wait3A_214 = arith.constant 0 : i32
      %dma_wait3A_215 = tpu.memref_slice %arg3[%arg0, %dma_wait3A, %dma_wait3A_214] : memref<2x2560x64xi32, #tpu.memory_space<hbm>> -> memref<1x2560x64xi32, #tpu.memory_space<hbm>>
      %dma_wait3A_216 = tpu.memref_squeeze %dma_wait3A_215 : memref<1x2560x64xi32, #tpu.memory_space<hbm>> -> memref<2560x64xi32, #tpu.memory_space<hbm>>
      %dma_wait3A_217 = arith.constant 0 : i32
      %dma_wait3A_218 = tpu.memref_slice %dma_wait3A_216[%add3A_157, %dma_wait3A_217] : memref<2560x64xi32, #tpu.memory_space<hbm>> -> memref<40x64xi32, #tpu.memory_space<hbm>>
      %dma_wait3A_219 = arith.constant 0 : i32
      %dma_wait3A_220 = arith.constant 0 : i32
      %dma_wait3A_221 = tpu.memref_slice %arg3[%arg0, %dma_wait3A_219, %dma_wait3A_220] : memref<2x2560x64xi32, #tpu.memory_space<hbm>> -> memref<1x2560x64xi32, #tpu.memory_space<hbm>>
      %dma_wait3A_222 = tpu.memref_squeeze %dma_wait3A_221 : memref<1x2560x64xi32, #tpu.memory_space<hbm>> -> memref<2560x64xi32, #tpu.memory_space<hbm>>
      %dma_wait3A_223 = arith.constant 0 : i32
      %dma_wait3A_224 = tpu.memref_slice %dma_wait3A_222[%add3A_157, %dma_wait3A_223] : memref<2560x64xi32, #tpu.memory_space<hbm>> -> memref<40x64xi32, #tpu.memory_space<hbm>>
      tpu.wait_dma2 semaphore(%run_scoped3A : memref<!tpu.dma_semaphore, #tpu.memory_space<semaphore_mem>>) src(%dma_wait3A_224 : memref<40x64xi32, #tpu.memory_space<hbm>>) dst(%arg6 : memref<40x64xi32, #tpu.memory_space<vmem>>)
      tpu.yield
    }) : () -> ()
    %mul3A_158 = arith.constant 160 : i32
    %mul3A_159 = arith.muli %arg1, %mul3A_158 : i32
    %add3A_160 = arith.constant 120 : i32
    %add3A_161 = arith.addi %mul3A_159, %add3A_160 : i32
    "tpu.region"() ({
      %run_scoped3A = tpu.sem_alloc : memref<!tpu.dma_semaphore, #tpu.memory_space<semaphore_mem>>
      %dma_start3A_202 = arith.constant 0 : i32
      %dma_start3A_203 = tpu.memref_slice %arg4[%add3A_161, %dma_start3A_202] : memref<2560x64xi32, #tpu.memory_space<hbm>> -> memref<40x64xi32, #tpu.memory_space<hbm>>
      %dma_start3A_204 = arith.constant 0 : i32
      %dma_start3A_205 = tpu.memref_slice %arg4[%add3A_161, %dma_start3A_204] : memref<2560x64xi32, #tpu.memory_space<hbm>> -> memref<40x64xi32, #tpu.memory_space<hbm>>
      tpu.enqueue_dma source(%dma_start3A_205 : memref<40x64xi32, #tpu.memory_space<hbm>>) target(%arg7 : memref<40x64xi32, #tpu.memory_space<vmem>>) target_semaphore(%run_scoped3A : memref<!tpu.dma_semaphore, #tpu.memory_space<semaphore_mem>>)
      %dma_wait3A = arith.constant 0 : i32
      %dma_wait3A_206 = tpu.memref_slice %arg4[%add3A_161, %dma_wait3A] : memref<2560x64xi32, #tpu.memory_space<hbm>> -> memref<40x64xi32, #tpu.memory_space<hbm>>
      %dma_wait3A_207 = arith.constant 0 : i32
      %dma_wait3A_208 = tpu.memref_slice %arg4[%add3A_161, %dma_wait3A_207] : memref<2560x64xi32, #tpu.memory_space<hbm>> -> memref<40x64xi32, #tpu.memory_space<hbm>>
      tpu.wait_dma2 semaphore(%run_scoped3A : memref<!tpu.dma_semaphore, #tpu.memory_space<semaphore_mem>>) src(%dma_wait3A_208 : memref<40x64xi32, #tpu.memory_space<hbm>>) dst(%arg7 : memref<40x64xi32, #tpu.memory_space<vmem>>)
      tpu.yield
    }) : () -> ()
    %dma_start3A_162 = arith.constant 0 : i32
    %dma_start3A_163 = arith.constant 0 : i32
    %dma_start3A_164 = tpu.memref_slice %arg6[%dma_start3A_162, %dma_start3A_163] : memref<40x64xi32, #tpu.memory_space<vmem>> -> memref<1x64xi32, #tpu.memory_space<vmem>>
    %dma_start3A_165 = tpu.memref_squeeze %dma_start3A_164 : memref<1x64xi32, #tpu.memory_space<vmem>> -> memref<64xi32, #tpu.memory_space<vmem>>
    %dma_start3A_166 = arith.constant 0 : i32
    %dma_start3A_167 = arith.constant 0 : i32
    %dma_start3A_168 = tpu.memref_slice %arg2[%dma_start3A_166, %dma_start3A_167] : memref<20000x128xf32, #tpu.memory_space<hbm>> -> memref<20000x128xf32, #tpu.memory_space<hbm>>
    tpu.enqueue_indirect_dma source(%dma_start3A_168 : memref<20000x128xf32, #tpu.memory_space<hbm>>) target(%arg8 : memref<64x128xf32, #tpu.memory_space<vmem>>) offsets(%dma_start3A_165 : memref<64xi32, #tpu.memory_space<vmem>>) semaphore(%arg13 : memref<!tpu.dma_semaphore, #tpu.memory_space<semaphore_mem>>)
    %dma_start3A_169 = arith.constant 1 : i32
    %dma_start3A_170 = arith.constant 0 : i32
    %dma_start3A_171 = tpu.memref_slice %arg6[%dma_start3A_169, %dma_start3A_170] : memref<40x64xi32, #tpu.memory_space<vmem>> -> memref<1x64xi32, #tpu.memory_space<vmem>>
    %dma_start3A_172 = tpu.memref_squeeze %dma_start3A_171 : memref<1x64xi32, #tpu.memory_space<vmem>> -> memref<64xi32, #tpu.memory_space<vmem>>
    %dma_start3A_173 = arith.constant 0 : i32
    %dma_start3A_174 = arith.constant 0 : i32
    %dma_start3A_175 = tpu.memref_slice %arg2[%dma_start3A_173, %dma_start3A_174] : memref<20000x128xf32, #tpu.memory_space<hbm>> -> memref<20000x128xf32, #tpu.memory_space<hbm>>
    tpu.enqueue_indirect_dma source(%dma_start3A_175 : memref<20000x128xf32, #tpu.memory_space<hbm>>) target(%arg9 : memref<64x128xf32, #tpu.memory_space<vmem>>) offsets(%dma_start3A_172 : memref<64xi32, #tpu.memory_space<vmem>>) semaphore(%arg14 : memref<!tpu.dma_semaphore, #tpu.memory_space<semaphore_mem>>)
    %dma_start3A_176 = arith.constant 2 : i32
    %dma_start3A_177 = arith.constant 0 : i32
    %dma_start3A_178 = tpu.memref_slice %arg6[%dma_start3A_176, %dma_start3A_177] : memref<40x64xi32, #tpu.memory_space<vmem>> -> memref<1x64xi32, #tpu.memory_space<vmem>>
    %dma_start3A_179 = tpu.memref_squeeze %dma_start3A_178 : memref<1x64xi32, #tpu.memory_space<vmem>> -> memref<64xi32, #tpu.memory_space<vmem>>
    %dma_start3A_180 = arith.constant 0 : i32
    %dma_start3A_181 = arith.constant 0 : i32
    %dma_start3A_182 = tpu.memref_slice %arg2[%dma_start3A_180, %dma_start3A_181] : memref<20000x128xf32, #tpu.memory_space<hbm>> -> memref<20000x128xf32, #tpu.memory_space<hbm>>
    tpu.enqueue_indirect_dma source(%dma_start3A_182 : memref<20000x128xf32, #tpu.memory_space<hbm>>) target(%arg10 : memref<64x128xf32, #tpu.memory_space<vmem>>) offsets(%dma_start3A_179 : memref<64xi32, #tpu.memory_space<vmem>>) semaphore(%arg15 : memref<!tpu.dma_semaphore, #tpu.memory_space<semaphore_mem>>)
    %dma_start3A_183 = arith.constant 3 : i32
    %dma_start3A_184 = arith.constant 0 : i32
    %dma_start3A_185 = tpu.memref_slice %arg6[%dma_start3A_183, %dma_start3A_184] : memref<40x64xi32, #tpu.memory_space<vmem>> -> memref<1x64xi32, #tpu.memory_space<vmem>>
    %dma_start3A_186 = tpu.memref_squeeze %dma_start3A_185 : memref<1x64xi32, #tpu.memory_space<vmem>> -> memref<64xi32, #tpu.memory_space<vmem>>
    %dma_start3A_187 = arith.constant 0 : i32
    %dma_start3A_188 = arith.constant 0 : i32
    %dma_start3A_189 = tpu.memref_slice %arg2[%dma_start3A_187, %dma_start3A_188] : memref<20000x128xf32, #tpu.memory_space<hbm>> -> memref<20000x128xf32, #tpu.memory_space<hbm>>
    tpu.enqueue_indirect_dma source(%dma_start3A_189 : memref<20000x128xf32, #tpu.memory_space<hbm>>) target(%arg11 : memref<64x128xf32, #tpu.memory_space<vmem>>) offsets(%dma_start3A_186 : memref<64xi32, #tpu.memory_space<vmem>>) semaphore(%arg16 : memref<!tpu.dma_semaphore, #tpu.memory_space<semaphore_mem>>)
    %scan3A_190 = arith.constant 0 : i32
    %scan3A_191 = arith.constant 0 : i32
    %scan3A_192 = arith.constant 10 : i32
    %scan3A_193 = arith.addi %scan3A_191, %scan3A_192 : i32
    %scan3A_194 = arith.constant 1 : i32
    %scan3A_195 = scf.for %scan3A_202 = %scan3A_191 to %scan3A_193 step %scan3A_194 iter_args(%scan3A_203 = %scan3A_190) -> (i32)  : i32 {
      %mul3A_204 = arith.constant 4 : i32
      %mul3A_205 = arith.muli %scan3A_202, %mul3A_204 : i32
      %dma_wait3A = arith.constant 0 : i32
      %dma_wait3A_206 = arith.constant 0 : i32
      %dma_wait3A_207 = tpu.memref_slice %arg2[%dma_wait3A, %dma_wait3A_206] : memref<20000x128xf32, #tpu.memory_space<hbm>> -> memref<64x128xf32, #tpu.memory_space<hbm>>
      %dma_wait3A_208 = arith.constant 0 : i32
      %dma_wait3A_209 = arith.constant 0 : i32
      %dma_wait3A_210 = tpu.memref_slice %arg2[%dma_wait3A_208, %dma_wait3A_209] : memref<20000x128xf32, #tpu.memory_space<hbm>> -> memref<64x128xf32, #tpu.memory_space<hbm>>
      tpu.wait_dma2 semaphore(%arg13 : memref<!tpu.dma_semaphore, #tpu.memory_space<semaphore_mem>>) src(%dma_wait3A_210 : memref<64x128xf32, #tpu.memory_space<hbm>>) dst(%arg8 : memref<64x128xf32, #tpu.memory_space<vmem>>)
      %add3A_211 = arith.constant 0 : i32
      %add3A_212 = arith.addi %mul3A_205, %add3A_211 : i32
      %dma_start3A_213 = arith.constant 0 : i32
      %dma_start3A_214 = tpu.memref_slice %arg7[%add3A_212, %dma_start3A_213] : memref<40x64xi32, #tpu.memory_space<vmem>> -> memref<1x64xi32, #tpu.memory_space<vmem>>
      %dma_start3A_215 = tpu.memref_squeeze %dma_start3A_214 : memref<1x64xi32, #tpu.memory_space<vmem>> -> memref<64xi32, #tpu.memory_space<vmem>>
      %dma_start3A_216 = arith.constant 0 : i32
      %dma_start3A_217 = arith.constant 0 : i32
      %dma_start3A_218 = tpu.memref_slice %arg12[%dma_start3A_216, %dma_start3A_217] : memref<10112x128xf32, #tpu.memory_space<vmem_shared>> -> memref<10112x128xf32, #tpu.memory_space<vmem_shared>>
      tpu.enqueue_indirect_dma source(%arg8 : memref<64x128xf32, #tpu.memory_space<vmem>>) target(%dma_start3A_218 : memref<10112x128xf32, #tpu.memory_space<vmem_shared>>) offsets(%dma_start3A_215 : memref<64xi32, #tpu.memory_space<vmem>>) semaphore(%arg13 : memref<!tpu.dma_semaphore, #tpu.memory_space<semaphore_mem>>) {add = true}
      %dma_wait3A_219 = arith.constant 0 : i32
      %dma_wait3A_220 = arith.constant 0 : i32
      %dma_wait3A_221 = tpu.memref_slice %arg2[%dma_wait3A_219, %dma_wait3A_220] : memref<20000x128xf32, #tpu.memory_space<hbm>> -> memref<64x128xf32, #tpu.memory_space<hbm>>
      %dma_wait3A_222 = arith.constant 0 : i32
      %dma_wait3A_223 = arith.constant 0 : i32
      %dma_wait3A_224 = tpu.memref_slice %arg2[%dma_wait3A_222, %dma_wait3A_223] : memref<20000x128xf32, #tpu.memory_space<hbm>> -> memref<64x128xf32, #tpu.memory_space<hbm>>
      tpu.wait_dma2 semaphore(%arg14 : memref<!tpu.dma_semaphore, #tpu.memory_space<semaphore_mem>>) src(%dma_wait3A_224 : memref<64x128xf32, #tpu.memory_space<hbm>>) dst(%arg9 : memref<64x128xf32, #tpu.memory_space<vmem>>)
      %add3A_225 = arith.constant 1 : i32
      %add3A_226 = arith.addi %mul3A_205, %add3A_225 : i32
      %dma_start3A_227 = arith.constant 0 : i32
      %dma_start3A_228 = tpu.memref_slice %arg7[%add3A_226, %dma_start3A_227] : memref<40x64xi32, #tpu.memory_space<vmem>> -> memref<1x64xi32, #tpu.memory_space<vmem>>
      %dma_start3A_229 = tpu.memref_squeeze %dma_start3A_228 : memref<1x64xi32, #tpu.memory_space<vmem>> -> memref<64xi32, #tpu.memory_space<vmem>>
      %dma_start3A_230 = arith.constant 0 : i32
      %dma_start3A_231 = arith.constant 0 : i32
      %dma_start3A_232 = tpu.memref_slice %arg12[%dma_start3A_230, %dma_start3A_231] : memref<10112x128xf32, #tpu.memory_space<vmem_shared>> -> memref<10112x128xf32, #tpu.memory_space<vmem_shared>>
      tpu.enqueue_indirect_dma source(%arg9 : memref<64x128xf32, #tpu.memory_space<vmem>>) target(%dma_start3A_232 : memref<10112x128xf32, #tpu.memory_space<vmem_shared>>) offsets(%dma_start3A_229 : memref<64xi32, #tpu.memory_space<vmem>>) semaphore(%arg14 : memref<!tpu.dma_semaphore, #tpu.memory_space<semaphore_mem>>) {add = true}
      %dma_wait3A_233 = arith.constant 0 : i32
      %dma_wait3A_234 = arith.constant 0 : i32
      %dma_wait3A_235 = tpu.memref_slice %arg2[%dma_wait3A_233, %dma_wait3A_234] : memref<20000x128xf32, #tpu.memory_space<hbm>> -> memref<64x128xf32, #tpu.memory_space<hbm>>
      %dma_wait3A_236 = arith.constant 0 : i32
      %dma_wait3A_237 = arith.constant 0 : i32
      %dma_wait3A_238 = tpu.memref_slice %arg2[%dma_wait3A_236, %dma_wait3A_237] : memref<20000x128xf32, #tpu.memory_space<hbm>> -> memref<64x128xf32, #tpu.memory_space<hbm>>
      tpu.wait_dma2 semaphore(%arg15 : memref<!tpu.dma_semaphore, #tpu.memory_space<semaphore_mem>>) src(%dma_wait3A_238 : memref<64x128xf32, #tpu.memory_space<hbm>>) dst(%arg10 : memref<64x128xf32, #tpu.memory_space<vmem>>)
      %add3A_239 = arith.constant 2 : i32
      %add3A_240 = arith.addi %mul3A_205, %add3A_239 : i32
      %dma_start3A_241 = arith.constant 0 : i32
      %dma_start3A_242 = tpu.memref_slice %arg7[%add3A_240, %dma_start3A_241] : memref<40x64xi32, #tpu.memory_space<vmem>> -> memref<1x64xi32, #tpu.memory_space<vmem>>
      %dma_start3A_243 = tpu.memref_squeeze %dma_start3A_242 : memref<1x64xi32, #tpu.memory_space<vmem>> -> memref<64xi32, #tpu.memory_space<vmem>>
      %dma_start3A_244 = arith.constant 0 : i32
      %dma_start3A_245 = arith.constant 0 : i32
      %dma_start3A_246 = tpu.memref_slice %arg12[%dma_start3A_244, %dma_start3A_245] : memref<10112x128xf32, #tpu.memory_space<vmem_shared>> -> memref<10112x128xf32, #tpu.memory_space<vmem_shared>>
      tpu.enqueue_indirect_dma source(%arg10 : memref<64x128xf32, #tpu.memory_space<vmem>>) target(%dma_start3A_246 : memref<10112x128xf32, #tpu.memory_space<vmem_shared>>) offsets(%dma_start3A_243 : memref<64xi32, #tpu.memory_space<vmem>>) semaphore(%arg15 : memref<!tpu.dma_semaphore, #tpu.memory_space<semaphore_mem>>) {add = true}
      %dma_wait3A_247 = arith.constant 0 : i32
      %dma_wait3A_248 = arith.constant 0 : i32
      %dma_wait3A_249 = tpu.memref_slice %arg2[%dma_wait3A_247, %dma_wait3A_248] : memref<20000x128xf32, #tpu.memory_space<hbm>> -> memref<64x128xf32, #tpu.memory_space<hbm>>
      %dma_wait3A_250 = arith.constant 0 : i32
      %dma_wait3A_251 = arith.constant 0 : i32
      %dma_wait3A_252 = tpu.memref_slice %arg2[%dma_wait3A_250, %dma_wait3A_251] : memref<20000x128xf32, #tpu.memory_space<hbm>> -> memref<64x128xf32, #tpu.memory_space<hbm>>
      tpu.wait_dma2 semaphore(%arg16 : memref<!tpu.dma_semaphore, #tpu.memory_space<semaphore_mem>>) src(%dma_wait3A_252 : memref<64x128xf32, #tpu.memory_space<hbm>>) dst(%arg11 : memref<64x128xf32, #tpu.memory_space<vmem>>)
      %add3A_253 = arith.constant 3 : i32
      %add3A_254 = arith.addi %mul3A_205, %add3A_253 : i32
      %dma_start3A_255 = arith.constant 0 : i32
      %dma_start3A_256 = tpu.memref_slice %arg7[%add3A_254, %dma_start3A_255] : memref<40x64xi32, #tpu.memory_space<vmem>> -> memref<1x64xi32, #tpu.memory_space<vmem>>
      %dma_start3A_257 = tpu.memref_squeeze %dma_start3A_256 : memref<1x64xi32, #tpu.memory_space<vmem>> -> memref<64xi32, #tpu.memory_space<vmem>>
      %dma_start3A_258 = arith.constant 0 : i32
      %dma_start3A_259 = arith.constant 0 : i32
      %dma_start3A_260 = tpu.memref_slice %arg12[%dma_start3A_258, %dma_start3A_259] : memref<10112x128xf32, #tpu.memory_space<vmem_shared>> -> memref<10112x128xf32, #tpu.memory_space<vmem_shared>>
      tpu.enqueue_indirect_dma source(%arg11 : memref<64x128xf32, #tpu.memory_space<vmem>>) target(%dma_start3A_260 : memref<10112x128xf32, #tpu.memory_space<vmem_shared>>) offsets(%dma_start3A_257 : memref<64xi32, #tpu.memory_space<vmem>>) semaphore(%arg16 : memref<!tpu.dma_semaphore, #tpu.memory_space<semaphore_mem>>) {add = true}
      %dma_wait3A_261 = arith.constant 0 : i32
      %dma_wait3A_262 = tpu.memref_slice %arg7[%add3A_212, %dma_wait3A_261] : memref<40x64xi32, #tpu.memory_space<vmem>> -> memref<1x64xi32, #tpu.memory_space<vmem>>
      %dma_wait3A_263 = tpu.memref_squeeze %dma_wait3A_262 : memref<1x64xi32, #tpu.memory_space<vmem>> -> memref<64xi32, #tpu.memory_space<vmem>>
      %dma_wait3A_264 = arith.constant 0 : i32
      %dma_wait3A_265 = arith.constant 0 : i32
      %dma_wait3A_266 = tpu.memref_slice %arg12[%dma_wait3A_264, %dma_wait3A_265] : memref<10112x128xf32, #tpu.memory_space<vmem_shared>> -> memref<10112x128xf32, #tpu.memory_space<vmem_shared>>
      tpu.wait_indirect_dma semaphore(%arg13 : memref<!tpu.dma_semaphore, #tpu.memory_space<semaphore_mem>>) src(%arg8 : memref<64x128xf32, #tpu.memory_space<vmem>>) dst(%dma_wait3A_266 : memref<10112x128xf32, #tpu.memory_space<vmem_shared>>)
      %add3A_267 = arith.constant 4 : i32
      %add3A_268 = arith.addi %mul3A_205, %add3A_267 : i32
      %add3A_269 = arith.constant 0 : i32
      %add3A_270 = arith.addi %add3A_268, %add3A_269 : i32
      %lt3A = arith.constant 40 : i32
      %lt3A_271 = arith.cmpi slt, %add3A_270, %lt3A : i32
      %convert_element_type3A_272 = arith.extui %lt3A_271 : i1 to i32
      %cond3A_273 = arith.constant 0 : i32
      %cond3A_274 = arith.cmpi ne, %convert_element_type3A_272, %cond3A_273 : i32
      scf.if %cond3A_274 {
        %dma_start3A_321 = arith.constant 0 : i32
        %dma_start3A_322 = tpu.memref_slice %arg6[%add3A_270, %dma_start3A_321] : memref<40x64xi32, #tpu.memory_space<vmem>> -> memref<1x64xi32, #tpu.memory_space<vmem>>
        %dma_start3A_323 = tpu.memref_squeeze %dma_start3A_322 : memref<1x64xi32, #tpu.memory_space<vmem>> -> memref<64xi32, #tpu.memory_space<vmem>>
        %dma_start3A_324 = arith.constant 0 : i32
        %dma_start3A_325 = arith.constant 0 : i32
        %dma_start3A_326 = tpu.memref_slice %arg2[%dma_start3A_324, %dma_start3A_325] : memref<20000x128xf32, #tpu.memory_space<hbm>> -> memref<20000x128xf32, #tpu.memory_space<hbm>>
        tpu.enqueue_indirect_dma source(%dma_start3A_326 : memref<20000x128xf32, #tpu.memory_space<hbm>>) target(%arg8 : memref<64x128xf32, #tpu.memory_space<vmem>>) offsets(%dma_start3A_323 : memref<64xi32, #tpu.memory_space<vmem>>) semaphore(%arg13 : memref<!tpu.dma_semaphore, #tpu.memory_space<semaphore_mem>>)
      } else {
      }
      %dma_wait3A_275 = arith.constant 0 : i32
      %dma_wait3A_276 = tpu.memref_slice %arg7[%add3A_226, %dma_wait3A_275] : memref<40x64xi32, #tpu.memory_space<vmem>> -> memref<1x64xi32, #tpu.memory_space<vmem>>
      %dma_wait3A_277 = tpu.memref_squeeze %dma_wait3A_276 : memref<1x64xi32, #tpu.memory_space<vmem>> -> memref<64xi32, #tpu.memory_space<vmem>>
      %dma_wait3A_278 = arith.constant 0 : i32
      %dma_wait3A_279 = arith.constant 0 : i32
      %dma_wait3A_280 = tpu.memref_slice %arg12[%dma_wait3A_278, %dma_wait3A_279] : memref<10112x128xf32, #tpu.memory_space<vmem_shared>> -> memref<10112x128xf32, #tpu.memory_space<vmem_shared>>
      tpu.wait_indirect_dma semaphore(%arg14 : memref<!tpu.dma_semaphore, #tpu.memory_space<semaphore_mem>>) src(%arg9 : memref<64x128xf32, #tpu.memory_space<vmem>>) dst(%dma_wait3A_280 : memref<10112x128xf32, #tpu.memory_space<vmem_shared>>)
      %add3A_281 = arith.constant 4 : i32
      %add3A_282 = arith.addi %mul3A_205, %add3A_281 : i32
      %add3A_283 = arith.constant 1 : i32
      %add3A_284 = arith.addi %add3A_282, %add3A_283 : i32
      %lt3A_285 = arith.constant 40 : i32
      %lt3A_286 = arith.cmpi slt, %add3A_284, %lt3A_285 : i32
      %convert_element_type3A_287 = arith.extui %lt3A_286 : i1 to i32
      %cond3A_288 = arith.constant 0 : i32
      %cond3A_289 = arith.cmpi ne, %convert_element_type3A_287, %cond3A_288 : i32
      scf.if %cond3A_289 {
        %dma_start3A_321 = arith.constant 0 : i32
        %dma_start3A_322 = tpu.memref_slice %arg6[%add3A_284, %dma_start3A_321] : memref<40x64xi32, #tpu.memory_space<vmem>> -> memref<1x64xi32, #tpu.memory_space<vmem>>
        %dma_start3A_323 = tpu.memref_squeeze %dma_start3A_322 : memref<1x64xi32, #tpu.memory_space<vmem>> -> memref<64xi32, #tpu.memory_space<vmem>>
        %dma_start3A_324 = arith.constant 0 : i32
        %dma_start3A_325 = arith.constant 0 : i32
        %dma_start3A_326 = tpu.memref_slice %arg2[%dma_start3A_324, %dma_start3A_325] : memref<20000x128xf32, #tpu.memory_space<hbm>> -> memref<20000x128xf32, #tpu.memory_space<hbm>>
        tpu.enqueue_indirect_dma source(%dma_start3A_326 : memref<20000x128xf32, #tpu.memory_space<hbm>>) target(%arg9 : memref<64x128xf32, #tpu.memory_space<vmem>>) offsets(%dma_start3A_323 : memref<64xi32, #tpu.memory_space<vmem>>) semaphore(%arg14 : memref<!tpu.dma_semaphore, #tpu.memory_space<semaphore_mem>>)
      } else {
      }
      %dma_wait3A_290 = arith.constant 0 : i32
      %dma_wait3A_291 = tpu.memref_slice %arg7[%add3A_240, %dma_wait3A_290] : memref<40x64xi32, #tpu.memory_space<vmem>> -> memref<1x64xi32, #tpu.memory_space<vmem>>
      %dma_wait3A_292 = tpu.memref_squeeze %dma_wait3A_291 : memref<1x64xi32, #tpu.memory_space<vmem>> -> memref<64xi32, #tpu.memory_space<vmem>>
      %dma_wait3A_293 = arith.constant 0 : i32
      %dma_wait3A_294 = arith.constant 0 : i32
      %dma_wait3A_295 = tpu.memref_slice %arg12[%dma_wait3A_293, %dma_wait3A_294] : memref<10112x128xf32, #tpu.memory_space<vmem_shared>> -> memref<10112x128xf32, #tpu.memory_space<vmem_shared>>
      tpu.wait_indirect_dma semaphore(%arg15 : memref<!tpu.dma_semaphore, #tpu.memory_space<semaphore_mem>>) src(%arg10 : memref<64x128xf32, #tpu.memory_space<vmem>>) dst(%dma_wait3A_295 : memref<10112x128xf32, #tpu.memory_space<vmem_shared>>)
      %add3A_296 = arith.constant 4 : i32
      %add3A_297 = arith.addi %mul3A_205, %add3A_296 : i32
      %add3A_298 = arith.constant 2 : i32
      %add3A_299 = arith.addi %add3A_297, %add3A_298 : i32
      %lt3A_300 = arith.constant 40 : i32
      %lt3A_301 = arith.cmpi slt, %add3A_299, %lt3A_300 : i32
      %convert_element_type3A_302 = arith.extui %lt3A_301 : i1 to i32
      %cond3A_303 = arith.constant 0 : i32
      %cond3A_304 = arith.cmpi ne, %convert_element_type3A_302, %cond3A_303 : i32
      scf.if %cond3A_304 {
        %dma_start3A_321 = arith.constant 0 : i32
        %dma_start3A_322 = tpu.memref_slice %arg6[%add3A_299, %dma_start3A_321] : memref<40x64xi32, #tpu.memory_space<vmem>> -> memref<1x64xi32, #tpu.memory_space<vmem>>
        %dma_start3A_323 = tpu.memref_squeeze %dma_start3A_322 : memref<1x64xi32, #tpu.memory_space<vmem>> -> memref<64xi32, #tpu.memory_space<vmem>>
        %dma_start3A_324 = arith.constant 0 : i32
        %dma_start3A_325 = arith.constant 0 : i32
        %dma_start3A_326 = tpu.memref_slice %arg2[%dma_start3A_324, %dma_start3A_325] : memref<20000x128xf32, #tpu.memory_space<hbm>> -> memref<20000x128xf32, #tpu.memory_space<hbm>>
        tpu.enqueue_indirect_dma source(%dma_start3A_326 : memref<20000x128xf32, #tpu.memory_space<hbm>>) target(%arg10 : memref<64x128xf32, #tpu.memory_space<vmem>>) offsets(%dma_start3A_323 : memref<64xi32, #tpu.memory_space<vmem>>) semaphore(%arg15 : memref<!tpu.dma_semaphore, #tpu.memory_space<semaphore_mem>>)
      } else {
      }
      %dma_wait3A_305 = arith.constant 0 : i32
      %dma_wait3A_306 = tpu.memref_slice %arg7[%add3A_254, %dma_wait3A_305] : memref<40x64xi32, #tpu.memory_space<vmem>> -> memref<1x64xi32, #tpu.memory_space<vmem>>
      %dma_wait3A_307 = tpu.memref_squeeze %dma_wait3A_306 : memref<1x64xi32, #tpu.memory_space<vmem>> -> memref<64xi32, #tpu.memory_space<vmem>>
      %dma_wait3A_308 = arith.constant 0 : i32
      %dma_wait3A_309 = arith.constant 0 : i32
      %dma_wait3A_310 = tpu.memref_slice %arg12[%dma_wait3A_308, %dma_wait3A_309] : memref<10112x128xf32, #tpu.memory_space<vmem_shared>> -> memref<10112x128xf32, #tpu.memory_space<vmem_shared>>
      tpu.wait_indirect_dma semaphore(%arg16 : memref<!tpu.dma_semaphore, #tpu.memory_space<semaphore_mem>>) src(%arg11 : memref<64x128xf32, #tpu.memory_space<vmem>>) dst(%dma_wait3A_310 : memref<10112x128xf32, #tpu.memory_space<vmem_shared>>)
      %add3A_311 = arith.constant 4 : i32
      %add3A_312 = arith.addi %mul3A_205, %add3A_311 : i32
      %add3A_313 = arith.constant 3 : i32
      %add3A_314 = arith.addi %add3A_312, %add3A_313 : i32
      %lt3A_315 = arith.constant 40 : i32
      %lt3A_316 = arith.cmpi slt, %add3A_314, %lt3A_315 : i32
      %convert_element_type3A_317 = arith.extui %lt3A_316 : i1 to i32
      %cond3A_318 = arith.constant 0 : i32
      %cond3A_319 = arith.cmpi ne, %convert_element_type3A_317, %cond3A_318 : i32
      scf.if %cond3A_319 {
        %dma_start3A_321 = arith.constant 0 : i32
        %dma_start3A_322 = tpu.memref_slice %arg6[%add3A_314, %dma_start3A_321] : memref<40x64xi32, #tpu.memory_space<vmem>> -> memref<1x64xi32, #tpu.memory_space<vmem>>
        %dma_start3A_323 = tpu.memref_squeeze %dma_start3A_322 : memref<1x64xi32, #tpu.memory_space<vmem>> -> memref<64xi32, #tpu.memory_space<vmem>>
        %dma_start3A_324 = arith.constant 0 : i32
        %dma_start3A_325 = arith.constant 0 : i32
        %dma_start3A_326 = tpu.memref_slice %arg2[%dma_start3A_324, %dma_start3A_325] : memref<20000x128xf32, #tpu.memory_space<hbm>> -> memref<20000x128xf32, #tpu.memory_space<hbm>>
        tpu.enqueue_indirect_dma source(%dma_start3A_326 : memref<20000x128xf32, #tpu.memory_space<hbm>>) target(%arg11 : memref<64x128xf32, #tpu.memory_space<vmem>>) offsets(%dma_start3A_323 : memref<64xi32, #tpu.memory_space<vmem>>) semaphore(%arg16 : memref<!tpu.dma_semaphore, #tpu.memory_space<semaphore_mem>>)
      } else {
      }
      %scan3A_320 = arith.constant 0 : i32
      scf.yield %scan3A_320 : i32
    }
    %scan3A_196 = arith.constant 10 : i32
    %barrier3A_197 = arith.constant 0 : index
    tpu.barrier barrier_id(%barrier3A_197)
    %mul3A_198 = arith.constant 624 : i32
    %mul3A_199 = arith.muli %arg1, %mul3A_198 : i32
    "tpu.region"() ({
      %run_scoped3A = tpu.sem_alloc : memref<!tpu.dma_semaphore, #tpu.memory_space<semaphore_mem>>
      %dma_start3A_202 = arith.constant 0 : i32
      %dma_start3A_203 = arith.constant 0 : i32
      %dma_start3A_204 = tpu.memref_slice %arg5[%arg0, %dma_start3A_202, %dma_start3A_203] : memref<2x10000x128xf32, #tpu.memory_space<hbm>> -> memref<1x10000x128xf32, #tpu.memory_space<hbm>>
      %dma_start3A_205 = tpu.memref_squeeze %dma_start3A_204 : memref<1x10000x128xf32, #tpu.memory_space<hbm>> -> memref<10000x128xf32, #tpu.memory_space<hbm>>
      %dma_start3A_206 = arith.constant 0 : i32
      %dma_start3A_207 = tpu.memref_slice %dma_start3A_205[%mul3A_199, %dma_start3A_206] : memref<10000x128xf32, #tpu.memory_space<hbm>> -> memref<624x128xf32, #tpu.memory_space<hbm>>
      %dma_start3A_208 = arith.constant 0 : i32
      %dma_start3A_209 = tpu.memref_slice %arg12[%mul3A_199, %dma_start3A_208] : memref<10112x128xf32, #tpu.memory_space<vmem_shared>> -> memref<624x128xf32, #tpu.memory_space<vmem_shared>>
      tpu.enqueue_dma source(%dma_start3A_209 : memref<624x128xf32, #tpu.memory_space<vmem_shared>>) target(%dma_start3A_207 : memref<624x128xf32, #tpu.memory_space<hbm>>) target_semaphore(%run_scoped3A : memref<!tpu.dma_semaphore, #tpu.memory_space<semaphore_mem>>)
      %dma_wait3A = arith.constant 0 : i32
      %dma_wait3A_210 = arith.constant 0 : i32
      %dma_wait3A_211 = tpu.memref_slice %arg5[%arg0, %dma_wait3A, %dma_wait3A_210] : memref<2x10000x128xf32, #tpu.memory_space<hbm>> -> memref<1x10000x128xf32, #tpu.memory_space<hbm>>
      %dma_wait3A_212 = tpu.memref_squeeze %dma_wait3A_211 : memref<1x10000x128xf32, #tpu.memory_space<hbm>> -> memref<10000x128xf32, #tpu.memory_space<hbm>>
      %dma_wait3A_213 = arith.constant 0 : i32
      %dma_wait3A_214 = tpu.memref_slice %dma_wait3A_212[%mul3A_199, %dma_wait3A_213] : memref<10000x128xf32, #tpu.memory_space<hbm>> -> memref<624x128xf32, #tpu.memory_space<hbm>>
      %dma_wait3A_215 = arith.constant 0 : i32
      %dma_wait3A_216 = tpu.memref_slice %arg12[%mul3A_199, %dma_wait3A_215] : memref<10112x128xf32, #tpu.memory_space<vmem_shared>> -> memref<624x128xf32, #tpu.memory_space<vmem_shared>>
      tpu.wait_dma2 semaphore(%run_scoped3A : memref<!tpu.dma_semaphore, #tpu.memory_space<semaphore_mem>>) src(%dma_wait3A_216 : memref<624x128xf32, #tpu.memory_space<vmem_shared>>) dst(%dma_wait3A_214 : memref<624x128xf32, #tpu.memory_space<hbm>>)
      tpu.yield
    }) : () -> ()
    %eq3A = arith.constant 15 : i32
    %eq3A_200 = arith.cmpi eq, %arg1, %eq3A : i32
    %convert_element_type3A = arith.extui %eq3A_200 : i1 to i32
    %cond3A = arith.constant 0 : i32
    %cond3A_201 = arith.cmpi ne, %convert_element_type3A, %cond3A : i32
    scf.if %cond3A_201 {
      "tpu.region"() ({
        %run_scoped3A = tpu.sem_alloc : memref<!tpu.dma_semaphore, #tpu.memory_space<semaphore_mem>>
        %dma_start3A_202 = arith.constant 0 : i32
        %dma_start3A_203 = arith.constant 0 : i32
        %dma_start3A_204 = tpu.memref_slice %arg5[%arg0, %dma_start3A_202, %dma_start3A_203] : memref<2x10000x128xf32, #tpu.memory_space<hbm>> -> memref<1x10000x128xf32, #tpu.memory_space<hbm>>
        %dma_start3A_205 = tpu.memref_squeeze %dma_start3A_204 : memref<1x10000x128xf32, #tpu.memory_space<hbm>> -> memref<10000x128xf32, #tpu.memory_space<hbm>>
        %dma_start3A_206 = arith.constant 9984 : i32
        %dma_start3A_207 = arith.constant 0 : i32
        %dma_start3A_208 = tpu.memref_slice %dma_start3A_205[%dma_start3A_206, %dma_start3A_207] : memref<10000x128xf32, #tpu.memory_space<hbm>> -> memref<16x128xf32, #tpu.memory_space<hbm>>
        %dma_start3A_209 = arith.constant 9984 : i32
        %dma_start3A_210 = arith.constant 0 : i32
        %dma_start3A_211 = tpu.memref_slice %arg12[%dma_start3A_209, %dma_start3A_210] : memref<10112x128xf32, #tpu.memory_space<vmem_shared>> -> memref<16x128xf32, #tpu.memory_space<vmem_shared>>
        tpu.enqueue_dma source(%dma_start3A_211 : memref<16x128xf32, #tpu.memory_space<vmem_shared>>) target(%dma_start3A_208 : memref<16x128xf32, #tpu.memory_space<hbm>>) target_semaphore(%run_scoped3A : memref<!tpu.dma_semaphore, #tpu.memory_space<semaphore_mem>>)
        %dma_wait3A = arith.constant 0 : i32
        %dma_wait3A_212 = arith.constant 0 : i32
        %dma_wait3A_213 = tpu.memref_slice %arg5[%arg0, %dma_wait3A, %dma_wait3A_212] : memref<2x10000x128xf32, #tpu.memory_space<hbm>> -> memref<1x10000x128xf32, #tpu.memory_space<hbm>>
        %dma_wait3A_214 = tpu.memref_squeeze %dma_wait3A_213 : memref<1x10000x128xf32, #tpu.memory_space<hbm>> -> memref<10000x128xf32, #tpu.memory_space<hbm>>
        %dma_wait3A_215 = arith.constant 9984 : i32
        %dma_wait3A_216 = arith.constant 0 : i32
        %dma_wait3A_217 = tpu.memref_slice %dma_wait3A_214[%dma_wait3A_215, %dma_wait3A_216] : memref<10000x128xf32, #tpu.memory_space<hbm>> -> memref<16x128xf32, #tpu.memory_space<hbm>>
        %dma_wait3A_218 = arith.constant 9984 : i32
        %dma_wait3A_219 = arith.constant 0 : i32
        %dma_wait3A_220 = tpu.memref_slice %arg12[%dma_wait3A_218, %dma_wait3A_219] : memref<10112x128xf32, #tpu.memory_space<vmem_shared>> -> memref<16x128xf32, #tpu.memory_space<vmem_shared>>
        tpu.wait_dma2 semaphore(%run_scoped3A : memref<!tpu.dma_semaphore, #tpu.memory_space<semaphore_mem>>) src(%dma_wait3A_220 : memref<16x128xf32, #tpu.memory_space<vmem_shared>>) dst(%dma_wait3A_217 : memref<16x128xf32, #tpu.memory_space<hbm>>)
        tpu.yield
      }) : () -> ()
    } else {
    }
    return
  }
}

#map = affine_map<(d0, d1) -> (0, 0)>
#map1 = affine_map<(d0, d1) -> (0, 0, 0)>
module attributes {stable_mosaic.version = 14 : i64} {
  func.func @sc_agg(%arg0: i32, %arg1: i32, %arg2: memref<20000x128xf32, #tpu.memory_space<hbm>>, %arg3: memref<2x2560x64xi32, #tpu.memory_space<hbm>>, %arg4: memref<2560x64xi32, #tpu.memory_space<hbm>>, %arg5: memref<2x10000x128xf32, #tpu.memory_space<hbm>>, %arg6: memref<40x64xi32, #tpu.memory_space<vmem>>, %arg7: memref<40x64xi32, #tpu.memory_space<vmem>>, %arg8: memref<64x128xf32, #tpu.memory_space<vmem>>, %arg9: memref<64x128xf32, #tpu.memory_space<vmem>>, %arg10: memref<64x128xf32, #tpu.memory_space<vmem>>, %arg11: memref<64x128xf32, #tpu.memory_space<vmem>>, %arg12: memref<10112x128xf32, #tpu.memory_space<vmem_shared>>, %arg13: memref<!tpu.dma_semaphore, #tpu.memory_space<semaphore_mem>>, %arg14: memref<!tpu.dma_semaphore, #tpu.memory_space<semaphore_mem>>, %arg15: memref<!tpu.dma_semaphore, #tpu.memory_space<semaphore_mem>>, %arg16: memref<!tpu.dma_semaphore, #tpu.memory_space<semaphore_mem>>) attributes {dimension_semantics = [#tpu.dimension_semantics<core_parallel>, #tpu.dimension_semantics<subcore_parallel>], iteration_bounds = array<i64: 2, 16>, scalar_prefetch = 0 : i64, scratch_operands = 11 : i64, tpu.core_type = #tpu.core_type<sc_vector_subcore>, window_params = [{transform_indices = #map}, {transform_indices = #map1}, {transform_indices = #map}, {transform_indices = #map1}]} {
    %scan3A = arith.constant 0 : i32
    %scan3A_0 = arith.constant 0 : i32
    %scan3A_1 = arith.constant 64 : i32
    %scan3A_2 = arith.addi %scan3A_0, %scan3A_1 : i32
    %scan3A_3 = arith.constant 1 : i32
    %scan3A_4 = scf.for %scan3A_202 = %scan3A_0 to %scan3A_2 step %scan3A_3 iter_args(%scan3A_203 = %scan3A) -> (i32)  : i32 {
      %broadcast_in_dim3A = arith.constant 0.000000e+00 : f32
      %broadcast_in_dim3A_204 = vector.broadcast %broadcast_in_dim3A : f32 to vector<16xf32>
      %swap3A = arith.index_cast %scan3A_202 : i32 to index
      %swap3A_205 = arith.constant 0 : index
      %swap3A_206 = tpu.vector_load %arg8[%swap3A, %swap3A_205] {strides = array<i32>} : memref<64x128xf32, #tpu.memory_space<vmem>>, vector<1x16xf32>,
      %swap3A_207 = vector.shape_cast %swap3A_206 : vector<1x16xf32> to vector<16xf32>
      %swap3A_208 = vector.shape_cast %broadcast_in_dim3A_204 : vector<16xf32> to vector<1x16xf32>
      tpu.vector_store %arg8[%swap3A, %swap3A_205], %swap3A_208 {strides = array<i32>} : memref<64x128xf32, #tpu.memory_space<vmem>>, vector<1x16xf32>,
      %broadcast_in_dim3A_209 = arith.constant 0.000000e+00 : f32
      %broadcast_in_dim3A_210 = vector.broadcast %broadcast_in_dim3A_209 : f32 to vector<16xf32>
      %swap3A_211 = arith.index_cast %scan3A_202 : i32 to index
      %swap3A_212 = arith.constant 16 : index
      %swap3A_213 = tpu.vector_load %arg8[%swap3A_211, %swap3A_212] {strides = array<i32>} : memref<64x128xf32, #tpu.memory_space<vmem>>, vector<1x16xf32>,
      %swap3A_214 = vector.shape_cast %swap3A_213 : vector<1x16xf32> to vector<16xf32>
      %swap3A_215 = vector.shape_cast %broadcast_in_dim3A_210 : vector<16xf32> to vector<1x16xf32>
      tpu.vector_store %arg8[%swap3A_211, %swap3A_212], %swap3A_215 {strides = array<i32>} : memref<64x128xf32, #tpu.memory_space<vmem>>, vector<1x16xf32>,
      %broadcast_in_dim3A_216 = arith.constant 0.000000e+00 : f32
      %broadcast_in_dim3A_217 = vector.broadcast %broadcast_in_dim3A_216 : f32 to vector<16xf32>
      %swap3A_218 = arith.index_cast %scan3A_202 : i32 to index
      %swap3A_219 = arith.constant 32 : index
      %swap3A_220 = tpu.vector_load %arg8[%swap3A_218, %swap3A_219] {strides = array<i32>} : memref<64x128xf32, #tpu.memory_space<vmem>>, vector<1x16xf32>,
      %swap3A_221 = vector.shape_cast %swap3A_220 : vector<1x16xf32> to vector<16xf32>
      %swap3A_222 = vector.shape_cast %broadcast_in_dim3A_217 : vector<16xf32> to vector<1x16xf32>
      tpu.vector_store %arg8[%swap3A_218, %swap3A_219], %swap3A_222 {strides = array<i32>} : memref<64x128xf32, #tpu.memory_space<vmem>>, vector<1x16xf32>,
      %broadcast_in_dim3A_223 = arith.constant 0.000000e+00 : f32
      %broadcast_in_dim3A_224 = vector.broadcast %broadcast_in_dim3A_223 : f32 to vector<16xf32>
      %swap3A_225 = arith.index_cast %scan3A_202 : i32 to index
      %swap3A_226 = arith.constant 48 : index
      %swap3A_227 = tpu.vector_load %arg8[%swap3A_225, %swap3A_226] {strides = array<i32>} : memref<64x128xf32, #tpu.memory_space<vmem>>, vector<1x16xf32>,
      %swap3A_228 = vector.shape_cast %swap3A_227 : vector<1x16xf32> to vector<16xf32>
      %swap3A_229 = vector.shape_cast %broadcast_in_dim3A_224 : vector<16xf32> to vector<1x16xf32>
      tpu.vector_store %arg8[%swap3A_225, %swap3A_226], %swap3A_229 {strides = array<i32>} : memref<64x128xf32, #tpu.memory_space<vmem>>, vector<1x16xf32>,
      %broadcast_in_dim3A_230 = arith.constant 0.000000e+00 : f32
      %broadcast_in_dim3A_231 = vector.broadcast %broadcast_in_dim3A_230 : f32 to vector<16xf32>
      %swap3A_232 = arith.index_cast %scan3A_202 : i32 to index
      %swap3A_233 = arith.constant 64 : index
      %swap3A_234 = tpu.vector_load %arg8[%swap3A_232, %swap3A_233] {strides = array<i32>} : memref<64x128xf32, #tpu.memory_space<vmem>>, vector<1x16xf32>,
      %swap3A_235 = vector.shape_cast %swap3A_234 : vector<1x16xf32> to vector<16xf32>
      %swap3A_236 = vector.shape_cast %broadcast_in_dim3A_231 : vector<16xf32> to vector<1x16xf32>
      tpu.vector_store %arg8[%swap3A_232, %swap3A_233], %swap3A_236 {strides = array<i32>} : memref<64x128xf32, #tpu.memory_space<vmem>>, vector<1x16xf32>,
      %broadcast_in_dim3A_237 = arith.constant 0.000000e+00 : f32
      %broadcast_in_dim3A_238 = vector.broadcast %broadcast_in_dim3A_237 : f32 to vector<16xf32>
      %swap3A_239 = arith.index_cast %scan3A_202 : i32 to index
      %swap3A_240 = arith.constant 80 : index
      %swap3A_241 = tpu.vector_load %arg8[%swap3A_239, %swap3A_240] {strides = array<i32>} : memref<64x128xf32, #tpu.memory_space<vmem>>, vector<1x16xf32>,
      %swap3A_242 = vector.shape_cast %swap3A_241 : vector<1x16xf32> to vector<16xf32>
      %swap3A_243 = vector.shape_cast %broadcast_in_dim3A_238 : vector<16xf32> to vector<1x16xf32>
      tpu.vector_store %arg8[%swap3A_239, %swap3A_240], %swap3A_243 {strides = array<i32>} : memref<64x128xf32, #tpu.memory_space<vmem>>, vector<1x16xf32>,
      %broadcast_in_dim3A_244 = arith.constant 0.000000e+00 : f32
      %broadcast_in_dim3A_245 = vector.broadcast %broadcast_in_dim3A_244 : f32 to vector<16xf32>
      %swap3A_246 = arith.index_cast %scan3A_202 : i32 to index
      %swap3A_247 = arith.constant 96 : index
      %swap3A_248 = tpu.vector_load %arg8[%swap3A_246, %swap3A_247] {strides = array<i32>} : memref<64x128xf32, #tpu.memory_space<vmem>>, vector<1x16xf32>,
      %swap3A_249 = vector.shape_cast %swap3A_248 : vector<1x16xf32> to vector<16xf32>
      %swap3A_250 = vector.shape_cast %broadcast_in_dim3A_245 : vector<16xf32> to vector<1x16xf32>
      tpu.vector_store %arg8[%swap3A_246, %swap3A_247], %swap3A_250 {strides = array<i32>} : memref<64x128xf32, #tpu.memory_space<vmem>>, vector<1x16xf32>,
      %broadcast_in_dim3A_251 = arith.constant 0.000000e+00 : f32
      %broadcast_in_dim3A_252 = vector.broadcast %broadcast_in_dim3A_251 : f32 to vector<16xf32>
      %swap3A_253 = arith.index_cast %scan3A_202 : i32 to index
      %swap3A_254 = arith.constant 112 : index
      %swap3A_255 = tpu.vector_load %arg8[%swap3A_253, %swap3A_254] {strides = array<i32>} : memref<64x128xf32, #tpu.memory_space<vmem>>, vector<1x16xf32>,
      %swap3A_256 = vector.shape_cast %swap3A_255 : vector<1x16xf32> to vector<16xf32>
      %swap3A_257 = vector.shape_cast %broadcast_in_dim3A_252 : vector<16xf32> to vector<1x16xf32>
      tpu.vector_store %arg8[%swap3A_253, %swap3A_254], %swap3A_257 {strides = array<i32>} : memref<64x128xf32, #tpu.memory_space<vmem>>, vector<1x16xf32>,
      %scan3A_258 = arith.constant 0 : i32
      scf.yield %scan3A_258 : i32
    }
    %scan3A_5 = arith.constant 64 : i32
    %mul3A = arith.constant 632 : i32
    %mul3A_6 = arith.muli %arg1, %mul3A : i32
    %add3A = arith.constant 0 : i32
    %add3A_7 = arith.addi %mul3A_6, %add3A : i32
    "tpu.region"() ({
      %run_scoped3A = tpu.sem_alloc : memref<!tpu.dma_semaphore, #tpu.memory_space<semaphore_mem>>
      %dma_start3A_202 = arith.constant 0 : i32
      %dma_start3A_203 = tpu.memref_slice %arg12[%add3A_7, %dma_start3A_202] : memref<10112x128xf32, #tpu.memory_space<vmem_shared>> -> memref<64x128xf32, #tpu.memory_space<vmem_shared>>
      %dma_start3A_204 = arith.constant 0 : i32
      %dma_start3A_205 = tpu.memref_slice %arg12[%add3A_7, %dma_start3A_204] : memref<10112x128xf32, #tpu.memory_space<vmem_shared>> -> memref<64x128xf32, #tpu.memory_space<vmem_shared>>
      tpu.enqueue_dma source(%arg8 : memref<64x128xf32, #tpu.memory_space<vmem>>) target(%dma_start3A_205 : memref<64x128xf32, #tpu.memory_space<vmem_shared>>) target_semaphore(%run_scoped3A : memref<!tpu.dma_semaphore, #tpu.memory_space<semaphore_mem>>)
      %dma_wait3A = arith.constant 0 : i32
      %dma_wait3A_206 = tpu.memref_slice %arg12[%add3A_7, %dma_wait3A] : memref<10112x128xf32, #tpu.memory_space<vmem_shared>> -> memref<64x128xf32, #tpu.memory_space<vmem_shared>>
      %dma_wait3A_207 = arith.constant 0 : i32
      %dma_wait3A_208 = tpu.memref_slice %arg12[%add3A_7, %dma_wait3A_207] : memref<10112x128xf32, #tpu.memory_space<vmem_shared>> -> memref<64x128xf32, #tpu.memory_space<vmem_shared>>
      tpu.wait_dma2 semaphore(%run_scoped3A : memref<!tpu.dma_semaphore, #tpu.memory_space<semaphore_mem>>) src(%arg8 : memref<64x128xf32, #tpu.memory_space<vmem>>) dst(%dma_wait3A_208 : memref<64x128xf32, #tpu.memory_space<vmem_shared>>)
      tpu.yield
    }) : () -> ()
    %add3A_8 = arith.constant 64 : i32
    %add3A_9 = arith.addi %mul3A_6, %add3A_8 : i32
    "tpu.region"() ({
      %run_scoped3A = tpu.sem_alloc : memref<!tpu.dma_semaphore, #tpu.memory_space<semaphore_mem>>
      %dma_start3A_202 = arith.constant 0 : i32
      %dma_start3A_203 = tpu.memref_slice %arg12[%add3A_9, %dma_start3A_202] : memref<10112x128xf32, #tpu.memory_space<vmem_shared>> -> memref<64x128xf32, #tpu.memory_space<vmem_shared>>
      %dma_start3A_204 = arith.constant 0 : i32
      %dma_start3A_205 = tpu.memref_slice %arg12[%add3A_9, %dma_start3A_204] : memref<10112x128xf32, #tpu.memory_space<vmem_shared>> -> memref<64x128xf32, #tpu.memory_space<vmem_shared>>
      tpu.enqueue_dma source(%arg8 : memref<64x128xf32, #tpu.memory_space<vmem>>) target(%dma_start3A_205 : memref<64x128xf32, #tpu.memory_space<vmem_shared>>) target_semaphore(%run_scoped3A : memref<!tpu.dma_semaphore, #tpu.memory_space<semaphore_mem>>)
      %dma_wait3A = arith.constant 0 : i32
      %dma_wait3A_206 = tpu.memref_slice %arg12[%add3A_9, %dma_wait3A] : memref<10112x128xf32, #tpu.memory_space<vmem_shared>> -> memref<64x128xf32, #tpu.memory_space<vmem_shared>>
      %dma_wait3A_207 = arith.constant 0 : i32
      %dma_wait3A_208 = tpu.memref_slice %arg12[%add3A_9, %dma_wait3A_207] : memref<10112x128xf32, #tpu.memory_space<vmem_shared>> -> memref<64x128xf32, #tpu.memory_space<vmem_shared>>
      tpu.wait_dma2 semaphore(%run_scoped3A : memref<!tpu.dma_semaphore, #tpu.memory_space<semaphore_mem>>) src(%arg8 : memref<64x128xf32, #tpu.memory_space<vmem>>) dst(%dma_wait3A_208 : memref<64x128xf32, #tpu.memory_space<vmem_shared>>)
      tpu.yield
    }) : () -> ()
    %add3A_10 = arith.constant 128 : i32
    %add3A_11 = arith.addi %mul3A_6, %add3A_10 : i32
    "tpu.region"() ({
      %run_scoped3A = tpu.sem_alloc : memref<!tpu.dma_semaphore, #tpu.memory_space<semaphore_mem>>
      %dma_start3A_202 = arith.constant 0 : i32
      %dma_start3A_203 = tpu.memref_slice %arg12[%add3A_11, %dma_start3A_202] : memref<10112x128xf32, #tpu.memory_space<vmem_shared>> -> memref<64x128xf32, #tpu.memory_space<vmem_shared>>
      %dma_start3A_204 = arith.constant 0 : i32
      %dma_start3A_205 = tpu.memref_slice %arg12[%add3A_11, %dma_start3A_204] : memref<10112x128xf32, #tpu.memory_space<vmem_shared>> -> memref<64x128xf32, #tpu.memory_space<vmem_shared>>
      tpu.enqueue_dma source(%arg8 : memref<64x128xf32, #tpu.memory_space<vmem>>) target(%dma_start3A_205 : memref<64x128xf32, #tpu.memory_space<vmem_shared>>) target_semaphore(%run_scoped3A : memref<!tpu.dma_semaphore, #tpu.memory_space<semaphore_mem>>)
      %dma_wait3A = arith.constant 0 : i32
      %dma_wait3A_206 = tpu.memref_slice %arg12[%add3A_11, %dma_wait3A] : memref<10112x128xf32, #tpu.memory_space<vmem_shared>> -> memref<64x128xf32, #tpu.memory_space<vmem_shared>>
      %dma_wait3A_207 = arith.constant 0 : i32
      %dma_wait3A_208 = tpu.memref_slice %arg12[%add3A_11, %dma_wait3A_207] : memref<10112x128xf32, #tpu.memory_space<vmem_shared>> -> memref<64x128xf32, #tpu.memory_space<vmem_shared>>
      tpu.wait_dma2 semaphore(%run_scoped3A : memref<!tpu.dma_semaphore, #tpu.memory_space<semaphore_mem>>) src(%arg8 : memref<64x128xf32, #tpu.memory_space<vmem>>) dst(%dma_wait3A_208 : memref<64x128xf32, #tpu.memory_space<vmem_shared>>)
      tpu.yield
    }) : () -> ()
    %add3A_12 = arith.constant 192 : i32
    %add3A_13 = arith.addi %mul3A_6, %add3A_12 : i32
    "tpu.region"() ({
      %run_scoped3A = tpu.sem_alloc : memref<!tpu.dma_semaphore, #tpu.memory_space<semaphore_mem>>
      %dma_start3A_202 = arith.constant 0 : i32
      %dma_start3A_203 = tpu.memref_slice %arg12[%add3A_13, %dma_start3A_202] : memref<10112x128xf32, #tpu.memory_space<vmem_shared>> -> memref<64x128xf32, #tpu.memory_space<vmem_shared>>
      %dma_start3A_204 = arith.constant 0 : i32
      %dma_start3A_205 = tpu.memref_slice %arg12[%add3A_13, %dma_start3A_204] : memref<10112x128xf32, #tpu.memory_space<vmem_shared>> -> memref<64x128xf32, #tpu.memory_space<vmem_shared>>
      tpu.enqueue_dma source(%arg8 : memref<64x128xf32, #tpu.memory_space<vmem>>) target(%dma_start3A_205 : memref<64x128xf32, #tpu.memory_space<vmem_shared>>) target_semaphore(%run_scoped3A : memref<!tpu.dma_semaphore, #tpu.memory_space<semaphore_mem>>)
      %dma_wait3A = arith.constant 0 : i32
      %dma_wait3A_206 = tpu.memref_slice %arg12[%add3A_13, %dma_wait3A] : memref<10112x128xf32, #tpu.memory_space<vmem_shared>> -> memref<64x128xf32, #tpu.memory_space<vmem_shared>>
      %dma_wait3A_207 = arith.constant 0 : i32
      %dma_wait3A_208 = tpu.memref_slice %arg12[%add3A_13, %dma_wait3A_207] : memref<10112x128xf32, #tpu.memory_space<vmem_shared>> -> memref<64x128xf32, #tpu.memory_space<vmem_shared>>
      tpu.wait_dma2 semaphore(%run_scoped3A : memref<!tpu.dma_semaphore, #tpu.memory_space<semaphore_mem>>) src(%arg8 : memref<64x128xf32, #tpu.memory_space<vmem>>) dst(%dma_wait3A_208 : memref<64x128xf32, #tpu.memory_space<vmem_shared>>)
      tpu.yield
    }) : () -> ()
    %add3A_14 = arith.constant 256 : i32
    %add3A_15 = arith.addi %mul3A_6, %add3A_14 : i32
    "tpu.region"() ({
      %run_scoped3A = tpu.sem_alloc : memref<!tpu.dma_semaphore, #tpu.memory_space<semaphore_mem>>
      %dma_start3A_202 = arith.constant 0 : i32
      %dma_start3A_203 = tpu.memref_slice %arg12[%add3A_15, %dma_start3A_202] : memref<10112x128xf32, #tpu.memory_space<vmem_shared>> -> memref<64x128xf32, #tpu.memory_space<vmem_shared>>
      %dma_start3A_204 = arith.constant 0 : i32
      %dma_start3A_205 = tpu.memref_slice %arg12[%add3A_15, %dma_start3A_204] : memref<10112x128xf32, #tpu.memory_space<vmem_shared>> -> memref<64x128xf32, #tpu.memory_space<vmem_shared>>
      tpu.enqueue_dma source(%arg8 : memref<64x128xf32, #tpu.memory_space<vmem>>) target(%dma_start3A_205 : memref<64x128xf32, #tpu.memory_space<vmem_shared>>) target_semaphore(%run_scoped3A : memref<!tpu.dma_semaphore, #tpu.memory_space<semaphore_mem>>)
      %dma_wait3A = arith.constant 0 : i32
      %dma_wait3A_206 = tpu.memref_slice %arg12[%add3A_15, %dma_wait3A] : memref<10112x128xf32, #tpu.memory_space<vmem_shared>> -> memref<64x128xf32, #tpu.memory_space<vmem_shared>>
      %dma_wait3A_207 = arith.constant 0 : i32
      %dma_wait3A_208 = tpu.memref_slice %arg12[%add3A_15, %dma_wait3A_207] : memref<10112x128xf32, #tpu.memory_space<vmem_shared>> -> memref<64x128xf32, #tpu.memory_space<vmem_shared>>
      tpu.wait_dma2 semaphore(%run_scoped3A : memref<!tpu.dma_semaphore, #tpu.memory_space<semaphore_mem>>) src(%arg8 : memref<64x128xf32, #tpu.memory_space<vmem>>) dst(%dma_wait3A_208 : memref<64x128xf32, #tpu.memory_space<vmem_shared>>)
      tpu.yield
    }) : () -> ()
    %add3A_16 = arith.constant 320 : i32
    %add3A_17 = arith.addi %mul3A_6, %add3A_16 : i32
    "tpu.region"() ({
      %run_scoped3A = tpu.sem_alloc : memref<!tpu.dma_semaphore, #tpu.memory_space<semaphore_mem>>
      %dma_start3A_202 = arith.constant 0 : i32
      %dma_start3A_203 = tpu.memref_slice %arg12[%add3A_17, %dma_start3A_202] : memref<10112x128xf32, #tpu.memory_space<vmem_shared>> -> memref<64x128xf32, #tpu.memory_space<vmem_shared>>
      %dma_start3A_204 = arith.constant 0 : i32
      %dma_start3A_205 = tpu.memref_slice %arg12[%add3A_17, %dma_start3A_204] : memref<10112x128xf32, #tpu.memory_space<vmem_shared>> -> memref<64x128xf32, #tpu.memory_space<vmem_shared>>
      tpu.enqueue_dma source(%arg8 : memref<64x128xf32, #tpu.memory_space<vmem>>) target(%dma_start3A_205 : memref<64x128xf32, #tpu.memory_space<vmem_shared>>) target_semaphore(%run_scoped3A : memref<!tpu.dma_semaphore, #tpu.memory_space<semaphore_mem>>)
      %dma_wait3A = arith.constant 0 : i32
      %dma_wait3A_206 = tpu.memref_slice %arg12[%add3A_17, %dma_wait3A] : memref<10112x128xf32, #tpu.memory_space<vmem_shared>> -> memref<64x128xf32, #tpu.memory_space<vmem_shared>>
      %dma_wait3A_207 = arith.constant 0 : i32
      %dma_wait3A_208 = tpu.memref_slice %arg12[%add3A_17, %dma_wait3A_207] : memref<10112x128xf32, #tpu.memory_space<vmem_shared>> -> memref<64x128xf32, #tpu.memory_space<vmem_shared>>
      tpu.wait_dma2 semaphore(%run_scoped3A : memref<!tpu.dma_semaphore, #tpu.memory_space<semaphore_mem>>) src(%arg8 : memref<64x128xf32, #tpu.memory_space<vmem>>) dst(%dma_wait3A_208 : memref<64x128xf32, #tpu.memory_space<vmem_shared>>)
      tpu.yield
    }) : () -> ()
    %add3A_18 = arith.constant 384 : i32
    %add3A_19 = arith.addi %mul3A_6, %add3A_18 : i32
    "tpu.region"() ({
      %run_scoped3A = tpu.sem_alloc : memref<!tpu.dma_semaphore, #tpu.memory_space<semaphore_mem>>
      %dma_start3A_202 = arith.constant 0 : i32
      %dma_start3A_203 = tpu.memref_slice %arg12[%add3A_19, %dma_start3A_202] : memref<10112x128xf32, #tpu.memory_space<vmem_shared>> -> memref<64x128xf32, #tpu.memory_space<vmem_shared>>
      %dma_start3A_204 = arith.constant 0 : i32
      %dma_start3A_205 = tpu.memref_slice %arg12[%add3A_19, %dma_start3A_204] : memref<10112x128xf32, #tpu.memory_space<vmem_shared>> -> memref<64x128xf32, #tpu.memory_space<vmem_shared>>
      tpu.enqueue_dma source(%arg8 : memref<64x128xf32, #tpu.memory_space<vmem>>) target(%dma_start3A_205 : memref<64x128xf32, #tpu.memory_space<vmem_shared>>) target_semaphore(%run_scoped3A : memref<!tpu.dma_semaphore, #tpu.memory_space<semaphore_mem>>)
      %dma_wait3A = arith.constant 0 : i32
      %dma_wait3A_206 = tpu.memref_slice %arg12[%add3A_19, %dma_wait3A] : memref<10112x128xf32, #tpu.memory_space<vmem_shared>> -> memref<64x128xf32, #tpu.memory_space<vmem_shared>>
      %dma_wait3A_207 = arith.constant 0 : i32
      %dma_wait3A_208 = tpu.memref_slice %arg12[%add3A_19, %dma_wait3A_207] : memref<10112x128xf32, #tpu.memory_space<vmem_shared>> -> memref<64x128xf32, #tpu.memory_space<vmem_shared>>
      tpu.wait_dma2 semaphore(%run_scoped3A : memref<!tpu.dma_semaphore, #tpu.memory_space<semaphore_mem>>) src(%arg8 : memref<64x128xf32, #tpu.memory_space<vmem>>) dst(%dma_wait3A_208 : memref<64x128xf32, #tpu.memory_space<vmem_shared>>)
      tpu.yield
    }) : () -> ()
    %add3A_20 = arith.constant 448 : i32
    %add3A_21 = arith.addi %mul3A_6, %add3A_20 : i32
    "tpu.region"() ({
      %run_scoped3A = tpu.sem_alloc : memref<!tpu.dma_semaphore, #tpu.memory_space<semaphore_mem>>
      %dma_start3A_202 = arith.constant 0 : i32
      %dma_start3A_203 = tpu.memref_slice %arg12[%add3A_21, %dma_start3A_202] : memref<10112x128xf32, #tpu.memory_space<vmem_shared>> -> memref<64x128xf32, #tpu.memory_space<vmem_shared>>
      %dma_start3A_204 = arith.constant 0 : i32
      %dma_start3A_205 = tpu.memref_slice %arg12[%add3A_21, %dma_start3A_204] : memref<10112x128xf32, #tpu.memory_space<vmem_shared>> -> memref<64x128xf32, #tpu.memory_space<vmem_shared>>
      tpu.enqueue_dma source(%arg8 : memref<64x128xf32, #tpu.memory_space<vmem>>) target(%dma_start3A_205 : memref<64x128xf32, #tpu.memory_space<vmem_shared>>) target_semaphore(%run_scoped3A : memref<!tpu.dma_semaphore, #tpu.memory_space<semaphore_mem>>)
      %dma_wait3A = arith.constant 0 : i32
      %dma_wait3A_206 = tpu.memref_slice %arg12[%add3A_21, %dma_wait3A] : memref<10112x128xf32, #tpu.memory_space<vmem_shared>> -> memref<64x128xf32, #tpu.memory_space<vmem_shared>>
      %dma_wait3A_207 = arith.constant 0 : i32
      %dma_wait3A_208 = tpu.memref_slice %arg12[%add3A_21, %dma_wait3A_207] : memref<10112x128xf32, #tpu.memory_space<vmem_shared>> -> memref<64x128xf32, #tpu.memory_space<vmem_shared>>
      tpu.wait_dma2 semaphore(%run_scoped3A : memref<!tpu.dma_semaphore, #tpu.memory_space<semaphore_mem>>) src(%arg8 : memref<64x128xf32, #tpu.memory_space<vmem>>) dst(%dma_wait3A_208 : memref<64x128xf32, #tpu.memory_space<vmem_shared>>)
      tpu.yield
    }) : () -> ()
    %add3A_22 = arith.constant 512 : i32
    %add3A_23 = arith.addi %mul3A_6, %add3A_22 : i32
    "tpu.region"() ({
      %run_scoped3A = tpu.sem_alloc : memref<!tpu.dma_semaphore, #tpu.memory_space<semaphore_mem>>
      %dma_start3A_202 = arith.constant 0 : i32
      %dma_start3A_203 = tpu.memref_slice %arg12[%add3A_23, %dma_start3A_202] : memref<10112x128xf32, #tpu.memory_space<vmem_shared>> -> memref<64x128xf32, #tpu.memory_space<vmem_shared>>
      %dma_start3A_204 = arith.constant 0 : i32
      %dma_start3A_205 = tpu.memref_slice %arg12[%add3A_23, %dma_start3A_204] : memref<10112x128xf32, #tpu.memory_space<vmem_shared>> -> memref<64x128xf32, #tpu.memory_space<vmem_shared>>
      tpu.enqueue_dma source(%arg8 : memref<64x128xf32, #tpu.memory_space<vmem>>) target(%dma_start3A_205 : memref<64x128xf32, #tpu.memory_space<vmem_shared>>) target_semaphore(%run_scoped3A : memref<!tpu.dma_semaphore, #tpu.memory_space<semaphore_mem>>)
      %dma_wait3A = arith.constant 0 : i32
      %dma_wait3A_206 = tpu.memref_slice %arg12[%add3A_23, %dma_wait3A] : memref<10112x128xf32, #tpu.memory_space<vmem_shared>> -> memref<64x128xf32, #tpu.memory_space<vmem_shared>>
      %dma_wait3A_207 = arith.constant 0 : i32
      %dma_wait3A_208 = tpu.memref_slice %arg12[%add3A_23, %dma_wait3A_207] : memref<10112x128xf32, #tpu.memory_space<vmem_shared>> -> memref<64x128xf32, #tpu.memory_space<vmem_shared>>
      tpu.wait_dma2 semaphore(%run_scoped3A : memref<!tpu.dma_semaphore, #tpu.memory_space<semaphore_mem>>) src(%arg8 : memref<64x128xf32, #tpu.memory_space<vmem>>) dst(%dma_wait3A_208 : memref<64x128xf32, #tpu.memory_space<vmem_shared>>)
      tpu.yield
    }) : () -> ()
    %add3A_24 = arith.constant 576 : i32
    %add3A_25 = arith.addi %mul3A_6, %add3A_24 : i32
    "tpu.region"() ({
      %run_scoped3A = tpu.sem_alloc : memref<!tpu.dma_semaphore, #tpu.memory_space<semaphore_mem>>
      %dma_start3A_202 = arith.constant 0 : i32
      %dma_start3A_203 = arith.constant 0 : i32
      %dma_start3A_204 = tpu.memref_slice %arg8[%dma_start3A_202, %dma_start3A_203] : memref<64x128xf32, #tpu.memory_space<vmem>> -> memref<56x128xf32, #tpu.memory_space<vmem>>
      %dma_start3A_205 = arith.constant 0 : i32
      %dma_start3A_206 = tpu.memref_slice %arg12[%add3A_25, %dma_start3A_205] : memref<10112x128xf32, #tpu.memory_space<vmem_shared>> -> memref<56x128xf32, #tpu.memory_space<vmem_shared>>
      %dma_start3A_207 = arith.constant 0 : i32
      %dma_start3A_208 = tpu.memref_slice %arg12[%add3A_25, %dma_start3A_207] : memref<10112x128xf32, #tpu.memory_space<vmem_shared>> -> memref<56x128xf32, #tpu.memory_space<vmem_shared>>
      %dma_start3A_209 = arith.constant 0 : i32
      %dma_start3A_210 = arith.constant 0 : i32
      %dma_start3A_211 = tpu.memref_slice %arg8[%dma_start3A_209, %dma_start3A_210] : memref<64x128xf32, #tpu.memory_space<vmem>> -> memref<56x128xf32, #tpu.memory_space<vmem>>
      tpu.enqueue_dma source(%dma_start3A_211 : memref<56x128xf32, #tpu.memory_space<vmem>>) target(%dma_start3A_208 : memref<56x128xf32, #tpu.memory_space<vmem_shared>>) target_semaphore(%run_scoped3A : memref<!tpu.dma_semaphore, #tpu.memory_space<semaphore_mem>>)
      %dma_wait3A = arith.constant 0 : i32
      %dma_wait3A_212 = arith.constant 0 : i32
      %dma_wait3A_213 = tpu.memref_slice %arg8[%dma_wait3A, %dma_wait3A_212] : memref<64x128xf32, #tpu.memory_space<vmem>> -> memref<56x128xf32, #tpu.memory_space<vmem>>
      %dma_wait3A_214 = arith.constant 0 : i32
      %dma_wait3A_215 = tpu.memref_slice %arg12[%add3A_25, %dma_wait3A_214] : memref<10112x128xf32, #tpu.memory_space<vmem_shared>> -> memref<56x128xf32, #tpu.memory_space<vmem_shared>>
      %dma_wait3A_216 = arith.constant 0 : i32
      %dma_wait3A_217 = tpu.memref_slice %arg12[%add3A_25, %dma_wait3A_216] : memref<10112x128xf32, #tpu.memory_space<vmem_shared>> -> memref<56x128xf32, #tpu.memory_space<vmem_shared>>
      %dma_wait3A_218 = arith.constant 0 : i32
      %dma_wait3A_219 = arith.constant 0 : i32
      %dma_wait3A_220 = tpu.memref_slice %arg8[%dma_wait3A_218, %dma_wait3A_219] : memref<64x128xf32, #tpu.memory_space<vmem>> -> memref<56x128xf32, #tpu.memory_space<vmem>>
      tpu.wait_dma2 semaphore(%run_scoped3A : memref<!tpu.dma_semaphore, #tpu.memory_space<semaphore_mem>>) src(%dma_wait3A_220 : memref<56x128xf32, #tpu.memory_space<vmem>>) dst(%dma_wait3A_217 : memref<56x128xf32, #tpu.memory_space<vmem_shared>>)
      tpu.yield
    }) : () -> ()
    %barrier3A = arith.constant 0 : index
    tpu.barrier barrier_id(%barrier3A)
    %mul3A_26 = arith.constant 160 : i32
    %mul3A_27 = arith.muli %arg1, %mul3A_26 : i32
    %add3A_28 = arith.constant 0 : i32
    %add3A_29 = arith.addi %mul3A_27, %add3A_28 : i32
    "tpu.region"() ({
      %run_scoped3A = tpu.sem_alloc : memref<!tpu.dma_semaphore, #tpu.memory_space<semaphore_mem>>
      %dma_start3A_202 = arith.constant 0 : i32
      %dma_start3A_203 = arith.constant 0 : i32
      %dma_start3A_204 = tpu.memref_slice %arg3[%arg0, %dma_start3A_202, %dma_start3A_203] : memref<2x2560x64xi32, #tpu.memory_space<hbm>> -> memref<1x2560x64xi32, #tpu.memory_space<hbm>>
      %dma_start3A_205 = tpu.memref_squeeze %dma_start3A_204 : memref<1x2560x64xi32, #tpu.memory_space<hbm>> -> memref<2560x64xi32, #tpu.memory_space<hbm>>
      %dma_start3A_206 = arith.constant 0 : i32
      %dma_start3A_207 = tpu.memref_slice %dma_start3A_205[%add3A_29, %dma_start3A_206] : memref<2560x64xi32, #tpu.memory_space<hbm>> -> memref<40x64xi32, #tpu.memory_space<hbm>>
      %dma_start3A_208 = arith.constant 0 : i32
      %dma_start3A_209 = arith.constant 0 : i32
      %dma_start3A_210 = tpu.memref_slice %arg3[%arg0, %dma_start3A_208, %dma_start3A_209] : memref<2x2560x64xi32, #tpu.memory_space<hbm>> -> memref<1x2560x64xi32, #tpu.memory_space<hbm>>
      %dma_start3A_211 = tpu.memref_squeeze %dma_start3A_210 : memref<1x2560x64xi32, #tpu.memory_space<hbm>> -> memref<2560x64xi32, #tpu.memory_space<hbm>>
      %dma_start3A_212 = arith.constant 0 : i32
      %dma_start3A_213 = tpu.memref_slice %dma_start3A_211[%add3A_29, %dma_start3A_212] : memref<2560x64xi32, #tpu.memory_space<hbm>> -> memref<40x64xi32, #tpu.memory_space<hbm>>
      tpu.enqueue_dma source(%dma_start3A_213 : memref<40x64xi32, #tpu.memory_space<hbm>>) target(%arg6 : memref<40x64xi32, #tpu.memory_space<vmem>>) target_semaphore(%run_scoped3A : memref<!tpu.dma_semaphore, #tpu.memory_space<semaphore_mem>>)
      %dma_wait3A = arith.constant 0 : i32
      %dma_wait3A_214 = arith.constant 0 : i32
      %dma_wait3A_215 = tpu.memref_slice %arg3[%arg0, %dma_wait3A, %dma_wait3A_214] : memref<2x2560x64xi32, #tpu.memory_space<hbm>> -> memref<1x2560x64xi32, #tpu.memory_space<hbm>>
      %dma_wait3A_216 = tpu.memref_squeeze %dma_wait3A_215 : memref<1x2560x64xi32, #tpu.memory_space<hbm>> -> memref<2560x64xi32, #tpu.memory_space<hbm>>
      %dma_wait3A_217 = arith.constant 0 : i32
      %dma_wait3A_218 = tpu.memref_slice %dma_wait3A_216[%add3A_29, %dma_wait3A_217] : memref<2560x64xi32, #tpu.memory_space<hbm>> -> memref<40x64xi32, #tpu.memory_space<hbm>>
      %dma_wait3A_219 = arith.constant 0 : i32
      %dma_wait3A_220 = arith.constant 0 : i32
      %dma_wait3A_221 = tpu.memref_slice %arg3[%arg0, %dma_wait3A_219, %dma_wait3A_220] : memref<2x2560x64xi32, #tpu.memory_space<hbm>> -> memref<1x2560x64xi32, #tpu.memory_space<hbm>>
      %dma_wait3A_222 = tpu.memref_squeeze %dma_wait3A_221 : memref<1x2560x64xi32, #tpu.memory_space<hbm>> -> memref<2560x64xi32, #tpu.memory_space<hbm>>
      %dma_wait3A_223 = arith.constant 0 : i32
      %dma_wait3A_224 = tpu.memref_slice %dma_wait3A_222[%add3A_29, %dma_wait3A_223] : memref<2560x64xi32, #tpu.memory_space<hbm>> -> memref<40x64xi32, #tpu.memory_space<hbm>>
      tpu.wait_dma2 semaphore(%run_scoped3A : memref<!tpu.dma_semaphore, #tpu.memory_space<semaphore_mem>>) src(%dma_wait3A_224 : memref<40x64xi32, #tpu.memory_space<hbm>>) dst(%arg6 : memref<40x64xi32, #tpu.memory_space<vmem>>)
      tpu.yield
    }) : () -> ()
    %mul3A_30 = arith.constant 160 : i32
    %mul3A_31 = arith.muli %arg1, %mul3A_30 : i32
    %add3A_32 = arith.constant 0 : i32
    %add3A_33 = arith.addi %mul3A_31, %add3A_32 : i32
    "tpu.region"() ({
      %run_scoped3A = tpu.sem_alloc : memref<!tpu.dma_semaphore, #tpu.memory_space<semaphore_mem>>
      %dma_start3A_202 = arith.constant 0 : i32
      %dma_start3A_203 = tpu.memref_slice %arg4[%add3A_33, %dma_start3A_202] : memref<2560x64xi32, #tpu.memory_space<hbm>> -> memref<40x64xi32, #tpu.memory_space<hbm>>
      %dma_start3A_204 = arith.constant 0 : i32
      %dma_start3A_205 = tpu.memref_slice %arg4[%add3A_33, %dma_start3A_204] : memref<2560x64xi32, #tpu.memory_space<hbm>> -> memref<40x64xi32, #tpu.memory_space<hbm>>
      tpu.enqueue_dma source(%dma_start3A_205 : memref<40x64xi32, #tpu.memory_space<hbm>>) target(%arg7 : memref<40x64xi32, #tpu.memory_space<vmem>>) target_semaphore(%run_scoped3A : memref<!tpu.dma_semaphore, #tpu.memory_space<semaphore_mem>>)
      %dma_wait3A = arith.constant 0 : i32
      %dma_wait3A_206 = tpu.memref_slice %arg4[%add3A_33, %dma_wait3A] : memref<2560x64xi32, #tpu.memory_space<hbm>> -> memref<40x64xi32, #tpu.memory_space<hbm>>
      %dma_wait3A_207 = arith.constant 0 : i32
      %dma_wait3A_208 = tpu.memref_slice %arg4[%add3A_33, %dma_wait3A_207] : memref<2560x64xi32, #tpu.memory_space<hbm>> -> memref<40x64xi32, #tpu.memory_space<hbm>>
      tpu.wait_dma2 semaphore(%run_scoped3A : memref<!tpu.dma_semaphore, #tpu.memory_space<semaphore_mem>>) src(%dma_wait3A_208 : memref<40x64xi32, #tpu.memory_space<hbm>>) dst(%arg7 : memref<40x64xi32, #tpu.memory_space<vmem>>)
      tpu.yield
    }) : () -> ()
    %dma_start3A = arith.constant 0 : i32
    %dma_start3A_34 = arith.constant 0 : i32
    %dma_start3A_35 = tpu.memref_slice %arg6[%dma_start3A, %dma_start3A_34] : memref<40x64xi32, #tpu.memory_space<vmem>> -> memref<1x64xi32, #tpu.memory_space<vmem>>
    %dma_start3A_36 = tpu.memref_squeeze %dma_start3A_35 : memref<1x64xi32, #tpu.memory_space<vmem>> -> memref<64xi32, #tpu.memory_space<vmem>>
    %dma_start3A_37 = arith.constant 0 : i32
    %dma_start3A_38 = arith.constant 0 : i32
    %dma_start3A_39 = tpu.memref_slice %arg2[%dma_start3A_37, %dma_start3A_38] : memref<20000x128xf32, #tpu.memory_space<hbm>> -> memref<20000x128xf32, #tpu.memory_space<hbm>>
    tpu.enqueue_indirect_dma source(%dma_start3A_39 : memref<20000x128xf32, #tpu.memory_space<hbm>>) target(%arg8 : memref<64x128xf32, #tpu.memory_space<vmem>>) offsets(%dma_start3A_36 : memref<64xi32, #tpu.memory_space<vmem>>) semaphore(%arg13 : memref<!tpu.dma_semaphore, #tpu.memory_space<semaphore_mem>>)
    %dma_start3A_40 = arith.constant 1 : i32
    %dma_start3A_41 = arith.constant 0 : i32
    %dma_start3A_42 = tpu.memref_slice %arg6[%dma_start3A_40, %dma_start3A_41] : memref<40x64xi32, #tpu.memory_space<vmem>> -> memref<1x64xi32, #tpu.memory_space<vmem>>
    %dma_start3A_43 = tpu.memref_squeeze %dma_start3A_42 : memref<1x64xi32, #tpu.memory_space<vmem>> -> memref<64xi32, #tpu.memory_space<vmem>>
    %dma_start3A_44 = arith.constant 0 : i32
    %dma_start3A_45 = arith.constant 0 : i32
    %dma_start3A_46 = tpu.memref_slice %arg2[%dma_start3A_44, %dma_start3A_45] : memref<20000x128xf32, #tpu.memory_space<hbm>> -> memref<20000x128xf32, #tpu.memory_space<hbm>>
    tpu.enqueue_indirect_dma source(%dma_start3A_46 : memref<20000x128xf32, #tpu.memory_space<hbm>>) target(%arg9 : memref<64x128xf32, #tpu.memory_space<vmem>>) offsets(%dma_start3A_43 : memref<64xi32, #tpu.memory_space<vmem>>) semaphore(%arg14 : memref<!tpu.dma_semaphore, #tpu.memory_space<semaphore_mem>>)
    %dma_start3A_47 = arith.constant 2 : i32
    %dma_start3A_48 = arith.constant 0 : i32
    %dma_start3A_49 = tpu.memref_slice %arg6[%dma_start3A_47, %dma_start3A_48] : memref<40x64xi32, #tpu.memory_space<vmem>> -> memref<1x64xi32, #tpu.memory_space<vmem>>
    %dma_start3A_50 = tpu.memref_squeeze %dma_start3A_49 : memref<1x64xi32, #tpu.memory_space<vmem>> -> memref<64xi32, #tpu.memory_space<vmem>>
    %dma_start3A_51 = arith.constant 0 : i32
    %dma_start3A_52 = arith.constant 0 : i32
    %dma_start3A_53 = tpu.memref_slice %arg2[%dma_start3A_51, %dma_start3A_52] : memref<20000x128xf32, #tpu.memory_space<hbm>> -> memref<20000x128xf32, #tpu.memory_space<hbm>>
    tpu.enqueue_indirect_dma source(%dma_start3A_53 : memref<20000x128xf32, #tpu.memory_space<hbm>>) target(%arg10 : memref<64x128xf32, #tpu.memory_space<vmem>>) offsets(%dma_start3A_50 : memref<64xi32, #tpu.memory_space<vmem>>) semaphore(%arg15 : memref<!tpu.dma_semaphore, #tpu.memory_space<semaphore_mem>>)
    %dma_start3A_54 = arith.constant 3 : i32
    %dma_start3A_55 = arith.constant 0 : i32
    %dma_start3A_56 = tpu.memref_slice %arg6[%dma_start3A_54, %dma_start3A_55] : memref<40x64xi32, #tpu.memory_space<vmem>> -> memref<1x64xi32, #tpu.memory_space<vmem>>
    %dma_start3A_57 = tpu.memref_squeeze %dma_start3A_56 : memref<1x64xi32, #tpu.memory_space<vmem>> -> memref<64xi32, #tpu.memory_space<vmem>>
    %dma_start3A_58 = arith.constant 0 : i32
    %dma_start3A_59 = arith.constant 0 : i32
    %dma_start3A_60 = tpu.memref_slice %arg2[%dma_start3A_58, %dma_start3A_59] : memref<20000x128xf32, #tpu.memory_space<hbm>> -> memref<20000x128xf32, #tpu.memory_space<hbm>>
    tpu.enqueue_indirect_dma source(%dma_start3A_60 : memref<20000x128xf32, #tpu.memory_space<hbm>>) target(%arg11 : memref<64x128xf32, #tpu.memory_space<vmem>>) offsets(%dma_start3A_57 : memref<64xi32, #tpu.memory_space<vmem>>) semaphore(%arg16 : memref<!tpu.dma_semaphore, #tpu.memory_space<semaphore_mem>>)
    %scan3A_61 = arith.constant 0 : i32
    %scan3A_62 = arith.constant 0 : i32
    %scan3A_63 = arith.constant 10 : i32
    %scan3A_64 = arith.addi %scan3A_62, %scan3A_63 : i32
    %scan3A_65 = arith.constant 1 : i32
    %scan3A_66 = scf.for %scan3A_202 = %scan3A_62 to %scan3A_64 step %scan3A_65 iter_args(%scan3A_203 = %scan3A_61) -> (i32)  : i32 {
      %mul3A_204 = arith.constant 4 : i32
      %mul3A_205 = arith.muli %scan3A_202, %mul3A_204 : i32
      %dma_wait3A = arith.constant 0 : i32
      %dma_wait3A_206 = arith.constant 0 : i32
      %dma_wait3A_207 = tpu.memref_slice %arg2[%dma_wait3A, %dma_wait3A_206] : memref<20000x128xf32, #tpu.memory_space<hbm>> -> memref<64x128xf32, #tpu.memory_space<hbm>>
      %dma_wait3A_208 = arith.constant 0 : i32
      %dma_wait3A_209 = arith.constant 0 : i32
      %dma_wait3A_210 = tpu.memref_slice %arg2[%dma_wait3A_208, %dma_wait3A_209] : memref<20000x128xf32, #tpu.memory_space<hbm>> -> memref<64x128xf32, #tpu.memory_space<hbm>>
      tpu.wait_dma2 semaphore(%arg13 : memref<!tpu.dma_semaphore, #tpu.memory_space<semaphore_mem>>) src(%dma_wait3A_210 : memref<64x128xf32, #tpu.memory_space<hbm>>) dst(%arg8 : memref<64x128xf32, #tpu.memory_space<vmem>>)
      %add3A_211 = arith.constant 0 : i32
      %add3A_212 = arith.addi %mul3A_205, %add3A_211 : i32
      %dma_start3A_213 = arith.constant 0 : i32
      %dma_start3A_214 = tpu.memref_slice %arg7[%add3A_212, %dma_start3A_213] : memref<40x64xi32, #tpu.memory_space<vmem>> -> memref<1x64xi32, #tpu.memory_space<vmem>>
      %dma_start3A_215 = tpu.memref_squeeze %dma_start3A_214 : memref<1x64xi32, #tpu.memory_space<vmem>> -> memref<64xi32, #tpu.memory_space<vmem>>
      %dma_start3A_216 = arith.constant 0 : i32
      %dma_start3A_217 = arith.constant 0 : i32
      %dma_start3A_218 = tpu.memref_slice %arg12[%dma_start3A_216, %dma_start3A_217] : memref<10112x128xf32, #tpu.memory_space<vmem_shared>> -> memref<10112x128xf32, #tpu.memory_space<vmem_shared>>
      tpu.enqueue_indirect_dma source(%arg8 : memref<64x128xf32, #tpu.memory_space<vmem>>) target(%dma_start3A_218 : memref<10112x128xf32, #tpu.memory_space<vmem_shared>>) offsets(%dma_start3A_215 : memref<64xi32, #tpu.memory_space<vmem>>) semaphore(%arg13 : memref<!tpu.dma_semaphore, #tpu.memory_space<semaphore_mem>>) {add = true}
      %dma_wait3A_219 = arith.constant 0 : i32
      %dma_wait3A_220 = arith.constant 0 : i32
      %dma_wait3A_221 = tpu.memref_slice %arg2[%dma_wait3A_219, %dma_wait3A_220] : memref<20000x128xf32, #tpu.memory_space<hbm>> -> memref<64x128xf32, #tpu.memory_space<hbm>>
      %dma_wait3A_222 = arith.constant 0 : i32
      %dma_wait3A_223 = arith.constant 0 : i32
      %dma_wait3A_224 = tpu.memref_slice %arg2[%dma_wait3A_222, %dma_wait3A_223] : memref<20000x128xf32, #tpu.memory_space<hbm>> -> memref<64x128xf32, #tpu.memory_space<hbm>>
      tpu.wait_dma2 semaphore(%arg14 : memref<!tpu.dma_semaphore, #tpu.memory_space<semaphore_mem>>) src(%dma_wait3A_224 : memref<64x128xf32, #tpu.memory_space<hbm>>) dst(%arg9 : memref<64x128xf32, #tpu.memory_space<vmem>>)
      %add3A_225 = arith.constant 1 : i32
      %add3A_226 = arith.addi %mul3A_205, %add3A_225 : i32
      %dma_start3A_227 = arith.constant 0 : i32
      %dma_start3A_228 = tpu.memref_slice %arg7[%add3A_226, %dma_start3A_227] : memref<40x64xi32, #tpu.memory_space<vmem>> -> memref<1x64xi32, #tpu.memory_space<vmem>>
      %dma_start3A_229 = tpu.memref_squeeze %dma_start3A_228 : memref<1x64xi32, #tpu.memory_space<vmem>> -> memref<64xi32, #tpu.memory_space<vmem>>
      %dma_start3A_230 = arith.constant 0 : i32
      %dma_start3A_231 = arith.constant 0 : i32
      %dma_start3A_232 = tpu.memref_slice %arg12[%dma_start3A_230, %dma_start3A_231] : memref<10112x128xf32, #tpu.memory_space<vmem_shared>> -> memref<10112x128xf32, #tpu.memory_space<vmem_shared>>
      tpu.enqueue_indirect_dma source(%arg9 : memref<64x128xf32, #tpu.memory_space<vmem>>) target(%dma_start3A_232 : memref<10112x128xf32, #tpu.memory_space<vmem_shared>>) offsets(%dma_start3A_229 : memref<64xi32, #tpu.memory_space<vmem>>) semaphore(%arg14 : memref<!tpu.dma_semaphore, #tpu.memory_space<semaphore_mem>>) {add = true}
      %dma_wait3A_233 = arith.constant 0 : i32
      %dma_wait3A_234 = arith.constant 0 : i32
      %dma_wait3A_235 = tpu.memref_slice %arg2[%dma_wait3A_233, %dma_wait3A_234] : memref<20000x128xf32, #tpu.memory_space<hbm>> -> memref<64x128xf32, #tpu.memory_space<hbm>>
      %dma_wait3A_236 = arith.constant 0 : i32
      %dma_wait3A_237 = arith.constant 0 : i32
      %dma_wait3A_238 = tpu.memref_slice %arg2[%dma_wait3A_236, %dma_wait3A_237] : memref<20000x128xf32, #tpu.memory_space<hbm>> -> memref<64x128xf32, #tpu.memory_space<hbm>>
      tpu.wait_dma2 semaphore(%arg15 : memref<!tpu.dma_semaphore, #tpu.memory_space<semaphore_mem>>) src(%dma_wait3A_238 : memref<64x128xf32, #tpu.memory_space<hbm>>) dst(%arg10 : memref<64x128xf32, #tpu.memory_space<vmem>>)
      %add3A_239 = arith.constant 2 : i32
      %add3A_240 = arith.addi %mul3A_205, %add3A_239 : i32
      %dma_start3A_241 = arith.constant 0 : i32
      %dma_start3A_242 = tpu.memref_slice %arg7[%add3A_240, %dma_start3A_241] : memref<40x64xi32, #tpu.memory_space<vmem>> -> memref<1x64xi32, #tpu.memory_space<vmem>>
      %dma_start3A_243 = tpu.memref_squeeze %dma_start3A_242 : memref<1x64xi32, #tpu.memory_space<vmem>> -> memref<64xi32, #tpu.memory_space<vmem>>
      %dma_start3A_244 = arith.constant 0 : i32
      %dma_start3A_245 = arith.constant 0 : i32
      %dma_start3A_246 = tpu.memref_slice %arg12[%dma_start3A_244, %dma_start3A_245] : memref<10112x128xf32, #tpu.memory_space<vmem_shared>> -> memref<10112x128xf32, #tpu.memory_space<vmem_shared>>
      tpu.enqueue_indirect_dma source(%arg10 : memref<64x128xf32, #tpu.memory_space<vmem>>) target(%dma_start3A_246 : memref<10112x128xf32, #tpu.memory_space<vmem_shared>>) offsets(%dma_start3A_243 : memref<64xi32, #tpu.memory_space<vmem>>) semaphore(%arg15 : memref<!tpu.dma_semaphore, #tpu.memory_space<semaphore_mem>>) {add = true}
      %dma_wait3A_247 = arith.constant 0 : i32
      %dma_wait3A_248 = arith.constant 0 : i32
      %dma_wait3A_249 = tpu.memref_slice %arg2[%dma_wait3A_247, %dma_wait3A_248] : memref<20000x128xf32, #tpu.memory_space<hbm>> -> memref<64x128xf32, #tpu.memory_space<hbm>>
      %dma_wait3A_250 = arith.constant 0 : i32
      %dma_wait3A_251 = arith.constant 0 : i32
      %dma_wait3A_252 = tpu.memref_slice %arg2[%dma_wait3A_250, %dma_wait3A_251] : memref<20000x128xf32, #tpu.memory_space<hbm>> -> memref<64x128xf32, #tpu.memory_space<hbm>>
      tpu.wait_dma2 semaphore(%arg16 : memref<!tpu.dma_semaphore, #tpu.memory_space<semaphore_mem>>) src(%dma_wait3A_252 : memref<64x128xf32, #tpu.memory_space<hbm>>) dst(%arg11 : memref<64x128xf32, #tpu.memory_space<vmem>>)
      %add3A_253 = arith.constant 3 : i32
      %add3A_254 = arith.addi %mul3A_205, %add3A_253 : i32
      %dma_start3A_255 = arith.constant 0 : i32
      %dma_start3A_256 = tpu.memref_slice %arg7[%add3A_254, %dma_start3A_255] : memref<40x64xi32, #tpu.memory_space<vmem>> -> memref<1x64xi32, #tpu.memory_space<vmem>>
      %dma_start3A_257 = tpu.memref_squeeze %dma_start3A_256 : memref<1x64xi32, #tpu.memory_space<vmem>> -> memref<64xi32, #tpu.memory_space<vmem>>
      %dma_start3A_258 = arith.constant 0 : i32
      %dma_start3A_259 = arith.constant 0 : i32
      %dma_start3A_260 = tpu.memref_slice %arg12[%dma_start3A_258, %dma_start3A_259] : memref<10112x128xf32, #tpu.memory_space<vmem_shared>> -> memref<10112x128xf32, #tpu.memory_space<vmem_shared>>
      tpu.enqueue_indirect_dma source(%arg11 : memref<64x128xf32, #tpu.memory_space<vmem>>) target(%dma_start3A_260 : memref<10112x128xf32, #tpu.memory_space<vmem_shared>>) offsets(%dma_start3A_257 : memref<64xi32, #tpu.memory_space<vmem>>) semaphore(%arg16 : memref<!tpu.dma_semaphore, #tpu.memory_space<semaphore_mem>>) {add = true}
      %dma_wait3A_261 = arith.constant 0 : i32
      %dma_wait3A_262 = tpu.memref_slice %arg7[%add3A_212, %dma_wait3A_261] : memref<40x64xi32, #tpu.memory_space<vmem>> -> memref<1x64xi32, #tpu.memory_space<vmem>>
      %dma_wait3A_263 = tpu.memref_squeeze %dma_wait3A_262 : memref<1x64xi32, #tpu.memory_space<vmem>> -> memref<64xi32, #tpu.memory_space<vmem>>
      %dma_wait3A_264 = arith.constant 0 : i32
      %dma_wait3A_265 = arith.constant 0 : i32
      %dma_wait3A_266 = tpu.memref_slice %arg12[%dma_wait3A_264, %dma_wait3A_265] : memref<10112x128xf32, #tpu.memory_space<vmem_shared>> -> memref<10112x128xf32, #tpu.memory_space<vmem_shared>>
      tpu.wait_indirect_dma semaphore(%arg13 : memref<!tpu.dma_semaphore, #tpu.memory_space<semaphore_mem>>) src(%arg8 : memref<64x128xf32, #tpu.memory_space<vmem>>) dst(%dma_wait3A_266 : memref<10112x128xf32, #tpu.memory_space<vmem_shared>>)
      %add3A_267 = arith.constant 4 : i32
      %add3A_268 = arith.addi %mul3A_205, %add3A_267 : i32
      %add3A_269 = arith.constant 0 : i32
      %add3A_270 = arith.addi %add3A_268, %add3A_269 : i32
      %lt3A = arith.constant 40 : i32
      %lt3A_271 = arith.cmpi slt, %add3A_270, %lt3A : i32
      %convert_element_type3A_272 = arith.extui %lt3A_271 : i1 to i32
      %cond3A_273 = arith.constant 0 : i32
      %cond3A_274 = arith.cmpi ne, %convert_element_type3A_272, %cond3A_273 : i32
      scf.if %cond3A_274 {
        %dma_start3A_321 = arith.constant 0 : i32
        %dma_start3A_322 = tpu.memref_slice %arg6[%add3A_270, %dma_start3A_321] : memref<40x64xi32, #tpu.memory_space<vmem>> -> memref<1x64xi32, #tpu.memory_space<vmem>>
        %dma_start3A_323 = tpu.memref_squeeze %dma_start3A_322 : memref<1x64xi32, #tpu.memory_space<vmem>> -> memref<64xi32, #tpu.memory_space<vmem>>
        %dma_start3A_324 = arith.constant 0 : i32
        %dma_start3A_325 = arith.constant 0 : i32
        %dma_start3A_326 = tpu.memref_slice %arg2[%dma_start3A_324, %dma_start3A_325] : memref<20000x128xf32, #tpu.memory_space<hbm>> -> memref<20000x128xf32, #tpu.memory_space<hbm>>
        tpu.enqueue_indirect_dma source(%dma_start3A_326 : memref<20000x128xf32, #tpu.memory_space<hbm>>) target(%arg8 : memref<64x128xf32, #tpu.memory_space<vmem>>) offsets(%dma_start3A_323 : memref<64xi32, #tpu.memory_space<vmem>>) semaphore(%arg13 : memref<!tpu.dma_semaphore, #tpu.memory_space<semaphore_mem>>)
      } else {
      }
      %dma_wait3A_275 = arith.constant 0 : i32
      %dma_wait3A_276 = tpu.memref_slice %arg7[%add3A_226, %dma_wait3A_275] : memref<40x64xi32, #tpu.memory_space<vmem>> -> memref<1x64xi32, #tpu.memory_space<vmem>>
      %dma_wait3A_277 = tpu.memref_squeeze %dma_wait3A_276 : memref<1x64xi32, #tpu.memory_space<vmem>> -> memref<64xi32, #tpu.memory_space<vmem>>
      %dma_wait3A_278 = arith.constant 0 : i32
      %dma_wait3A_279 = arith.constant 0 : i32
      %dma_wait3A_280 = tpu.memref_slice %arg12[%dma_wait3A_278, %dma_wait3A_279] : memref<10112x128xf32, #tpu.memory_space<vmem_shared>> -> memref<10112x128xf32, #tpu.memory_space<vmem_shared>>
      tpu.wait_indirect_dma semaphore(%arg14 : memref<!tpu.dma_semaphore, #tpu.memory_space<semaphore_mem>>) src(%arg9 : memref<64x128xf32, #tpu.memory_space<vmem>>) dst(%dma_wait3A_280 : memref<10112x128xf32, #tpu.memory_space<vmem_shared>>)
      %add3A_281 = arith.constant 4 : i32
      %add3A_282 = arith.addi %mul3A_205, %add3A_281 : i32
      %add3A_283 = arith.constant 1 : i32
      %add3A_284 = arith.addi %add3A_282, %add3A_283 : i32
      %lt3A_285 = arith.constant 40 : i32
      %lt3A_286 = arith.cmpi slt, %add3A_284, %lt3A_285 : i32
      %convert_element_type3A_287 = arith.extui %lt3A_286 : i1 to i32
      %cond3A_288 = arith.constant 0 : i32
      %cond3A_289 = arith.cmpi ne, %convert_element_type3A_287, %cond3A_288 : i32
      scf.if %cond3A_289 {
        %dma_start3A_321 = arith.constant 0 : i32
        %dma_start3A_322 = tpu.memref_slice %arg6[%add3A_284, %dma_start3A_321] : memref<40x64xi32, #tpu.memory_space<vmem>> -> memref<1x64xi32, #tpu.memory_space<vmem>>
        %dma_start3A_323 = tpu.memref_squeeze %dma_start3A_322 : memref<1x64xi32, #tpu.memory_space<vmem>> -> memref<64xi32, #tpu.memory_space<vmem>>
        %dma_start3A_324 = arith.constant 0 : i32
        %dma_start3A_325 = arith.constant 0 : i32
        %dma_start3A_326 = tpu.memref_slice %arg2[%dma_start3A_324, %dma_start3A_325] : memref<20000x128xf32, #tpu.memory_space<hbm>> -> memref<20000x128xf32, #tpu.memory_space<hbm>>
        tpu.enqueue_indirect_dma source(%dma_start3A_326 : memref<20000x128xf32, #tpu.memory_space<hbm>>) target(%arg9 : memref<64x128xf32, #tpu.memory_space<vmem>>) offsets(%dma_start3A_323 : memref<64xi32, #tpu.memory_space<vmem>>) semaphore(%arg14 : memref<!tpu.dma_semaphore, #tpu.memory_space<semaphore_mem>>)
      } else {
      }
      %dma_wait3A_290 = arith.constant 0 : i32
      %dma_wait3A_291 = tpu.memref_slice %arg7[%add3A_240, %dma_wait3A_290] : memref<40x64xi32, #tpu.memory_space<vmem>> -> memref<1x64xi32, #tpu.memory_space<vmem>>
      %dma_wait3A_292 = tpu.memref_squeeze %dma_wait3A_291 : memref<1x64xi32, #tpu.memory_space<vmem>> -> memref<64xi32, #tpu.memory_space<vmem>>
      %dma_wait3A_293 = arith.constant 0 : i32
      %dma_wait3A_294 = arith.constant 0 : i32
      %dma_wait3A_295 = tpu.memref_slice %arg12[%dma_wait3A_293, %dma_wait3A_294] : memref<10112x128xf32, #tpu.memory_space<vmem_shared>> -> memref<10112x128xf32, #tpu.memory_space<vmem_shared>>
      tpu.wait_indirect_dma semaphore(%arg15 : memref<!tpu.dma_semaphore, #tpu.memory_space<semaphore_mem>>) src(%arg10 : memref<64x128xf32, #tpu.memory_space<vmem>>) dst(%dma_wait3A_295 : memref<10112x128xf32, #tpu.memory_space<vmem_shared>>)
      %add3A_296 = arith.constant 4 : i32
      %add3A_297 = arith.addi %mul3A_205, %add3A_296 : i32
      %add3A_298 = arith.constant 2 : i32
      %add3A_299 = arith.addi %add3A_297, %add3A_298 : i32
      %lt3A_300 = arith.constant 40 : i32
      %lt3A_301 = arith.cmpi slt, %add3A_299, %lt3A_300 : i32
      %convert_element_type3A_302 = arith.extui %lt3A_301 : i1 to i32
      %cond3A_303 = arith.constant 0 : i32
      %cond3A_304 = arith.cmpi ne, %convert_element_type3A_302, %cond3A_303 : i32
      scf.if %cond3A_304 {
        %dma_start3A_321 = arith.constant 0 : i32
        %dma_start3A_322 = tpu.memref_slice %arg6[%add3A_299, %dma_start3A_321] : memref<40x64xi32, #tpu.memory_space<vmem>> -> memref<1x64xi32, #tpu.memory_space<vmem>>
        %dma_start3A_323 = tpu.memref_squeeze %dma_start3A_322 : memref<1x64xi32, #tpu.memory_space<vmem>> -> memref<64xi32, #tpu.memory_space<vmem>>
        %dma_start3A_324 = arith.constant 0 : i32
        %dma_start3A_325 = arith.constant 0 : i32
        %dma_start3A_326 = tpu.memref_slice %arg2[%dma_start3A_324, %dma_start3A_325] : memref<20000x128xf32, #tpu.memory_space<hbm>> -> memref<20000x128xf32, #tpu.memory_space<hbm>>
        tpu.enqueue_indirect_dma source(%dma_start3A_326 : memref<20000x128xf32, #tpu.memory_space<hbm>>) target(%arg10 : memref<64x128xf32, #tpu.memory_space<vmem>>) offsets(%dma_start3A_323 : memref<64xi32, #tpu.memory_space<vmem>>) semaphore(%arg15 : memref<!tpu.dma_semaphore, #tpu.memory_space<semaphore_mem>>)
      } else {
      }
      %dma_wait3A_305 = arith.constant 0 : i32
      %dma_wait3A_306 = tpu.memref_slice %arg7[%add3A_254, %dma_wait3A_305] : memref<40x64xi32, #tpu.memory_space<vmem>> -> memref<1x64xi32, #tpu.memory_space<vmem>>
      %dma_wait3A_307 = tpu.memref_squeeze %dma_wait3A_306 : memref<1x64xi32, #tpu.memory_space<vmem>> -> memref<64xi32, #tpu.memory_space<vmem>>
      %dma_wait3A_308 = arith.constant 0 : i32
      %dma_wait3A_309 = arith.constant 0 : i32
      %dma_wait3A_310 = tpu.memref_slice %arg12[%dma_wait3A_308, %dma_wait3A_309] : memref<10112x128xf32, #tpu.memory_space<vmem_shared>> -> memref<10112x128xf32, #tpu.memory_space<vmem_shared>>
      tpu.wait_indirect_dma semaphore(%arg16 : memref<!tpu.dma_semaphore, #tpu.memory_space<semaphore_mem>>) src(%arg11 : memref<64x128xf32, #tpu.memory_space<vmem>>) dst(%dma_wait3A_310 : memref<10112x128xf32, #tpu.memory_space<vmem_shared>>)
      %add3A_311 = arith.constant 4 : i32
      %add3A_312 = arith.addi %mul3A_205, %add3A_311 : i32
      %add3A_313 = arith.constant 3 : i32
      %add3A_314 = arith.addi %add3A_312, %add3A_313 : i32
      %lt3A_315 = arith.constant 40 : i32
      %lt3A_316 = arith.cmpi slt, %add3A_314, %lt3A_315 : i32
      %convert_element_type3A_317 = arith.extui %lt3A_316 : i1 to i32
      %cond3A_318 = arith.constant 0 : i32
      %cond3A_319 = arith.cmpi ne, %convert_element_type3A_317, %cond3A_318 : i32
      scf.if %cond3A_319 {
        %dma_start3A_321 = arith.constant 0 : i32
        %dma_start3A_322 = tpu.memref_slice %arg6[%add3A_314, %dma_start3A_321] : memref<40x64xi32, #tpu.memory_space<vmem>> -> memref<1x64xi32, #tpu.memory_space<vmem>>
        %dma_start3A_323 = tpu.memref_squeeze %dma_start3A_322 : memref<1x64xi32, #tpu.memory_space<vmem>> -> memref<64xi32, #tpu.memory_space<vmem>>
        %dma_start3A_324 = arith.constant 0 : i32
        %dma_start3A_325 = arith.constant 0 : i32
        %dma_start3A_326 = tpu.memref_slice %arg2[%dma_start3A_324, %dma_start3A_325] : memref<20000x128xf32, #tpu.memory_space<hbm>> -> memref<20000x128xf32, #tpu.memory_space<hbm>>
        tpu.enqueue_indirect_dma source(%dma_start3A_326 : memref<20000x128xf32, #tpu.memory_space<hbm>>) target(%arg11 : memref<64x128xf32, #tpu.memory_space<vmem>>) offsets(%dma_start3A_323 : memref<64xi32, #tpu.memory_space<vmem>>) semaphore(%arg16 : memref<!tpu.dma_semaphore, #tpu.memory_space<semaphore_mem>>)
      } else {
      }
      %scan3A_320 = arith.constant 0 : i32
      scf.yield %scan3A_320 : i32
    }
    %scan3A_67 = arith.constant 10 : i32
    %mul3A_68 = arith.constant 160 : i32
    %mul3A_69 = arith.muli %arg1, %mul3A_68 : i32
    %add3A_70 = arith.constant 40 : i32
    %add3A_71 = arith.addi %mul3A_69, %add3A_70 : i32
    "tpu.region"() ({
      %run_scoped3A = tpu.sem_alloc : memref<!tpu.dma_semaphore, #tpu.memory_space<semaphore_mem>>
      %dma_start3A_202 = arith.constant 0 : i32
      %dma_start3A_203 = arith.constant 0 : i32
      %dma_start3A_204 = tpu.memref_slice %arg3[%arg0, %dma_start3A_202, %dma_start3A_203] : memref<2x2560x64xi32, #tpu.memory_space<hbm>> -> memref<1x2560x64xi32, #tpu.memory_space<hbm>>
      %dma_start3A_205 = tpu.memref_squeeze %dma_start3A_204 : memref<1x2560x64xi32, #tpu.memory_space<hbm>> -> memref<2560x64xi32, #tpu.memory_space<hbm>>
      %dma_start3A_206 = arith.constant 0 : i32
      %dma_start3A_207 = tpu.memref_slice %dma_start3A_205[%add3A_71, %dma_start3A_206] : memref<2560x64xi32, #tpu.memory_space<hbm>> -> memref<40x64xi32, #tpu.memory_space<hbm>>
      %dma_start3A_208 = arith.constant 0 : i32
      %dma_start3A_209 = arith.constant 0 : i32
      %dma_start3A_210 = tpu.memref_slice %arg3[%arg0, %dma_start3A_208, %dma_start3A_209] : memref<2x2560x64xi32, #tpu.memory_space<hbm>> -> memref<1x2560x64xi32, #tpu.memory_space<hbm>>
      %dma_start3A_211 = tpu.memref_squeeze %dma_start3A_210 : memref<1x2560x64xi32, #tpu.memory_space<hbm>> -> memref<2560x64xi32, #tpu.memory_space<hbm>>
      %dma_start3A_212 = arith.constant 0 : i32
      %dma_start3A_213 = tpu.memref_slice %dma_start3A_211[%add3A_71, %dma_start3A_212] : memref<2560x64xi32, #tpu.memory_space<hbm>> -> memref<40x64xi32, #tpu.memory_space<hbm>>
      tpu.enqueue_dma source(%dma_start3A_213 : memref<40x64xi32, #tpu.memory_space<hbm>>) target(%arg6 : memref<40x64xi32, #tpu.memory_space<vmem>>) target_semaphore(%run_scoped3A : memref<!tpu.dma_semaphore, #tpu.memory_space<semaphore_mem>>)
      %dma_wait3A = arith.constant 0 : i32
      %dma_wait3A_214 = arith.constant 0 : i32
      %dma_wait3A_215 = tpu.memref_slice %arg3[%arg0, %dma_wait3A, %dma_wait3A_214] : memref<2x2560x64xi32, #tpu.memory_space<hbm>> -> memref<1x2560x64xi32, #tpu.memory_space<hbm>>
      %dma_wait3A_216 = tpu.memref_squeeze %dma_wait3A_215 : memref<1x2560x64xi32, #tpu.memory_space<hbm>> -> memref<2560x64xi32, #tpu.memory_space<hbm>>
      %dma_wait3A_217 = arith.constant 0 : i32
      %dma_wait3A_218 = tpu.memref_slice %dma_wait3A_216[%add3A_71, %dma_wait3A_217] : memref<2560x64xi32, #tpu.memory_space<hbm>> -> memref<40x64xi32, #tpu.memory_space<hbm>>
      %dma_wait3A_219 = arith.constant 0 : i32
      %dma_wait3A_220 = arith.constant 0 : i32
      %dma_wait3A_221 = tpu.memref_slice %arg3[%arg0, %dma_wait3A_219, %dma_wait3A_220] : memref<2x2560x64xi32, #tpu.memory_space<hbm>> -> memref<1x2560x64xi32, #tpu.memory_space<hbm>>
      %dma_wait3A_222 = tpu.memref_squeeze %dma_wait3A_221 : memref<1x2560x64xi32, #tpu.memory_space<hbm>> -> memref<2560x64xi32, #tpu.memory_space<hbm>>
      %dma_wait3A_223 = arith.constant 0 : i32
      %dma_wait3A_224 = tpu.memref_slice %dma_wait3A_222[%add3A_71, %dma_wait3A_223] : memref<2560x64xi32, #tpu.memory_space<hbm>> -> memref<40x64xi32, #tpu.memory_space<hbm>>
      tpu.wait_dma2 semaphore(%run_scoped3A : memref<!tpu.dma_semaphore, #tpu.memory_space<semaphore_mem>>) src(%dma_wait3A_224 : memref<40x64xi32, #tpu.memory_space<hbm>>) dst(%arg6 : memref<40x64xi32, #tpu.memory_space<vmem>>)
      tpu.yield
    }) : () -> ()
    %mul3A_72 = arith.constant 160 : i32
    %mul3A_73 = arith.muli %arg1, %mul3A_72 : i32
    %add3A_74 = arith.constant 40 : i32
    %add3A_75 = arith.addi %mul3A_73, %add3A_74 : i32
    "tpu.region"() ({
      %run_scoped3A = tpu.sem_alloc : memref<!tpu.dma_semaphore, #tpu.memory_space<semaphore_mem>>
      %dma_start3A_202 = arith.constant 0 : i32
      %dma_start3A_203 = tpu.memref_slice %arg4[%add3A_75, %dma_start3A_202] : memref<2560x64xi32, #tpu.memory_space<hbm>> -> memref<40x64xi32, #tpu.memory_space<hbm>>
      %dma_start3A_204 = arith.constant 0 : i32
      %dma_start3A_205 = tpu.memref_slice %arg4[%add3A_75, %dma_start3A_204] : memref<2560x64xi32, #tpu.memory_space<hbm>> -> memref<40x64xi32, #tpu.memory_space<hbm>>
      tpu.enqueue_dma source(%dma_start3A_205 : memref<40x64xi32, #tpu.memory_space<hbm>>) target(%arg7 : memref<40x64xi32, #tpu.memory_space<vmem>>) target_semaphore(%run_scoped3A : memref<!tpu.dma_semaphore, #tpu.memory_space<semaphore_mem>>)
      %dma_wait3A = arith.constant 0 : i32
      %dma_wait3A_206 = tpu.memref_slice %arg4[%add3A_75, %dma_wait3A] : memref<2560x64xi32, #tpu.memory_space<hbm>> -> memref<40x64xi32, #tpu.memory_space<hbm>>
      %dma_wait3A_207 = arith.constant 0 : i32
      %dma_wait3A_208 = tpu.memref_slice %arg4[%add3A_75, %dma_wait3A_207] : memref<2560x64xi32, #tpu.memory_space<hbm>> -> memref<40x64xi32, #tpu.memory_space<hbm>>
      tpu.wait_dma2 semaphore(%run_scoped3A : memref<!tpu.dma_semaphore, #tpu.memory_space<semaphore_mem>>) src(%dma_wait3A_208 : memref<40x64xi32, #tpu.memory_space<hbm>>) dst(%arg7 : memref<40x64xi32, #tpu.memory_space<vmem>>)
      tpu.yield
    }) : () -> ()
    %dma_start3A_76 = arith.constant 0 : i32
    %dma_start3A_77 = arith.constant 0 : i32
    %dma_start3A_78 = tpu.memref_slice %arg6[%dma_start3A_76, %dma_start3A_77] : memref<40x64xi32, #tpu.memory_space<vmem>> -> memref<1x64xi32, #tpu.memory_space<vmem>>
    %dma_start3A_79 = tpu.memref_squeeze %dma_start3A_78 : memref<1x64xi32, #tpu.memory_space<vmem>> -> memref<64xi32, #tpu.memory_space<vmem>>
    %dma_start3A_80 = arith.constant 0 : i32
    %dma_start3A_81 = arith.constant 0 : i32
    %dma_start3A_82 = tpu.memref_slice %arg2[%dma_start3A_80, %dma_start3A_81] : memref<20000x128xf32, #tpu.memory_space<hbm>> -> memref<20000x128xf32, #tpu.memory_space<hbm>>
    tpu.enqueue_indirect_dma source(%dma_start3A_82 : memref<20000x128xf32, #tpu.memory_space<hbm>>) target(%arg8 : memref<64x128xf32, #tpu.memory_space<vmem>>) offsets(%dma_start3A_79 : memref<64xi32, #tpu.memory_space<vmem>>) semaphore(%arg13 : memref<!tpu.dma_semaphore, #tpu.memory_space<semaphore_mem>>)
    %dma_start3A_83 = arith.constant 1 : i32
    %dma_start3A_84 = arith.constant 0 : i32
    %dma_start3A_85 = tpu.memref_slice %arg6[%dma_start3A_83, %dma_start3A_84] : memref<40x64xi32, #tpu.memory_space<vmem>> -> memref<1x64xi32, #tpu.memory_space<vmem>>
    %dma_start3A_86 = tpu.memref_squeeze %dma_start3A_85 : memref<1x64xi32, #tpu.memory_space<vmem>> -> memref<64xi32, #tpu.memory_space<vmem>>
    %dma_start3A_87 = arith.constant 0 : i32
    %dma_start3A_88 = arith.constant 0 : i32
    %dma_start3A_89 = tpu.memref_slice %arg2[%dma_start3A_87, %dma_start3A_88] : memref<20000x128xf32, #tpu.memory_space<hbm>> -> memref<20000x128xf32, #tpu.memory_space<hbm>>
    tpu.enqueue_indirect_dma source(%dma_start3A_89 : memref<20000x128xf32, #tpu.memory_space<hbm>>) target(%arg9 : memref<64x128xf32, #tpu.memory_space<vmem>>) offsets(%dma_start3A_86 : memref<64xi32, #tpu.memory_space<vmem>>) semaphore(%arg14 : memref<!tpu.dma_semaphore, #tpu.memory_space<semaphore_mem>>)
    %dma_start3A_90 = arith.constant 2 : i32
    %dma_start3A_91 = arith.constant 0 : i32
    %dma_start3A_92 = tpu.memref_slice %arg6[%dma_start3A_90, %dma_start3A_91] : memref<40x64xi32, #tpu.memory_space<vmem>> -> memref<1x64xi32, #tpu.memory_space<vmem>>
    %dma_start3A_93 = tpu.memref_squeeze %dma_start3A_92 : memref<1x64xi32, #tpu.memory_space<vmem>> -> memref<64xi32, #tpu.memory_space<vmem>>
    %dma_start3A_94 = arith.constant 0 : i32
    %dma_start3A_95 = arith.constant 0 : i32
    %dma_start3A_96 = tpu.memref_slice %arg2[%dma_start3A_94, %dma_start3A_95] : memref<20000x128xf32, #tpu.memory_space<hbm>> -> memref<20000x128xf32, #tpu.memory_space<hbm>>
    tpu.enqueue_indirect_dma source(%dma_start3A_96 : memref<20000x128xf32, #tpu.memory_space<hbm>>) target(%arg10 : memref<64x128xf32, #tpu.memory_space<vmem>>) offsets(%dma_start3A_93 : memref<64xi32, #tpu.memory_space<vmem>>) semaphore(%arg15 : memref<!tpu.dma_semaphore, #tpu.memory_space<semaphore_mem>>)
    %dma_start3A_97 = arith.constant 3 : i32
    %dma_start3A_98 = arith.constant 0 : i32
    %dma_start3A_99 = tpu.memref_slice %arg6[%dma_start3A_97, %dma_start3A_98] : memref<40x64xi32, #tpu.memory_space<vmem>> -> memref<1x64xi32, #tpu.memory_space<vmem>>
    %dma_start3A_100 = tpu.memref_squeeze %dma_start3A_99 : memref<1x64xi32, #tpu.memory_space<vmem>> -> memref<64xi32, #tpu.memory_space<vmem>>
    %dma_start3A_101 = arith.constant 0 : i32
    %dma_start3A_102 = arith.constant 0 : i32
    %dma_start3A_103 = tpu.memref_slice %arg2[%dma_start3A_101, %dma_start3A_102] : memref<20000x128xf32, #tpu.memory_space<hbm>> -> memref<20000x128xf32, #tpu.memory_space<hbm>>
    tpu.enqueue_indirect_dma source(%dma_start3A_103 : memref<20000x128xf32, #tpu.memory_space<hbm>>) target(%arg11 : memref<64x128xf32, #tpu.memory_space<vmem>>) offsets(%dma_start3A_100 : memref<64xi32, #tpu.memory_space<vmem>>) semaphore(%arg16 : memref<!tpu.dma_semaphore, #tpu.memory_space<semaphore_mem>>)
    %scan3A_104 = arith.constant 0 : i32
    %scan3A_105 = arith.constant 0 : i32
    %scan3A_106 = arith.constant 10 : i32
    %scan3A_107 = arith.addi %scan3A_105, %scan3A_106 : i32
    %scan3A_108 = arith.constant 1 : i32
    %scan3A_109 = scf.for %scan3A_202 = %scan3A_105 to %scan3A_107 step %scan3A_108 iter_args(%scan3A_203 = %scan3A_104) -> (i32)  : i32 {
      %mul3A_204 = arith.constant 4 : i32
      %mul3A_205 = arith.muli %scan3A_202, %mul3A_204 : i32
      %dma_wait3A = arith.constant 0 : i32
      %dma_wait3A_206 = arith.constant 0 : i32
      %dma_wait3A_207 = tpu.memref_slice %arg2[%dma_wait3A, %dma_wait3A_206] : memref<20000x128xf32, #tpu.memory_space<hbm>> -> memref<64x128xf32, #tpu.memory_space<hbm>>
      %dma_wait3A_208 = arith.constant 0 : i32
      %dma_wait3A_209 = arith.constant 0 : i32
      %dma_wait3A_210 = tpu.memref_slice %arg2[%dma_wait3A_208, %dma_wait3A_209] : memref<20000x128xf32, #tpu.memory_space<hbm>> -> memref<64x128xf32, #tpu.memory_space<hbm>>
      tpu.wait_dma2 semaphore(%arg13 : memref<!tpu.dma_semaphore, #tpu.memory_space<semaphore_mem>>) src(%dma_wait3A_210 : memref<64x128xf32, #tpu.memory_space<hbm>>) dst(%arg8 : memref<64x128xf32, #tpu.memory_space<vmem>>)
      %add3A_211 = arith.constant 0 : i32
      %add3A_212 = arith.addi %mul3A_205, %add3A_211 : i32
      %dma_start3A_213 = arith.constant 0 : i32
      %dma_start3A_214 = tpu.memref_slice %arg7[%add3A_212, %dma_start3A_213] : memref<40x64xi32, #tpu.memory_space<vmem>> -> memref<1x64xi32, #tpu.memory_space<vmem>>
      %dma_start3A_215 = tpu.memref_squeeze %dma_start3A_214 : memref<1x64xi32, #tpu.memory_space<vmem>> -> memref<64xi32, #tpu.memory_space<vmem>>
      %dma_start3A_216 = arith.constant 0 : i32
      %dma_start3A_217 = arith.constant 0 : i32
      %dma_start3A_218 = tpu.memref_slice %arg12[%dma_start3A_216, %dma_start3A_217] : memref<10112x128xf32, #tpu.memory_space<vmem_shared>> -> memref<10112x128xf32, #tpu.memory_space<vmem_shared>>
      tpu.enqueue_indirect_dma source(%arg8 : memref<64x128xf32, #tpu.memory_space<vmem>>) target(%dma_start3A_218 : memref<10112x128xf32, #tpu.memory_space<vmem_shared>>) offsets(%dma_start3A_215 : memref<64xi32, #tpu.memory_space<vmem>>) semaphore(%arg13 : memref<!tpu.dma_semaphore, #tpu.memory_space<semaphore_mem>>) {add = true}
      %dma_wait3A_219 = arith.constant 0 : i32
      %dma_wait3A_220 = arith.constant 0 : i32
      %dma_wait3A_221 = tpu.memref_slice %arg2[%dma_wait3A_219, %dma_wait3A_220] : memref<20000x128xf32, #tpu.memory_space<hbm>> -> memref<64x128xf32, #tpu.memory_space<hbm>>
      %dma_wait3A_222 = arith.constant 0 : i32
      %dma_wait3A_223 = arith.constant 0 : i32
      %dma_wait3A_224 = tpu.memref_slice %arg2[%dma_wait3A_222, %dma_wait3A_223] : memref<20000x128xf32, #tpu.memory_space<hbm>> -> memref<64x128xf32, #tpu.memory_space<hbm>>
      tpu.wait_dma2 semaphore(%arg14 : memref<!tpu.dma_semaphore, #tpu.memory_space<semaphore_mem>>) src(%dma_wait3A_224 : memref<64x128xf32, #tpu.memory_space<hbm>>) dst(%arg9 : memref<64x128xf32, #tpu.memory_space<vmem>>)
      %add3A_225 = arith.constant 1 : i32
      %add3A_226 = arith.addi %mul3A_205, %add3A_225 : i32
      %dma_start3A_227 = arith.constant 0 : i32
      %dma_start3A_228 = tpu.memref_slice %arg7[%add3A_226, %dma_start3A_227] : memref<40x64xi32, #tpu.memory_space<vmem>> -> memref<1x64xi32, #tpu.memory_space<vmem>>
      %dma_start3A_229 = tpu.memref_squeeze %dma_start3A_228 : memref<1x64xi32, #tpu.memory_space<vmem>> -> memref<64xi32, #tpu.memory_space<vmem>>
      %dma_start3A_230 = arith.constant 0 : i32
      %dma_start3A_231 = arith.constant 0 : i32
      %dma_start3A_232 = tpu.memref_slice %arg12[%dma_start3A_230, %dma_start3A_231] : memref<10112x128xf32, #tpu.memory_space<vmem_shared>> -> memref<10112x128xf32, #tpu.memory_space<vmem_shared>>
      tpu.enqueue_indirect_dma source(%arg9 : memref<64x128xf32, #tpu.memory_space<vmem>>) target(%dma_start3A_232 : memref<10112x128xf32, #tpu.memory_space<vmem_shared>>) offsets(%dma_start3A_229 : memref<64xi32, #tpu.memory_space<vmem>>) semaphore(%arg14 : memref<!tpu.dma_semaphore, #tpu.memory_space<semaphore_mem>>) {add = true}
      %dma_wait3A_233 = arith.constant 0 : i32
      %dma_wait3A_234 = arith.constant 0 : i32
      %dma_wait3A_235 = tpu.memref_slice %arg2[%dma_wait3A_233, %dma_wait3A_234] : memref<20000x128xf32, #tpu.memory_space<hbm>> -> memref<64x128xf32, #tpu.memory_space<hbm>>
      %dma_wait3A_236 = arith.constant 0 : i32
      %dma_wait3A_237 = arith.constant 0 : i32
      %dma_wait3A_238 = tpu.memref_slice %arg2[%dma_wait3A_236, %dma_wait3A_237] : memref<20000x128xf32, #tpu.memory_space<hbm>> -> memref<64x128xf32, #tpu.memory_space<hbm>>
      tpu.wait_dma2 semaphore(%arg15 : memref<!tpu.dma_semaphore, #tpu.memory_space<semaphore_mem>>) src(%dma_wait3A_238 : memref<64x128xf32, #tpu.memory_space<hbm>>) dst(%arg10 : memref<64x128xf32, #tpu.memory_space<vmem>>)
      %add3A_239 = arith.constant 2 : i32
      %add3A_240 = arith.addi %mul3A_205, %add3A_239 : i32
      %dma_start3A_241 = arith.constant 0 : i32
      %dma_start3A_242 = tpu.memref_slice %arg7[%add3A_240, %dma_start3A_241] : memref<40x64xi32, #tpu.memory_space<vmem>> -> memref<1x64xi32, #tpu.memory_space<vmem>>
      %dma_start3A_243 = tpu.memref_squeeze %dma_start3A_242 : memref<1x64xi32, #tpu.memory_space<vmem>> -> memref<64xi32, #tpu.memory_space<vmem>>
      %dma_start3A_244 = arith.constant 0 : i32
      %dma_start3A_245 = arith.constant 0 : i32
      %dma_start3A_246 = tpu.memref_slice %arg12[%dma_start3A_244, %dma_start3A_245] : memref<10112x128xf32, #tpu.memory_space<vmem_shared>> -> memref<10112x128xf32, #tpu.memory_space<vmem_shared>>
      tpu.enqueue_indirect_dma source(%arg10 : memref<64x128xf32, #tpu.memory_space<vmem>>) target(%dma_start3A_246 : memref<10112x128xf32, #tpu.memory_space<vmem_shared>>) offsets(%dma_start3A_243 : memref<64xi32, #tpu.memory_space<vmem>>) semaphore(%arg15 : memref<!tpu.dma_semaphore, #tpu.memory_space<semaphore_mem>>) {add = true}
      %dma_wait3A_247 = arith.constant 0 : i32
      %dma_wait3A_248 = arith.constant 0 : i32
      %dma_wait3A_249 = tpu.memref_slice %arg2[%dma_wait3A_247, %dma_wait3A_248] : memref<20000x128xf32, #tpu.memory_space<hbm>> -> memref<64x128xf32, #tpu.memory_space<hbm>>
      %dma_wait3A_250 = arith.constant 0 : i32
      %dma_wait3A_251 = arith.constant 0 : i32
      %dma_wait3A_252 = tpu.memref_slice %arg2[%dma_wait3A_250, %dma_wait3A_251] : memref<20000x128xf32, #tpu.memory_space<hbm>> -> memref<64x128xf32, #tpu.memory_space<hbm>>
      tpu.wait_dma2 semaphore(%arg16 : memref<!tpu.dma_semaphore, #tpu.memory_space<semaphore_mem>>) src(%dma_wait3A_252 : memref<64x128xf32, #tpu.memory_space<hbm>>) dst(%arg11 : memref<64x128xf32, #tpu.memory_space<vmem>>)
      %add3A_253 = arith.constant 3 : i32
      %add3A_254 = arith.addi %mul3A_205, %add3A_253 : i32
      %dma_start3A_255 = arith.constant 0 : i32
      %dma_start3A_256 = tpu.memref_slice %arg7[%add3A_254, %dma_start3A_255] : memref<40x64xi32, #tpu.memory_space<vmem>> -> memref<1x64xi32, #tpu.memory_space<vmem>>
      %dma_start3A_257 = tpu.memref_squeeze %dma_start3A_256 : memref<1x64xi32, #tpu.memory_space<vmem>> -> memref<64xi32, #tpu.memory_space<vmem>>
      %dma_start3A_258 = arith.constant 0 : i32
      %dma_start3A_259 = arith.constant 0 : i32
      %dma_start3A_260 = tpu.memref_slice %arg12[%dma_start3A_258, %dma_start3A_259] : memref<10112x128xf32, #tpu.memory_space<vmem_shared>> -> memref<10112x128xf32, #tpu.memory_space<vmem_shared>>
      tpu.enqueue_indirect_dma source(%arg11 : memref<64x128xf32, #tpu.memory_space<vmem>>) target(%dma_start3A_260 : memref<10112x128xf32, #tpu.memory_space<vmem_shared>>) offsets(%dma_start3A_257 : memref<64xi32, #tpu.memory_space<vmem>>) semaphore(%arg16 : memref<!tpu.dma_semaphore, #tpu.memory_space<semaphore_mem>>) {add = true}
      %dma_wait3A_261 = arith.constant 0 : i32
      %dma_wait3A_262 = tpu.memref_slice %arg7[%add3A_212, %dma_wait3A_261] : memref<40x64xi32, #tpu.memory_space<vmem>> -> memref<1x64xi32, #tpu.memory_space<vmem>>
      %dma_wait3A_263 = tpu.memref_squeeze %dma_wait3A_262 : memref<1x64xi32, #tpu.memory_space<vmem>> -> memref<64xi32, #tpu.memory_space<vmem>>
      %dma_wait3A_264 = arith.constant 0 : i32
      %dma_wait3A_265 = arith.constant 0 : i32
      %dma_wait3A_266 = tpu.memref_slice %arg12[%dma_wait3A_264, %dma_wait3A_265] : memref<10112x128xf32, #tpu.memory_space<vmem_shared>> -> memref<10112x128xf32, #tpu.memory_space<vmem_shared>>
      tpu.wait_indirect_dma semaphore(%arg13 : memref<!tpu.dma_semaphore, #tpu.memory_space<semaphore_mem>>) src(%arg8 : memref<64x128xf32, #tpu.memory_space<vmem>>) dst(%dma_wait3A_266 : memref<10112x128xf32, #tpu.memory_space<vmem_shared>>)
      %add3A_267 = arith.constant 4 : i32
      %add3A_268 = arith.addi %mul3A_205, %add3A_267 : i32
      %add3A_269 = arith.constant 0 : i32
      %add3A_270 = arith.addi %add3A_268, %add3A_269 : i32
      %lt3A = arith.constant 40 : i32
      %lt3A_271 = arith.cmpi slt, %add3A_270, %lt3A : i32
      %convert_element_type3A_272 = arith.extui %lt3A_271 : i1 to i32
      %cond3A_273 = arith.constant 0 : i32
      %cond3A_274 = arith.cmpi ne, %convert_element_type3A_272, %cond3A_273 : i32
      scf.if %cond3A_274 {
        %dma_start3A_321 = arith.constant 0 : i32
        %dma_start3A_322 = tpu.memref_slice %arg6[%add3A_270, %dma_start3A_321] : memref<40x64xi32, #tpu.memory_space<vmem>> -> memref<1x64xi32, #tpu.memory_space<vmem>>
        %dma_start3A_323 = tpu.memref_squeeze %dma_start3A_322 : memref<1x64xi32, #tpu.memory_space<vmem>> -> memref<64xi32, #tpu.memory_space<vmem>>
        %dma_start3A_324 = arith.constant 0 : i32
        %dma_start3A_325 = arith.constant 0 : i32
        %dma_start3A_326 = tpu.memref_slice %arg2[%dma_start3A_324, %dma_start3A_325] : memref<20000x128xf32, #tpu.memory_space<hbm>> -> memref<20000x128xf32, #tpu.memory_space<hbm>>
        tpu.enqueue_indirect_dma source(%dma_start3A_326 : memref<20000x128xf32, #tpu.memory_space<hbm>>) target(%arg8 : memref<64x128xf32, #tpu.memory_space<vmem>>) offsets(%dma_start3A_323 : memref<64xi32, #tpu.memory_space<vmem>>) semaphore(%arg13 : memref<!tpu.dma_semaphore, #tpu.memory_space<semaphore_mem>>)
      } else {
      }
      %dma_wait3A_275 = arith.constant 0 : i32
      %dma_wait3A_276 = tpu.memref_slice %arg7[%add3A_226, %dma_wait3A_275] : memref<40x64xi32, #tpu.memory_space<vmem>> -> memref<1x64xi32, #tpu.memory_space<vmem>>
      %dma_wait3A_277 = tpu.memref_squeeze %dma_wait3A_276 : memref<1x64xi32, #tpu.memory_space<vmem>> -> memref<64xi32, #tpu.memory_space<vmem>>
      %dma_wait3A_278 = arith.constant 0 : i32
      %dma_wait3A_279 = arith.constant 0 : i32
      %dma_wait3A_280 = tpu.memref_slice %arg12[%dma_wait3A_278, %dma_wait3A_279] : memref<10112x128xf32, #tpu.memory_space<vmem_shared>> -> memref<10112x128xf32, #tpu.memory_space<vmem_shared>>
      tpu.wait_indirect_dma semaphore(%arg14 : memref<!tpu.dma_semaphore, #tpu.memory_space<semaphore_mem>>) src(%arg9 : memref<64x128xf32, #tpu.memory_space<vmem>>) dst(%dma_wait3A_280 : memref<10112x128xf32, #tpu.memory_space<vmem_shared>>)
      %add3A_281 = arith.constant 4 : i32
      %add3A_282 = arith.addi %mul3A_205, %add3A_281 : i32
      %add3A_283 = arith.constant 1 : i32
      %add3A_284 = arith.addi %add3A_282, %add3A_283 : i32
      %lt3A_285 = arith.constant 40 : i32
      %lt3A_286 = arith.cmpi slt, %add3A_284, %lt3A_285 : i32
      %convert_element_type3A_287 = arith.extui %lt3A_286 : i1 to i32
      %cond3A_288 = arith.constant 0 : i32
      %cond3A_289 = arith.cmpi ne, %convert_element_type3A_287, %cond3A_288 : i32
      scf.if %cond3A_289 {
        %dma_start3A_321 = arith.constant 0 : i32
        %dma_start3A_322 = tpu.memref_slice %arg6[%add3A_284, %dma_start3A_321] : memref<40x64xi32, #tpu.memory_space<vmem>> -> memref<1x64xi32, #tpu.memory_space<vmem>>
        %dma_start3A_323 = tpu.memref_squeeze %dma_start3A_322 : memref<1x64xi32, #tpu.memory_space<vmem>> -> memref<64xi32, #tpu.memory_space<vmem>>
        %dma_start3A_324 = arith.constant 0 : i32
        %dma_start3A_325 = arith.constant 0 : i32
        %dma_start3A_326 = tpu.memref_slice %arg2[%dma_start3A_324, %dma_start3A_325] : memref<20000x128xf32, #tpu.memory_space<hbm>> -> memref<20000x128xf32, #tpu.memory_space<hbm>>
        tpu.enqueue_indirect_dma source(%dma_start3A_326 : memref<20000x128xf32, #tpu.memory_space<hbm>>) target(%arg9 : memref<64x128xf32, #tpu.memory_space<vmem>>) offsets(%dma_start3A_323 : memref<64xi32, #tpu.memory_space<vmem>>) semaphore(%arg14 : memref<!tpu.dma_semaphore, #tpu.memory_space<semaphore_mem>>)
      } else {
      }
      %dma_wait3A_290 = arith.constant 0 : i32
      %dma_wait3A_291 = tpu.memref_slice %arg7[%add3A_240, %dma_wait3A_290] : memref<40x64xi32, #tpu.memory_space<vmem>> -> memref<1x64xi32, #tpu.memory_space<vmem>>
      %dma_wait3A_292 = tpu.memref_squeeze %dma_wait3A_291 : memref<1x64xi32, #tpu.memory_space<vmem>> -> memref<64xi32, #tpu.memory_space<vmem>>
      %dma_wait3A_293 = arith.constant 0 : i32
      %dma_wait3A_294 = arith.constant 0 : i32
      %dma_wait3A_295 = tpu.memref_slice %arg12[%dma_wait3A_293, %dma_wait3A_294] : memref<10112x128xf32, #tpu.memory_space<vmem_shared>> -> memref<10112x128xf32, #tpu.memory_space<vmem_shared>>
      tpu.wait_indirect_dma semaphore(%arg15 : memref<!tpu.dma_semaphore, #tpu.memory_space<semaphore_mem>>) src(%arg10 : memref<64x128xf32, #tpu.memory_space<vmem>>) dst(%dma_wait3A_295 : memref<10112x128xf32, #tpu.memory_space<vmem_shared>>)
      %add3A_296 = arith.constant 4 : i32
      %add3A_297 = arith.addi %mul3A_205, %add3A_296 : i32
      %add3A_298 = arith.constant 2 : i32
      %add3A_299 = arith.addi %add3A_297, %add3A_298 : i32
      %lt3A_300 = arith.constant 40 : i32
      %lt3A_301 = arith.cmpi slt, %add3A_299, %lt3A_300 : i32
      %convert_element_type3A_302 = arith.extui %lt3A_301 : i1 to i32
      %cond3A_303 = arith.constant 0 : i32
      %cond3A_304 = arith.cmpi ne, %convert_element_type3A_302, %cond3A_303 : i32
      scf.if %cond3A_304 {
        %dma_start3A_321 = arith.constant 0 : i32
        %dma_start3A_322 = tpu.memref_slice %arg6[%add3A_299, %dma_start3A_321] : memref<40x64xi32, #tpu.memory_space<vmem>> -> memref<1x64xi32, #tpu.memory_space<vmem>>
        %dma_start3A_323 = tpu.memref_squeeze %dma_start3A_322 : memref<1x64xi32, #tpu.memory_space<vmem>> -> memref<64xi32, #tpu.memory_space<vmem>>
        %dma_start3A_324 = arith.constant 0 : i32
        %dma_start3A_325 = arith.constant 0 : i32
        %dma_start3A_326 = tpu.memref_slice %arg2[%dma_start3A_324, %dma_start3A_325] : memref<20000x128xf32, #tpu.memory_space<hbm>> -> memref<20000x128xf32, #tpu.memory_space<hbm>>
        tpu.enqueue_indirect_dma source(%dma_start3A_326 : memref<20000x128xf32, #tpu.memory_space<hbm>>) target(%arg10 : memref<64x128xf32, #tpu.memory_space<vmem>>) offsets(%dma_start3A_323 : memref<64xi32, #tpu.memory_space<vmem>>) semaphore(%arg15 : memref<!tpu.dma_semaphore, #tpu.memory_space<semaphore_mem>>)
      } else {
      }
      %dma_wait3A_305 = arith.constant 0 : i32
      %dma_wait3A_306 = tpu.memref_slice %arg7[%add3A_254, %dma_wait3A_305] : memref<40x64xi32, #tpu.memory_space<vmem>> -> memref<1x64xi32, #tpu.memory_space<vmem>>
      %dma_wait3A_307 = tpu.memref_squeeze %dma_wait3A_306 : memref<1x64xi32, #tpu.memory_space<vmem>> -> memref<64xi32, #tpu.memory_space<vmem>>
      %dma_wait3A_308 = arith.constant 0 : i32
      %dma_wait3A_309 = arith.constant 0 : i32
      %dma_wait3A_310 = tpu.memref_slice %arg12[%dma_wait3A_308, %dma_wait3A_309] : memref<10112x128xf32, #tpu.memory_space<vmem_shared>> -> memref<10112x128xf32, #tpu.memory_space<vmem_shared>>
      tpu.wait_indirect_dma semaphore(%arg16 : memref<!tpu.dma_semaphore, #tpu.memory_space<semaphore_mem>>) src(%arg11 : memref<64x128xf32, #tpu.memory_space<vmem>>) dst(%dma_wait3A_310 : memref<10112x128xf32, #tpu.memory_space<vmem_shared>>)
      %add3A_311 = arith.constant 4 : i32
      %add3A_312 = arith.addi %mul3A_205, %add3A_311 : i32
      %add3A_313 = arith.constant 3 : i32
      %add3A_314 = arith.addi %add3A_312, %add3A_313 : i32
      %lt3A_315 = arith.constant 40 : i32
      %lt3A_316 = arith.cmpi slt, %add3A_314, %lt3A_315 : i32
      %convert_element_type3A_317 = arith.extui %lt3A_316 : i1 to i32
      %cond3A_318 = arith.constant 0 : i32
      %cond3A_319 = arith.cmpi ne, %convert_element_type3A_317, %cond3A_318 : i32
      scf.if %cond3A_319 {
        %dma_start3A_321 = arith.constant 0 : i32
        %dma_start3A_322 = tpu.memref_slice %arg6[%add3A_314, %dma_start3A_321] : memref<40x64xi32, #tpu.memory_space<vmem>> -> memref<1x64xi32, #tpu.memory_space<vmem>>
        %dma_start3A_323 = tpu.memref_squeeze %dma_start3A_322 : memref<1x64xi32, #tpu.memory_space<vmem>> -> memref<64xi32, #tpu.memory_space<vmem>>
        %dma_start3A_324 = arith.constant 0 : i32
        %dma_start3A_325 = arith.constant 0 : i32
        %dma_start3A_326 = tpu.memref_slice %arg2[%dma_start3A_324, %dma_start3A_325] : memref<20000x128xf32, #tpu.memory_space<hbm>> -> memref<20000x128xf32, #tpu.memory_space<hbm>>
        tpu.enqueue_indirect_dma source(%dma_start3A_326 : memref<20000x128xf32, #tpu.memory_space<hbm>>) target(%arg11 : memref<64x128xf32, #tpu.memory_space<vmem>>) offsets(%dma_start3A_323 : memref<64xi32, #tpu.memory_space<vmem>>) semaphore(%arg16 : memref<!tpu.dma_semaphore, #tpu.memory_space<semaphore_mem>>)
      } else {
      }
      %scan3A_320 = arith.constant 0 : i32
      scf.yield %scan3A_320 : i32
    }
    %scan3A_110 = arith.constant 10 : i32
    %mul3A_111 = arith.constant 160 : i32
    %mul3A_112 = arith.muli %arg1, %mul3A_111 : i32
    %add3A_113 = arith.constant 80 : i32
    %add3A_114 = arith.addi %mul3A_112, %add3A_113 : i32
    "tpu.region"() ({
      %run_scoped3A = tpu.sem_alloc : memref<!tpu.dma_semaphore, #tpu.memory_space<semaphore_mem>>
      %dma_start3A_202 = arith.constant 0 : i32
      %dma_start3A_203 = arith.constant 0 : i32
      %dma_start3A_204 = tpu.memref_slice %arg3[%arg0, %dma_start3A_202, %dma_start3A_203] : memref<2x2560x64xi32, #tpu.memory_space<hbm>> -> memref<1x2560x64xi32, #tpu.memory_space<hbm>>
      %dma_start3A_205 = tpu.memref_squeeze %dma_start3A_204 : memref<1x2560x64xi32, #tpu.memory_space<hbm>> -> memref<2560x64xi32, #tpu.memory_space<hbm>>
      %dma_start3A_206 = arith.constant 0 : i32
      %dma_start3A_207 = tpu.memref_slice %dma_start3A_205[%add3A_114, %dma_start3A_206] : memref<2560x64xi32, #tpu.memory_space<hbm>> -> memref<40x64xi32, #tpu.memory_space<hbm>>
      %dma_start3A_208 = arith.constant 0 : i32
      %dma_start3A_209 = arith.constant 0 : i32
      %dma_start3A_210 = tpu.memref_slice %arg3[%arg0, %dma_start3A_208, %dma_start3A_209] : memref<2x2560x64xi32, #tpu.memory_space<hbm>> -> memref<1x2560x64xi32, #tpu.memory_space<hbm>>
      %dma_start3A_211 = tpu.memref_squeeze %dma_start3A_210 : memref<1x2560x64xi32, #tpu.memory_space<hbm>> -> memref<2560x64xi32, #tpu.memory_space<hbm>>
      %dma_start3A_212 = arith.constant 0 : i32
      %dma_start3A_213 = tpu.memref_slice %dma_start3A_211[%add3A_114, %dma_start3A_212] : memref<2560x64xi32, #tpu.memory_space<hbm>> -> memref<40x64xi32, #tpu.memory_space<hbm>>
      tpu.enqueue_dma source(%dma_start3A_213 : memref<40x64xi32, #tpu.memory_space<hbm>>) target(%arg6 : memref<40x64xi32, #tpu.memory_space<vmem>>) target_semaphore(%run_scoped3A : memref<!tpu.dma_semaphore, #tpu.memory_space<semaphore_mem>>)
      %dma_wait3A = arith.constant 0 : i32
      %dma_wait3A_214 = arith.constant 0 : i32
      %dma_wait3A_215 = tpu.memref_slice %arg3[%arg0, %dma_wait3A, %dma_wait3A_214] : memref<2x2560x64xi32, #tpu.memory_space<hbm>> -> memref<1x2560x64xi32, #tpu.memory_space<hbm>>
      %dma_wait3A_216 = tpu.memref_squeeze %dma_wait3A_215 : memref<1x2560x64xi32, #tpu.memory_space<hbm>> -> memref<2560x64xi32, #tpu.memory_space<hbm>>
      %dma_wait3A_217 = arith.constant 0 : i32
      %dma_wait3A_218 = tpu.memref_slice %dma_wait3A_216[%add3A_114, %dma_wait3A_217] : memref<2560x64xi32, #tpu.memory_space<hbm>> -> memref<40x64xi32, #tpu.memory_space<hbm>>
      %dma_wait3A_219 = arith.constant 0 : i32
      %dma_wait3A_220 = arith.constant 0 : i32
      %dma_wait3A_221 = tpu.memref_slice %arg3[%arg0, %dma_wait3A_219, %dma_wait3A_220] : memref<2x2560x64xi32, #tpu.memory_space<hbm>> -> memref<1x2560x64xi32, #tpu.memory_space<hbm>>
      %dma_wait3A_222 = tpu.memref_squeeze %dma_wait3A_221 : memref<1x2560x64xi32, #tpu.memory_space<hbm>> -> memref<2560x64xi32, #tpu.memory_space<hbm>>
      %dma_wait3A_223 = arith.constant 0 : i32
      %dma_wait3A_224 = tpu.memref_slice %dma_wait3A_222[%add3A_114, %dma_wait3A_223] : memref<2560x64xi32, #tpu.memory_space<hbm>> -> memref<40x64xi32, #tpu.memory_space<hbm>>
      tpu.wait_dma2 semaphore(%run_scoped3A : memref<!tpu.dma_semaphore, #tpu.memory_space<semaphore_mem>>) src(%dma_wait3A_224 : memref<40x64xi32, #tpu.memory_space<hbm>>) dst(%arg6 : memref<40x64xi32, #tpu.memory_space<vmem>>)
      tpu.yield
    }) : () -> ()
    %mul3A_115 = arith.constant 160 : i32
    %mul3A_116 = arith.muli %arg1, %mul3A_115 : i32
    %add3A_117 = arith.constant 80 : i32
    %add3A_118 = arith.addi %mul3A_116, %add3A_117 : i32
    "tpu.region"() ({
      %run_scoped3A = tpu.sem_alloc : memref<!tpu.dma_semaphore, #tpu.memory_space<semaphore_mem>>
      %dma_start3A_202 = arith.constant 0 : i32
      %dma_start3A_203 = tpu.memref_slice %arg4[%add3A_118, %dma_start3A_202] : memref<2560x64xi32, #tpu.memory_space<hbm>> -> memref<40x64xi32, #tpu.memory_space<hbm>>
      %dma_start3A_204 = arith.constant 0 : i32
      %dma_start3A_205 = tpu.memref_slice %arg4[%add3A_118, %dma_start3A_204] : memref<2560x64xi32, #tpu.memory_space<hbm>> -> memref<40x64xi32, #tpu.memory_space<hbm>>
      tpu.enqueue_dma source(%dma_start3A_205 : memref<40x64xi32, #tpu.memory_space<hbm>>) target(%arg7 : memref<40x64xi32, #tpu.memory_space<vmem>>) target_semaphore(%run_scoped3A : memref<!tpu.dma_semaphore, #tpu.memory_space<semaphore_mem>>)
      %dma_wait3A = arith.constant 0 : i32
      %dma_wait3A_206 = tpu.memref_slice %arg4[%add3A_118, %dma_wait3A] : memref<2560x64xi32, #tpu.memory_space<hbm>> -> memref<40x64xi32, #tpu.memory_space<hbm>>
      %dma_wait3A_207 = arith.constant 0 : i32
      %dma_wait3A_208 = tpu.memref_slice %arg4[%add3A_118, %dma_wait3A_207] : memref<2560x64xi32, #tpu.memory_space<hbm>> -> memref<40x64xi32, #tpu.memory_space<hbm>>
      tpu.wait_dma2 semaphore(%run_scoped3A : memref<!tpu.dma_semaphore, #tpu.memory_space<semaphore_mem>>) src(%dma_wait3A_208 : memref<40x64xi32, #tpu.memory_space<hbm>>) dst(%arg7 : memref<40x64xi32, #tpu.memory_space<vmem>>)
      tpu.yield
    }) : () -> ()
    %dma_start3A_119 = arith.constant 0 : i32
    %dma_start3A_120 = arith.constant 0 : i32
    %dma_start3A_121 = tpu.memref_slice %arg6[%dma_start3A_119, %dma_start3A_120] : memref<40x64xi32, #tpu.memory_space<vmem>> -> memref<1x64xi32, #tpu.memory_space<vmem>>
    %dma_start3A_122 = tpu.memref_squeeze %dma_start3A_121 : memref<1x64xi32, #tpu.memory_space<vmem>> -> memref<64xi32, #tpu.memory_space<vmem>>
    %dma_start3A_123 = arith.constant 0 : i32
    %dma_start3A_124 = arith.constant 0 : i32
    %dma_start3A_125 = tpu.memref_slice %arg2[%dma_start3A_123, %dma_start3A_124] : memref<20000x128xf32, #tpu.memory_space<hbm>> -> memref<20000x128xf32, #tpu.memory_space<hbm>>
    tpu.enqueue_indirect_dma source(%dma_start3A_125 : memref<20000x128xf32, #tpu.memory_space<hbm>>) target(%arg8 : memref<64x128xf32, #tpu.memory_space<vmem>>) offsets(%dma_start3A_122 : memref<64xi32, #tpu.memory_space<vmem>>) semaphore(%arg13 : memref<!tpu.dma_semaphore, #tpu.memory_space<semaphore_mem>>)
    %dma_start3A_126 = arith.constant 1 : i32
    %dma_start3A_127 = arith.constant 0 : i32
    %dma_start3A_128 = tpu.memref_slice %arg6[%dma_start3A_126, %dma_start3A_127] : memref<40x64xi32, #tpu.memory_space<vmem>> -> memref<1x64xi32, #tpu.memory_space<vmem>>
    %dma_start3A_129 = tpu.memref_squeeze %dma_start3A_128 : memref<1x64xi32, #tpu.memory_space<vmem>> -> memref<64xi32, #tpu.memory_space<vmem>>
    %dma_start3A_130 = arith.constant 0 : i32
    %dma_start3A_131 = arith.constant 0 : i32
    %dma_start3A_132 = tpu.memref_slice %arg2[%dma_start3A_130, %dma_start3A_131] : memref<20000x128xf32, #tpu.memory_space<hbm>> -> memref<20000x128xf32, #tpu.memory_space<hbm>>
    tpu.enqueue_indirect_dma source(%dma_start3A_132 : memref<20000x128xf32, #tpu.memory_space<hbm>>) target(%arg9 : memref<64x128xf32, #tpu.memory_space<vmem>>) offsets(%dma_start3A_129 : memref<64xi32, #tpu.memory_space<vmem>>) semaphore(%arg14 : memref<!tpu.dma_semaphore, #tpu.memory_space<semaphore_mem>>)
    %dma_start3A_133 = arith.constant 2 : i32
    %dma_start3A_134 = arith.constant 0 : i32
    %dma_start3A_135 = tpu.memref_slice %arg6[%dma_start3A_133, %dma_start3A_134] : memref<40x64xi32, #tpu.memory_space<vmem>> -> memref<1x64xi32, #tpu.memory_space<vmem>>
    %dma_start3A_136 = tpu.memref_squeeze %dma_start3A_135 : memref<1x64xi32, #tpu.memory_space<vmem>> -> memref<64xi32, #tpu.memory_space<vmem>>
    %dma_start3A_137 = arith.constant 0 : i32
    %dma_start3A_138 = arith.constant 0 : i32
    %dma_start3A_139 = tpu.memref_slice %arg2[%dma_start3A_137, %dma_start3A_138] : memref<20000x128xf32, #tpu.memory_space<hbm>> -> memref<20000x128xf32, #tpu.memory_space<hbm>>
    tpu.enqueue_indirect_dma source(%dma_start3A_139 : memref<20000x128xf32, #tpu.memory_space<hbm>>) target(%arg10 : memref<64x128xf32, #tpu.memory_space<vmem>>) offsets(%dma_start3A_136 : memref<64xi32, #tpu.memory_space<vmem>>) semaphore(%arg15 : memref<!tpu.dma_semaphore, #tpu.memory_space<semaphore_mem>>)
    %dma_start3A_140 = arith.constant 3 : i32
    %dma_start3A_141 = arith.constant 0 : i32
    %dma_start3A_142 = tpu.memref_slice %arg6[%dma_start3A_140, %dma_start3A_141] : memref<40x64xi32, #tpu.memory_space<vmem>> -> memref<1x64xi32, #tpu.memory_space<vmem>>
    %dma_start3A_143 = tpu.memref_squeeze %dma_start3A_142 : memref<1x64xi32, #tpu.memory_space<vmem>> -> memref<64xi32, #tpu.memory_space<vmem>>
    %dma_start3A_144 = arith.constant 0 : i32
    %dma_start3A_145 = arith.constant 0 : i32
    %dma_start3A_146 = tpu.memref_slice %arg2[%dma_start3A_144, %dma_start3A_145] : memref<20000x128xf32, #tpu.memory_space<hbm>> -> memref<20000x128xf32, #tpu.memory_space<hbm>>
    tpu.enqueue_indirect_dma source(%dma_start3A_146 : memref<20000x128xf32, #tpu.memory_space<hbm>>) target(%arg11 : memref<64x128xf32, #tpu.memory_space<vmem>>) offsets(%dma_start3A_143 : memref<64xi32, #tpu.memory_space<vmem>>) semaphore(%arg16 : memref<!tpu.dma_semaphore, #tpu.memory_space<semaphore_mem>>)
    %scan3A_147 = arith.constant 0 : i32
    %scan3A_148 = arith.constant 0 : i32
    %scan3A_149 = arith.constant 10 : i32
    %scan3A_150 = arith.addi %scan3A_148, %scan3A_149 : i32
    %scan3A_151 = arith.constant 1 : i32
    %scan3A_152 = scf.for %scan3A_202 = %scan3A_148 to %scan3A_150 step %scan3A_151 iter_args(%scan3A_203 = %scan3A_147) -> (i32)  : i32 {
      %mul3A_204 = arith.constant 4 : i32
      %mul3A_205 = arith.muli %scan3A_202, %mul3A_204 : i32
      %dma_wait3A = arith.constant 0 : i32
      %dma_wait3A_206 = arith.constant 0 : i32
      %dma_wait3A_207 = tpu.memref_slice %arg2[%dma_wait3A, %dma_wait3A_206] : memref<20000x128xf32, #tpu.memory_space<hbm>> -> memref<64x128xf32, #tpu.memory_space<hbm>>
      %dma_wait3A_208 = arith.constant 0 : i32
      %dma_wait3A_209 = arith.constant 0 : i32
      %dma_wait3A_210 = tpu.memref_slice %arg2[%dma_wait3A_208, %dma_wait3A_209] : memref<20000x128xf32, #tpu.memory_space<hbm>> -> memref<64x128xf32, #tpu.memory_space<hbm>>
      tpu.wait_dma2 semaphore(%arg13 : memref<!tpu.dma_semaphore, #tpu.memory_space<semaphore_mem>>) src(%dma_wait3A_210 : memref<64x128xf32, #tpu.memory_space<hbm>>) dst(%arg8 : memref<64x128xf32, #tpu.memory_space<vmem>>)
      %add3A_211 = arith.constant 0 : i32
      %add3A_212 = arith.addi %mul3A_205, %add3A_211 : i32
      %dma_start3A_213 = arith.constant 0 : i32
      %dma_start3A_214 = tpu.memref_slice %arg7[%add3A_212, %dma_start3A_213] : memref<40x64xi32, #tpu.memory_space<vmem>> -> memref<1x64xi32, #tpu.memory_space<vmem>>
      %dma_start3A_215 = tpu.memref_squeeze %dma_start3A_214 : memref<1x64xi32, #tpu.memory_space<vmem>> -> memref<64xi32, #tpu.memory_space<vmem>>
      %dma_start3A_216 = arith.constant 0 : i32
      %dma_start3A_217 = arith.constant 0 : i32
      %dma_start3A_218 = tpu.memref_slice %arg12[%dma_start3A_216, %dma_start3A_217] : memref<10112x128xf32, #tpu.memory_space<vmem_shared>> -> memref<10112x128xf32, #tpu.memory_space<vmem_shared>>
      tpu.enqueue_indirect_dma source(%arg8 : memref<64x128xf32, #tpu.memory_space<vmem>>) target(%dma_start3A_218 : memref<10112x128xf32, #tpu.memory_space<vmem_shared>>) offsets(%dma_start3A_215 : memref<64xi32, #tpu.memory_space<vmem>>) semaphore(%arg13 : memref<!tpu.dma_semaphore, #tpu.memory_space<semaphore_mem>>) {add = true}
      %dma_wait3A_219 = arith.constant 0 : i32
      %dma_wait3A_220 = arith.constant 0 : i32
      %dma_wait3A_221 = tpu.memref_slice %arg2[%dma_wait3A_219, %dma_wait3A_220] : memref<20000x128xf32, #tpu.memory_space<hbm>> -> memref<64x128xf32, #tpu.memory_space<hbm>>
      %dma_wait3A_222 = arith.constant 0 : i32
      %dma_wait3A_223 = arith.constant 0 : i32
      %dma_wait3A_224 = tpu.memref_slice %arg2[%dma_wait3A_222, %dma_wait3A_223] : memref<20000x128xf32, #tpu.memory_space<hbm>> -> memref<64x128xf32, #tpu.memory_space<hbm>>
      tpu.wait_dma2 semaphore(%arg14 : memref<!tpu.dma_semaphore, #tpu.memory_space<semaphore_mem>>) src(%dma_wait3A_224 : memref<64x128xf32, #tpu.memory_space<hbm>>) dst(%arg9 : memref<64x128xf32, #tpu.memory_space<vmem>>)
      %add3A_225 = arith.constant 1 : i32
      %add3A_226 = arith.addi %mul3A_205, %add3A_225 : i32
      %dma_start3A_227 = arith.constant 0 : i32
      %dma_start3A_228 = tpu.memref_slice %arg7[%add3A_226, %dma_start3A_227] : memref<40x64xi32, #tpu.memory_space<vmem>> -> memref<1x64xi32, #tpu.memory_space<vmem>>
      %dma_start3A_229 = tpu.memref_squeeze %dma_start3A_228 : memref<1x64xi32, #tpu.memory_space<vmem>> -> memref<64xi32, #tpu.memory_space<vmem>>
      %dma_start3A_230 = arith.constant 0 : i32
      %dma_start3A_231 = arith.constant 0 : i32
      %dma_start3A_232 = tpu.memref_slice %arg12[%dma_start3A_230, %dma_start3A_231] : memref<10112x128xf32, #tpu.memory_space<vmem_shared>> -> memref<10112x128xf32, #tpu.memory_space<vmem_shared>>
      tpu.enqueue_indirect_dma source(%arg9 : memref<64x128xf32, #tpu.memory_space<vmem>>) target(%dma_start3A_232 : memref<10112x128xf32, #tpu.memory_space<vmem_shared>>) offsets(%dma_start3A_229 : memref<64xi32, #tpu.memory_space<vmem>>) semaphore(%arg14 : memref<!tpu.dma_semaphore, #tpu.memory_space<semaphore_mem>>) {add = true}
      %dma_wait3A_233 = arith.constant 0 : i32
      %dma_wait3A_234 = arith.constant 0 : i32
      %dma_wait3A_235 = tpu.memref_slice %arg2[%dma_wait3A_233, %dma_wait3A_234] : memref<20000x128xf32, #tpu.memory_space<hbm>> -> memref<64x128xf32, #tpu.memory_space<hbm>>
      %dma_wait3A_236 = arith.constant 0 : i32
      %dma_wait3A_237 = arith.constant 0 : i32
      %dma_wait3A_238 = tpu.memref_slice %arg2[%dma_wait3A_236, %dma_wait3A_237] : memref<20000x128xf32, #tpu.memory_space<hbm>> -> memref<64x128xf32, #tpu.memory_space<hbm>>
      tpu.wait_dma2 semaphore(%arg15 : memref<!tpu.dma_semaphore, #tpu.memory_space<semaphore_mem>>) src(%dma_wait3A_238 : memref<64x128xf32, #tpu.memory_space<hbm>>) dst(%arg10 : memref<64x128xf32, #tpu.memory_space<vmem>>)
      %add3A_239 = arith.constant 2 : i32
      %add3A_240 = arith.addi %mul3A_205, %add3A_239 : i32
      %dma_start3A_241 = arith.constant 0 : i32
      %dma_start3A_242 = tpu.memref_slice %arg7[%add3A_240, %dma_start3A_241] : memref<40x64xi32, #tpu.memory_space<vmem>> -> memref<1x64xi32, #tpu.memory_space<vmem>>
      %dma_start3A_243 = tpu.memref_squeeze %dma_start3A_242 : memref<1x64xi32, #tpu.memory_space<vmem>> -> memref<64xi32, #tpu.memory_space<vmem>>
      %dma_start3A_244 = arith.constant 0 : i32
      %dma_start3A_245 = arith.constant 0 : i32
      %dma_start3A_246 = tpu.memref_slice %arg12[%dma_start3A_244, %dma_start3A_245] : memref<10112x128xf32, #tpu.memory_space<vmem_shared>> -> memref<10112x128xf32, #tpu.memory_space<vmem_shared>>
      tpu.enqueue_indirect_dma source(%arg10 : memref<64x128xf32, #tpu.memory_space<vmem>>) target(%dma_start3A_246 : memref<10112x128xf32, #tpu.memory_space<vmem_shared>>) offsets(%dma_start3A_243 : memref<64xi32, #tpu.memory_space<vmem>>) semaphore(%arg15 : memref<!tpu.dma_semaphore, #tpu.memory_space<semaphore_mem>>) {add = true}
      %dma_wait3A_247 = arith.constant 0 : i32
      %dma_wait3A_248 = arith.constant 0 : i32
      %dma_wait3A_249 = tpu.memref_slice %arg2[%dma_wait3A_247, %dma_wait3A_248] : memref<20000x128xf32, #tpu.memory_space<hbm>> -> memref<64x128xf32, #tpu.memory_space<hbm>>
      %dma_wait3A_250 = arith.constant 0 : i32
      %dma_wait3A_251 = arith.constant 0 : i32
      %dma_wait3A_252 = tpu.memref_slice %arg2[%dma_wait3A_250, %dma_wait3A_251] : memref<20000x128xf32, #tpu.memory_space<hbm>> -> memref<64x128xf32, #tpu.memory_space<hbm>>
      tpu.wait_dma2 semaphore(%arg16 : memref<!tpu.dma_semaphore, #tpu.memory_space<semaphore_mem>>) src(%dma_wait3A_252 : memref<64x128xf32, #tpu.memory_space<hbm>>) dst(%arg11 : memref<64x128xf32, #tpu.memory_space<vmem>>)
      %add3A_253 = arith.constant 3 : i32
      %add3A_254 = arith.addi %mul3A_205, %add3A_253 : i32
      %dma_start3A_255 = arith.constant 0 : i32
      %dma_start3A_256 = tpu.memref_slice %arg7[%add3A_254, %dma_start3A_255] : memref<40x64xi32, #tpu.memory_space<vmem>> -> memref<1x64xi32, #tpu.memory_space<vmem>>
      %dma_start3A_257 = tpu.memref_squeeze %dma_start3A_256 : memref<1x64xi32, #tpu.memory_space<vmem>> -> memref<64xi32, #tpu.memory_space<vmem>>
      %dma_start3A_258 = arith.constant 0 : i32
      %dma_start3A_259 = arith.constant 0 : i32
      %dma_start3A_260 = tpu.memref_slice %arg12[%dma_start3A_258, %dma_start3A_259] : memref<10112x128xf32, #tpu.memory_space<vmem_shared>> -> memref<10112x128xf32, #tpu.memory_space<vmem_shared>>
      tpu.enqueue_indirect_dma source(%arg11 : memref<64x128xf32, #tpu.memory_space<vmem>>) target(%dma_start3A_260 : memref<10112x128xf32, #tpu.memory_space<vmem_shared>>) offsets(%dma_start3A_257 : memref<64xi32, #tpu.memory_space<vmem>>) semaphore(%arg16 : memref<!tpu.dma_semaphore, #tpu.memory_space<semaphore_mem>>) {add = true}
      %dma_wait3A_261 = arith.constant 0 : i32
      %dma_wait3A_262 = tpu.memref_slice %arg7[%add3A_212, %dma_wait3A_261] : memref<40x64xi32, #tpu.memory_space<vmem>> -> memref<1x64xi32, #tpu.memory_space<vmem>>
      %dma_wait3A_263 = tpu.memref_squeeze %dma_wait3A_262 : memref<1x64xi32, #tpu.memory_space<vmem>> -> memref<64xi32, #tpu.memory_space<vmem>>
      %dma_wait3A_264 = arith.constant 0 : i32
      %dma_wait3A_265 = arith.constant 0 : i32
      %dma_wait3A_266 = tpu.memref_slice %arg12[%dma_wait3A_264, %dma_wait3A_265] : memref<10112x128xf32, #tpu.memory_space<vmem_shared>> -> memref<10112x128xf32, #tpu.memory_space<vmem_shared>>
      tpu.wait_indirect_dma semaphore(%arg13 : memref<!tpu.dma_semaphore, #tpu.memory_space<semaphore_mem>>) src(%arg8 : memref<64x128xf32, #tpu.memory_space<vmem>>) dst(%dma_wait3A_266 : memref<10112x128xf32, #tpu.memory_space<vmem_shared>>)
      %add3A_267 = arith.constant 4 : i32
      %add3A_268 = arith.addi %mul3A_205, %add3A_267 : i32
      %add3A_269 = arith.constant 0 : i32
      %add3A_270 = arith.addi %add3A_268, %add3A_269 : i32
      %lt3A = arith.constant 40 : i32
      %lt3A_271 = arith.cmpi slt, %add3A_270, %lt3A : i32
      %convert_element_type3A_272 = arith.extui %lt3A_271 : i1 to i32
      %cond3A_273 = arith.constant 0 : i32
      %cond3A_274 = arith.cmpi ne, %convert_element_type3A_272, %cond3A_273 : i32
      scf.if %cond3A_274 {
        %dma_start3A_321 = arith.constant 0 : i32
        %dma_start3A_322 = tpu.memref_slice %arg6[%add3A_270, %dma_start3A_321] : memref<40x64xi32, #tpu.memory_space<vmem>> -> memref<1x64xi32, #tpu.memory_space<vmem>>
        %dma_start3A_323 = tpu.memref_squeeze %dma_start3A_322 : memref<1x64xi32, #tpu.memory_space<vmem>> -> memref<64xi32, #tpu.memory_space<vmem>>
        %dma_start3A_324 = arith.constant 0 : i32
        %dma_start3A_325 = arith.constant 0 : i32
        %dma_start3A_326 = tpu.memref_slice %arg2[%dma_start3A_324, %dma_start3A_325] : memref<20000x128xf32, #tpu.memory_space<hbm>> -> memref<20000x128xf32, #tpu.memory_space<hbm>>
        tpu.enqueue_indirect_dma source(%dma_start3A_326 : memref<20000x128xf32, #tpu.memory_space<hbm>>) target(%arg8 : memref<64x128xf32, #tpu.memory_space<vmem>>) offsets(%dma_start3A_323 : memref<64xi32, #tpu.memory_space<vmem>>) semaphore(%arg13 : memref<!tpu.dma_semaphore, #tpu.memory_space<semaphore_mem>>)
      } else {
      }
      %dma_wait3A_275 = arith.constant 0 : i32
      %dma_wait3A_276 = tpu.memref_slice %arg7[%add3A_226, %dma_wait3A_275] : memref<40x64xi32, #tpu.memory_space<vmem>> -> memref<1x64xi32, #tpu.memory_space<vmem>>
      %dma_wait3A_277 = tpu.memref_squeeze %dma_wait3A_276 : memref<1x64xi32, #tpu.memory_space<vmem>> -> memref<64xi32, #tpu.memory_space<vmem>>
      %dma_wait3A_278 = arith.constant 0 : i32
      %dma_wait3A_279 = arith.constant 0 : i32
      %dma_wait3A_280 = tpu.memref_slice %arg12[%dma_wait3A_278, %dma_wait3A_279] : memref<10112x128xf32, #tpu.memory_space<vmem_shared>> -> memref<10112x128xf32, #tpu.memory_space<vmem_shared>>
      tpu.wait_indirect_dma semaphore(%arg14 : memref<!tpu.dma_semaphore, #tpu.memory_space<semaphore_mem>>) src(%arg9 : memref<64x128xf32, #tpu.memory_space<vmem>>) dst(%dma_wait3A_280 : memref<10112x128xf32, #tpu.memory_space<vmem_shared>>)
      %add3A_281 = arith.constant 4 : i32
      %add3A_282 = arith.addi %mul3A_205, %add3A_281 : i32
      %add3A_283 = arith.constant 1 : i32
      %add3A_284 = arith.addi %add3A_282, %add3A_283 : i32
      %lt3A_285 = arith.constant 40 : i32
      %lt3A_286 = arith.cmpi slt, %add3A_284, %lt3A_285 : i32
      %convert_element_type3A_287 = arith.extui %lt3A_286 : i1 to i32
      %cond3A_288 = arith.constant 0 : i32
      %cond3A_289 = arith.cmpi ne, %convert_element_type3A_287, %cond3A_288 : i32
      scf.if %cond3A_289 {
        %dma_start3A_321 = arith.constant 0 : i32
        %dma_start3A_322 = tpu.memref_slice %arg6[%add3A_284, %dma_start3A_321] : memref<40x64xi32, #tpu.memory_space<vmem>> -> memref<1x64xi32, #tpu.memory_space<vmem>>
        %dma_start3A_323 = tpu.memref_squeeze %dma_start3A_322 : memref<1x64xi32, #tpu.memory_space<vmem>> -> memref<64xi32, #tpu.memory_space<vmem>>
        %dma_start3A_324 = arith.constant 0 : i32
        %dma_start3A_325 = arith.constant 0 : i32
        %dma_start3A_326 = tpu.memref_slice %arg2[%dma_start3A_324, %dma_start3A_325] : memref<20000x128xf32, #tpu.memory_space<hbm>> -> memref<20000x128xf32, #tpu.memory_space<hbm>>
        tpu.enqueue_indirect_dma source(%dma_start3A_326 : memref<20000x128xf32, #tpu.memory_space<hbm>>) target(%arg9 : memref<64x128xf32, #tpu.memory_space<vmem>>) offsets(%dma_start3A_323 : memref<64xi32, #tpu.memory_space<vmem>>) semaphore(%arg14 : memref<!tpu.dma_semaphore, #tpu.memory_space<semaphore_mem>>)
      } else {
      }
      %dma_wait3A_290 = arith.constant 0 : i32
      %dma_wait3A_291 = tpu.memref_slice %arg7[%add3A_240, %dma_wait3A_290] : memref<40x64xi32, #tpu.memory_space<vmem>> -> memref<1x64xi32, #tpu.memory_space<vmem>>
      %dma_wait3A_292 = tpu.memref_squeeze %dma_wait3A_291 : memref<1x64xi32, #tpu.memory_space<vmem>> -> memref<64xi32, #tpu.memory_space<vmem>>
      %dma_wait3A_293 = arith.constant 0 : i32
      %dma_wait3A_294 = arith.constant 0 : i32
      %dma_wait3A_295 = tpu.memref_slice %arg12[%dma_wait3A_293, %dma_wait3A_294] : memref<10112x128xf32, #tpu.memory_space<vmem_shared>> -> memref<10112x128xf32, #tpu.memory_space<vmem_shared>>
      tpu.wait_indirect_dma semaphore(%arg15 : memref<!tpu.dma_semaphore, #tpu.memory_space<semaphore_mem>>) src(%arg10 : memref<64x128xf32, #tpu.memory_space<vmem>>) dst(%dma_wait3A_295 : memref<10112x128xf32, #tpu.memory_space<vmem_shared>>)
      %add3A_296 = arith.constant 4 : i32
      %add3A_297 = arith.addi %mul3A_205, %add3A_296 : i32
      %add3A_298 = arith.constant 2 : i32
      %add3A_299 = arith.addi %add3A_297, %add3A_298 : i32
      %lt3A_300 = arith.constant 40 : i32
      %lt3A_301 = arith.cmpi slt, %add3A_299, %lt3A_300 : i32
      %convert_element_type3A_302 = arith.extui %lt3A_301 : i1 to i32
      %cond3A_303 = arith.constant 0 : i32
      %cond3A_304 = arith.cmpi ne, %convert_element_type3A_302, %cond3A_303 : i32
      scf.if %cond3A_304 {
        %dma_start3A_321 = arith.constant 0 : i32
        %dma_start3A_322 = tpu.memref_slice %arg6[%add3A_299, %dma_start3A_321] : memref<40x64xi32, #tpu.memory_space<vmem>> -> memref<1x64xi32, #tpu.memory_space<vmem>>
        %dma_start3A_323 = tpu.memref_squeeze %dma_start3A_322 : memref<1x64xi32, #tpu.memory_space<vmem>> -> memref<64xi32, #tpu.memory_space<vmem>>
        %dma_start3A_324 = arith.constant 0 : i32
        %dma_start3A_325 = arith.constant 0 : i32
        %dma_start3A_326 = tpu.memref_slice %arg2[%dma_start3A_324, %dma_start3A_325] : memref<20000x128xf32, #tpu.memory_space<hbm>> -> memref<20000x128xf32, #tpu.memory_space<hbm>>
        tpu.enqueue_indirect_dma source(%dma_start3A_326 : memref<20000x128xf32, #tpu.memory_space<hbm>>) target(%arg10 : memref<64x128xf32, #tpu.memory_space<vmem>>) offsets(%dma_start3A_323 : memref<64xi32, #tpu.memory_space<vmem>>) semaphore(%arg15 : memref<!tpu.dma_semaphore, #tpu.memory_space<semaphore_mem>>)
      } else {
      }
      %dma_wait3A_305 = arith.constant 0 : i32
      %dma_wait3A_306 = tpu.memref_slice %arg7[%add3A_254, %dma_wait3A_305] : memref<40x64xi32, #tpu.memory_space<vmem>> -> memref<1x64xi32, #tpu.memory_space<vmem>>
      %dma_wait3A_307 = tpu.memref_squeeze %dma_wait3A_306 : memref<1x64xi32, #tpu.memory_space<vmem>> -> memref<64xi32, #tpu.memory_space<vmem>>
      %dma_wait3A_308 = arith.constant 0 : i32
      %dma_wait3A_309 = arith.constant 0 : i32
      %dma_wait3A_310 = tpu.memref_slice %arg12[%dma_wait3A_308, %dma_wait3A_309] : memref<10112x128xf32, #tpu.memory_space<vmem_shared>> -> memref<10112x128xf32, #tpu.memory_space<vmem_shared>>
      tpu.wait_indirect_dma semaphore(%arg16 : memref<!tpu.dma_semaphore, #tpu.memory_space<semaphore_mem>>) src(%arg11 : memref<64x128xf32, #tpu.memory_space<vmem>>) dst(%dma_wait3A_310 : memref<10112x128xf32, #tpu.memory_space<vmem_shared>>)
      %add3A_311 = arith.constant 4 : i32
      %add3A_312 = arith.addi %mul3A_205, %add3A_311 : i32
      %add3A_313 = arith.constant 3 : i32
      %add3A_314 = arith.addi %add3A_312, %add3A_313 : i32
      %lt3A_315 = arith.constant 40 : i32
      %lt3A_316 = arith.cmpi slt, %add3A_314, %lt3A_315 : i32
      %convert_element_type3A_317 = arith.extui %lt3A_316 : i1 to i32
      %cond3A_318 = arith.constant 0 : i32
      %cond3A_319 = arith.cmpi ne, %convert_element_type3A_317, %cond3A_318 : i32
      scf.if %cond3A_319 {
        %dma_start3A_321 = arith.constant 0 : i32
        %dma_start3A_322 = tpu.memref_slice %arg6[%add3A_314, %dma_start3A_321] : memref<40x64xi32, #tpu.memory_space<vmem>> -> memref<1x64xi32, #tpu.memory_space<vmem>>
        %dma_start3A_323 = tpu.memref_squeeze %dma_start3A_322 : memref<1x64xi32, #tpu.memory_space<vmem>> -> memref<64xi32, #tpu.memory_space<vmem>>
        %dma_start3A_324 = arith.constant 0 : i32
        %dma_start3A_325 = arith.constant 0 : i32
        %dma_start3A_326 = tpu.memref_slice %arg2[%dma_start3A_324, %dma_start3A_325] : memref<20000x128xf32, #tpu.memory_space<hbm>> -> memref<20000x128xf32, #tpu.memory_space<hbm>>
        tpu.enqueue_indirect_dma source(%dma_start3A_326 : memref<20000x128xf32, #tpu.memory_space<hbm>>) target(%arg11 : memref<64x128xf32, #tpu.memory_space<vmem>>) offsets(%dma_start3A_323 : memref<64xi32, #tpu.memory_space<vmem>>) semaphore(%arg16 : memref<!tpu.dma_semaphore, #tpu.memory_space<semaphore_mem>>)
      } else {
      }
      %scan3A_320 = arith.constant 0 : i32
      scf.yield %scan3A_320 : i32
    }
    %scan3A_153 = arith.constant 10 : i32
    %mul3A_154 = arith.constant 160 : i32
    %mul3A_155 = arith.muli %arg1, %mul3A_154 : i32
    %add3A_156 = arith.constant 120 : i32
    %add3A_157 = arith.addi %mul3A_155, %add3A_156 : i32
    "tpu.region"() ({
      %run_scoped3A = tpu.sem_alloc : memref<!tpu.dma_semaphore, #tpu.memory_space<semaphore_mem>>
      %dma_start3A_202 = arith.constant 0 : i32
      %dma_start3A_203 = arith.constant 0 : i32
      %dma_start3A_204 = tpu.memref_slice %arg3[%arg0, %dma_start3A_202, %dma_start3A_203] : memref<2x2560x64xi32, #tpu.memory_space<hbm>> -> memref<1x2560x64xi32, #tpu.memory_space<hbm>>
      %dma_start3A_205 = tpu.memref_squeeze %dma_start3A_204 : memref<1x2560x64xi32, #tpu.memory_space<hbm>> -> memref<2560x64xi32, #tpu.memory_space<hbm>>
      %dma_start3A_206 = arith.constant 0 : i32
      %dma_start3A_207 = tpu.memref_slice %dma_start3A_205[%add3A_157, %dma_start3A_206] : memref<2560x64xi32, #tpu.memory_space<hbm>> -> memref<40x64xi32, #tpu.memory_space<hbm>>
      %dma_start3A_208 = arith.constant 0 : i32
      %dma_start3A_209 = arith.constant 0 : i32
      %dma_start3A_210 = tpu.memref_slice %arg3[%arg0, %dma_start3A_208, %dma_start3A_209] : memref<2x2560x64xi32, #tpu.memory_space<hbm>> -> memref<1x2560x64xi32, #tpu.memory_space<hbm>>
      %dma_start3A_211 = tpu.memref_squeeze %dma_start3A_210 : memref<1x2560x64xi32, #tpu.memory_space<hbm>> -> memref<2560x64xi32, #tpu.memory_space<hbm>>
      %dma_start3A_212 = arith.constant 0 : i32
      %dma_start3A_213 = tpu.memref_slice %dma_start3A_211[%add3A_157, %dma_start3A_212] : memref<2560x64xi32, #tpu.memory_space<hbm>> -> memref<40x64xi32, #tpu.memory_space<hbm>>
      tpu.enqueue_dma source(%dma_start3A_213 : memref<40x64xi32, #tpu.memory_space<hbm>>) target(%arg6 : memref<40x64xi32, #tpu.memory_space<vmem>>) target_semaphore(%run_scoped3A : memref<!tpu.dma_semaphore, #tpu.memory_space<semaphore_mem>>)
      %dma_wait3A = arith.constant 0 : i32
      %dma_wait3A_214 = arith.constant 0 : i32
      %dma_wait3A_215 = tpu.memref_slice %arg3[%arg0, %dma_wait3A, %dma_wait3A_214] : memref<2x2560x64xi32, #tpu.memory_space<hbm>> -> memref<1x2560x64xi32, #tpu.memory_space<hbm>>
      %dma_wait3A_216 = tpu.memref_squeeze %dma_wait3A_215 : memref<1x2560x64xi32, #tpu.memory_space<hbm>> -> memref<2560x64xi32, #tpu.memory_space<hbm>>
      %dma_wait3A_217 = arith.constant 0 : i32
      %dma_wait3A_218 = tpu.memref_slice %dma_wait3A_216[%add3A_157, %dma_wait3A_217] : memref<2560x64xi32, #tpu.memory_space<hbm>> -> memref<40x64xi32, #tpu.memory_space<hbm>>
      %dma_wait3A_219 = arith.constant 0 : i32
      %dma_wait3A_220 = arith.constant 0 : i32
      %dma_wait3A_221 = tpu.memref_slice %arg3[%arg0, %dma_wait3A_219, %dma_wait3A_220] : memref<2x2560x64xi32, #tpu.memory_space<hbm>> -> memref<1x2560x64xi32, #tpu.memory_space<hbm>>
      %dma_wait3A_222 = tpu.memref_squeeze %dma_wait3A_221 : memref<1x2560x64xi32, #tpu.memory_space<hbm>> -> memref<2560x64xi32, #tpu.memory_space<hbm>>
      %dma_wait3A_223 = arith.constant 0 : i32
      %dma_wait3A_224 = tpu.memref_slice %dma_wait3A_222[%add3A_157, %dma_wait3A_223] : memref<2560x64xi32, #tpu.memory_space<hbm>> -> memref<40x64xi32, #tpu.memory_space<hbm>>
      tpu.wait_dma2 semaphore(%run_scoped3A : memref<!tpu.dma_semaphore, #tpu.memory_space<semaphore_mem>>) src(%dma_wait3A_224 : memref<40x64xi32, #tpu.memory_space<hbm>>) dst(%arg6 : memref<40x64xi32, #tpu.memory_space<vmem>>)
      tpu.yield
    }) : () -> ()
    %mul3A_158 = arith.constant 160 : i32
    %mul3A_159 = arith.muli %arg1, %mul3A_158 : i32
    %add3A_160 = arith.constant 120 : i32
    %add3A_161 = arith.addi %mul3A_159, %add3A_160 : i32
    "tpu.region"() ({
      %run_scoped3A = tpu.sem_alloc : memref<!tpu.dma_semaphore, #tpu.memory_space<semaphore_mem>>
      %dma_start3A_202 = arith.constant 0 : i32
      %dma_start3A_203 = tpu.memref_slice %arg4[%add3A_161, %dma_start3A_202] : memref<2560x64xi32, #tpu.memory_space<hbm>> -> memref<40x64xi32, #tpu.memory_space<hbm>>
      %dma_start3A_204 = arith.constant 0 : i32
      %dma_start3A_205 = tpu.memref_slice %arg4[%add3A_161, %dma_start3A_204] : memref<2560x64xi32, #tpu.memory_space<hbm>> -> memref<40x64xi32, #tpu.memory_space<hbm>>
      tpu.enqueue_dma source(%dma_start3A_205 : memref<40x64xi32, #tpu.memory_space<hbm>>) target(%arg7 : memref<40x64xi32, #tpu.memory_space<vmem>>) target_semaphore(%run_scoped3A : memref<!tpu.dma_semaphore, #tpu.memory_space<semaphore_mem>>)
      %dma_wait3A = arith.constant 0 : i32
      %dma_wait3A_206 = tpu.memref_slice %arg4[%add3A_161, %dma_wait3A] : memref<2560x64xi32, #tpu.memory_space<hbm>> -> memref<40x64xi32, #tpu.memory_space<hbm>>
      %dma_wait3A_207 = arith.constant 0 : i32
      %dma_wait3A_208 = tpu.memref_slice %arg4[%add3A_161, %dma_wait3A_207] : memref<2560x64xi32, #tpu.memory_space<hbm>> -> memref<40x64xi32, #tpu.memory_space<hbm>>
      tpu.wait_dma2 semaphore(%run_scoped3A : memref<!tpu.dma_semaphore, #tpu.memory_space<semaphore_mem>>) src(%dma_wait3A_208 : memref<40x64xi32, #tpu.memory_space<hbm>>) dst(%arg7 : memref<40x64xi32, #tpu.memory_space<vmem>>)
      tpu.yield
    }) : () -> ()
    %dma_start3A_162 = arith.constant 0 : i32
    %dma_start3A_163 = arith.constant 0 : i32
    %dma_start3A_164 = tpu.memref_slice %arg6[%dma_start3A_162, %dma_start3A_163] : memref<40x64xi32, #tpu.memory_space<vmem>> -> memref<1x64xi32, #tpu.memory_space<vmem>>
    %dma_start3A_165 = tpu.memref_squeeze %dma_start3A_164 : memref<1x64xi32, #tpu.memory_space<vmem>> -> memref<64xi32, #tpu.memory_space<vmem>>
    %dma_start3A_166 = arith.constant 0 : i32
    %dma_start3A_167 = arith.constant 0 : i32
    %dma_start3A_168 = tpu.memref_slice %arg2[%dma_start3A_166, %dma_start3A_167] : memref<20000x128xf32, #tpu.memory_space<hbm>> -> memref<20000x128xf32, #tpu.memory_space<hbm>>
    tpu.enqueue_indirect_dma source(%dma_start3A_168 : memref<20000x128xf32, #tpu.memory_space<hbm>>) target(%arg8 : memref<64x128xf32, #tpu.memory_space<vmem>>) offsets(%dma_start3A_165 : memref<64xi32, #tpu.memory_space<vmem>>) semaphore(%arg13 : memref<!tpu.dma_semaphore, #tpu.memory_space<semaphore_mem>>)
    %dma_start3A_169 = arith.constant 1 : i32
    %dma_start3A_170 = arith.constant 0 : i32
    %dma_start3A_171 = tpu.memref_slice %arg6[%dma_start3A_169, %dma_start3A_170] : memref<40x64xi32, #tpu.memory_space<vmem>> -> memref<1x64xi32, #tpu.memory_space<vmem>>
    %dma_start3A_172 = tpu.memref_squeeze %dma_start3A_171 : memref<1x64xi32, #tpu.memory_space<vmem>> -> memref<64xi32, #tpu.memory_space<vmem>>
    %dma_start3A_173 = arith.constant 0 : i32
    %dma_start3A_174 = arith.constant 0 : i32
    %dma_start3A_175 = tpu.memref_slice %arg2[%dma_start3A_173, %dma_start3A_174] : memref<20000x128xf32, #tpu.memory_space<hbm>> -> memref<20000x128xf32, #tpu.memory_space<hbm>>
    tpu.enqueue_indirect_dma source(%dma_start3A_175 : memref<20000x128xf32, #tpu.memory_space<hbm>>) target(%arg9 : memref<64x128xf32, #tpu.memory_space<vmem>>) offsets(%dma_start3A_172 : memref<64xi32, #tpu.memory_space<vmem>>) semaphore(%arg14 : memref<!tpu.dma_semaphore, #tpu.memory_space<semaphore_mem>>)
    %dma_start3A_176 = arith.constant 2 : i32
    %dma_start3A_177 = arith.constant 0 : i32
    %dma_start3A_178 = tpu.memref_slice %arg6[%dma_start3A_176, %dma_start3A_177] : memref<40x64xi32, #tpu.memory_space<vmem>> -> memref<1x64xi32, #tpu.memory_space<vmem>>
    %dma_start3A_179 = tpu.memref_squeeze %dma_start3A_178 : memref<1x64xi32, #tpu.memory_space<vmem>> -> memref<64xi32, #tpu.memory_space<vmem>>
    %dma_start3A_180 = arith.constant 0 : i32
    %dma_start3A_181 = arith.constant 0 : i32
    %dma_start3A_182 = tpu.memref_slice %arg2[%dma_start3A_180, %dma_start3A_181] : memref<20000x128xf32, #tpu.memory_space<hbm>> -> memref<20000x128xf32, #tpu.memory_space<hbm>>
    tpu.enqueue_indirect_dma source(%dma_start3A_182 : memref<20000x128xf32, #tpu.memory_space<hbm>>) target(%arg10 : memref<64x128xf32, #tpu.memory_space<vmem>>) offsets(%dma_start3A_179 : memref<64xi32, #tpu.memory_space<vmem>>) semaphore(%arg15 : memref<!tpu.dma_semaphore, #tpu.memory_space<semaphore_mem>>)
    %dma_start3A_183 = arith.constant 3 : i32
    %dma_start3A_184 = arith.constant 0 : i32
    %dma_start3A_185 = tpu.memref_slice %arg6[%dma_start3A_183, %dma_start3A_184] : memref<40x64xi32, #tpu.memory_space<vmem>> -> memref<1x64xi32, #tpu.memory_space<vmem>>
    %dma_start3A_186 = tpu.memref_squeeze %dma_start3A_185 : memref<1x64xi32, #tpu.memory_space<vmem>> -> memref<64xi32, #tpu.memory_space<vmem>>
    %dma_start3A_187 = arith.constant 0 : i32
    %dma_start3A_188 = arith.constant 0 : i32
    %dma_start3A_189 = tpu.memref_slice %arg2[%dma_start3A_187, %dma_start3A_188] : memref<20000x128xf32, #tpu.memory_space<hbm>> -> memref<20000x128xf32, #tpu.memory_space<hbm>>
    tpu.enqueue_indirect_dma source(%dma_start3A_189 : memref<20000x128xf32, #tpu.memory_space<hbm>>) target(%arg11 : memref<64x128xf32, #tpu.memory_space<vmem>>) offsets(%dma_start3A_186 : memref<64xi32, #tpu.memory_space<vmem>>) semaphore(%arg16 : memref<!tpu.dma_semaphore, #tpu.memory_space<semaphore_mem>>)
    %scan3A_190 = arith.constant 0 : i32
    %scan3A_191 = arith.constant 0 : i32
    %scan3A_192 = arith.constant 10 : i32
    %scan3A_193 = arith.addi %scan3A_191, %scan3A_192 : i32
    %scan3A_194 = arith.constant 1 : i32
    %scan3A_195 = scf.for %scan3A_202 = %scan3A_191 to %scan3A_193 step %scan3A_194 iter_args(%scan3A_203 = %scan3A_190) -> (i32)  : i32 {
      %mul3A_204 = arith.constant 4 : i32
      %mul3A_205 = arith.muli %scan3A_202, %mul3A_204 : i32
      %dma_wait3A = arith.constant 0 : i32
      %dma_wait3A_206 = arith.constant 0 : i32
      %dma_wait3A_207 = tpu.memref_slice %arg2[%dma_wait3A, %dma_wait3A_206] : memref<20000x128xf32, #tpu.memory_space<hbm>> -> memref<64x128xf32, #tpu.memory_space<hbm>>
      %dma_wait3A_208 = arith.constant 0 : i32
      %dma_wait3A_209 = arith.constant 0 : i32
      %dma_wait3A_210 = tpu.memref_slice %arg2[%dma_wait3A_208, %dma_wait3A_209] : memref<20000x128xf32, #tpu.memory_space<hbm>> -> memref<64x128xf32, #tpu.memory_space<hbm>>
      tpu.wait_dma2 semaphore(%arg13 : memref<!tpu.dma_semaphore, #tpu.memory_space<semaphore_mem>>) src(%dma_wait3A_210 : memref<64x128xf32, #tpu.memory_space<hbm>>) dst(%arg8 : memref<64x128xf32, #tpu.memory_space<vmem>>)
      %add3A_211 = arith.constant 0 : i32
      %add3A_212 = arith.addi %mul3A_205, %add3A_211 : i32
      %dma_start3A_213 = arith.constant 0 : i32
      %dma_start3A_214 = tpu.memref_slice %arg7[%add3A_212, %dma_start3A_213] : memref<40x64xi32, #tpu.memory_space<vmem>> -> memref<1x64xi32, #tpu.memory_space<vmem>>
      %dma_start3A_215 = tpu.memref_squeeze %dma_start3A_214 : memref<1x64xi32, #tpu.memory_space<vmem>> -> memref<64xi32, #tpu.memory_space<vmem>>
      %dma_start3A_216 = arith.constant 0 : i32
      %dma_start3A_217 = arith.constant 0 : i32
      %dma_start3A_218 = tpu.memref_slice %arg12[%dma_start3A_216, %dma_start3A_217] : memref<10112x128xf32, #tpu.memory_space<vmem_shared>> -> memref<10112x128xf32, #tpu.memory_space<vmem_shared>>
      tpu.enqueue_indirect_dma source(%arg8 : memref<64x128xf32, #tpu.memory_space<vmem>>) target(%dma_start3A_218 : memref<10112x128xf32, #tpu.memory_space<vmem_shared>>) offsets(%dma_start3A_215 : memref<64xi32, #tpu.memory_space<vmem>>) semaphore(%arg13 : memref<!tpu.dma_semaphore, #tpu.memory_space<semaphore_mem>>) {add = true}
      %dma_wait3A_219 = arith.constant 0 : i32
      %dma_wait3A_220 = arith.constant 0 : i32
      %dma_wait3A_221 = tpu.memref_slice %arg2[%dma_wait3A_219, %dma_wait3A_220] : memref<20000x128xf32, #tpu.memory_space<hbm>> -> memref<64x128xf32, #tpu.memory_space<hbm>>
      %dma_wait3A_222 = arith.constant 0 : i32
      %dma_wait3A_223 = arith.constant 0 : i32
      %dma_wait3A_224 = tpu.memref_slice %arg2[%dma_wait3A_222, %dma_wait3A_223] : memref<20000x128xf32, #tpu.memory_space<hbm>> -> memref<64x128xf32, #tpu.memory_space<hbm>>
      tpu.wait_dma2 semaphore(%arg14 : memref<!tpu.dma_semaphore, #tpu.memory_space<semaphore_mem>>) src(%dma_wait3A_224 : memref<64x128xf32, #tpu.memory_space<hbm>>) dst(%arg9 : memref<64x128xf32, #tpu.memory_space<vmem>>)
      %add3A_225 = arith.constant 1 : i32
      %add3A_226 = arith.addi %mul3A_205, %add3A_225 : i32
      %dma_start3A_227 = arith.constant 0 : i32
      %dma_start3A_228 = tpu.memref_slice %arg7[%add3A_226, %dma_start3A_227] : memref<40x64xi32, #tpu.memory_space<vmem>> -> memref<1x64xi32, #tpu.memory_space<vmem>>
      %dma_start3A_229 = tpu.memref_squeeze %dma_start3A_228 : memref<1x64xi32, #tpu.memory_space<vmem>> -> memref<64xi32, #tpu.memory_space<vmem>>
      %dma_start3A_230 = arith.constant 0 : i32
      %dma_start3A_231 = arith.constant 0 : i32
      %dma_start3A_232 = tpu.memref_slice %arg12[%dma_start3A_230, %dma_start3A_231] : memref<10112x128xf32, #tpu.memory_space<vmem_shared>> -> memref<10112x128xf32, #tpu.memory_space<vmem_shared>>
      tpu.enqueue_indirect_dma source(%arg9 : memref<64x128xf32, #tpu.memory_space<vmem>>) target(%dma_start3A_232 : memref<10112x128xf32, #tpu.memory_space<vmem_shared>>) offsets(%dma_start3A_229 : memref<64xi32, #tpu.memory_space<vmem>>) semaphore(%arg14 : memref<!tpu.dma_semaphore, #tpu.memory_space<semaphore_mem>>) {add = true}
      %dma_wait3A_233 = arith.constant 0 : i32
      %dma_wait3A_234 = arith.constant 0 : i32
      %dma_wait3A_235 = tpu.memref_slice %arg2[%dma_wait3A_233, %dma_wait3A_234] : memref<20000x128xf32, #tpu.memory_space<hbm>> -> memref<64x128xf32, #tpu.memory_space<hbm>>
      %dma_wait3A_236 = arith.constant 0 : i32
      %dma_wait3A_237 = arith.constant 0 : i32
      %dma_wait3A_238 = tpu.memref_slice %arg2[%dma_wait3A_236, %dma_wait3A_237] : memref<20000x128xf32, #tpu.memory_space<hbm>> -> memref<64x128xf32, #tpu.memory_space<hbm>>
      tpu.wait_dma2 semaphore(%arg15 : memref<!tpu.dma_semaphore, #tpu.memory_space<semaphore_mem>>) src(%dma_wait3A_238 : memref<64x128xf32, #tpu.memory_space<hbm>>) dst(%arg10 : memref<64x128xf32, #tpu.memory_space<vmem>>)
      %add3A_239 = arith.constant 2 : i32
      %add3A_240 = arith.addi %mul3A_205, %add3A_239 : i32
      %dma_start3A_241 = arith.constant 0 : i32
      %dma_start3A_242 = tpu.memref_slice %arg7[%add3A_240, %dma_start3A_241] : memref<40x64xi32, #tpu.memory_space<vmem>> -> memref<1x64xi32, #tpu.memory_space<vmem>>
      %dma_start3A_243 = tpu.memref_squeeze %dma_start3A_242 : memref<1x64xi32, #tpu.memory_space<vmem>> -> memref<64xi32, #tpu.memory_space<vmem>>
      %dma_start3A_244 = arith.constant 0 : i32
      %dma_start3A_245 = arith.constant 0 : i32
      %dma_start3A_246 = tpu.memref_slice %arg12[%dma_start3A_244, %dma_start3A_245] : memref<10112x128xf32, #tpu.memory_space<vmem_shared>> -> memref<10112x128xf32, #tpu.memory_space<vmem_shared>>
      tpu.enqueue_indirect_dma source(%arg10 : memref<64x128xf32, #tpu.memory_space<vmem>>) target(%dma_start3A_246 : memref<10112x128xf32, #tpu.memory_space<vmem_shared>>) offsets(%dma_start3A_243 : memref<64xi32, #tpu.memory_space<vmem>>) semaphore(%arg15 : memref<!tpu.dma_semaphore, #tpu.memory_space<semaphore_mem>>) {add = true}
      %dma_wait3A_247 = arith.constant 0 : i32
      %dma_wait3A_248 = arith.constant 0 : i32
      %dma_wait3A_249 = tpu.memref_slice %arg2[%dma_wait3A_247, %dma_wait3A_248] : memref<20000x128xf32, #tpu.memory_space<hbm>> -> memref<64x128xf32, #tpu.memory_space<hbm>>
      %dma_wait3A_250 = arith.constant 0 : i32
      %dma_wait3A_251 = arith.constant 0 : i32
      %dma_wait3A_252 = tpu.memref_slice %arg2[%dma_wait3A_250, %dma_wait3A_251] : memref<20000x128xf32, #tpu.memory_space<hbm>> -> memref<64x128xf32, #tpu.memory_space<hbm>>
      tpu.wait_dma2 semaphore(%arg16 : memref<!tpu.dma_semaphore, #tpu.memory_space<semaphore_mem>>) src(%dma_wait3A_252 : memref<64x128xf32, #tpu.memory_space<hbm>>) dst(%arg11 : memref<64x128xf32, #tpu.memory_space<vmem>>)
      %add3A_253 = arith.constant 3 : i32
      %add3A_254 = arith.addi %mul3A_205, %add3A_253 : i32
      %dma_start3A_255 = arith.constant 0 : i32
      %dma_start3A_256 = tpu.memref_slice %arg7[%add3A_254, %dma_start3A_255] : memref<40x64xi32, #tpu.memory_space<vmem>> -> memref<1x64xi32, #tpu.memory_space<vmem>>
      %dma_start3A_257 = tpu.memref_squeeze %dma_start3A_256 : memref<1x64xi32, #tpu.memory_space<vmem>> -> memref<64xi32, #tpu.memory_space<vmem>>
      %dma_start3A_258 = arith.constant 0 : i32
      %dma_start3A_259 = arith.constant 0 : i32
      %dma_start3A_260 = tpu.memref_slice %arg12[%dma_start3A_258, %dma_start3A_259] : memref<10112x128xf32, #tpu.memory_space<vmem_shared>> -> memref<10112x128xf32, #tpu.memory_space<vmem_shared>>
      tpu.enqueue_indirect_dma source(%arg11 : memref<64x128xf32, #tpu.memory_space<vmem>>) target(%dma_start3A_260 : memref<10112x128xf32, #tpu.memory_space<vmem_shared>>) offsets(%dma_start3A_257 : memref<64xi32, #tpu.memory_space<vmem>>) semaphore(%arg16 : memref<!tpu.dma_semaphore, #tpu.memory_space<semaphore_mem>>) {add = true}
      %dma_wait3A_261 = arith.constant 0 : i32
      %dma_wait3A_262 = tpu.memref_slice %arg7[%add3A_212, %dma_wait3A_261] : memref<40x64xi32, #tpu.memory_space<vmem>> -> memref<1x64xi32, #tpu.memory_space<vmem>>
      %dma_wait3A_263 = tpu.memref_squeeze %dma_wait3A_262 : memref<1x64xi32, #tpu.memory_space<vmem>> -> memref<64xi32, #tpu.memory_space<vmem>>
      %dma_wait3A_264 = arith.constant 0 : i32
      %dma_wait3A_265 = arith.constant 0 : i32
      %dma_wait3A_266 = tpu.memref_slice %arg12[%dma_wait3A_264, %dma_wait3A_265] : memref<10112x128xf32, #tpu.memory_space<vmem_shared>> -> memref<10112x128xf32, #tpu.memory_space<vmem_shared>>
      tpu.wait_indirect_dma semaphore(%arg13 : memref<!tpu.dma_semaphore, #tpu.memory_space<semaphore_mem>>) src(%arg8 : memref<64x128xf32, #tpu.memory_space<vmem>>) dst(%dma_wait3A_266 : memref<10112x128xf32, #tpu.memory_space<vmem_shared>>)
      %add3A_267 = arith.constant 4 : i32
      %add3A_268 = arith.addi %mul3A_205, %add3A_267 : i32
      %add3A_269 = arith.constant 0 : i32
      %add3A_270 = arith.addi %add3A_268, %add3A_269 : i32
      %lt3A = arith.constant 40 : i32
      %lt3A_271 = arith.cmpi slt, %add3A_270, %lt3A : i32
      %convert_element_type3A_272 = arith.extui %lt3A_271 : i1 to i32
      %cond3A_273 = arith.constant 0 : i32
      %cond3A_274 = arith.cmpi ne, %convert_element_type3A_272, %cond3A_273 : i32
      scf.if %cond3A_274 {
        %dma_start3A_321 = arith.constant 0 : i32
        %dma_start3A_322 = tpu.memref_slice %arg6[%add3A_270, %dma_start3A_321] : memref<40x64xi32, #tpu.memory_space<vmem>> -> memref<1x64xi32, #tpu.memory_space<vmem>>
        %dma_start3A_323 = tpu.memref_squeeze %dma_start3A_322 : memref<1x64xi32, #tpu.memory_space<vmem>> -> memref<64xi32, #tpu.memory_space<vmem>>
        %dma_start3A_324 = arith.constant 0 : i32
        %dma_start3A_325 = arith.constant 0 : i32
        %dma_start3A_326 = tpu.memref_slice %arg2[%dma_start3A_324, %dma_start3A_325] : memref<20000x128xf32, #tpu.memory_space<hbm>> -> memref<20000x128xf32, #tpu.memory_space<hbm>>
        tpu.enqueue_indirect_dma source(%dma_start3A_326 : memref<20000x128xf32, #tpu.memory_space<hbm>>) target(%arg8 : memref<64x128xf32, #tpu.memory_space<vmem>>) offsets(%dma_start3A_323 : memref<64xi32, #tpu.memory_space<vmem>>) semaphore(%arg13 : memref<!tpu.dma_semaphore, #tpu.memory_space<semaphore_mem>>)
      } else {
      }
      %dma_wait3A_275 = arith.constant 0 : i32
      %dma_wait3A_276 = tpu.memref_slice %arg7[%add3A_226, %dma_wait3A_275] : memref<40x64xi32, #tpu.memory_space<vmem>> -> memref<1x64xi32, #tpu.memory_space<vmem>>
      %dma_wait3A_277 = tpu.memref_squeeze %dma_wait3A_276 : memref<1x64xi32, #tpu.memory_space<vmem>> -> memref<64xi32, #tpu.memory_space<vmem>>
      %dma_wait3A_278 = arith.constant 0 : i32
      %dma_wait3A_279 = arith.constant 0 : i32
      %dma_wait3A_280 = tpu.memref_slice %arg12[%dma_wait3A_278, %dma_wait3A_279] : memref<10112x128xf32, #tpu.memory_space<vmem_shared>> -> memref<10112x128xf32, #tpu.memory_space<vmem_shared>>
      tpu.wait_indirect_dma semaphore(%arg14 : memref<!tpu.dma_semaphore, #tpu.memory_space<semaphore_mem>>) src(%arg9 : memref<64x128xf32, #tpu.memory_space<vmem>>) dst(%dma_wait3A_280 : memref<10112x128xf32, #tpu.memory_space<vmem_shared>>)
      %add3A_281 = arith.constant 4 : i32
      %add3A_282 = arith.addi %mul3A_205, %add3A_281 : i32
      %add3A_283 = arith.constant 1 : i32
      %add3A_284 = arith.addi %add3A_282, %add3A_283 : i32
      %lt3A_285 = arith.constant 40 : i32
      %lt3A_286 = arith.cmpi slt, %add3A_284, %lt3A_285 : i32
      %convert_element_type3A_287 = arith.extui %lt3A_286 : i1 to i32
      %cond3A_288 = arith.constant 0 : i32
      %cond3A_289 = arith.cmpi ne, %convert_element_type3A_287, %cond3A_288 : i32
      scf.if %cond3A_289 {
        %dma_start3A_321 = arith.constant 0 : i32
        %dma_start3A_322 = tpu.memref_slice %arg6[%add3A_284, %dma_start3A_321] : memref<40x64xi32, #tpu.memory_space<vmem>> -> memref<1x64xi32, #tpu.memory_space<vmem>>
        %dma_start3A_323 = tpu.memref_squeeze %dma_start3A_322 : memref<1x64xi32, #tpu.memory_space<vmem>> -> memref<64xi32, #tpu.memory_space<vmem>>
        %dma_start3A_324 = arith.constant 0 : i32
        %dma_start3A_325 = arith.constant 0 : i32
        %dma_start3A_326 = tpu.memref_slice %arg2[%dma_start3A_324, %dma_start3A_325] : memref<20000x128xf32, #tpu.memory_space<hbm>> -> memref<20000x128xf32, #tpu.memory_space<hbm>>
        tpu.enqueue_indirect_dma source(%dma_start3A_326 : memref<20000x128xf32, #tpu.memory_space<hbm>>) target(%arg9 : memref<64x128xf32, #tpu.memory_space<vmem>>) offsets(%dma_start3A_323 : memref<64xi32, #tpu.memory_space<vmem>>) semaphore(%arg14 : memref<!tpu.dma_semaphore, #tpu.memory_space<semaphore_mem>>)
      } else {
      }
      %dma_wait3A_290 = arith.constant 0 : i32
      %dma_wait3A_291 = tpu.memref_slice %arg7[%add3A_240, %dma_wait3A_290] : memref<40x64xi32, #tpu.memory_space<vmem>> -> memref<1x64xi32, #tpu.memory_space<vmem>>
      %dma_wait3A_292 = tpu.memref_squeeze %dma_wait3A_291 : memref<1x64xi32, #tpu.memory_space<vmem>> -> memref<64xi32, #tpu.memory_space<vmem>>
      %dma_wait3A_293 = arith.constant 0 : i32
      %dma_wait3A_294 = arith.constant 0 : i32
      %dma_wait3A_295 = tpu.memref_slice %arg12[%dma_wait3A_293, %dma_wait3A_294] : memref<10112x128xf32, #tpu.memory_space<vmem_shared>> -> memref<10112x128xf32, #tpu.memory_space<vmem_shared>>
      tpu.wait_indirect_dma semaphore(%arg15 : memref<!tpu.dma_semaphore, #tpu.memory_space<semaphore_mem>>) src(%arg10 : memref<64x128xf32, #tpu.memory_space<vmem>>) dst(%dma_wait3A_295 : memref<10112x128xf32, #tpu.memory_space<vmem_shared>>)
      %add3A_296 = arith.constant 4 : i32
      %add3A_297 = arith.addi %mul3A_205, %add3A_296 : i32
      %add3A_298 = arith.constant 2 : i32
      %add3A_299 = arith.addi %add3A_297, %add3A_298 : i32
      %lt3A_300 = arith.constant 40 : i32
      %lt3A_301 = arith.cmpi slt, %add3A_299, %lt3A_300 : i32
      %convert_element_type3A_302 = arith.extui %lt3A_301 : i1 to i32
      %cond3A_303 = arith.constant 0 : i32
      %cond3A_304 = arith.cmpi ne, %convert_element_type3A_302, %cond3A_303 : i32
      scf.if %cond3A_304 {
        %dma_start3A_321 = arith.constant 0 : i32
        %dma_start3A_322 = tpu.memref_slice %arg6[%add3A_299, %dma_start3A_321] : memref<40x64xi32, #tpu.memory_space<vmem>> -> memref<1x64xi32, #tpu.memory_space<vmem>>
        %dma_start3A_323 = tpu.memref_squeeze %dma_start3A_322 : memref<1x64xi32, #tpu.memory_space<vmem>> -> memref<64xi32, #tpu.memory_space<vmem>>
        %dma_start3A_324 = arith.constant 0 : i32
        %dma_start3A_325 = arith.constant 0 : i32
        %dma_start3A_326 = tpu.memref_slice %arg2[%dma_start3A_324, %dma_start3A_325] : memref<20000x128xf32, #tpu.memory_space<hbm>> -> memref<20000x128xf32, #tpu.memory_space<hbm>>
        tpu.enqueue_indirect_dma source(%dma_start3A_326 : memref<20000x128xf32, #tpu.memory_space<hbm>>) target(%arg10 : memref<64x128xf32, #tpu.memory_space<vmem>>) offsets(%dma_start3A_323 : memref<64xi32, #tpu.memory_space<vmem>>) semaphore(%arg15 : memref<!tpu.dma_semaphore, #tpu.memory_space<semaphore_mem>>)
      } else {
      }
      %dma_wait3A_305 = arith.constant 0 : i32
      %dma_wait3A_306 = tpu.memref_slice %arg7[%add3A_254, %dma_wait3A_305] : memref<40x64xi32, #tpu.memory_space<vmem>> -> memref<1x64xi32, #tpu.memory_space<vmem>>
      %dma_wait3A_307 = tpu.memref_squeeze %dma_wait3A_306 : memref<1x64xi32, #tpu.memory_space<vmem>> -> memref<64xi32, #tpu.memory_space<vmem>>
      %dma_wait3A_308 = arith.constant 0 : i32
      %dma_wait3A_309 = arith.constant 0 : i32
      %dma_wait3A_310 = tpu.memref_slice %arg12[%dma_wait3A_308, %dma_wait3A_309] : memref<10112x128xf32, #tpu.memory_space<vmem_shared>> -> memref<10112x128xf32, #tpu.memory_space<vmem_shared>>
      tpu.wait_indirect_dma semaphore(%arg16 : memref<!tpu.dma_semaphore, #tpu.memory_space<semaphore_mem>>) src(%arg11 : memref<64x128xf32, #tpu.memory_space<vmem>>) dst(%dma_wait3A_310 : memref<10112x128xf32, #tpu.memory_space<vmem_shared>>)
      %add3A_311 = arith.constant 4 : i32
      %add3A_312 = arith.addi %mul3A_205, %add3A_311 : i32
      %add3A_313 = arith.constant 3 : i32
      %add3A_314 = arith.addi %add3A_312, %add3A_313 : i32
      %lt3A_315 = arith.constant 40 : i32
      %lt3A_316 = arith.cmpi slt, %add3A_314, %lt3A_315 : i32
      %convert_element_type3A_317 = arith.extui %lt3A_316 : i1 to i32
      %cond3A_318 = arith.constant 0 : i32
      %cond3A_319 = arith.cmpi ne, %convert_element_type3A_317, %cond3A_318 : i32
      scf.if %cond3A_319 {
        %dma_start3A_321 = arith.constant 0 : i32
        %dma_start3A_322 = tpu.memref_slice %arg6[%add3A_314, %dma_start3A_321] : memref<40x64xi32, #tpu.memory_space<vmem>> -> memref<1x64xi32, #tpu.memory_space<vmem>>
        %dma_start3A_323 = tpu.memref_squeeze %dma_start3A_322 : memref<1x64xi32, #tpu.memory_space<vmem>> -> memref<64xi32, #tpu.memory_space<vmem>>
        %dma_start3A_324 = arith.constant 0 : i32
        %dma_start3A_325 = arith.constant 0 : i32
        %dma_start3A_326 = tpu.memref_slice %arg2[%dma_start3A_324, %dma_start3A_325] : memref<20000x128xf32, #tpu.memory_space<hbm>> -> memref<20000x128xf32, #tpu.memory_space<hbm>>
        tpu.enqueue_indirect_dma source(%dma_start3A_326 : memref<20000x128xf32, #tpu.memory_space<hbm>>) target(%arg11 : memref<64x128xf32, #tpu.memory_space<vmem>>) offsets(%dma_start3A_323 : memref<64xi32, #tpu.memory_space<vmem>>) semaphore(%arg16 : memref<!tpu.dma_semaphore, #tpu.memory_space<semaphore_mem>>)
      } else {
      }
      %scan3A_320 = arith.constant 0 : i32
      scf.yield %scan3A_320 : i32
    }
    %scan3A_196 = arith.constant 10 : i32
    %barrier3A_197 = arith.constant 0 : index
    tpu.barrier barrier_id(%barrier3A_197)
    %mul3A_198 = arith.constant 624 : i32
    %mul3A_199 = arith.muli %arg1, %mul3A_198 : i32
    "tpu.region"() ({
      %run_scoped3A = tpu.sem_alloc : memref<!tpu.dma_semaphore, #tpu.memory_space<semaphore_mem>>
      %dma_start3A_202 = arith.constant 0 : i32
      %dma_start3A_203 = arith.constant 0 : i32
      %dma_start3A_204 = tpu.memref_slice %arg5[%arg0, %dma_start3A_202, %dma_start3A_203] : memref<2x10000x128xf32, #tpu.memory_space<hbm>> -> memref<1x10000x128xf32, #tpu.memory_space<hbm>>
      %dma_start3A_205 = tpu.memref_squeeze %dma_start3A_204 : memref<1x10000x128xf32, #tpu.memory_space<hbm>> -> memref<10000x128xf32, #tpu.memory_space<hbm>>
      %dma_start3A_206 = arith.constant 0 : i32
      %dma_start3A_207 = tpu.memref_slice %dma_start3A_205[%mul3A_199, %dma_start3A_206] : memref<10000x128xf32, #tpu.memory_space<hbm>> -> memref<624x128xf32, #tpu.memory_space<hbm>>
      %dma_start3A_208 = arith.constant 0 : i32
      %dma_start3A_209 = tpu.memref_slice %arg12[%mul3A_199, %dma_start3A_208] : memref<10112x128xf32, #tpu.memory_space<vmem_shared>> -> memref<624x128xf32, #tpu.memory_space<vmem_shared>>
      tpu.enqueue_dma source(%dma_start3A_209 : memref<624x128xf32, #tpu.memory_space<vmem_shared>>) target(%dma_start3A_207 : memref<624x128xf32, #tpu.memory_space<hbm>>) target_semaphore(%run_scoped3A : memref<!tpu.dma_semaphore, #tpu.memory_space<semaphore_mem>>)
      %dma_wait3A = arith.constant 0 : i32
      %dma_wait3A_210 = arith.constant 0 : i32
      %dma_wait3A_211 = tpu.memref_slice %arg5[%arg0, %dma_wait3A, %dma_wait3A_210] : memref<2x10000x128xf32, #tpu.memory_space<hbm>> -> memref<1x10000x128xf32, #tpu.memory_space<hbm>>
      %dma_wait3A_212 = tpu.memref_squeeze %dma_wait3A_211 : memref<1x10000x128xf32, #tpu.memory_space<hbm>> -> memref<10000x128xf32, #tpu.memory_space<hbm>>
      %dma_wait3A_213 = arith.constant 0 : i32
      %dma_wait3A_214 = tpu.memref_slice %dma_wait3A_212[%mul3A_199, %dma_wait3A_213] : memref<10000x128xf32, #tpu.memory_space<hbm>> -> memref<624x128xf32, #tpu.memory_space<hbm>>
      %dma_wait3A_215 = arith.constant 0 : i32
      %dma_wait3A_216 = tpu.memref_slice %arg12[%mul3A_199, %dma_wait3A_215] : memref<10112x128xf32, #tpu.memory_space<vmem_shared>> -> memref<624x128xf32, #tpu.memory_space<vmem_shared>>
      tpu.wait_dma2 semaphore(%run_scoped3A : memref<!tpu.dma_semaphore, #tpu.memory_space<semaphore_mem>>) src(%dma_wait3A_216 : memref<624x128xf32, #tpu.memory_space<vmem_shared>>) dst(%dma_wait3A_214 : memref<624x128xf32, #tpu.memory_space<hbm>>)
      tpu.yield
    }) : () -> ()
    %eq3A = arith.constant 15 : i32
    %eq3A_200 = arith.cmpi eq, %arg1, %eq3A : i32
    %convert_element_type3A = arith.extui %eq3A_200 : i1 to i32
    %cond3A = arith.constant 0 : i32
    %cond3A_201 = arith.cmpi ne, %convert_element_type3A, %cond3A : i32
    scf.if %cond3A_201 {
      "tpu.region"() ({
        %run_scoped3A = tpu.sem_alloc : memref<!tpu.dma_semaphore, #tpu.memory_space<semaphore_mem>>
        %dma_start3A_202 = arith.constant 0 : i32
        %dma_start3A_203 = arith.constant 0 : i32
        %dma_start3A_204 = tpu.memref_slice %arg5[%arg0, %dma_start3A_202, %dma_start3A_203] : memref<2x10000x128xf32, #tpu.memory_space<hbm>> -> memref<1x10000x128xf32, #tpu.memory_space<hbm>>
        %dma_start3A_205 = tpu.memref_squeeze %dma_start3A_204 : memref<1x10000x128xf32, #tpu.memory_space<hbm>> -> memref<10000x128xf32, #tpu.memory_space<hbm>>
        %dma_start3A_206 = arith.constant 9984 : i32
        %dma_start3A_207 = arith.constant 0 : i32
        %dma_start3A_208 = tpu.memref_slice %dma_start3A_205[%dma_start3A_206, %dma_start3A_207] : memref<10000x128xf32, #tpu.memory_space<hbm>> -> memref<16x128xf32, #tpu.memory_space<hbm>>
        %dma_start3A_209 = arith.constant 9984 : i32
        %dma_start3A_210 = arith.constant 0 : i32
        %dma_start3A_211 = tpu.memref_slice %arg12[%dma_start3A_209, %dma_start3A_210] : memref<10112x128xf32, #tpu.memory_space<vmem_shared>> -> memref<16x128xf32, #tpu.memory_space<vmem_shared>>
        tpu.enqueue_dma source(%dma_start3A_211 : memref<16x128xf32, #tpu.memory_space<vmem_shared>>) target(%dma_start3A_208 : memref<16x128xf32, #tpu.memory_space<hbm>>) target_semaphore(%run_scoped3A : memref<!tpu.dma_semaphore, #tpu.memory_space<semaphore_mem>>)
        %dma_wait3A = arith.constant 0 : i32
        %dma_wait3A_212 = arith.constant 0 : i32
        %dma_wait3A_213 = tpu.memref_slice %arg5[%arg0, %dma_wait3A, %dma_wait3A_212] : memref<2x10000x128xf32, #tpu.memory_space<hbm>> -> memref<1x10000x128xf32, #tpu.memory_space<hbm>>
        %dma_wait3A_214 = tpu.memref_squeeze %dma_wait3A_213 : memref<1x10000x128xf32, #tpu.memory_space<hbm>> -> memref<10000x128xf32, #tpu.memory_space<hbm>>
        %dma_wait3A_215 = arith.constant 9984 : i32
        %dma_wait3A_216 = arith.constant 0 : i32
        %dma_wait3A_217 = tpu.memref_slice %dma_wait3A_214[%dma_wait3A_215, %dma_wait3A_216] : memref<10000x128xf32, #tpu.memory_space<hbm>> -> memref<16x128xf32, #tpu.memory_space<hbm>>
        %dma_wait3A_218 = arith.constant 9984 : i32
        %dma_wait3A_219 = arith.constant 0 : i32
        %dma_wait3A_220 = tpu.memref_slice %arg12[%dma_wait3A_218, %dma_wait3A_219] : memref<10112x128xf32, #tpu.memory_space<vmem_shared>> -> memref<16x128xf32, #tpu.memory_space<vmem_shared>>
        tpu.wait_dma2 semaphore(%run_scoped3A : memref<!tpu.dma_semaphore, #tpu.memory_space<semaphore_mem>>) src(%dma_wait3A_220 : memref<16x128xf32, #tpu.memory_space<vmem_shared>>) dst(%dma_wait3A_217 : memref<16x128xf32, #tpu.memory_space<hbm>>)
        tpu.yield
      }) : () -> ()
    } else {
    }
    return
  }
}

module attributes {stable_mosaic.version = 14 : i64} {
  func.func @body(%arg0: i32, %arg1: memref<2x1000x128xf32, #tpu.memory_space<vmem>>, %arg2: memref<2x1000x128xf32, #tpu.memory_space<vmem>>, %arg3: memref<1000x2x128xf32, #tpu.memory_space<vmem>>, %arg4: memref<256x256xf32, #tpu.memory_space<vmem>>, %arg5: memref<256x256xf32, #tpu.memory_space<vmem>>, %arg6: memref<1x256xf32, #tpu.memory_space<vmem>>, %arg7: memref<1000x256xf32, #tpu.memory_space<vmem>>) attributes {dimension_semantics = [#tpu.dimension_semantics<arbitrary>], iteration_bounds = array<i64: 10>, scalar_prefetch = 0 : i64, scratch_operands = 0 : i64, tpu.core_type = #tpu.core_type<tc>, window_params = [{transform_indices = @transform_0, window_bounds = array<i64: 2, 1000, 128>}, {transform_indices = @transform_1, window_bounds = array<i64: 2, 1000, 128>}, {transform_indices = @transform_2, window_bounds = array<i64: 1000, 2, 128>}, {pipeline_mode = #tpu.pipeline_mode<synchronous>, transform_indices = @transform_3, window_bounds = array<i64: 256, 256>}, {pipeline_mode = #tpu.pipeline_mode<synchronous>, transform_indices = @transform_4, window_bounds = array<i64: 256, 256>}, {pipeline_mode = #tpu.pipeline_mode<synchronous>, transform_indices = @transform_5, window_bounds = array<i64: 1, 256>}, {transform_indices = @transform_6, window_bounds = array<i64: 1000, 256>}]} {
    %get3A = arith.constant 0 : index
    %get3A_0 = arith.constant 0 : index
    %get3A_1 = arith.constant 0 : index
    %get3A_2 = vector.load %arg2[%get3A, %get3A_0, %get3A_1] : memref<2x1000x128xf32, #tpu.memory_space<vmem>>, vector<1x1000x1xf32>
    %get3A_3 = vector.shape_cast %get3A_2 : vector<1x1000x1xf32> to vector<1000x1xf32>
    %get3A_4 = arith.constant 1 : index
    %get3A_5 = arith.constant 0 : index
    %get3A_6 = arith.constant 0 : index
    %get3A_7 = vector.load %arg2[%get3A_4, %get3A_5, %get3A_6] : memref<2x1000x128xf32, #tpu.memory_space<vmem>>, vector<1x1000x1xf32>
    %get3A_8 = vector.shape_cast %get3A_7 : vector<1x1000x1xf32> to vector<1000x1xf32>
    %add3A = arith.addf %get3A_3, %get3A_8 : vector<1000x1xf32>
    %max3A = arith.constant 1.000000e+00 : f32
    %max3A_9 = vector.broadcast %max3A : f32 to vector<1000x1xf32>
    %max3A_10 = arith.maximumf %add3A, %max3A_9 : vector<1000x1xf32>
    %div3A = arith.constant 1.000000e+00 : f32
    %div3A_11 = vector.broadcast %div3A : f32 to vector<1000x1xf32>
    %div3A_12 = arith.divf %div3A_11, %max3A_10 : vector<1000x1xf32>
    %get3A_13 = arith.constant 0 : index
    %get3A_14 = arith.constant 0 : index
    %get3A_15 = arith.constant 0 : index
    %get3A_16 = vector.load %arg1[%get3A_13, %get3A_14, %get3A_15] : memref<2x1000x128xf32, #tpu.memory_space<vmem>>, vector<1x1000x128xf32>
    %get3A_17 = vector.shape_cast %get3A_16 : vector<1x1000x128xf32> to vector<1000x128xf32>
    %mul3A = vector.broadcast %div3A_12 : vector<1000x1xf32> to vector<1000x128xf32>
    %mul3A_18 = arith.mulf %get3A_17, %mul3A : vector<1000x128xf32>
    %get3A_19 = arith.constant 0 : index
    %get3A_20 = arith.constant 0 : index
    %get3A_21 = vector.load %arg4[%get3A_19, %get3A_20] : memref<256x256xf32, #tpu.memory_space<vmem>>, vector<128x256xf32>
    %dot_general3A = arith.constant dense<0.000000e+00> : vector<1000x256xf32>
    %dot_general3A_22 = tpu.matmul %mul3A_18, %get3A_21, %dot_general3A {dimension_numbers = #tpu.dot_dimension_numbers<[1], [0], [0], [1], [0, 0, 1, 1], [], []>, transpose_lhs_hint = false} : vector<1000x128xf32>, vector<128x256xf32>, vector<1000x256xf32> -> vector<1000x256xf32>
    %get3A_23 = arith.constant 1 : index
    %get3A_24 = arith.constant 0 : index
    %get3A_25 = arith.constant 0 : index
    %get3A_26 = vector.load %arg1[%get3A_23, %get3A_24, %get3A_25] : memref<2x1000x128xf32, #tpu.memory_space<vmem>>, vector<1x1000x128xf32>
    %get3A_27 = vector.shape_cast %get3A_26 : vector<1x1000x128xf32> to vector<1000x128xf32>
    %mul3A_28 = vector.broadcast %div3A_12 : vector<1000x1xf32> to vector<1000x128xf32>
    %mul3A_29 = arith.mulf %get3A_27, %mul3A_28 : vector<1000x128xf32>
    %get3A_30 = arith.constant 128 : index
    %get3A_31 = arith.constant 0 : index
    %get3A_32 = vector.load %arg4[%get3A_30, %get3A_31] : memref<256x256xf32, #tpu.memory_space<vmem>>, vector<128x256xf32>
    %dot_general3A_33 = arith.constant dense<0.000000e+00> : vector<1000x256xf32>
    %dot_general3A_34 = tpu.matmul %mul3A_29, %get3A_32, %dot_general3A_33 {dimension_numbers = #tpu.dot_dimension_numbers<[1], [0], [0], [1], [0, 0, 1, 1], [], []>, transpose_lhs_hint = false} : vector<1000x128xf32>, vector<128x256xf32>, vector<1000x256xf32> -> vector<1000x256xf32>
    %add3A_35 = arith.addf %dot_general3A_22, %dot_general3A_34 : vector<1000x256xf32>
    %get3A_36 = arith.constant 0 : index
    %get3A_37 = arith.constant 0 : index
    %get3A_38 = arith.constant 0 : index
    %get3A_39 = vector.load %arg3[%get3A_36, %get3A_37, %get3A_38] : memref<1000x2x128xf32, #tpu.memory_space<vmem>>, vector<1000x1x128xf32>
    %get3A_40 = vector.shape_cast %get3A_39 : vector<1000x1x128xf32> to vector<1000x128xf32>
    %get3A_41 = arith.constant 0 : index
    %get3A_42 = arith.constant 0 : index
    %get3A_43 = vector.load %arg5[%get3A_41, %get3A_42] : memref<256x256xf32, #tpu.memory_space<vmem>>, vector<128x256xf32>
    %dot_general3A_44 = arith.constant dense<0.000000e+00> : vector<1000x256xf32>
    %dot_general3A_45 = tpu.matmul %get3A_40, %get3A_43, %dot_general3A_44 {dimension_numbers = #tpu.dot_dimension_numbers<[1], [0], [0], [1], [0, 0, 1, 1], [], []>, transpose_lhs_hint = false} : vector<1000x128xf32>, vector<128x256xf32>, vector<1000x256xf32> -> vector<1000x256xf32>
    %add3A_46 = arith.addf %add3A_35, %dot_general3A_45 : vector<1000x256xf32>
    %get3A_47 = arith.constant 0 : index
    %get3A_48 = arith.constant 1 : index
    %get3A_49 = arith.constant 0 : index
    %get3A_50 = vector.load %arg3[%get3A_47, %get3A_48, %get3A_49] : memref<1000x2x128xf32, #tpu.memory_space<vmem>>, vector<1000x1x128xf32>
    %get3A_51 = vector.shape_cast %get3A_50 : vector<1000x1x128xf32> to vector<1000x128xf32>
    %get3A_52 = arith.constant 128 : index
    %get3A_53 = arith.constant 0 : index
    %get3A_54 = vector.load %arg5[%get3A_52, %get3A_53] : memref<256x256xf32, #tpu.memory_space<vmem>>, vector<128x256xf32>
    %dot_general3A_55 = arith.constant dense<0.000000e+00> : vector<1000x256xf32>
    %dot_general3A_56 = tpu.matmul %get3A_51, %get3A_54, %dot_general3A_55 {dimension_numbers = #tpu.dot_dimension_numbers<[1], [0], [0], [1], [0, 0, 1, 1], [], []>, transpose_lhs_hint = false} : vector<1000x128xf32>, vector<128x256xf32>, vector<1000x256xf32> -> vector<1000x256xf32>
    %add3A_57 = arith.addf %add3A_46, %dot_general3A_56 : vector<1000x256xf32>
    %get3A_58 = arith.constant 0 : index
    %get3A_59 = arith.constant 0 : index
    %get3A_60 = vector.load %arg6[%get3A_58, %get3A_59] : memref<1x256xf32, #tpu.memory_space<vmem>>, vector<1x256xf32>
    %add3A_61 = vector.broadcast %get3A_60 : vector<1x256xf32> to vector<1000x256xf32>
    %add3A_62 = arith.addf %add3A_57, %add3A_61 : vector<1000x256xf32>
    %swap3A = arith.constant 0 : index
    %swap3A_63 = arith.constant 0 : index
    %swap3A_64 = vector.load %arg7[%swap3A, %swap3A_63] : memref<1000x256xf32, #tpu.memory_space<vmem>>, vector<1000x256xf32>
    tpu.vector_store %arg7[%swap3A, %swap3A_63], %add3A_62 {strides = array<i32>} : memref<1000x256xf32, #tpu.memory_space<vmem>>, vector<1000x256xf32>,
    return
  }
  func.func @transform_0(%arg0: i32) -> (i32, i32, i32) {
    %c0_i32 = arith.constant 0 : i32
    %c0_i32_0 = arith.constant 0 : i32
    %c0_i32_1 = arith.constant 0 : i32
    return %c0_i32, %arg0, %c0_i32_0 : i32, i32, i32
  }
  func.func @transform_1(%arg0: i32) -> (i32, i32, i32) {
    %c0_i32 = arith.constant 0 : i32
    %c0_i32_0 = arith.constant 0 : i32
    %c0_i32_1 = arith.constant 0 : i32
    return %c0_i32, %arg0, %c0_i32_0 : i32, i32, i32
  }
  func.func @transform_2(%arg0: i32) -> (i32, i32, i32) {
    %c0_i32 = arith.constant 0 : i32
    %c0_i32_0 = arith.constant 0 : i32
    %c0_i32_1 = arith.constant 0 : i32
    return %arg0, %c0_i32, %c0_i32_0 : i32, i32, i32
  }
  func.func @transform_3(%arg0: i32) -> (i32, i32) {
    %c0_i32 = arith.constant 0 : i32
    %c0_i32_0 = arith.constant 0 : i32
    %c0_i32_1 = arith.constant 0 : i32
    return %c0_i32, %c0_i32_0 : i32, i32
  }
  func.func @transform_4(%arg0: i32) -> (i32, i32) {
    %c0_i32 = arith.constant 0 : i32
    %c0_i32_0 = arith.constant 0 : i32
    %c0_i32_1 = arith.constant 0 : i32
    return %c0_i32, %c0_i32_0 : i32, i32
  }
  func.func @transform_5(%arg0: i32) -> (i32, i32) {
    %c0_i32 = arith.constant 0 : i32
    %c0_i32_0 = arith.constant 0 : i32
    %c0_i32_1 = arith.constant 0 : i32
    return %c0_i32, %c0_i32_0 : i32, i32
  }
  func.func @transform_6(%arg0: i32) -> (i32, i32) {
    %c0_i32 = arith.constant 0 : i32
    %c0_i32_0 = arith.constant 0 : i32
    return %arg0, %c0_i32 : i32, i32
  }
}

module attributes {stable_mosaic.version = 14 : i64} {
  func.func @body(%arg0: i32, %arg1: memref<2x1000x128xf32, #tpu.memory_space<vmem>>, %arg2: memref<2x1000x128xf32, #tpu.memory_space<vmem>>, %arg3: memref<1000x2x128xf32, #tpu.memory_space<vmem>>, %arg4: memref<256x256xf32, #tpu.memory_space<vmem>>, %arg5: memref<256x256xf32, #tpu.memory_space<vmem>>, %arg6: memref<1x256xf32, #tpu.memory_space<vmem>>, %arg7: memref<1000x2x128xf32, #tpu.memory_space<vmem>>) attributes {dimension_semantics = [#tpu.dimension_semantics<arbitrary>], iteration_bounds = array<i64: 10>, scalar_prefetch = 0 : i64, scratch_operands = 0 : i64, tpu.core_type = #tpu.core_type<tc>, window_params = [{transform_indices = @transform_0, window_bounds = array<i64: 2, 1000, 128>}, {transform_indices = @transform_1, window_bounds = array<i64: 2, 1000, 128>}, {transform_indices = @transform_2, window_bounds = array<i64: 1000, 2, 128>}, {pipeline_mode = #tpu.pipeline_mode<synchronous>, transform_indices = @transform_3, window_bounds = array<i64: 256, 256>}, {pipeline_mode = #tpu.pipeline_mode<synchronous>, transform_indices = @transform_4, window_bounds = array<i64: 256, 256>}, {pipeline_mode = #tpu.pipeline_mode<synchronous>, transform_indices = @transform_5, window_bounds = array<i64: 1, 256>}, {transform_indices = @transform_6, window_bounds = array<i64: 1000, 2, 128>}]} {
    %get3A = arith.constant 0 : index
    %get3A_0 = arith.constant 0 : index
    %get3A_1 = arith.constant 0 : index
    %get3A_2 = vector.load %arg2[%get3A, %get3A_0, %get3A_1] : memref<2x1000x128xf32, #tpu.memory_space<vmem>>, vector<1x1000x1xf32>
    %get3A_3 = vector.shape_cast %get3A_2 : vector<1x1000x1xf32> to vector<1000x1xf32>
    %get3A_4 = arith.constant 1 : index
    %get3A_5 = arith.constant 0 : index
    %get3A_6 = arith.constant 0 : index
    %get3A_7 = vector.load %arg2[%get3A_4, %get3A_5, %get3A_6] : memref<2x1000x128xf32, #tpu.memory_space<vmem>>, vector<1x1000x1xf32>
    %get3A_8 = vector.shape_cast %get3A_7 : vector<1x1000x1xf32> to vector<1000x1xf32>
    %add3A = arith.addf %get3A_3, %get3A_8 : vector<1000x1xf32>
    %max3A = arith.constant 1.000000e+00 : f32
    %max3A_9 = vector.broadcast %max3A : f32 to vector<1000x1xf32>
    %max3A_10 = arith.maximumf %add3A, %max3A_9 : vector<1000x1xf32>
    %div3A = arith.constant 1.000000e+00 : f32
    %div3A_11 = vector.broadcast %div3A : f32 to vector<1000x1xf32>
    %div3A_12 = arith.divf %div3A_11, %max3A_10 : vector<1000x1xf32>
    %get3A_13 = arith.constant 0 : index
    %get3A_14 = arith.constant 0 : index
    %get3A_15 = arith.constant 0 : index
    %get3A_16 = vector.load %arg1[%get3A_13, %get3A_14, %get3A_15] : memref<2x1000x128xf32, #tpu.memory_space<vmem>>, vector<1x1000x128xf32>
    %get3A_17 = vector.shape_cast %get3A_16 : vector<1x1000x128xf32> to vector<1000x128xf32>
    %mul3A = vector.broadcast %div3A_12 : vector<1000x1xf32> to vector<1000x128xf32>
    %mul3A_18 = arith.mulf %get3A_17, %mul3A : vector<1000x128xf32>
    %get3A_19 = arith.constant 0 : index
    %get3A_20 = arith.constant 0 : index
    %get3A_21 = vector.load %arg4[%get3A_19, %get3A_20] : memref<256x256xf32, #tpu.memory_space<vmem>>, vector<128x256xf32>
    %dot_general3A = arith.constant dense<0.000000e+00> : vector<1000x256xf32>
    %dot_general3A_22 = tpu.matmul %mul3A_18, %get3A_21, %dot_general3A {dimension_numbers = #tpu.dot_dimension_numbers<[1], [0], [0], [1], [0, 0, 1, 1], [], []>, transpose_lhs_hint = false} : vector<1000x128xf32>, vector<128x256xf32>, vector<1000x256xf32> -> vector<1000x256xf32>
    %get3A_23 = arith.constant 1 : index
    %get3A_24 = arith.constant 0 : index
    %get3A_25 = arith.constant 0 : index
    %get3A_26 = vector.load %arg1[%get3A_23, %get3A_24, %get3A_25] : memref<2x1000x128xf32, #tpu.memory_space<vmem>>, vector<1x1000x128xf32>
    %get3A_27 = vector.shape_cast %get3A_26 : vector<1x1000x128xf32> to vector<1000x128xf32>
    %mul3A_28 = vector.broadcast %div3A_12 : vector<1000x1xf32> to vector<1000x128xf32>
    %mul3A_29 = arith.mulf %get3A_27, %mul3A_28 : vector<1000x128xf32>
    %get3A_30 = arith.constant 128 : index
    %get3A_31 = arith.constant 0 : index
    %get3A_32 = vector.load %arg4[%get3A_30, %get3A_31] : memref<256x256xf32, #tpu.memory_space<vmem>>, vector<128x256xf32>
    %dot_general3A_33 = arith.constant dense<0.000000e+00> : vector<1000x256xf32>
    %dot_general3A_34 = tpu.matmul %mul3A_29, %get3A_32, %dot_general3A_33 {dimension_numbers = #tpu.dot_dimension_numbers<[1], [0], [0], [1], [0, 0, 1, 1], [], []>, transpose_lhs_hint = false} : vector<1000x128xf32>, vector<128x256xf32>, vector<1000x256xf32> -> vector<1000x256xf32>
    %add3A_35 = arith.addf %dot_general3A_22, %dot_general3A_34 : vector<1000x256xf32>
    %get3A_36 = arith.constant 0 : index
    %get3A_37 = arith.constant 0 : index
    %get3A_38 = arith.constant 0 : index
    %get3A_39 = vector.load %arg3[%get3A_36, %get3A_37, %get3A_38] : memref<1000x2x128xf32, #tpu.memory_space<vmem>>, vector<1000x1x128xf32>
    %get3A_40 = vector.shape_cast %get3A_39 : vector<1000x1x128xf32> to vector<1000x128xf32>
    %get3A_41 = arith.constant 0 : index
    %get3A_42 = arith.constant 0 : index
    %get3A_43 = vector.load %arg5[%get3A_41, %get3A_42] : memref<256x256xf32, #tpu.memory_space<vmem>>, vector<128x256xf32>
    %dot_general3A_44 = arith.constant dense<0.000000e+00> : vector<1000x256xf32>
    %dot_general3A_45 = tpu.matmul %get3A_40, %get3A_43, %dot_general3A_44 {dimension_numbers = #tpu.dot_dimension_numbers<[1], [0], [0], [1], [0, 0, 1, 1], [], []>, transpose_lhs_hint = false} : vector<1000x128xf32>, vector<128x256xf32>, vector<1000x256xf32> -> vector<1000x256xf32>
    %add3A_46 = arith.addf %add3A_35, %dot_general3A_45 : vector<1000x256xf32>
    %get3A_47 = arith.constant 0 : index
    %get3A_48 = arith.constant 1 : index
    %get3A_49 = arith.constant 0 : index
    %get3A_50 = vector.load %arg3[%get3A_47, %get3A_48, %get3A_49] : memref<1000x2x128xf32, #tpu.memory_space<vmem>>, vector<1000x1x128xf32>
    %get3A_51 = vector.shape_cast %get3A_50 : vector<1000x1x128xf32> to vector<1000x128xf32>
    %get3A_52 = arith.constant 128 : index
    %get3A_53 = arith.constant 0 : index
    %get3A_54 = vector.load %arg5[%get3A_52, %get3A_53] : memref<256x256xf32, #tpu.memory_space<vmem>>, vector<128x256xf32>
    %dot_general3A_55 = arith.constant dense<0.000000e+00> : vector<1000x256xf32>
    %dot_general3A_56 = tpu.matmul %get3A_51, %get3A_54, %dot_general3A_55 {dimension_numbers = #tpu.dot_dimension_numbers<[1], [0], [0], [1], [0, 0, 1, 1], [], []>, transpose_lhs_hint = false} : vector<1000x128xf32>, vector<128x256xf32>, vector<1000x256xf32> -> vector<1000x256xf32>
    %add3A_57 = arith.addf %add3A_46, %dot_general3A_56 : vector<1000x256xf32>
    %get3A_58 = arith.constant 0 : index
    %get3A_59 = arith.constant 0 : index
    %get3A_60 = vector.load %arg6[%get3A_58, %get3A_59] : memref<1x256xf32, #tpu.memory_space<vmem>>, vector<1x256xf32>
    %add3A_61 = vector.broadcast %get3A_60 : vector<1x256xf32> to vector<1000x256xf32>
    %add3A_62 = arith.addf %add3A_57, %add3A_61 : vector<1000x256xf32>
    %max3A_63 = arith.constant 0.000000e+00 : f32
    %max3A_64 = vector.broadcast %max3A_63 : f32 to vector<1000x256xf32>
    %max3A_65 = arith.maximumf %add3A_62, %max3A_64 : vector<1000x256xf32>
    %slice3A = vector.extract_strided_slice %max3A_65 {offsets = [0, 0], sizes = [1000, 128], strides = [1, 1]} : vector<1000x256xf32> to vector<1000x128xf32>
    %swap3A = arith.constant 0 : index
    %swap3A_66 = arith.constant 0 : index
    %swap3A_67 = arith.constant 0 : index
    %swap3A_68 = vector.load %arg7[%swap3A, %swap3A_66, %swap3A_67] : memref<1000x2x128xf32, #tpu.memory_space<vmem>>, vector<1000x1x128xf32>
    %swap3A_69 = vector.shape_cast %swap3A_68 : vector<1000x1x128xf32> to vector<1000x128xf32>
    %swap3A_70 = vector.shape_cast %slice3A : vector<1000x128xf32> to vector<1000x1x128xf32>
    tpu.vector_store %arg7[%swap3A, %swap3A_66, %swap3A_67], %swap3A_70 {strides = array<i32>} : memref<1000x2x128xf32, #tpu.memory_space<vmem>>, vector<1000x1x128xf32>,
    %slice3A_71 = vector.extract_strided_slice %max3A_65 {offsets = [0, 128], sizes = [1000, 128], strides = [1, 1]} : vector<1000x256xf32> to vector<1000x128xf32>
    %swap3A_72 = arith.constant 0 : index
    %swap3A_73 = arith.constant 1 : index
    %swap3A_74 = arith.constant 0 : index
    %swap3A_75 = vector.load %arg7[%swap3A_72, %swap3A_73, %swap3A_74] : memref<1000x2x128xf32, #tpu.memory_space<vmem>>, vector<1000x1x128xf32>
    %swap3A_76 = vector.shape_cast %swap3A_75 : vector<1000x1x128xf32> to vector<1000x128xf32>
    %swap3A_77 = vector.shape_cast %slice3A_71 : vector<1000x128xf32> to vector<1000x1x128xf32>
    tpu.vector_store %arg7[%swap3A_72, %swap3A_73, %swap3A_74], %swap3A_77 {strides = array<i32>} : memref<1000x2x128xf32, #tpu.memory_space<vmem>>, vector<1000x1x128xf32>,
    return
  }
  func.func @transform_0(%arg0: i32) -> (i32, i32, i32) {
    %c0_i32 = arith.constant 0 : i32
    %c0_i32_0 = arith.constant 0 : i32
    %c0_i32_1 = arith.constant 0 : i32
    return %c0_i32, %arg0, %c0_i32_0 : i32, i32, i32
  }
  func.func @transform_1(%arg0: i32) -> (i32, i32, i32) {
    %c0_i32 = arith.constant 0 : i32
    %c0_i32_0 = arith.constant 0 : i32
    %c0_i32_1 = arith.constant 0 : i32
    return %c0_i32, %arg0, %c0_i32_0 : i32, i32, i32
  }
  func.func @transform_2(%arg0: i32) -> (i32, i32, i32) {
    %c0_i32 = arith.constant 0 : i32
    %c0_i32_0 = arith.constant 0 : i32
    %c0_i32_1 = arith.constant 0 : i32
    return %arg0, %c0_i32, %c0_i32_0 : i32, i32, i32
  }
  func.func @transform_3(%arg0: i32) -> (i32, i32) {
    %c0_i32 = arith.constant 0 : i32
    %c0_i32_0 = arith.constant 0 : i32
    %c0_i32_1 = arith.constant 0 : i32
    return %c0_i32, %c0_i32_0 : i32, i32
  }
  func.func @transform_4(%arg0: i32) -> (i32, i32) {
    %c0_i32 = arith.constant 0 : i32
    %c0_i32_0 = arith.constant 0 : i32
    %c0_i32_1 = arith.constant 0 : i32
    return %c0_i32, %c0_i32_0 : i32, i32
  }
  func.func @transform_5(%arg0: i32) -> (i32, i32) {
    %c0_i32 = arith.constant 0 : i32
    %c0_i32_0 = arith.constant 0 : i32
    %c0_i32_1 = arith.constant 0 : i32
    return %c0_i32, %c0_i32_0 : i32, i32
  }
  func.func @transform_6(%arg0: i32) -> (i32, i32, i32) {
    %c0_i32 = arith.constant 0 : i32
    %c0_i32_0 = arith.constant 0 : i32
    %c0_i32_1 = arith.constant 0 : i32
    return %arg0, %c0_i32, %c0_i32_0 : i32, i32, i32
  }
}

</mosaic_0001>

<sc_bundles>
// kernel: kernel.10.cloned.1.call-start
scs
__scs_entry_jumppad:
0x0: {  	(pc) =	sbr.rel $0x88, $3  }
0x1: {  	(tag) =	ssettag $0x0;
	lr =	simm.s32 $0x1  }
0x2: {  	[smem:$0x3F99] =	sst lr;
	_ =	strace $0xD0000000  }
0x3: {  	_ = 	snop  }
0x4: {  	_ = 	snop  }
0x5: {  	_ = 	snop  }
0x6: {  	_ = 	snop  }
0x7: {  	_ = 	snop  }
__scs_overlays_trampoline_lowered:
0x8: {  	[smem:$0x3FA8] =	sst s0  }
0x9: {  	[smem:$0x3FA9] =	sst s1  }
0xa: {  	[smem:$0x3FAA] =	sst s2  }
0xb: {  	[smem:$0x3FAB] =	sst s3  }
0xc: {  	[smem:$0x3FAC] =	sst s4  }
0xd: {  	[smem:$0x3FAD] =	sst s5  }
0xe: {  	[smem:$0x3FAE] =	sst s6  }
0xf: {  	[smem:$0x3FAF] =	sst s7  }
0x10: {  	[smem:$0x3FB0] =	sst s8  }
0x11: {  	[smem:$0x3FB1] =	sst s9;
	s0 =	simm.s32 @!p0 $0x0  }
0x12: {  	s1 =	sld [smem:$0x3F97];
	s0 =	simm.s32 @p0 $0x1  }
0x13: {  	[smem:$0x3FB2] =	sst s0;
	s0 =	simm.s32 @!p1 $0x0  }
0x14: {  	s2 =	sld [smem:$0x3F96];
	s0 =	simm.s32 @p1 $0x1  }
0x15: {  	[smem:$0x3FB3] =	sst s0;
	s0 =	simm.s32 @!p2 $0x0  }
0x16: {  	s3 =	sld [smem:$0x3FDB];
	s0 =	simm.s32 @p2 $0x1  }
0x17: {  	s4 =	simm.s32 $0x1BF5;
	[smem:$0x3FB5] =	sst s0  }
0x18: {  	s0 =	sld [smem:$0x3F98];
	_ =	swait.ge [sflag:s4], $0x0  }
0x19: {  	s7 =	sld [smem:$0x3F99]  }
0x1a: {  	s8 =	sadd.s32 $0xFFFFE003, lr  }
0x1b: {  	s9 =	sadd.s32 $0xFFFFFEF7, lr;
	s5 =	simm.s32 $0xFFFFFFFF;
	p2 =	slt.u32 s8, $0xFFFFF086  }
0x1c: {  	p1 =	slt.u32 s9, $0xF7A;
	s5 =	simm.s32 @!p2 $0x0  }
0x1d: {  	s5 =	simm.s32 @p1 $0x1;
	p0 =	seq.s32 s7, s2  }
0x1e: {  	s7 =	smul.u32 @!p0 $0xF7A, s2;
	p2 =	seq.s32 @!p0 s5, $0x0  }
0x1f: {  	s9 =	smul.u32 $0xF7A, s1;
	s8 =	simm.s32 @!p0 $0x1BF5;
	p2 =	por !p2, p0  }
0x20: {  	[sflag:s8] =	ssyncset.s32 @!p0 $0xFFFFF086;
	s6 =	sadd.s32 @!p0 s3, s7;
	s7 =	simm.s32 @!p0 $0x108  }
0x21: {  	s3 =	sadd.s32 s3, s9;
	s6 =	sadd.s32 @!p0 $0x88, s6;
	s7 =	simm.s32 @p2 $0x1082  }
0x22: {  	[simem:s7], [sflag:s8] =	dma.local @!p0 [hbm:s6], $0xF7A  }
0x23: {  	s9 =	sor.u32 $0xD0000000, s2;
	s6 =	simm.s32 $0x108;
	_ =	swait.ge @!p0 [sflag:s8], $0x0  }
0x24: {  	s3 =	sadd.s32 $0x88, s3;
	s6 =	simm.s32 @!p1 $0x1082;
	[sflag:s4] =	ssyncset.s32 $0xFFFFF086  }
0x25: {  	[simem:s6], [sflag:s4] =	dma.local [hbm:s3], $0xF7A  }
0x26: {  	[smem:$0x3F99] =	sst s1;
	(tag) =	ssettag s2;
	_ =	strace s9  }
0x27: {  	s1 =	sld [smem:$0x3FA9]  }
0x28: {  	s2 =	sld [smem:$0x3FAA]  }
0x29: {  	s4 =	sld [smem:$0x3FAC]  }
0x2a: {  	p0 =	seq.s32 s5, $0x0;
	s5 =	sld [smem:$0x3FAD]  }
0x2b: {  	s6 =	sld [smem:$0x3FAE]  }
0x2c: {  	s7 =	sld [smem:$0x3FAF]  }
0x2d: {  	s3 =	simm.s32 $0x108;
	s8 =	sld [smem:$0x3FB0]  }
0x2e: {  	s3 =	simm.s32 @!p0 $0x1082;
	s9 =	sld [smem:$0x3FB1]  }
0x2f: {  	lr =	sadd.s32 s0, s3;
	s0 =	sld [smem:$0x3FA8]  }
0x30: {  	s3 =	sld [smem:$0x3FAB]  }
0x31: {  	[smem:$0x3FB4] =	sst s10  }
0x32: {  	s10 =	sld [smem:$0x3FB2];
	_ =	sdelay $0x3  }
0x33: {  	p0 =	seq.s32 s10, $0x1;
	s10 =	sld [smem:$0x3FB4];
	_ =	sdelay $0x3  }
0x34: {  	[smem:$0x3FB4] =	sst s10  }
0x35: {  	s10 =	sld [smem:$0x3FB3];
	_ =	sdelay $0x3  }
0x36: {  	p1 =	seq.s32 s10, $0x1;
	s10 =	sld [smem:$0x3FB4];
	_ =	sdelay $0x3  }
0x37: {  	[smem:$0x3FB4] =	sst s10  }
0x38: {  	s10 =	sld [smem:$0x3FB5]  }
0x39: {  	_ = 	snop;
	(pc) =	sbr.ind lr, $3  }
0x3a: {  	_ = 	snop  }
0x3b: {  	_ = 	snop  }
0x3c: {  	p2 =	seq.s32 s10, $0x1;
	s10 =	sld [smem:$0x3FB4]  }
0x3d: {  	_ =	shalt  }
0x3e: {  	_ =	shalt  }
0x3f: {  	_ =	shalt  }
0x40: {  	_ =	shalt  }
0x41: {  	_ =	shalt  }
0x42: {  	_ =	shalt  }
0x43: {  	_ =	shalt  }
0x44: {  	_ =	shalt  }
0x45: {  	_ =	shalt  }
0x46: {  	_ =	shalt  }
0x47: {  	_ =	shalt  }
0x48: {  	_ =	shalt  }
0x49: {  	_ =	shalt  }
0x4a: {  	_ =	shalt  }
0x4b: {  	_ =	shalt  }
0x4c: {  	_ =	shalt  }
0x4d: {  	_ =	shalt  }
0x4e: {  	_ =	shalt  }
0x4f: {  	_ =	shalt  }
0x50: {  	_ =	shalt  }
0x51: {  	_ =	shalt  }
0x52: {  	_ =	shalt  }
0x53: {  	_ =	shalt  }
0x54: {  	_ =	shalt  }
0x55: {  	_ =	shalt  }
0x56: {  	_ =	shalt  }
0x57: {  	_ =	shalt  }
0x58: {  	_ =	shalt  }
0x59: {  	_ =	shalt  }
0x5a: {  	_ =	shalt  }
0x5b: {  	_ =	shalt  }
0x5c: {  	_ =	shalt  }
0x5d: {  	_ =	shalt  }
0x5e: {  	_ =	shalt  }
0x5f: {  	_ =	shalt  }
0x60: {  	_ =	shalt  }
0x61: {  	_ =	shalt  }
0x62: {  	_ =	shalt  }
0x63: {  	_ =	shalt  }
0x64: {  	_ =	shalt  }
0x65: {  	_ =	shalt  }
0x66: {  	_ =	shalt  }
0x67: {  	_ =	shalt  }
0x68: {  	_ =	shalt  }
0x69: {  	_ =	shalt  }
0x6a: {  	_ =	shalt  }
0x6b: {  	_ =	shalt  }
0x6c: {  	_ =	shalt  }
0x6d: {  	_ =	shalt  }
0x6e: {  	_ =	shalt  }
0x6f: {  	_ =	shalt  }
0x70: {  	_ =	shalt  }
0x71: {  	_ =	shalt  }
0x72: {  	_ =	shalt  }
0x73: {  	_ =	shalt  }
0x74: {  	_ =	shalt  }
0x75: {  	_ =	shalt  }
0x76: {  	_ =	shalt  }
0x77: {  	_ =	shalt  }
0x78: {  	_ =	shalt  }
0x79: {  	_ =	shalt  }
0x7a: {  	_ =	shalt  }
0x7b: {  	_ =	shalt  }
0x7c: {  	_ =	shalt  }
0x7d: {  	_ =	shalt  }
0x7e: {  	_ =	shalt  }
0x7f: {  	_ =	shalt  }
0x80: {  	_ =	shalt  }
0x81: {  	_ =	shalt  }
0x82: {  	_ =	shalt  }
0x83: {  	_ =	shalt  }
0x84: {  	_ =	shalt  }
0x85: {  	_ =	shalt  }
0x86: {  	_ =	shalt  }
0x87: {  	_ =	shalt  }
.Lfunc_end0:
.L_simem_size_0:
called_computation.1_lowered:
.L_overlay_start_0:
0x88: {  	s2 =	sld [smem:$0x3FD9]  }
0x89: {  	s3 =	sld [smem:$0x3FFE];
	_ =	sdelay $0x1  }
0x8a: {  	s1 =	srdreg.scid  }
0x8b: {  	s0 =	sand.u32 $0x1, s1  }
0x8c: {  	s17 =	sshll.u32 s0, $0xA;
	s2 =	sadd.s32 s3, s2  }
0x8d: {  	s2 =	sadd.s32 s2, s17  }
0x8e: {  	[smem:$0x3FC0] =	sst s2  }
0x8f: {  	_ = 	snop  }
0x90: {  	s2 =	sld [smem:$0x3FD0];
	(tm) =	ssettm $0x1  }
0x91: {  	s18 =	sld [smem:$0x3FFB];
	_ =	sdelay $0x3  }
0x92: {  	_ =	strace s18  }
0x93: {  	s3 =	sld [smem:$0x3FFC];
	_ =	sdelay $0x3  }
0x94: {  	_ =	strace s3  }
0x95: {  	s3 =	sld [smem:$0x3FFD];
	_ =	sdelay $0x3  }
0x96: {  	_ =	strace s3  }
0x97: {  	_ =	strace $0x8FFFFFFF  }
0x98: {  	s19 =	sld [smem:$0x3FDB];
	_ =	sdelay $0x1  }
0x99: {  	s4 =	simm.s32 $_scs_section_size  }
0x9a: {  	s5 =	simm.s32 $_size__tile_overlayer_lowered;
	s6 =	simm.s32 $_tile_overlayer_lowered  }
0x9b: {  	s22 =	simm.s32 $0x1BFF;
	s21 =	sshll.u32 s6, $0x1;
	s3 =	sadd.s32 s4, s19  }
0x9c: {  	s7 =	simm.s32 $0x0;
	s20 =	sshll.u32 s5, $0x1;
	s5 =	sadd.s32 s21, s3  }
0x9d: {  	[timem:s7], [sflag:s22] =	dma.local [hbm:s5], s20  }
0x9e: {  	_ =	swait.ge [sflag:s22], s20  }
0x9f: {  	s4 =	ssub.s32 $0x0, s20;
	[sflag:s22] =	ssyncset.done $0x0  }
0xa0: {  	[sflag:s22] =	ssyncadd.s32 s4;
	_ =	sdelay $0x1  }
0xa1: {  	s23 =	simm.s32 $0x1B8B  }
0xa2: {  	_ =	swait.ge [sflag:s23], $0x1  }
0xa3: {  	[sflag:s23] =	ssyncset.done $0x0  }
0xa4: {  	s25 =	simm.s32 $0x1B8E;
	s24 =	sld [smem:$0x3FFE];
	[sflag:s23] =	ssyncadd.s32 $0xFFFFFFFF  }
0xa5: {  	s26 =	simm.s32 $execute0_lowered;
	[smem:$0x3FD2] =	sst s25  }
0xa6: {  	s5 =	sshll.u32 s26, $0x1;
	_ =	strace $0x80000046;
	[dreg:$0x1] =	wrdreg $0xFFFFFFFF  }
0xa7: {  	s28 =	simm.s32 $_size_execute0_lowered;
	s3 =	sadd.s32 s3, s5;
	[dreg:$0x0] =	wrdreg $0x0  }
0xa8: {  	s5 =	sshll.u32 s28, $0x1;
	[dreg:$0x2] =	wrdreg s3  }
0xa9: {  	[dreg:$0x3] =	wrdreg s5  }
0xaa: {  	[dreg:$0x4] =	wrdreg $0xC0  }
0xab: {  	_ =	task [dreg:s7], $0x5FFFF  }
0xac: {  	[dreg:$0x1] =	wrdreg $0xFFFFFFFF  }
0xad: {  	[dreg:$0x0] =	wrdreg $0x60  }
0xae: {  	[dreg:$0x2] =	wrdreg s2  }
0xaf: {  	[dreg:$0x3] =	wrdreg s24  }
0xb0: {  	[dreg:$0x4] =	wrdreg $0xA8000  }
0xb1: {  	[dreg:$0x5] =	wrdreg $0xA  }
0xb2: {  	_ =	task.clear_ibuf [dreg:s7], $0x6FFFF;
	_ =	strace $0x90000046  }
0xb3: {  	s29 =	simm.s32 $0xA;
	_ =	strace $0x80000048  }
0xb4: {  	_ =	swait.ge [sflag:s29], $0x1  }
0xb5: {  	[sflag:s29] =	ssyncadd.s32 $0xFFFFFFFF  }
0xb6: {  	_ =	strace $0x90000048  }
0xb7: {  	_ =	sfence  }
0xb8: {  	s30 =	sld [smem:$0x0];
	_ =	sdelay $0x2  }
0xb9: {  	s31 =	sshll.u32 s1, $0xD;
	s1 =	sshrl.u32 s1, $0x2  }
0xba: {  	s3 =	sand.u32 $0x4000, s31;
	s1 =	sadd.s32 s1, s30  }
0xbb: {  	s0 =	sor.u32 s3, s0;
	s1 =	sshll.u32 s1, $0x11  }
0xbc: {  	s0 =	sor.u32 s1, s0  }
0xbd: {  	s0 =	sadd.s32 $0x8F2B, s0  }
0xbe: {  	[sflag:s0] =	ssyncadd.remote.s32 $0x1  }
0xbf: {  	_ =	sfence.sel $0xFFFF  }
0xc0: {  	[dreg:$0x0] =	wrdreg $0xFFFFFFFF;
	(pc) =	sbr.abs _section_cstart, $3  }
0xc1: {  	[dreg:$0x1] =	wrdreg $0xFFFFFFFF  }
0xc2: {  	_ =	task.clear_ibuf [dreg:s7], $0x2FFFF;
	_ =	strace $0x9FFFFFFF  }
0xc3: {  	(tm) =	ssettm $0x7FFFFFFF  }
tec
execute0_lowered:
.L_overlay_start_1:
0x0: {  	(tag) =	ssettag $0x1  }
0x1: {  	s1 =	rddreg [dreg:$0x0]  }
0x2: {  	s0 =	rddreg [dreg:$0x1];
	s10 =	stileid.u32  }
0x3: {  	s2 =	rddreg [dreg:$0x2];
	s6 =	smul.u32 $0x4F000, s10  }
0x4: {  	s3 =	srdreg.scid;
	s4 =	simm.s32 $0x0;
	s12 =	smul.u32 $0x5000, s10  }
0x5: {  	s30 =	simm.s32 $0x2800;
	s31 =	simm.s32 $0x5;
	s15 =	smul.u32 $0xA00, s10  }
0x6: {  	s3 =	sand.u32 $0x1, s3;
	[smem:$0x7FF] =	sst s4;
	s19 =	smul.u32 $0x4E000, s10  }
0x7: {  	s26 =	sadd.s32 $0x2800, s0;
	s24 =	smul.u32 $0x2700, s10;
	p0 =	sne.s32 s10, $0xF  }
0x8: {  	s10 =	simm.s32 $0x180;
	s5 =	smul.u32 $0xA000, s3;
	_ =	strace $0x80000047  }
0x9: {  	s8 =	smul.u32 $0x27100, s3;
	s3 =	ssub.s32 $0x2, s3;
	s25 =	sshrl.u32 s6, $0x2  }
0xa: {  	s9 =	sshrl.u32 s3, $0x1;
	s16 =	sshrl.u32 s12, $0x3;
	[dreg:$0x9] =	wrdreg s15  }
0xb: {  	s18 =	sadd.s32 s26, s15;
	s22 =	sshrl.u32 s19, $0x2;
	s12 =	simm.s32 $0x8800  }
0xc: {  	s19 =	simm.s32 $0x3;
	s7 =	sadd.s32 s5, s0;
	s5 =	sadd.s32 s25, s2  }
0xd: {  	s0 =	sadd.s32 s8, s0;
	s3 =	ssub.s32 s3, s9;
	[dreg:$0xb] =	wrdreg s18  }
0xe: {  	s15 =	sadd.s32 $0x280, s16;
	s17 =	sadd.s32 $0x500, s16;
	s28 =	sadd.s32 $0x2000, s5  }
0xf: {  	s18 =	sadd.s32 $0x780, s16;
	s9 =	sadd.s32 $0x4000, s5;
	[dreg:$0x4] =	wrdreg s28  }
0x10: {  	s23 =	sadd.s32 s22, s2;
	s11 =	sadd.s32 $0x6000, s5;
	[dreg:$0x5] =	wrdreg s9  }
0x11: {  	s8 =	simm.s32 $0x100;
	s13 =	sadd.s32 $0x8000, s5;
	[dreg:$0x6] =	wrdreg s11  }
0x12: {  	s16 =	simm.s32 $0x2;
	s14 =	sadd.s32 $0xA000, s5;
	[dreg:$0x7] =	wrdreg s13  }
0x13: {  	s22 =	simm.s32 $0x2600;
	s20 =	sadd.s32 s26, s15;
	[dreg:$0x8] =	wrdreg s14  }
0x14: {  	s21 =	sadd.s32 s26, s17;
	s6 =	sadd.s32 s26, s18;
	[dreg:$0xc] =	wrdreg s20  }
0x15: {  	s3 =	smax.u32 s3, $0x1;
	s26 =	sadd.s32 $0xE000, s5;
	[dreg:$0xd] =	wrdreg s21  }
0x16: {  	s29 =	sadd.s32 $0x12000, s5;
	s11 =	sadd.s32 $0xC000, s5;
	[dreg:$0xe] =	wrdreg s6  }
0x17: {  	s13 =	sadd.s32 $0xC800, s7;
	s21 =	sadd.s32 $0x20800, s0;
	[dreg:$0xf] =	wrdreg s3  }
0x18: {  	s7 =	sadd.s32 $0x138000, s2;
	s0 =	sshrl.u32 s23, $0x3;
	[dreg:$0x13] =	wrdreg s26  }
0x19: {  	s28 =	sadd.s32 $0x10000, s5;
	s3 =	simm.s32 $0x40;
	s6 =	simm.s32 $0x80  }
0x1a: {  	s9 =	simm.s32 $0x6800;
	s14 =	simm.s32 $0x1;
	[dreg:$0xa] =	wrdreg s11  }
0x1b: {  	s20 =	simm.s32 $0x4;
	s23 =	simm.s32 $0x2680;
	[dreg:$0x11] =	wrdreg s0  }
0x1c: {  	s25 =	sadd.s32 s24, s21;
	s0 =	sshrl.u32 @!p0 s7, $0x3;
	[dreg:$0x14] =	wrdreg s28  }
0x1d: {  	s7 =	simm.s32 $0x4800;
	s24 =	simm.s32 $0x2700;
	[dreg:$0x10] =	wrdreg s25  }
0x1e: {  	v0 =	vimm.f32 $0.0e+00;
	[dreg:$0x12] =	wrdreg s0;
	s0 =	simm.s32 $0x1400;
	s25 =	simm.s32 $0x2780  }
.LBB2_1:
0x1f: {  	s26 =	simm.s32 $0x0;
	s28 =	simm.s32 $0x200  }
.LBB2_2:
0x20: {  	p1 =	sne.s32 s28, $0x7E00;
	[tilespmem:s26+$0x2870] =	vst v0  }
0x21: {  	[tilespmem:s26+$0x2800] =	vst v0  }
0x22: {  	[tilespmem:s26+$0x2810] =	vst v0  }
.Ltmp0:
0x23: {  	[tilespmem:s26+$0x2820] =	vst v0;
	(pc) =	sbr.rel @p1 .LBB2_2-.Ltmp0, $4  }
0x24: {  	[tilespmem:s26+$0x2830] =	vst v0  }
0x25: {  	[tilespmem:s26+$0x2840] =	vst v0  }
0x26: {  	[tilespmem:s26+$0x2850] =	vst v0  }
0x27: {  	[tilespmem:s26+$0x2860] =	vst v0;
	s26 =	sshra.s32 s28, $0x2;
	s28 =	sadd.s32 $0x200, s28  }
0x28: {  	[tilespmem:s26+$0x2870] =	vst v0  }
0x29: {  	[tilespmem:s26+$0x2800] =	vst v0  }
0x2a: {  	[tilespmem:s26+$0x2810] =	vst v0  }
0x2b: {  	[tilespmem:s26+$0x2820] =	vst v0  }
0x2c: {  	[tilespmem:s26+$0x2830] =	vst v0  }
0x2d: {  	[tilespmem:s26+$0x2840] =	vst v0  }
0x2e: {  	[tilespmem:s26+$0x2850] =	vst v0  }
0x2f: {  	[tilespmem:s26+$0x2860] =	vst v0  }
0x30: {  	[spmem:s5] =	stream.linear.scatter [tilespmem:s30], [sflag:$0x5], $0x2000, $0x38;
	[tilespmem:$0x1E400] =	vst v63  }
0x31: {  	_ =	swait.ge [sflag:s31], $0x2000  }
0x32: {  	[sflag:s31] =	ssyncset.done $0x0  }
0x33: {  	s11 =	rddreg [dreg:$0x4];
	[sflag:s31] =	ssyncadd.s32 $0xFFFFE000  }
0x34: {  	[spmem:s11] =	stream.linear.scatter [tilespmem:s30], [sflag:$0x5], $0x2000, $0x38;
	[tilespmem:$0x1E400] =	vst v63  }
0x35: {  	_ =	swait.ge [sflag:s31], $0x2000  }
0x36: {  	[sflag:s31] =	ssyncset.done $0x0  }
0x37: {  	s26 =	rddreg [dreg:$0x5];
	[sflag:s31] =	ssyncadd.s32 $0xFFFFE000  }
0x38: {  	[spmem:s26] =	stream.linear.scatter [tilespmem:s30], [sflag:$0x5], $0x2000, $0x38;
	[tilespmem:$0x1E400] =	vst v63  }
0x39: {  	_ =	swait.ge [sflag:s31], $0x2000  }
0x3a: {  	[sflag:s31] =	ssyncset.done $0x0  }
0x3b: {  	s26 =	rddreg [dreg:$0x6];
	[sflag:s31] =	ssyncadd.s32 $0xFFFFE000  }
0x3c: {  	[spmem:s26] =	stream.linear.scatter [tilespmem:s30], [sflag:$0x5], $0x2000, $0x38;
	[tilespmem:$0x1E400] =	vst v63  }
0x3d: {  	_ =	swait.ge [sflag:s31], $0x2000  }
0x3e: {  	[sflag:s31] =	ssyncset.done $0x0  }
0x3f: {  	s26 =	rddreg [dreg:$0x7];
	[sflag:s31] =	ssyncadd.s32 $0xFFFFE000  }
0x40: {  	[spmem:s26] =	stream.linear.scatter [tilespmem:s30], [sflag:$0x5], $0x2000, $0x38;
	[tilespmem:$0x1E400] =	vst v63  }
0x41: {  	_ =	swait.ge [sflag:s31], $0x2000  }
0x42: {  	[sflag:s31] =	ssyncset.done $0x0  }
0x43: {  	s26 =	rddreg [dreg:$0x8];
	[sflag:s31] =	ssyncadd.s32 $0xFFFFE000  }
0x44: {  	[spmem:s26] =	stream.linear.scatter [tilespmem:s30], [sflag:$0x5], $0x2000, $0x38;
	[tilespmem:$0x1E400] =	vst v63  }
0x45: {  	_ =	swait.ge [sflag:s31], $0x2000  }
0x46: {  	[sflag:s31] =	ssyncset.done $0x0  }
0x47: {  	s26 =	rddreg [dreg:$0xa];
	[sflag:s31] =	ssyncadd.s32 $0xFFFFE000  }
0x48: {  	[spmem:s26] =	stream.linear.scatter [tilespmem:s30], [sflag:$0x5], $0x2000, $0x38;
	[tilespmem:$0x1E400] =	vst v63  }
0x49: {  	_ =	swait.ge [sflag:s31], $0x2000  }
0x4a: {  	[sflag:s31] =	ssyncset.done $0x0  }
0x4b: {  	s26 =	rddreg [dreg:$0x13];
	[sflag:s31] =	ssyncadd.s32 $0xFFFFE000  }
0x4c: {  	[spmem:s26] =	stream.linear.scatter [tilespmem:s30], [sflag:$0x5], $0x2000, $0x38;
	[tilespmem:$0x1E400] =	vst v63  }
0x4d: {  	_ =	swait.ge [sflag:s31], $0x2000  }
0x4e: {  	[sflag:s31] =	ssyncset.done $0x0  }
0x4f: {  	s26 =	rddreg [dreg:$0x14];
	[sflag:s31] =	ssyncadd.s32 $0xFFFFE000  }
0x50: {  	[spmem:s26] =	stream.linear.scatter [tilespmem:s30], [sflag:$0x5], $0x2000, $0x38;
	[tilespmem:$0x1E400] =	vst v63  }
0x51: {  	_ =	swait.ge [sflag:s31], $0x2000  }
0x52: {  	[sflag:s31] =	ssyncset.done $0x0  }
0x53: {  	[sflag:s31] =	ssyncadd.s32 $0xFFFFE000  }
0x54: {  	[spmem:s29] =	stream.linear.scatter [tilespmem:s30], [sflag:$0x5], $0x1C00, $0x38;
	[tilespmem:$0x1E400] =	vst v63  }
0x55: {  	_ =	swait.ge [sflag:s31], $0x1C00  }
0x56: {  	[sflag:s31] =	ssyncset.done $0x0  }
0x57: {  	[sflag:s31] =	ssyncadd.s32 $0xFFFFE400  }
0x58: {  	[bflag:$0x0] =	sbarrier.arrive $0xFFFF  }
0x59: {  	s26 =	rddreg [dreg:$0x9]  }
0x5a: {  	s28 =	simm.s32 $0x0;
	s11 =	sadd.s32 s26, s13  }
0x5b: {  	[tilespmem:s28], [sflag:$0x5] =	stream.linear.gather [hbm4b:s11+s28], $0x1400, $0x38;
	[tilespmem:$0x1E400] =	vst v63  }
0x5c: {  	_ =	swait.ge [sflag:s31], $0x1400  }
0x5d: {  	[sflag:s31] =	ssyncset.done $0x0  }
0x5e: {  	s26 =	rddreg [dreg:$0xb];
	[sflag:s31] =	ssyncadd.s32 $0xFFFFEC00  }
0x5f: {  	[tilespmem:s0], [sflag:$0x5] =	stream.linear.gather [hbm4b:s26+s28], $0x1400, $0x38;
	[tilespmem:$0x1E400] =	vst v63  }
0x60: {  	_ =	swait.ge [sflag:s31], $0x1400  }
0x61: {  	[sflag:s31] =	ssyncset.done $0x0  }
0x62: {  	[sflag:s31] =	ssyncadd.s32 $0xFFFFEC00  }
0x63: {  	[tilespmem:s30], [sflag:$0x1] =	stream.indirect.gather [hbm4b:s1+s3], $0x80, s28, s3, $0xb8;
	[tilespmem:$0x1E400] =	vst v63  }
0x64: {  	_ = 	snop  }
0x65: {  	[tilespmem:s7], [sflag:$0x2] =	stream.indirect.gather [hbm4b:s1+s3], $0x80, s6, s3, $0xb8;
	[tilespmem:$0x1E400] =	vst v63  }
0x66: {  	_ = 	snop  }
0x67: {  	[tilespmem:s9], [sflag:$0x3] =	stream.indirect.gather [hbm4b:s1+s3], $0x80, s8, s3, $0xb8;
	[tilespmem:$0x1E400] =	vst v63  }
0x68: {  	_ = 	snop  }
0x69: {  	[tilespmem:s12], [sflag:$0x4] =	stream.indirect.gather [hbm4b:s1+s3], $0x80, s10, s3, $0xb8;
	[tilespmem:$0x1E400] =	vst v63  }
0x6a: {  	_ =	swait.ge [sflag:s14], $0x2000  }
0x6b: {  	[sflag:s14] =	ssyncset.done $0x0  }
0x6c: {  	s11 =	simm.s32 $0x1400;
	[sflag:s14] =	ssyncadd.s32 $0xFFFFE000  }
0x6d: {  	[spmem:s2] =	stream.indirect.scatter.add.f32 [tilespmem:s30], [sflag:$0x1], $0x80, s11, s3, $0xb8;
	[tilespmem:$0x1E400] =	vst v63  }
0x6e: {  	_ =	swait.ge [sflag:s16], $0x2000  }
0x6f: {  	[sflag:s16] =	ssyncset.done $0x0  }
0x70: {  	s11 =	simm.s32 $0x1480;
	[sflag:s16] =	ssyncadd.s32 $0xFFFFE000  }
0x71: {  	[spmem:s2] =	stream.indirect.scatter.add.f32 [tilespmem:s7], [sflag:$0x2], $0x80, s11, s3, $0xb8;
	[tilespmem:$0x1E400] =	vst v63  }
0x72: {  	_ =	swait.ge [sflag:s19], $0x2000  }
0x73: {  	[sflag:s19] =	ssyncset.done $0x0  }
0x74: {  	s11 =	simm.s32 $0x1500;
	[sflag:s19] =	ssyncadd.s32 $0xFFFFE000  }
0x75: {  	[spmem:s2] =	stream.indirect.scatter.add.f32 [tilespmem:s9], [sflag:$0x3], $0x80, s11, s3, $0xb8;
	[tilespmem:$0x1E400] =	vst v63  }
0x76: {  	_ =	swait.ge [sflag:s20], $0x2000  }
0x77: {  	[sflag:s20] =	ssyncset.done $0x0  }
0x78: {  	s11 =	simm.s32 $0x1580;
	[sflag:s20] =	ssyncadd.s32 $0xFFFFE000  }
0x79: {  	[spmem:s2] =	stream.indirect.scatter.add.f32 [tilespmem:s12], [sflag:$0x4], $0x80, s11, s3, $0xb8;
	[tilespmem:$0x1E400] =	vst v63  }
0x7a: {  	_ =	swait.ge [sflag:s14], $0x2000  }
0x7b: {  	[sflag:s14] =	ssyncset.done $0x0  }
0x7c: {  	s11 =	simm.s32 $0x200;
	[sflag:s14] =	ssyncadd.s32 $0xFFFFE000  }
0x7d: {  	[tilespmem:s30], [sflag:$0x1] =	stream.indirect.gather [hbm4b:s1+s3], $0x80, s11, s3, $0xb8;
	[tilespmem:$0x1E400] =	vst v63  }
0x7e: {  	_ =	swait.ge [sflag:s16], $0x2000  }
0x7f: {  	[sflag:s16] =	ssyncset.done $0x0  }
0x80: {  	s11 =	simm.s32 $0x280;
	[sflag:s16] =	ssyncadd.s32 $0xFFFFE000  }
0x81: {  	[tilespmem:s7], [sflag:$0x2] =	stream.indirect.gather [hbm4b:s1+s3], $0x80, s11, s3, $0xb8;
	[tilespmem:$0x1E400] =	vst v63  }
0x82: {  	_ =	swait.ge [sflag:s19], $0x2000  }
0x83: {  	[sflag:s19] =	ssyncset.done $0x0  }
0x84: {  	s11 =	simm.s32 $0x300;
	[sflag:s19] =	ssyncadd.s32 $0xFFFFE000  }
0x85: {  	[tilespmem:s9], [sflag:$0x3] =	stream.indirect.gather [hbm4b:s1+s3], $0x80, s11, s3, $0xb8;
	[tilespmem:$0x1E400] =	vst v63  }
0x86: {  	_ =	swait.ge [sflag:s20], $0x2000  }
0x87: {  	[sflag:s20] =	ssyncset.done $0x0  }
0x88: {  	s26 =	simm.s32 $0x800;
	s28 =	simm.s32 $0x380;
	[sflag:s20] =	ssyncadd.s32 $0xFFFFE000  }
.LBB2_4:
0x89: {  	[tilespmem:s12], [sflag:$0x4] =	stream.indirect.gather [hbm4b:s1+s3], $0x80, s28, s3, $0xb8;
	[tilespmem:$0x1E400] =	vst v63  }
0x8a: {  	s28 =	smov.u32 s26  }
0x8b: {  	p1 =	sne.s32 s26, $0x4000;
	s26 =	sadd.s32 $0x800, s26;
	_ =	swait.ge [sflag:s14], $0x2000  }
0x8c: {  	s28 =	sshra.s32 s28, $0x2;
	[sflag:s14] =	ssyncset.done $0x0  }
0x8d: {  	s11 =	sadd.s32 $0x1400, s28;
	[sflag:s14] =	ssyncadd.s32 $0xFFFFE000  }
0x8e: {  	[spmem:s2] =	stream.indirect.scatter.add.f32 [tilespmem:s30], [sflag:$0x1], $0x80, s11, s3, $0xb8;
	[tilespmem:$0x1E400] =	vst v63  }
0x8f: {  	_ =	swait.ge [sflag:s16], $0x2000  }
0x90: {  	[sflag:s16] =	ssyncset.done $0x0  }
0x91: {  	s11 =	sadd.s32 $0x1480, s28;
	[sflag:s16] =	ssyncadd.s32 $0xFFFFE000  }
0x92: {  	[spmem:s2] =	stream.indirect.scatter.add.f32 [tilespmem:s7], [sflag:$0x2], $0x80, s11, s3, $0xb8;
	[tilespmem:$0x1E400] =	vst v63  }
0x93: {  	_ =	swait.ge [sflag:s19], $0x2000  }
0x94: {  	[sflag:s19] =	ssyncset.done $0x0  }
0x95: {  	s11 =	sadd.s32 $0x1500, s28;
	[sflag:s19] =	ssyncadd.s32 $0xFFFFE000  }
0x96: {  	[spmem:s2] =	stream.indirect.scatter.add.f32 [tilespmem:s9], [sflag:$0x3], $0x80, s11, s3, $0xb8;
	[tilespmem:$0x1E400] =	vst v63  }
0x97: {  	_ =	swait.ge [sflag:s20], $0x2000  }
0x98: {  	[sflag:s20] =	ssyncset.done $0x0  }
0x99: {  	s11 =	sadd.s32 $0x1580, s28;
	[sflag:s20] =	ssyncadd.s32 $0xFFFFE000  }
0x9a: {  	[spmem:s2] =	stream.indirect.scatter.add.f32 [tilespmem:s12], [sflag:$0x4], $0x80, s11, s3, $0xb8;
	[tilespmem:$0x1E400] =	vst v63  }
0x9b: {  	_ =	swait.ge [sflag:s14], $0x2000  }
0x9c: {  	[sflag:s14] =	ssyncset.done $0x0  }
0x9d: {  	s11 =	sadd.s32 $0x200, s28;
	[sflag:s14] =	ssyncadd.s32 $0xFFFFE000  }
0x9e: {  	[tilespmem:s30], [sflag:$0x1] =	stream.indirect.gather [hbm4b:s1+s3], $0x80, s11, s3, $0xb8;
	[tilespmem:$0x1E400] =	vst v63  }
0x9f: {  	_ =	swait.ge [sflag:s16], $0x2000  }
0xa0: {  	[sflag:s16] =	ssyncset.done $0x0  }
0xa1: {  	s11 =	sadd.s32 $0x280, s28;
	[sflag:s16] =	ssyncadd.s32 $0xFFFFE000  }
0xa2: {  	[tilespmem:s7], [sflag:$0x2] =	stream.indirect.gather [hbm4b:s1+s3], $0x80, s11, s3, $0xb8;
	[tilespmem:$0x1E400] =	vst v63  }
0xa3: {  	_ =	swait.ge [sflag:s19], $0x2000  }
0xa4: {  	[sflag:s19] =	ssyncset.done $0x0  }
.Ltmp1:
0xa5: {  	s11 =	sadd.s32 $0x300, s28;
	[sflag:s19] =	ssyncadd.s32 $0xFFFFE000;
	(pc) =	sbr.rel @p1 .LBB2_4-.Ltmp1, $4  }
0xa6: {  	[tilespmem:s9], [sflag:$0x3] =	stream.indirect.gather [hbm4b:s1+s3], $0x80, s11, s3, $0xb8;
	[tilespmem:$0x1E400] =	vst v63  }
0xa7: {  	_ =	swait.ge [sflag:s20], $0x2000  }
0xa8: {  	[sflag:s20] =	ssyncset.done $0x0  }
0xa9: {  	s28 =	sadd.s32 $0x380, s28;
	[sflag:s20] =	ssyncadd.s32 $0xFFFFE000  }
0xaa: {  	[tilespmem:s12], [sflag:$0x4] =	stream.indirect.gather [hbm4b:s1+s3], $0x80, s28, s3, $0xb8;
	[tilespmem:$0x1E400] =	vst v63  }
0xab: {  	_ =	swait.ge [sflag:s14], $0x2000  }
0xac: {  	[sflag:s14] =	ssyncset.done $0x0  }
0xad: {  	[sflag:s14] =	ssyncadd.s32 $0xFFFFE000  }
0xae: {  	[spmem:s2] =	stream.indirect.scatter.add.f32 [tilespmem:s30], [sflag:$0x1], $0x80, s22, s3, $0xb8;
	[tilespmem:$0x1E400] =	vst v63  }
0xaf: {  	_ =	swait.ge [sflag:s16], $0x2000  }
0xb0: {  	[sflag:s16] =	ssyncset.done $0x0  }
0xb1: {  	[sflag:s16] =	ssyncadd.s32 $0xFFFFE000  }
0xb2: {  	[spmem:s2] =	stream.indirect.scatter.add.f32 [tilespmem:s7], [sflag:$0x2], $0x80, s23, s3, $0xb8;
	[tilespmem:$0x1E400] =	vst v63  }
0xb3: {  	_ =	swait.ge [sflag:s19], $0x2000  }
0xb4: {  	[sflag:s19] =	ssyncset.done $0x0  }
0xb5: {  	[sflag:s19] =	ssyncadd.s32 $0xFFFFE000  }
0xb6: {  	[spmem:s2] =	stream.indirect.scatter.add.f32 [tilespmem:s9], [sflag:$0x3], $0x80, s24, s3, $0xb8;
	[tilespmem:$0x1E400] =	vst v63  }
0xb7: {  	_ =	swait.ge [sflag:s20], $0x2000  }
0xb8: {  	[sflag:s20] =	ssyncset.done $0x0  }
0xb9: {  	[sflag:s20] =	ssyncadd.s32 $0xFFFFE000  }
0xba: {  	[spmem:s2] =	stream.indirect.scatter.add.f32 [tilespmem:s12], [sflag:$0x4], $0x80, s25, s3, $0xb8;
	[tilespmem:$0x1E400] =	vst v63  }
0xbb: {  	_ =	swait.ge [sflag:s14], $0x2000  }
0xbc: {  	[sflag:s14] =	ssyncset.done $0x0  }
0xbd: {  	[sflag:s14] =	ssyncadd.s32 $0xFFFFE000  }
0xbe: {  	_ =	swait.ge [sflag:s16], $0x2000  }
0xbf: {  	[sflag:s16] =	ssyncset.done $0x0  }
0xc0: {  	[sflag:s16] =	ssyncadd.s32 $0xFFFFE000  }
0xc1: {  	_ =	swait.ge [sflag:s19], $0x2000  }
0xc2: {  	[sflag:s19] =	ssyncset.done $0x0  }
0xc3: {  	[sflag:s19] =	ssyncadd.s32 $0xFFFFE000  }
0xc4: {  	_ =	swait.ge [sflag:s20], $0x2000  }
0xc5: {  	[sflag:s20] =	ssyncset.done $0x0  }
0xc6: {  	s11 =	sadd.s32 s15, s13;
	s26 =	simm.s32 $0x0;
	[sflag:s20] =	ssyncadd.s32 $0xFFFFE000  }
0xc7: {  	[tilespmem:s26], [sflag:$0x5] =	stream.linear.gather [hbm4b:s11+s26], $0x1400, $0x38;
	[tilespmem:$0x1E400] =	vst v63  }
0xc8: {  	_ =	swait.ge [sflag:s31], $0x1400  }
0xc9: {  	[sflag:s31] =	ssyncset.done $0x0  }
0xca: {  	s11 =	rddreg [dreg:$0xc];
	[sflag:s31] =	ssyncadd.s32 $0xFFFFEC00  }
0xcb: {  	[tilespmem:s0], [sflag:$0x5] =	stream.linear.gather [hbm4b:s11+s26], $0x1400, $0x38;
	[tilespmem:$0x1E400] =	vst v63  }
0xcc: {  	_ =	swait.ge [sflag:s31], $0x1400  }
0xcd: {  	[sflag:s31] =	ssyncset.done $0x0  }
0xce: {  	[sflag:s31] =	ssyncadd.s32 $0xFFFFEC00  }
0xcf: {  	[tilespmem:s30], [sflag:$0x1] =	stream.indirect.gather [hbm4b:s1+s3], $0x80, s26, s3, $0xb8;
	[tilespmem:$0x1E400] =	vst v63  }
0xd0: {  	_ = 	snop  }
0xd1: {  	[tilespmem:s7], [sflag:$0x2] =	stream.indirect.gather [hbm4b:s1+s3], $0x80, s6, s3, $0xb8;
	[tilespmem:$0x1E400] =	vst v63  }
0xd2: {  	_ = 	snop  }
0xd3: {  	[tilespmem:s9], [sflag:$0x3] =	stream.indirect.gather [hbm4b:s1+s3], $0x80, s8, s3, $0xb8;
	[tilespmem:$0x1E400] =	vst v63  }
0xd4: {  	_ = 	snop  }
0xd5: {  	[tilespmem:s12], [sflag:$0x4] =	stream.indirect.gather [hbm4b:s1+s3], $0x80, s10, s3, $0xb8;
	[tilespmem:$0x1E400] =	vst v63  }
0xd6: {  	_ =	swait.ge [sflag:s14], $0x2000  }
0xd7: {  	[sflag:s14] =	ssyncset.done $0x0  }
0xd8: {  	s26 =	simm.s32 $0x1400;
	[sflag:s14] =	ssyncadd.s32 $0xFFFFE000  }
0xd9: {  	[spmem:s2] =	stream.indirect.scatter.add.f32 [tilespmem:s30], [sflag:$0x1], $0x80, s26, s3, $0xb8;
	[tilespmem:$0x1E400] =	vst v63  }
0xda: {  	_ =	swait.ge [sflag:s16], $0x2000  }
0xdb: {  	[sflag:s16] =	ssyncset.done $0x0  }
0xdc: {  	s26 =	simm.s32 $0x1480;
	[sflag:s16] =	ssyncadd.s32 $0xFFFFE000  }
0xdd: {  	[spmem:s2] =	stream.indirect.scatter.add.f32 [tilespmem:s7], [sflag:$0x2], $0x80, s26, s3, $0xb8;
	[tilespmem:$0x1E400] =	vst v63  }
0xde: {  	_ =	swait.ge [sflag:s19], $0x2000  }
0xdf: {  	[sflag:s19] =	ssyncset.done $0x0  }
0xe0: {  	s26 =	simm.s32 $0x1500;
	[sflag:s19] =	ssyncadd.s32 $0xFFFFE000  }
0xe1: {  	[spmem:s2] =	stream.indirect.scatter.add.f32 [tilespmem:s9], [sflag:$0x3], $0x80, s26, s3, $0xb8;
	[tilespmem:$0x1E400] =	vst v63  }
0xe2: {  	_ =	swait.ge [sflag:s20], $0x2000  }
0xe3: {  	[sflag:s20] =	ssyncset.done $0x0  }
0xe4: {  	s26 =	simm.s32 $0x1580;
	[sflag:s20] =	ssyncadd.s32 $0xFFFFE000  }
0xe5: {  	[spmem:s2] =	stream.indirect.scatter.add.f32 [tilespmem:s12], [sflag:$0x4], $0x80, s26, s3, $0xb8;
	[tilespmem:$0x1E400] =	vst v63  }
0xe6: {  	_ =	swait.ge [sflag:s14], $0x2000  }
0xe7: {  	[sflag:s14] =	ssyncset.done $0x0  }
0xe8: {  	s26 =	simm.s32 $0x200;
	[sflag:s14] =	ssyncadd.s32 $0xFFFFE000  }
0xe9: {  	[tilespmem:s30], [sflag:$0x1] =	stream.indirect.gather [hbm4b:s1+s3], $0x80, s26, s3, $0xb8;
	[tilespmem:$0x1E400] =	vst v63  }
0xea: {  	_ =	swait.ge [sflag:s16], $0x2000  }
0xeb: {  	[sflag:s16] =	ssyncset.done $0x0  }
0xec: {  	s26 =	simm.s32 $0x280;
	[sflag:s16] =	ssyncadd.s32 $0xFFFFE000  }
0xed: {  	[tilespmem:s7], [sflag:$0x2] =	stream.indirect.gather [hbm4b:s1+s3], $0x80, s26, s3, $0xb8;
	[tilespmem:$0x1E400] =	vst v63  }
0xee: {  	_ =	swait.ge [sflag:s19], $0x2000  }
0xef: {  	[sflag:s19] =	ssyncset.done $0x0  }
0xf0: {  	s26 =	simm.s32 $0x300;
	[sflag:s19] =	ssyncadd.s32 $0xFFFFE000  }
0xf1: {  	[tilespmem:s9], [sflag:$0x3] =	stream.indirect.gather [hbm4b:s1+s3], $0x80, s26, s3, $0xb8;
	[tilespmem:$0x1E400] =	vst v63  }
0xf2: {  	_ =	swait.ge [sflag:s20], $0x2000  }
0xf3: {  	[sflag:s20] =	ssyncset.done $0x0  }
0xf4: {  	s28 =	simm.s32 $0x380;
	s26 =	simm.s32 $0x800;
	[sflag:s20] =	ssyncadd.s32 $0xFFFFE000  }
.LBB2_6:
0xf5: {  	[tilespmem:s12], [sflag:$0x4] =	stream.indirect.gather [hbm4b:s1+s3], $0x80, s28, s3, $0xb8;
	[tilespmem:$0x1E400] =	vst v63  }
0xf6: {  	s11 =	smov.u32 s26  }
0xf7: {  	p1 =	sne.s32 s26, $0x4000;
	s26 =	sadd.s32 $0x800, s26;
	_ =	swait.ge [sflag:s14], $0x2000  }
0xf8: {  	s28 =	sshra.s32 s11, $0x2;
	[sflag:s14] =	ssyncset.done $0x0  }
0xf9: {  	s11 =	sadd.s32 $0x1400, s28;
	[sflag:s14] =	ssyncadd.s32 $0xFFFFE000  }
0xfa: {  	[spmem:s2] =	stream.indirect.scatter.add.f32 [tilespmem:s30], [sflag:$0x1], $0x80, s11, s3, $0xb8;
	[tilespmem:$0x1E400] =	vst v63  }
0xfb: {  	_ =	swait.ge [sflag:s16], $0x2000  }
0xfc: {  	[sflag:s16] =	ssyncset.done $0x0  }
0xfd: {  	s11 =	sadd.s32 $0x1480, s28;
	[sflag:s16] =	ssyncadd.s32 $0xFFFFE000  }
0xfe: {  	[spmem:s2] =	stream.indirect.scatter.add.f32 [tilespmem:s7], [sflag:$0x2], $0x80, s11, s3, $0xb8;
	[tilespmem:$0x1E400] =	vst v63  }
0xff: {  	_ =	swait.ge [sflag:s19], $0x2000  }
0x100: {  	[sflag:s19] =	ssyncset.done $0x0  }
0x101: {  	s11 =	sadd.s32 $0x1500, s28;
	[sflag:s19] =	ssyncadd.s32 $0xFFFFE000  }
0x102: {  	[spmem:s2] =	stream.indirect.scatter.add.f32 [tilespmem:s9], [sflag:$0x3], $0x80, s11, s3, $0xb8;
	[tilespmem:$0x1E400] =	vst v63  }
0x103: {  	_ =	swait.ge [sflag:s20], $0x2000  }
0x104: {  	[sflag:s20] =	ssyncset.done $0x0  }
0x105: {  	s11 =	sadd.s32 $0x1580, s28;
	[sflag:s20] =	ssyncadd.s32 $0xFFFFE000  }
0x106: {  	[spmem:s2] =	stream.indirect.scatter.add.f32 [tilespmem:s12], [sflag:$0x4], $0x80, s11, s3, $0xb8;
	[tilespmem:$0x1E400] =	vst v63  }
0x107: {  	_ =	swait.ge [sflag:s14], $0x2000  }
0x108: {  	[sflag:s14] =	ssyncset.done $0x0  }
0x109: {  	s11 =	sadd.s32 $0x200, s28;
	[sflag:s14] =	ssyncadd.s32 $0xFFFFE000  }
0x10a: {  	[tilespmem:s30], [sflag:$0x1] =	stream.indirect.gather [hbm4b:s1+s3], $0x80, s11, s3, $0xb8;
	[tilespmem:$0x1E400] =	vst v63  }
0x10b: {  	_ =	swait.ge [sflag:s16], $0x2000  }
0x10c: {  	[sflag:s16] =	ssyncset.done $0x0  }
0x10d: {  	s11 =	sadd.s32 $0x280, s28;
	[sflag:s16] =	ssyncadd.s32 $0xFFFFE000  }
0x10e: {  	[tilespmem:s7], [sflag:$0x2] =	stream.indirect.gather [hbm4b:s1+s3], $0x80, s11, s3, $0xb8;
	[tilespmem:$0x1E400] =	vst v63  }
0x10f: {  	_ =	swait.ge [sflag:s19], $0x2000  }
0x110: {  	[sflag:s19] =	ssyncset.done $0x0  }
.Ltmp2:
0x111: {  	s11 =	sadd.s32 $0x300, s28;
	[sflag:s19] =	ssyncadd.s32 $0xFFFFE000;
	(pc) =	sbr.rel @p1 .LBB2_6-.Ltmp2, $4  }
0x112: {  	[tilespmem:s9], [sflag:$0x3] =	stream.indirect.gather [hbm4b:s1+s3], $0x80, s11, s3, $0xb8;
	[tilespmem:$0x1E400] =	vst v63  }
0x113: {  	_ =	swait.ge [sflag:s20], $0x2000  }
0x114: {  	[sflag:s20] =	ssyncset.done $0x0  }
0x115: {  	s28 =	sadd.s32 $0x380, s28;
	[sflag:s20] =	ssyncadd.s32 $0xFFFFE000  }
0x116: {  	[tilespmem:s12], [sflag:$0x4] =	stream.indirect.gather [hbm4b:s1+s3], $0x80, s28, s3, $0xb8;
	[tilespmem:$0x1E400] =	vst v63  }
0x117: {  	_ =	swait.ge [sflag:s14], $0x2000  }
0x118: {  	[sflag:s14] =	ssyncset.done $0x0  }
0x119: {  	[sflag:s14] =	ssyncadd.s32 $0xFFFFE000  }
0x11a: {  	[spmem:s2] =	stream.indirect.scatter.add.f32 [tilespmem:s30], [sflag:$0x1], $0x80, s22, s3, $0xb8;
	[tilespmem:$0x1E400] =	vst v63  }
0x11b: {  	_ =	swait.ge [sflag:s16], $0x2000  }
0x11c: {  	[sflag:s16] =	ssyncset.done $0x0  }
0x11d: {  	[sflag:s16] =	ssyncadd.s32 $0xFFFFE000  }
0x11e: {  	[spmem:s2] =	stream.indirect.scatter.add.f32 [tilespmem:s7], [sflag:$0x2], $0x80, s23, s3, $0xb8;
	[tilespmem:$0x1E400] =	vst v63  }
0x11f: {  	_ =	swait.ge [sflag:s19], $0x2000  }
0x120: {  	[sflag:s19] =	ssyncset.done $0x0  }
0x121: {  	[sflag:s19] =	ssyncadd.s32 $0xFFFFE000  }
0x122: {  	[spmem:s2] =	stream.indirect.scatter.add.f32 [tilespmem:s9], [sflag:$0x3], $0x80, s24, s3, $0xb8;
	[tilespmem:$0x1E400] =	vst v63  }
0x123: {  	_ =	swait.ge [sflag:s20], $0x2000  }
0x124: {  	[sflag:s20] =	ssyncset.done $0x0  }
0x125: {  	[sflag:s20] =	ssyncadd.s32 $0xFFFFE000  }
0x126: {  	[spmem:s2] =	stream.indirect.scatter.add.f32 [tilespmem:s12], [sflag:$0x4], $0x80, s25, s3, $0xb8;
	[tilespmem:$0x1E400] =	vst v63  }
0x127: {  	_ =	swait.ge [sflag:s14], $0x2000  }
0x128: {  	[sflag:s14] =	ssyncset.done $0x0  }
0x129: {  	[sflag:s14] =	ssyncadd.s32 $0xFFFFE000  }
0x12a: {  	_ =	swait.ge [sflag:s16], $0x2000  }
0x12b: {  	[sflag:s16] =	ssyncset.done $0x0  }
0x12c: {  	[sflag:s16] =	ssyncadd.s32 $0xFFFFE000  }
0x12d: {  	_ =	swait.ge [sflag:s19], $0x2000  }
0x12e: {  	[sflag:s19] =	ssyncset.done $0x0  }
0x12f: {  	[sflag:s19] =	ssyncadd.s32 $0xFFFFE000  }
0x130: {  	_ =	swait.ge [sflag:s20], $0x2000  }
0x131: {  	[sflag:s20] =	ssyncset.done $0x0  }
0x132: {  	s11 =	sadd.s32 s17, s13;
	s26 =	simm.s32 $0x0;
	[sflag:s20] =	ssyncadd.s32 $0xFFFFE000  }
0x133: {  	[tilespmem:s26], [sflag:$0x5] =	stream.linear.gather [hbm4b:s11+s26], $0x1400, $0x38;
	[tilespmem:$0x1E400] =	vst v63  }
0x134: {  	_ =	swait.ge [sflag:s31], $0x1400  }
0x135: {  	[sflag:s31] =	ssyncset.done $0x0  }
0x136: {  	s11 =	rddreg [dreg:$0xd];
	[sflag:s31] =	ssyncadd.s32 $0xFFFFEC00  }
0x137: {  	[tilespmem:s0], [sflag:$0x5] =	stream.linear.gather [hbm4b:s11+s26], $0x1400, $0x38;
	[tilespmem:$0x1E400] =	vst v63  }
0x138: {  	_ =	swait.ge [sflag:s31], $0x1400  }
0x139: {  	[sflag:s31] =	ssyncset.done $0x0  }
0x13a: {  	[sflag:s31] =	ssyncadd.s32 $0xFFFFEC00  }
0x13b: {  	[tilespmem:s30], [sflag:$0x1] =	stream.indirect.gather [hbm4b:s1+s3], $0x80, s26, s3, $0xb8;
	[tilespmem:$0x1E400] =	vst v63  }
0x13c: {  	_ = 	snop  }
0x13d: {  	[tilespmem:s7], [sflag:$0x2] =	stream.indirect.gather [hbm4b:s1+s3], $0x80, s6, s3, $0xb8;
	[tilespmem:$0x1E400] =	vst v63  }
0x13e: {  	_ = 	snop  }
0x13f: {  	[tilespmem:s9], [sflag:$0x3] =	stream.indirect.gather [hbm4b:s1+s3], $0x80, s8, s3, $0xb8;
	[tilespmem:$0x1E400] =	vst v63  }
0x140: {  	_ = 	snop  }
0x141: {  	[tilespmem:s12], [sflag:$0x4] =	stream.indirect.gather [hbm4b:s1+s3], $0x80, s10, s3, $0xb8;
	[tilespmem:$0x1E400] =	vst v63  }
0x142: {  	_ =	swait.ge [sflag:s14], $0x2000  }
0x143: {  	[sflag:s14] =	ssyncset.done $0x0  }
0x144: {  	s26 =	simm.s32 $0x1400;
	[sflag:s14] =	ssyncadd.s32 $0xFFFFE000  }
0x145: {  	[spmem:s2] =	stream.indirect.scatter.add.f32 [tilespmem:s30], [sflag:$0x1], $0x80, s26, s3, $0xb8;
	[tilespmem:$0x1E400] =	vst v63  }
0x146: {  	_ =	swait.ge [sflag:s16], $0x2000  }
0x147: {  	[sflag:s16] =	ssyncset.done $0x0  }
0x148: {  	s26 =	simm.s32 $0x1480;
	[sflag:s16] =	ssyncadd.s32 $0xFFFFE000  }
0x149: {  	[spmem:s2] =	stream.indirect.scatter.add.f32 [tilespmem:s7], [sflag:$0x2], $0x80, s26, s3, $0xb8;
	[tilespmem:$0x1E400] =	vst v63  }
0x14a: {  	_ =	swait.ge [sflag:s19], $0x2000  }
0x14b: {  	[sflag:s19] =	ssyncset.done $0x0  }
0x14c: {  	s26 =	simm.s32 $0x1500;
	[sflag:s19] =	ssyncadd.s32 $0xFFFFE000  }
0x14d: {  	[spmem:s2] =	stream.indirect.scatter.add.f32 [tilespmem:s9], [sflag:$0x3], $0x80, s26, s3, $0xb8;
	[tilespmem:$0x1E400] =	vst v63  }
0x14e: {  	_ =	swait.ge [sflag:s20], $0x2000  }
0x14f: {  	[sflag:s20] =	ssyncset.done $0x0  }
0x150: {  	s26 =	simm.s32 $0x1580;
	[sflag:s20] =	ssyncadd.s32 $0xFFFFE000  }
0x151: {  	[spmem:s2] =	stream.indirect.scatter.add.f32 [tilespmem:s12], [sflag:$0x4], $0x80, s26, s3, $0xb8;
	[tilespmem:$0x1E400] =	vst v63  }
0x152: {  	_ =	swait.ge [sflag:s14], $0x2000  }
0x153: {  	[sflag:s14] =	ssyncset.done $0x0  }
0x154: {  	s26 =	simm.s32 $0x200;
	[sflag:s14] =	ssyncadd.s32 $0xFFFFE000  }
0x155: {  	[tilespmem:s30], [sflag:$0x1] =	stream.indirect.gather [hbm4b:s1+s3], $0x80, s26, s3, $0xb8;
	[tilespmem:$0x1E400] =	vst v63  }
0x156: {  	_ =	swait.ge [sflag:s16], $0x2000  }
0x157: {  	[sflag:s16] =	ssyncset.done $0x0  }
0x158: {  	s26 =	simm.s32 $0x280;
	[sflag:s16] =	ssyncadd.s32 $0xFFFFE000  }
0x159: {  	[tilespmem:s7], [sflag:$0x2] =	stream.indirect.gather [hbm4b:s1+s3], $0x80, s26, s3, $0xb8;
	[tilespmem:$0x1E400] =	vst v63  }
0x15a: {  	_ =	swait.ge [sflag:s19], $0x2000  }
0x15b: {  	[sflag:s19] =	ssyncset.done $0x0  }
0x15c: {  	s26 =	simm.s32 $0x300;
	[sflag:s19] =	ssyncadd.s32 $0xFFFFE000  }
0x15d: {  	[tilespmem:s9], [sflag:$0x3] =	stream.indirect.gather [hbm4b:s1+s3], $0x80, s26, s3, $0xb8;
	[tilespmem:$0x1E400] =	vst v63  }
0x15e: {  	_ =	swait.ge [sflag:s20], $0x2000  }
0x15f: {  	[sflag:s20] =	ssyncset.done $0x0  }
0x160: {  	s28 =	simm.s32 $0x380;
	s26 =	simm.s32 $0x800;
	[sflag:s20] =	ssyncadd.s32 $0xFFFFE000  }
.LBB2_8:
0x161: {  	[tilespmem:s12], [sflag:$0x4] =	stream.indirect.gather [hbm4b:s1+s3], $0x80, s28, s3, $0xb8;
	[tilespmem:$0x1E400] =	vst v63  }
0x162: {  	s11 =	smov.u32 s26  }
0x163: {  	p1 =	sne.s32 s26, $0x4000;
	s26 =	sadd.s32 $0x800, s26;
	_ =	swait.ge [sflag:s14], $0x2000  }
0x164: {  	s28 =	sshra.s32 s11, $0x2;
	[sflag:s14] =	ssyncset.done $0x0  }
0x165: {  	s11 =	sadd.s32 $0x1400, s28;
	[sflag:s14] =	ssyncadd.s32 $0xFFFFE000  }
0x166: {  	[spmem:s2] =	stream.indirect.scatter.add.f32 [tilespmem:s30], [sflag:$0x1], $0x80, s11, s3, $0xb8;
	[tilespmem:$0x1E400] =	vst v63  }
0x167: {  	_ =	swait.ge [sflag:s16], $0x2000  }
0x168: {  	[sflag:s16] =	ssyncset.done $0x0  }
0x169: {  	s11 =	sadd.s32 $0x1480, s28;
	[sflag:s16] =	ssyncadd.s32 $0xFFFFE000  }
0x16a: {  	[spmem:s2] =	stream.indirect.scatter.add.f32 [tilespmem:s7], [sflag:$0x2], $0x80, s11, s3, $0xb8;
	[tilespmem:$0x1E400] =	vst v63  }
0x16b: {  	_ =	swait.ge [sflag:s19], $0x2000  }
0x16c: {  	[sflag:s19] =	ssyncset.done $0x0  }
0x16d: {  	s11 =	sadd.s32 $0x1500, s28;
	[sflag:s19] =	ssyncadd.s32 $0xFFFFE000  }
0x16e: {  	[spmem:s2] =	stream.indirect.scatter.add.f32 [tilespmem:s9], [sflag:$0x3], $0x80, s11, s3, $0xb8;
	[tilespmem:$0x1E400] =	vst v63  }
0x16f: {  	_ =	swait.ge [sflag:s20], $0x2000  }
0x170: {  	[sflag:s20] =	ssyncset.done $0x0  }
0x171: {  	s11 =	sadd.s32 $0x1580, s28;
	[sflag:s20] =	ssyncadd.s32 $0xFFFFE000  }
0x172: {  	[spmem:s2] =	stream.indirect.scatter.add.f32 [tilespmem:s12], [sflag:$0x4], $0x80, s11, s3, $0xb8;
	[tilespmem:$0x1E400] =	vst v63  }
0x173: {  	_ =	swait.ge [sflag:s14], $0x2000  }
0x174: {  	[sflag:s14] =	ssyncset.done $0x0  }
0x175: {  	s11 =	sadd.s32 $0x200, s28;
	[sflag:s14] =	ssyncadd.s32 $0xFFFFE000  }
0x176: {  	[tilespmem:s30], [sflag:$0x1] =	stream.indirect.gather [hbm4b:s1+s3], $0x80, s11, s3, $0xb8;
	[tilespmem:$0x1E400] =	vst v63  }
0x177: {  	_ =	swait.ge [sflag:s16], $0x2000  }
0x178: {  	[sflag:s16] =	ssyncset.done $0x0  }
0x179: {  	s11 =	sadd.s32 $0x280, s28;
	[sflag:s16] =	ssyncadd.s32 $0xFFFFE000  }
0x17a: {  	[tilespmem:s7], [sflag:$0x2] =	stream.indirect.gather [hbm4b:s1+s3], $0x80, s11, s3, $0xb8;
	[tilespmem:$0x1E400] =	vst v63  }
0x17b: {  	_ =	swait.ge [sflag:s19], $0x2000  }
0x17c: {  	[sflag:s19] =	ssyncset.done $0x0  }
.Ltmp3:
0x17d: {  	s11 =	sadd.s32 $0x300, s28;
	[sflag:s19] =	ssyncadd.s32 $0xFFFFE000;
	(pc) =	sbr.rel @p1 .LBB2_8-.Ltmp3, $4  }
0x17e: {  	[tilespmem:s9], [sflag:$0x3] =	stream.indirect.gather [hbm4b:s1+s3], $0x80, s11, s3, $0xb8;
	[tilespmem:$0x1E400] =	vst v63  }
0x17f: {  	_ =	swait.ge [sflag:s20], $0x2000  }
0x180: {  	[sflag:s20] =	ssyncset.done $0x0  }
0x181: {  	s28 =	sadd.s32 $0x380, s28;
	[sflag:s20] =	ssyncadd.s32 $0xFFFFE000  }
0x182: {  	[tilespmem:s12], [sflag:$0x4] =	stream.indirect.gather [hbm4b:s1+s3], $0x80, s28, s3, $0xb8;
	[tilespmem:$0x1E400] =	vst v63  }
0x183: {  	_ =	swait.ge [sflag:s14], $0x2000  }
0x184: {  	[sflag:s14] =	ssyncset.done $0x0  }
0x185: {  	[sflag:s14] =	ssyncadd.s32 $0xFFFFE000  }
0x186: {  	[spmem:s2] =	stream.indirect.scatter.add.f32 [tilespmem:s30], [sflag:$0x1], $0x80, s22, s3, $0xb8;
	[tilespmem:$0x1E400] =	vst v63  }
0x187: {  	_ =	swait.ge [sflag:s16], $0x2000  }
0x188: {  	[sflag:s16] =	ssyncset.done $0x0  }
0x189: {  	[sflag:s16] =	ssyncadd.s32 $0xFFFFE000  }
0x18a: {  	[spmem:s2] =	stream.indirect.scatter.add.f32 [tilespmem:s7], [sflag:$0x2], $0x80, s23, s3, $0xb8;
	[tilespmem:$0x1E400] =	vst v63  }
0x18b: {  	_ =	swait.ge [sflag:s19], $0x2000  }
0x18c: {  	[sflag:s19] =	ssyncset.done $0x0  }
0x18d: {  	[sflag:s19] =	ssyncadd.s32 $0xFFFFE000  }
0x18e: {  	[spmem:s2] =	stream.indirect.scatter.add.f32 [tilespmem:s9], [sflag:$0x3], $0x80, s24, s3, $0xb8;
	[tilespmem:$0x1E400] =	vst v63  }
0x18f: {  	_ =	swait.ge [sflag:s20], $0x2000  }
0x190: {  	[sflag:s20] =	ssyncset.done $0x0  }
0x191: {  	[sflag:s20] =	ssyncadd.s32 $0xFFFFE000  }
0x192: {  	[spmem:s2] =	stream.indirect.scatter.add.f32 [tilespmem:s12], [sflag:$0x4], $0x80, s25, s3, $0xb8;
	[tilespmem:$0x1E400] =	vst v63  }
0x193: {  	_ =	swait.ge [sflag:s14], $0x2000  }
0x194: {  	[sflag:s14] =	ssyncset.done $0x0  }
0x195: {  	[sflag:s14] =	ssyncadd.s32 $0xFFFFE000  }
0x196: {  	_ =	swait.ge [sflag:s16], $0x2000  }
0x197: {  	[sflag:s16] =	ssyncset.done $0x0  }
0x198: {  	[sflag:s16] =	ssyncadd.s32 $0xFFFFE000  }
0x199: {  	_ =	swait.ge [sflag:s19], $0x2000  }
0x19a: {  	[sflag:s19] =	ssyncset.done $0x0  }
0x19b: {  	[sflag:s19] =	ssyncadd.s32 $0xFFFFE000  }
0x19c: {  	_ =	swait.ge [sflag:s20], $0x2000  }
0x19d: {  	[sflag:s20] =	ssyncset.done $0x0  }
0x19e: {  	s11 =	sadd.s32 s18, s13;
	s26 =	simm.s32 $0x0;
	[sflag:s20] =	ssyncadd.s32 $0xFFFFE000  }
0x19f: {  	[tilespmem:s26], [sflag:$0x5] =	stream.linear.gather [hbm4b:s11+s26], $0x1400, $0x38;
	[tilespmem:$0x1E400] =	vst v63  }
0x1a0: {  	_ =	swait.ge [sflag:s31], $0x1400  }
0x1a1: {  	[sflag:s31] =	ssyncset.done $0x0  }
0x1a2: {  	s11 =	rddreg [dreg:$0xe];
	[sflag:s31] =	ssyncadd.s32 $0xFFFFEC00  }
0x1a3: {  	[tilespmem:s0], [sflag:$0x5] =	stream.linear.gather [hbm4b:s11+s26], $0x1400, $0x38;
	[tilespmem:$0x1E400] =	vst v63  }
0x1a4: {  	_ =	swait.ge [sflag:s31], $0x1400  }
0x1a5: {  	[sflag:s31] =	ssyncset.done $0x0  }
0x1a6: {  	[sflag:s31] =	ssyncadd.s32 $0xFFFFEC00  }
0x1a7: {  	[tilespmem:s30], [sflag:$0x1] =	stream.indirect.gather [hbm4b:s1+s3], $0x80, s26, s3, $0xb8;
	[tilespmem:$0x1E400] =	vst v63  }
0x1a8: {  	_ = 	snop  }
0x1a9: {  	[tilespmem:s7], [sflag:$0x2] =	stream.indirect.gather [hbm4b:s1+s3], $0x80, s6, s3, $0xb8;
	[tilespmem:$0x1E400] =	vst v63  }
0x1aa: {  	_ = 	snop  }
0x1ab: {  	[tilespmem:s9], [sflag:$0x3] =	stream.indirect.gather [hbm4b:s1+s3], $0x80, s8, s3, $0xb8;
	[tilespmem:$0x1E400] =	vst v63  }
0x1ac: {  	_ = 	snop  }
0x1ad: {  	[tilespmem:s12], [sflag:$0x4] =	stream.indirect.gather [hbm4b:s1+s3], $0x80, s10, s3, $0xb8;
	[tilespmem:$0x1E400] =	vst v63  }
0x1ae: {  	_ =	swait.ge [sflag:s14], $0x2000  }
0x1af: {  	[sflag:s14] =	ssyncset.done $0x0  }
0x1b0: {  	s26 =	simm.s32 $0x1400;
	[sflag:s14] =	ssyncadd.s32 $0xFFFFE000  }
0x1b1: {  	[spmem:s2] =	stream.indirect.scatter.add.f32 [tilespmem:s30], [sflag:$0x1], $0x80, s26, s3, $0xb8;
	[tilespmem:$0x1E400] =	vst v63  }
0x1b2: {  	_ =	swait.ge [sflag:s16], $0x2000  }
0x1b3: {  	[sflag:s16] =	ssyncset.done $0x0  }
0x1b4: {  	s26 =	simm.s32 $0x1480;
	[sflag:s16] =	ssyncadd.s32 $0xFFFFE000  }
0x1b5: {  	[spmem:s2] =	stream.indirect.scatter.add.f32 [tilespmem:s7], [sflag:$0x2], $0x80, s26, s3, $0xb8;
	[tilespmem:$0x1E400] =	vst v63  }
0x1b6: {  	_ =	swait.ge [sflag:s19], $0x2000  }
0x1b7: {  	[sflag:s19] =	ssyncset.done $0x0  }
0x1b8: {  	s26 =	simm.s32 $0x1500;
	[sflag:s19] =	ssyncadd.s32 $0xFFFFE000  }
0x1b9: {  	[spmem:s2] =	stream.indirect.scatter.add.f32 [tilespmem:s9], [sflag:$0x3], $0x80, s26, s3, $0xb8;
	[tilespmem:$0x1E400] =	vst v63  }
0x1ba: {  	_ =	swait.ge [sflag:s20], $0x2000  }
0x1bb: {  	[sflag:s20] =	ssyncset.done $0x0  }
0x1bc: {  	s26 =	simm.s32 $0x1580;
	[sflag:s20] =	ssyncadd.s32 $0xFFFFE000  }
0x1bd: {  	[spmem:s2] =	stream.indirect.scatter.add.f32 [tilespmem:s12], [sflag:$0x4], $0x80, s26, s3, $0xb8;
	[tilespmem:$0x1E400] =	vst v63  }
0x1be: {  	_ =	swait.ge [sflag:s14], $0x2000  }
0x1bf: {  	[sflag:s14] =	ssyncset.done $0x0  }
0x1c0: {  	s26 =	simm.s32 $0x200;
	[sflag:s14] =	ssyncadd.s32 $0xFFFFE000  }
0x1c1: {  	[tilespmem:s30], [sflag:$0x1] =	stream.indirect.gather [hbm4b:s1+s3], $0x80, s26, s3, $0xb8;
	[tilespmem:$0x1E400] =	vst v63  }
0x1c2: {  	_ =	swait.ge [sflag:s16], $0x2000  }
0x1c3: {  	[sflag:s16] =	ssyncset.done $0x0  }
0x1c4: {  	s26 =	simm.s32 $0x280;
	[sflag:s16] =	ssyncadd.s32 $0xFFFFE000  }
0x1c5: {  	[tilespmem:s7], [sflag:$0x2] =	stream.indirect.gather [hbm4b:s1+s3], $0x80, s26, s3, $0xb8;
	[tilespmem:$0x1E400] =	vst v63  }
0x1c6: {  	_ =	swait.ge [sflag:s19], $0x2000  }
0x1c7: {  	[sflag:s19] =	ssyncset.done $0x0  }
0x1c8: {  	s26 =	simm.s32 $0x300;
	[sflag:s19] =	ssyncadd.s32 $0xFFFFE000  }
0x1c9: {  	[tilespmem:s9], [sflag:$0x3] =	stream.indirect.gather [hbm4b:s1+s3], $0x80, s26, s3, $0xb8;
	[tilespmem:$0x1E400] =	vst v63  }
0x1ca: {  	_ =	swait.ge [sflag:s20], $0x2000  }
0x1cb: {  	[sflag:s20] =	ssyncset.done $0x0  }
0x1cc: {  	s28 =	simm.s32 $0x380;
	s26 =	simm.s32 $0x800;
	[sflag:s20] =	ssyncadd.s32 $0xFFFFE000  }
.LBB2_10:
0x1cd: {  	[tilespmem:s12], [sflag:$0x4] =	stream.indirect.gather [hbm4b:s1+s3], $0x80, s28, s3, $0xb8;
	[tilespmem:$0x1E400] =	vst v63  }
0x1ce: {  	s11 =	smov.u32 s26  }
0x1cf: {  	p1 =	sne.s32 s26, $0x4000;
	s26 =	sadd.s32 $0x800, s26;
	_ =	swait.ge [sflag:s14], $0x2000  }
0x1d0: {  	s28 =	sshra.s32 s11, $0x2;
	[sflag:s14] =	ssyncset.done $0x0  }
0x1d1: {  	s11 =	sadd.s32 $0x1400, s28;
	[sflag:s14] =	ssyncadd.s32 $0xFFFFE000  }
0x1d2: {  	[spmem:s2] =	stream.indirect.scatter.add.f32 [tilespmem:s30], [sflag:$0x1], $0x80, s11, s3, $0xb8;
	[tilespmem:$0x1E400] =	vst v63  }
0x1d3: {  	_ =	swait.ge [sflag:s16], $0x2000  }
0x1d4: {  	[sflag:s16] =	ssyncset.done $0x0  }
0x1d5: {  	s11 =	sadd.s32 $0x1480, s28;
	[sflag:s16] =	ssyncadd.s32 $0xFFFFE000  }
0x1d6: {  	[spmem:s2] =	stream.indirect.scatter.add.f32 [tilespmem:s7], [sflag:$0x2], $0x80, s11, s3, $0xb8;
	[tilespmem:$0x1E400] =	vst v63  }
0x1d7: {  	_ =	swait.ge [sflag:s19], $0x2000  }
0x1d8: {  	[sflag:s19] =	ssyncset.done $0x0  }
0x1d9: {  	s11 =	sadd.s32 $0x1500, s28;
	[sflag:s19] =	ssyncadd.s32 $0xFFFFE000  }
0x1da: {  	[spmem:s2] =	stream.indirect.scatter.add.f32 [tilespmem:s9], [sflag:$0x3], $0x80, s11, s3, $0xb8;
	[tilespmem:$0x1E400] =	vst v63  }
0x1db: {  	_ =	swait.ge [sflag:s20], $0x2000  }
0x1dc: {  	[sflag:s20] =	ssyncset.done $0x0  }
0x1dd: {  	s11 =	sadd.s32 $0x1580, s28;
	[sflag:s20] =	ssyncadd.s32 $0xFFFFE000  }
0x1de: {  	[spmem:s2] =	stream.indirect.scatter.add.f32 [tilespmem:s12], [sflag:$0x4], $0x80, s11, s3, $0xb8;
	[tilespmem:$0x1E400] =	vst v63  }
0x1df: {  	_ =	swait.ge [sflag:s14], $0x2000  }
0x1e0: {  	[sflag:s14] =	ssyncset.done $0x0  }
0x1e1: {  	s11 =	sadd.s32 $0x200, s28;
	[sflag:s14] =	ssyncadd.s32 $0xFFFFE000  }
0x1e2: {  	[tilespmem:s30], [sflag:$0x1] =	stream.indirect.gather [hbm4b:s1+s3], $0x80, s11, s3, $0xb8;
	[tilespmem:$0x1E400] =	vst v63  }
0x1e3: {  	_ =	swait.ge [sflag:s16], $0x2000  }
0x1e4: {  	[sflag:s16] =	ssyncset.done $0x0  }
0x1e5: {  	s11 =	sadd.s32 $0x280, s28;
	[sflag:s16] =	ssyncadd.s32 $0xFFFFE000  }
0x1e6: {  	[tilespmem:s7], [sflag:$0x2] =	stream.indirect.gather [hbm4b:s1+s3], $0x80, s11, s3, $0xb8;
	[tilespmem:$0x1E400] =	vst v63  }
0x1e7: {  	_ =	swait.ge [sflag:s19], $0x2000  }
0x1e8: {  	[sflag:s19] =	ssyncset.done $0x0  }
.Ltmp4:
0x1e9: {  	s11 =	sadd.s32 $0x300, s28;
	[sflag:s19] =	ssyncadd.s32 $0xFFFFE000;
	(pc) =	sbr.rel @p1 .LBB2_10-.Ltmp4, $4  }
0x1ea: {  	[tilespmem:s9], [sflag:$0x3] =	stream.indirect.gather [hbm4b:s1+s3], $0x80, s11, s3, $0xb8;
	[tilespmem:$0x1E400] =	vst v63  }
0x1eb: {  	_ =	swait.ge [sflag:s20], $0x2000  }
0x1ec: {  	[sflag:s20] =	ssyncset.done $0x0  }
0x1ed: {  	s28 =	sadd.s32 $0x380, s28;
	[sflag:s20] =	ssyncadd.s32 $0xFFFFE000  }
0x1ee: {  	[tilespmem:s12], [sflag:$0x4] =	stream.indirect.gather [hbm4b:s1+s3], $0x80, s28, s3, $0xb8;
	[tilespmem:$0x1E400] =	vst v63  }
0x1ef: {  	_ =	swait.ge [sflag:s14], $0x2000  }
0x1f0: {  	[sflag:s14] =	ssyncset.done $0x0  }
0x1f1: {  	[sflag:s14] =	ssyncadd.s32 $0xFFFFE000  }
0x1f2: {  	[spmem:s2] =	stream.indirect.scatter.add.f32 [tilespmem:s30], [sflag:$0x1], $0x80, s22, s3, $0xb8;
	[tilespmem:$0x1E400] =	vst v63  }
0x1f3: {  	_ =	swait.ge [sflag:s16], $0x2000  }
0x1f4: {  	[sflag:s16] =	ssyncset.done $0x0  }
0x1f5: {  	[sflag:s16] =	ssyncadd.s32 $0xFFFFE000  }
0x1f6: {  	[spmem:s2] =	stream.indirect.scatter.add.f32 [tilespmem:s7], [sflag:$0x2], $0x80, s23, s3, $0xb8;
	[tilespmem:$0x1E400] =	vst v63  }
0x1f7: {  	_ =	swait.ge [sflag:s19], $0x2000  }
0x1f8: {  	[sflag:s19] =	ssyncset.done $0x0  }
0x1f9: {  	[sflag:s19] =	ssyncadd.s32 $0xFFFFE000  }
0x1fa: {  	[spmem:s2] =	stream.indirect.scatter.add.f32 [tilespmem:s9], [sflag:$0x3], $0x80, s24, s3, $0xb8;
	[tilespmem:$0x1E400] =	vst v63  }
0x1fb: {  	_ =	swait.ge [sflag:s20], $0x2000  }
0x1fc: {  	[sflag:s20] =	ssyncset.done $0x0  }
0x1fd: {  	[sflag:s20] =	ssyncadd.s32 $0xFFFFE000  }
0x1fe: {  	[spmem:s2] =	stream.indirect.scatter.add.f32 [tilespmem:s12], [sflag:$0x4], $0x80, s25, s3, $0xb8;
	[tilespmem:$0x1E400] =	vst v63  }
0x1ff: {  	_ =	swait.ge [sflag:s14], $0x2000  }
0x200: {  	[sflag:s14] =	ssyncset.done $0x0  }
0x201: {  	[sflag:s14] =	ssyncadd.s32 $0xFFFFE000  }
0x202: {  	_ =	swait.ge [sflag:s16], $0x2000  }
0x203: {  	[sflag:s16] =	ssyncset.done $0x0  }
0x204: {  	[sflag:s16] =	ssyncadd.s32 $0xFFFFE000  }
0x205: {  	_ =	swait.ge [sflag:s19], $0x2000  }
0x206: {  	[sflag:s19] =	ssyncset.done $0x0  }
0x207: {  	[sflag:s19] =	ssyncadd.s32 $0xFFFFE000  }
0x208: {  	_ =	swait.ge [sflag:s20], $0x2000  }
0x209: {  	[sflag:s20] =	ssyncset.done $0x0  }
0x20a: {  	[sflag:s20] =	ssyncadd.s32 $0xFFFFE000  }
0x20b: {  	s11 =	stileid.u32;
	[bflag:$0x0] =	sbarrier.arrive $0xFFFF  }
0x20c: {  	s11 =	sshll.u32 s11, $0x6;
	s26 =	rddreg [dreg:$0x10]  }
0x20d: {  	s11 =	sor.u32 $0x1C05, s11;
	s28 =	rddreg [dreg:$0x11]  }
0x20e: {  	[hbm:s26], [sflag:s11] =	dma.local [spmem:s28], $0x2700  }
0x20f: {  	_ =	swait.ge [sflag:s31], $0x2700  }
0x210: {  	[sflag:s31] =	ssyncset.done $0x0  }
0x211: {  	s26 =	sadd.s32 @!p0 $0x27000, s21;
	s28 =	rddreg [dreg:$0x12];
	[sflag:s31] =	ssyncadd.s32 $0xFFFFD900  }
0x212: {  	[hbm:s26], [sflag:s11] =	dma.local @!p0 [spmem:s28], $0x100  }
0x213: {  	s11 =	simm.s32 @!p0 $0x5  }
0x214: {  	_ =	swait.ge @!p0 [sflag:s11], $0x100  }
0x215: {  	s4 =	sadd.s32 $0x1, s4;
	s28 =	rddreg [dreg:$0xf]  }
0x216: {  	p1 =	sne.s32 s4, s28  }
.Ltmp5:
0x217: {  	_ = 	snop;
	(pc) =	sbr.rel @p1 .LBB2_1-.Ltmp5, $3  }
0x218: {  	_ =	sdelay $0x1  }
0x219: {  	[sflag:s11] =	ssyncset.done @!p0 $0x0  }
0x21a: {  	[sflag:s11] =	ssyncadd.s32 @!p0 $0xFFFFFF00  }
0x21b: {  	_ =	sfence.sel $0x180000  }
0x21c: {  	[bflag:$0x0] =	sbarrier.arrive $0xFFFF  }
0x21d: {  	_ =	strace $0x90000047  }
0x21e: {  	s0 =	stileid.u32;
	[bflag:$0x2] =	sbarrier.arrive $0xFFFF  }
0x21f: {  	p0 =	sne.s32 s0, $0x0;
	s0 =	rddreg [dreg:$0x3]  }
0x220: {  	s0 =	sadd.s32 @!p0 $0x100000, s0  }
0x221: {  	[sflag:s0] =	ssyncadd.tile.s32 @!p0 $0x1;
	_ =	shalt  }
.Lfunc_end2:
_tile_overlayer_lowered:
.L_overlay_start_2:
0x222: {  	(tag) =	ssettag $0x2  }
0x223: {  	s0 =	rddreg [dreg:$0x0];
	s2 =	stileid.u32  }
0x224: {  	s1 =	rddreg [dreg:$0x1];
	p0 =	sne.s32 s2, $0x0  }
0x225: {  	s3 =	rddreg [dreg:$0x2];
	[bflag:$0x3] =	sbarrier.arrive $0xFFFF;
	s2 =	simm.s32 @!p0 $0x1C05  }
0x226: {  	[timem:s3], [sflag:s2] =	dma.local @!p0 [hbm:s0], s1  }
0x227: {  	s0 =	simm.s32 @!p0 $0x5  }
0x228: {  	_ =	swait.ge @!p0 [sflag:s0], s1  }
0x229: {  	s1 =	ssub.s32 @!p0 $0x0, s1;
	[sflag:s0] =	ssyncset.done @!p0 $0x0  }
0x22a: {  	[sflag:s0] =	ssyncadd.s32 @!p0 s1  }
0x22b: {  	[bflag:$0x3] =	sbarrier.arrive $0xFFFF  }
0x22c: {  	_ =	shalt  }

// kernel: kernel.13.cloned.1.call-start
scs
__scs_entry_jumppad:
0x0: {  	(pc) =	sbr.rel $0x88, $3  }
0x1: {  	(tag) =	ssettag $0x0;
	lr =	simm.s32 $0x1  }
0x2: {  	[smem:$0x3F99] =	sst lr;
	_ =	strace $0xD0000000  }
0x3: {  	_ = 	snop  }
0x4: {  	_ = 	snop  }
0x5: {  	_ = 	snop  }
0x6: {  	_ = 	snop  }
0x7: {  	_ = 	snop  }
__scs_overlays_trampoline_lowered:
0x8: {  	[smem:$0x3FA8] =	sst s0  }
0x9: {  	[smem:$0x3FA9] =	sst s1  }
0xa: {  	[smem:$0x3FAA] =	sst s2  }
0xb: {  	[smem:$0x3FAB] =	sst s3  }
0xc: {  	[smem:$0x3FAC] =	sst s4  }
0xd: {  	[smem:$0x3FAD] =	sst s5  }
0xe: {  	[smem:$0x3FAE] =	sst s6  }
0xf: {  	[smem:$0x3FAF] =	sst s7  }
0x10: {  	[smem:$0x3FB0] =	sst s8  }
0x11: {  	[smem:$0x3FB1] =	sst s9;
	s0 =	simm.s32 @!p0 $0x0  }
0x12: {  	s1 =	sld [smem:$0x3F97];
	s0 =	simm.s32 @p0 $0x1  }
0x13: {  	[smem:$0x3FB2] =	sst s0;
	s0 =	simm.s32 @!p1 $0x0  }
0x14: {  	s2 =	sld [smem:$0x3F96];
	s0 =	simm.s32 @p1 $0x1  }
0x15: {  	[smem:$0x3FB3] =	sst s0;
	s0 =	simm.s32 @!p2 $0x0  }
0x16: {  	s3 =	sld [smem:$0x3FDB];
	s0 =	simm.s32 @p2 $0x1  }
0x17: {  	s4 =	simm.s32 $0x1BF5;
	[smem:$0x3FB5] =	sst s0  }
0x18: {  	s0 =	sld [smem:$0x3F98];
	_ =	swait.ge [sflag:s4], $0x0  }
0x19: {  	s7 =	sld [smem:$0x3F99]  }
0x1a: {  	s8 =	sadd.s32 $0xFFFFE003, lr  }
0x1b: {  	s9 =	sadd.s32 $0xFFFFFEF7, lr;
	s5 =	simm.s32 $0xFFFFFFFF;
	p2 =	slt.u32 s8, $0xFFFFF086  }
0x1c: {  	p1 =	slt.u32 s9, $0xF7A;
	s5 =	simm.s32 @!p2 $0x0  }
0x1d: {  	s5 =	simm.s32 @p1 $0x1;
	p0 =	seq.s32 s7, s2  }
0x1e: {  	s7 =	smul.u32 @!p0 $0xF7A, s2;
	p2 =	seq.s32 @!p0 s5, $0x0  }
0x1f: {  	s9 =	smul.u32 $0xF7A, s1;
	s8 =	simm.s32 @!p0 $0x1BF5;
	p2 =	por !p2, p0  }
0x20: {  	[sflag:s8] =	ssyncset.s32 @!p0 $0xFFFFF086;
	s6 =	sadd.s32 @!p0 s3, s7;
	s7 =	simm.s32 @!p0 $0x108  }
0x21: {  	s3 =	sadd.s32 s3, s9;
	s6 =	sadd.s32 @!p0 $0x88, s6;
	s7 =	simm.s32 @p2 $0x1082  }
0x22: {  	[simem:s7], [sflag:s8] =	dma.local @!p0 [hbm:s6], $0xF7A  }
0x23: {  	s9 =	sor.u32 $0xD0000000, s2;
	s6 =	simm.s32 $0x108;
	_ =	swait.ge @!p0 [sflag:s8], $0x0  }
0x24: {  	s3 =	sadd.s32 $0x88, s3;
	s6 =	simm.s32 @!p1 $0x1082;
	[sflag:s4] =	ssyncset.s32 $0xFFFFF086  }
0x25: {  	[simem:s6], [sflag:s4] =	dma.local [hbm:s3], $0xF7A  }
0x26: {  	[smem:$0x3F99] =	sst s1;
	(tag) =	ssettag s2;
	_ =	strace s9  }
0x27: {  	s1 =	sld [smem:$0x3FA9]  }
0x28: {  	s2 =	sld [smem:$0x3FAA]  }
0x29: {  	s4 =	sld [smem:$0x3FAC]  }
0x2a: {  	p0 =	seq.s32 s5, $0x0;
	s5 =	sld [smem:$0x3FAD]  }
0x2b: {  	s6 =	sld [smem:$0x3FAE]  }
0x2c: {  	s7 =	sld [smem:$0x3FAF]  }
0x2d: {  	s3 =	simm.s32 $0x108;
	s8 =	sld [smem:$0x3FB0]  }
0x2e: {  	s3 =	simm.s32 @!p0 $0x1082;
	s9 =	sld [smem:$0x3FB1]  }
0x2f: {  	lr =	sadd.s32 s0, s3;
	s0 =	sld [smem:$0x3FA8]  }
0x30: {  	s3 =	sld [smem:$0x3FAB]  }
0x31: {  	[smem:$0x3FB4] =	sst s10  }
0x32: {  	s10 =	sld [smem:$0x3FB2];
	_ =	sdelay $0x3  }
0x33: {  	p0 =	seq.s32 s10, $0x1;
	s10 =	sld [smem:$0x3FB4];
	_ =	sdelay $0x3  }
0x34: {  	[smem:$0x3FB4] =	sst s10  }
0x35: {  	s10 =	sld [smem:$0x3FB3];
	_ =	sdelay $0x3  }
0x36: {  	p1 =	seq.s32 s10, $0x1;
	s10 =	sld [smem:$0x3FB4];
	_ =	sdelay $0x3  }
0x37: {  	[smem:$0x3FB4] =	sst s10  }
0x38: {  	s10 =	sld [smem:$0x3FB5]  }
0x39: {  	_ = 	snop;
	(pc) =	sbr.ind lr, $3  }
0x3a: {  	_ = 	snop  }
0x3b: {  	_ = 	snop  }
0x3c: {  	p2 =	seq.s32 s10, $0x1;
	s10 =	sld [smem:$0x3FB4]  }
0x3d: {  	_ =	shalt  }
0x3e: {  	_ =	shalt  }
0x3f: {  	_ =	shalt  }
0x40: {  	_ =	shalt  }
0x41: {  	_ =	shalt  }
0x42: {  	_ =	shalt  }
0x43: {  	_ =	shalt  }
0x44: {  	_ =	shalt  }
0x45: {  	_ =	shalt  }
0x46: {  	_ =	shalt  }
0x47: {  	_ =	shalt  }
0x48: {  	_ =	shalt  }
0x49: {  	_ =	shalt  }
0x4a: {  	_ =	shalt  }
0x4b: {  	_ =	shalt  }
0x4c: {  	_ =	shalt  }
0x4d: {  	_ =	shalt  }
0x4e: {  	_ =	shalt  }
0x4f: {  	_ =	shalt  }
0x50: {  	_ =	shalt  }
0x51: {  	_ =	shalt  }
0x52: {  	_ =	shalt  }
0x53: {  	_ =	shalt  }
0x54: {  	_ =	shalt  }
0x55: {  	_ =	shalt  }
0x56: {  	_ =	shalt  }
0x57: {  	_ =	shalt  }
0x58: {  	_ =	shalt  }
0x59: {  	_ =	shalt  }
0x5a: {  	_ =	shalt  }
0x5b: {  	_ =	shalt  }
0x5c: {  	_ =	shalt  }
0x5d: {  	_ =	shalt  }
0x5e: {  	_ =	shalt  }
0x5f: {  	_ =	shalt  }
0x60: {  	_ =	shalt  }
0x61: {  	_ =	shalt  }
0x62: {  	_ =	shalt  }
0x63: {  	_ =	shalt  }
0x64: {  	_ =	shalt  }
0x65: {  	_ =	shalt  }
0x66: {  	_ =	shalt  }
0x67: {  	_ =	shalt  }
0x68: {  	_ =	shalt  }
0x69: {  	_ =	shalt  }
0x6a: {  	_ =	shalt  }
0x6b: {  	_ =	shalt  }
0x6c: {  	_ =	shalt  }
0x6d: {  	_ =	shalt  }
0x6e: {  	_ =	shalt  }
0x6f: {  	_ =	shalt  }
0x70: {  	_ =	shalt  }
0x71: {  	_ =	shalt  }
0x72: {  	_ =	shalt  }
0x73: {  	_ =	shalt  }
0x74: {  	_ =	shalt  }
0x75: {  	_ =	shalt  }
0x76: {  	_ =	shalt  }
0x77: {  	_ =	shalt  }
0x78: {  	_ =	shalt  }
0x79: {  	_ =	shalt  }
0x7a: {  	_ =	shalt  }
0x7b: {  	_ =	shalt  }
0x7c: {  	_ =	shalt  }
0x7d: {  	_ =	shalt  }
0x7e: {  	_ =	shalt  }
0x7f: {  	_ =	shalt  }
0x80: {  	_ =	shalt  }
0x81: {  	_ =	shalt  }
0x82: {  	_ =	shalt  }
0x83: {  	_ =	shalt  }
0x84: {  	_ =	shalt  }
0x85: {  	_ =	shalt  }
0x86: {  	_ =	shalt  }
0x87: {  	_ =	shalt  }
.Lfunc_end0:
.L_simem_size_0:
called_computation.2_lowered:
.L_overlay_start_0:
0x88: {  	s2 =	sld [smem:$0x3FD9]  }
0x89: {  	s3 =	sld [smem:$0x3FFE];
	_ =	sdelay $0x1  }
0x8a: {  	s1 =	srdreg.scid  }
0x8b: {  	s0 =	sand.u32 $0x1, s1  }
0x8c: {  	s17 =	sshll.u32 s0, $0xA;
	s2 =	sadd.s32 s3, s2  }
0x8d: {  	s2 =	sadd.s32 s2, s17  }
0x8e: {  	[smem:$0x3FC0] =	sst s2  }
0x8f: {  	_ = 	snop  }
0x90: {  	s2 =	sld [smem:$0x3FD0];
	(tm) =	ssettm $0x1  }
0x91: {  	s18 =	sld [smem:$0x3FFB];
	_ =	sdelay $0x3  }
0x92: {  	_ =	strace s18  }
0x93: {  	s3 =	sld [smem:$0x3FFC];
	_ =	sdelay $0x3  }
0x94: {  	_ =	strace s3  }
0x95: {  	s3 =	sld [smem:$0x3FFD];
	_ =	sdelay $0x3  }
0x96: {  	_ =	strace s3  }
0x97: {  	_ =	strace $0x8FFFFFFF  }
0x98: {  	s19 =	sld [smem:$0x3FDB];
	_ =	sdelay $0x1  }
0x99: {  	s4 =	simm.s32 $_scs_section_size  }
0x9a: {  	s5 =	simm.s32 $_size__tile_overlayer_lowered;
	s6 =	simm.s32 $_tile_overlayer_lowered  }
0x9b: {  	s22 =	simm.s32 $0x1BFF;
	s21 =	sshll.u32 s6, $0x1;
	s3 =	sadd.s32 s4, s19  }
0x9c: {  	s7 =	simm.s32 $0x0;
	s20 =	sshll.u32 s5, $0x1;
	s5 =	sadd.s32 s21, s3  }
0x9d: {  	[timem:s7], [sflag:s22] =	dma.local [hbm:s5], s20  }
0x9e: {  	_ =	swait.ge [sflag:s22], s20  }
0x9f: {  	s4 =	ssub.s32 $0x0, s20;
	[sflag:s22] =	ssyncset.done $0x0  }
0xa0: {  	[sflag:s22] =	ssyncadd.s32 s4;
	_ =	sdelay $0x1  }
0xa1: {  	s23 =	simm.s32 $0x1B8B  }
0xa2: {  	_ =	swait.ge [sflag:s23], $0x1  }
0xa3: {  	[sflag:s23] =	ssyncset.done $0x0  }
0xa4: {  	s25 =	simm.s32 $0x1B8E;
	s24 =	sld [smem:$0x3FFE];
	[sflag:s23] =	ssyncadd.s32 $0xFFFFFFFF  }
0xa5: {  	s26 =	simm.s32 $execute0_lowered;
	[smem:$0x3FD2] =	sst s25  }
0xa6: {  	s5 =	sshll.u32 s26, $0x1;
	_ =	strace $0x8000004C;
	[dreg:$0x1] =	wrdreg $0xFFFFFFFF  }
0xa7: {  	s28 =	simm.s32 $_size_execute0_lowered;
	s3 =	sadd.s32 s3, s5;
	[dreg:$0x0] =	wrdreg $0x0  }
0xa8: {  	s5 =	sshll.u32 s28, $0x1;
	[dreg:$0x2] =	wrdreg s3  }
0xa9: {  	[dreg:$0x3] =	wrdreg s5  }
0xaa: {  	[dreg:$0x4] =	wrdreg $0xC0  }
0xab: {  	_ =	task [dreg:s7], $0x5FFFF  }
0xac: {  	[dreg:$0x1] =	wrdreg $0xFFFFFFFF  }
0xad: {  	[dreg:$0x0] =	wrdreg $0x60  }
0xae: {  	[dreg:$0x2] =	wrdreg s24  }
0xaf: {  	[dreg:$0x3] =	wrdreg s2  }
0xb0: {  	[dreg:$0x4] =	wrdreg $0xA8000  }
0xb1: {  	[dreg:$0x5] =	wrdreg $0x9  }
0xb2: {  	_ =	task.clear_ibuf [dreg:s7], $0x6FFFF;
	_ =	strace $0x9000004C  }
0xb3: {  	s29 =	simm.s32 $0x9;
	_ =	strace $0x8000004E  }
0xb4: {  	_ =	swait.ge [sflag:s29], $0x1  }
0xb5: {  	[sflag:s29] =	ssyncadd.s32 $0xFFFFFFFF  }
0xb6: {  	_ =	strace $0x9000004E  }
0xb7: {  	_ =	sfence  }
0xb8: {  	s30 =	sld [smem:$0x0];
	_ =	sdelay $0x2  }
0xb9: {  	s31 =	sshll.u32 s1, $0xD;
	s1 =	sshrl.u32 s1, $0x2  }
0xba: {  	s3 =	sand.u32 $0x4000, s31;
	s1 =	sadd.s32 s1, s30  }
0xbb: {  	s0 =	sor.u32 s3, s0;
	s1 =	sshll.u32 s1, $0x11  }
0xbc: {  	s0 =	sor.u32 s1, s0  }
0xbd: {  	s0 =	sadd.s32 $0x8F2B, s0  }
0xbe: {  	[sflag:s0] =	ssyncadd.remote.s32 $0x1  }
0xbf: {  	_ =	sfence.sel $0xFFFF  }
0xc0: {  	[dreg:$0x0] =	wrdreg $0xFFFFFFFF;
	(pc) =	sbr.abs _section_cstart, $3  }
0xc1: {  	[dreg:$0x1] =	wrdreg $0xFFFFFFFF  }
0xc2: {  	_ =	task.clear_ibuf [dreg:s7], $0x2FFFF;
	_ =	strace $0x9FFFFFFF  }
0xc3: {  	(tm) =	ssettm $0x7FFFFFFF  }
tec
execute0_lowered:
.L_overlay_start_1:
0x0: {  	(tag) =	ssettag $0x1  }
0x1: {  	s0 =	rddreg [dreg:$0x0]  }
0x2: {  	s2 =	rddreg [dreg:$0x1];
	s10 =	stileid.u32  }
0x3: {  	s1 =	rddreg [dreg:$0x2];
	s7 =	smul.u32 $0x4F000, s10  }
0x4: {  	s3 =	srdreg.scid;
	s30 =	simm.s32 $0x2800;
	s15 =	smul.u32 $0x5000, s10  }
0x5: {  	s31 =	simm.s32 $0x5;
	s6 =	sand.u32 $0x1, s3;
	s19 =	smul.u32 $0xA00, s10  }
0x6: {  	s3 =	simm.s32 $0x0;
	s4 =	sadd.s32 $0x20800, s0;
	s22 =	smul.u32 $0x4E000, s10  }
0x7: {  	s25 =	smul.u32 $0x2700, s10;
	p0 =	sne.s32 s10, $0xF;
	s10 =	simm.s32 $0x180  }
0x8: {  	s5 =	smul.u32 $0xA000, s6;
	[smem:$0x7FF] =	sst s3;
	s9 =	ssub.s32 $0x2, s6  }
0x9: {  	s6 =	smul.u32 $0x27100, s6;
	_ =	strace $0x8000004D;
	s12 =	sshrl.u32 s7, $0x2  }
0xa: {  	s13 =	sshrl.u32 s9, $0x1;
	[dreg:$0x9] =	wrdreg s19;
	s24 =	sshrl.u32 s22, $0x2  }
0xb: {  	s22 =	simm.s32 $0x2600;
	s8 =	sadd.s32 s5, s0;
	s5 =	sadd.s32 s12, s1  }
0xc: {  	s0 =	sadd.s32 $0x2800, s0;
	s7 =	ssub.s32 s9, s13;
	s14 =	sadd.s32 $0x2000, s5  }
0xd: {  	s9 =	sshrl.u32 s15, $0x3;
	s11 =	sadd.s32 $0x4000, s5;
	[dreg:$0x4] =	wrdreg s14  }
0xe: {  	s15 =	simm.s32 $0x1;
	s16 =	sadd.s32 $0x6000, s5;
	[dreg:$0x5] =	wrdreg s11  }
0xf: {  	s17 =	sadd.s32 $0x8000, s5;
	s18 =	sadd.s32 $0xA000, s5;
	[dreg:$0x6] =	wrdreg s16  }
0x10: {  	s12 =	sadd.s32 $0xC000, s5;
	s13 =	sadd.s32 $0xC800, s8;
	[dreg:$0x7] =	wrdreg s17  }
0x11: {  	s20 =	sadd.s32 s0, s19;
	s7 =	smax.u32 s7, $0x1;
	[dreg:$0x8] =	wrdreg s18  }
0x12: {  	s26 =	sadd.s32 $0xE000, s5;
	s28 =	sadd.s32 $0x10000, s5;
	[dreg:$0xa] =	wrdreg s12  }
0x13: {  	s29 =	sadd.s32 $0x12000, s5;
	s8 =	simm.s32 $0x100;
	[dreg:$0xb] =	wrdreg s20  }
0x14: {  	s19 =	simm.s32 $0x3;
	s14 =	sadd.s32 $0x280, s9;
	[dreg:$0xf] =	wrdreg s7  }
0x15: {  	s17 =	sadd.s32 $0x500, s9;
	s18 =	sadd.s32 $0x780, s9;
	[dreg:$0x13] =	wrdreg s26  }
0x16: {  	[dreg:$0x14] =	wrdreg s28;
	s7 =	simm.s32 $0x4800;
	s21 =	sadd.s32 s0, s14  }
0x17: {  	s9 =	simm.s32 $0x6800;
	s23 =	sadd.s32 s0, s17;
	[dreg:$0xc] =	wrdreg s21  }
0x18: {  	s12 =	simm.s32 $0x8800;
	s0 =	sadd.s32 s0, s18;
	[dreg:$0xd] =	wrdreg s23  }
0x19: {  	s16 =	simm.s32 $0x2;
	s20 =	simm.s32 $0x4;
	[dreg:$0xe] =	wrdreg s0  }
0x1a: {  	s21 =	sadd.s32 s2, s6;
	s0 =	sadd.s32 s24, s1;
	s6 =	sadd.s32 $0x138000, s1  }
0x1b: {  	s23 =	simm.s32 $0x2680;
	s24 =	simm.s32 $0x2700;
	s2 =	sadd.s32 s25, s21  }
0x1c: {  	s0 =	sshrl.u32 s0, $0x3;
	s25 =	simm.s32 $0x2780;
	[dreg:$0x10] =	wrdreg s2  }
0x1d: {  	[dreg:$0x11] =	wrdreg s0;
	s0 =	sshrl.u32 @!p0 s6, $0x3;
	s2 =	simm.s32 $0x40  }
0x1e: {  	v0 =	vimm.f32 $0.0e+00;
	s6 =	simm.s32 $0x80;
	[dreg:$0x12] =	wrdreg s0;
	s0 =	simm.s32 $0x1400  }
.LBB2_1:
0x1f: {  	s11 =	simm.s32 $0x0;
	s26 =	simm.s32 $0x200  }
.LBB2_2:
0x20: {  	p1 =	sne.s32 s26, $0x7E00;
	[tilespmem:s11+$0x2870] =	vst v0  }
0x21: {  	[tilespmem:s11+$0x2800] =	vst v0  }
0x22: {  	[tilespmem:s11+$0x2810] =	vst v0  }
.Ltmp0:
0x23: {  	[tilespmem:s11+$0x2820] =	vst v0;
	(pc) =	sbr.rel @p1 .LBB2_2-.Ltmp0, $4  }
0x24: {  	[tilespmem:s11+$0x2830] =	vst v0  }
0x25: {  	[tilespmem:s11+$0x2840] =	vst v0  }
0x26: {  	[tilespmem:s11+$0x2850] =	vst v0  }
0x27: {  	[tilespmem:s11+$0x2860] =	vst v0;
	s11 =	sshra.s32 s26, $0x2;
	s26 =	sadd.s32 $0x200, s26  }
0x28: {  	[tilespmem:s11+$0x2870] =	vst v0  }
0x29: {  	[tilespmem:s11+$0x2800] =	vst v0  }
0x2a: {  	[tilespmem:s11+$0x2810] =	vst v0  }
0x2b: {  	[tilespmem:s11+$0x2820] =	vst v0  }
0x2c: {  	[tilespmem:s11+$0x2830] =	vst v0  }
0x2d: {  	[tilespmem:s11+$0x2840] =	vst v0  }
0x2e: {  	[tilespmem:s11+$0x2850] =	vst v0  }
0x2f: {  	[tilespmem:s11+$0x2860] =	vst v0  }
0x30: {  	[spmem:s5] =	stream.linear.scatter [tilespmem:s30], [sflag:$0x5], $0x2000, $0x38;
	[tilespmem:$0x1E400] =	vst v63  }
0x31: {  	_ =	swait.ge [sflag:s31], $0x2000  }
0x32: {  	[sflag:s31] =	ssyncset.done $0x0  }
0x33: {  	s26 =	rddreg [dreg:$0x4];
	[sflag:s31] =	ssyncadd.s32 $0xFFFFE000  }
0x34: {  	[spmem:s26] =	stream.linear.scatter [tilespmem:s30], [sflag:$0x5], $0x2000, $0x38;
	[tilespmem:$0x1E400] =	vst v63  }
0x35: {  	_ =	swait.ge [sflag:s31], $0x2000  }
0x36: {  	[sflag:s31] =	ssyncset.done $0x0  }
0x37: {  	s28 =	rddreg [dreg:$0x5];
	[sflag:s31] =	ssyncadd.s32 $0xFFFFE000  }
0x38: {  	[spmem:s28] =	stream.linear.scatter [tilespmem:s30], [sflag:$0x5], $0x2000, $0x38;
	[tilespmem:$0x1E400] =	vst v63  }
0x39: {  	_ =	swait.ge [sflag:s31], $0x2000  }
0x3a: {  	[sflag:s31] =	ssyncset.done $0x0  }
0x3b: {  	s26 =	rddreg [dreg:$0x6];
	[sflag:s31] =	ssyncadd.s32 $0xFFFFE000  }
0x3c: {  	[spmem:s26] =	stream.linear.scatter [tilespmem:s30], [sflag:$0x5], $0x2000, $0x38;
	[tilespmem:$0x1E400] =	vst v63  }
0x3d: {  	_ =	swait.ge [sflag:s31], $0x2000  }
0x3e: {  	[sflag:s31] =	ssyncset.done $0x0  }
0x3f: {  	s28 =	rddreg [dreg:$0x7];
	[sflag:s31] =	ssyncadd.s32 $0xFFFFE000  }
0x40: {  	[spmem:s28] =	stream.linear.scatter [tilespmem:s30], [sflag:$0x5], $0x2000, $0x38;
	[tilespmem:$0x1E400] =	vst v63  }
0x41: {  	_ =	swait.ge [sflag:s31], $0x2000  }
0x42: {  	[sflag:s31] =	ssyncset.done $0x0  }
0x43: {  	s26 =	rddreg [dreg:$0x8];
	[sflag:s31] =	ssyncadd.s32 $0xFFFFE000  }
0x44: {  	[spmem:s26] =	stream.linear.scatter [tilespmem:s30], [sflag:$0x5], $0x2000, $0x38;
	[tilespmem:$0x1E400] =	vst v63  }
0x45: {  	_ =	swait.ge [sflag:s31], $0x2000  }
0x46: {  	[sflag:s31] =	ssyncset.done $0x0  }
0x47: {  	s28 =	rddreg [dreg:$0xa];
	[sflag:s31] =	ssyncadd.s32 $0xFFFFE000  }
0x48: {  	[spmem:s28] =	stream.linear.scatter [tilespmem:s30], [sflag:$0x5], $0x2000, $0x38;
	[tilespmem:$0x1E400] =	vst v63  }
0x49: {  	_ =	swait.ge [sflag:s31], $0x2000  }
0x4a: {  	[sflag:s31] =	ssyncset.done $0x0  }
0x4b: {  	s26 =	rddreg [dreg:$0x13];
	[sflag:s31] =	ssyncadd.s32 $0xFFFFE000  }
0x4c: {  	[spmem:s26] =	stream.linear.scatter [tilespmem:s30], [sflag:$0x5], $0x2000, $0x38;
	[tilespmem:$0x1E400] =	vst v63  }
0x4d: {  	_ =	swait.ge [sflag:s31], $0x2000  }
0x4e: {  	[sflag:s31] =	ssyncset.done $0x0  }
0x4f: {  	s28 =	rddreg [dreg:$0x14];
	[sflag:s31] =	ssyncadd.s32 $0xFFFFE000  }
0x50: {  	[spmem:s28] =	stream.linear.scatter [tilespmem:s30], [sflag:$0x5], $0x2000, $0x38;
	[tilespmem:$0x1E400] =	vst v63  }
0x51: {  	_ =	swait.ge [sflag:s31], $0x2000  }
0x52: {  	[sflag:s31] =	ssyncset.done $0x0  }
0x53: {  	[sflag:s31] =	ssyncadd.s32 $0xFFFFE000  }
0x54: {  	[spmem:s29] =	stream.linear.scatter [tilespmem:s30], [sflag:$0x5], $0x1C00, $0x38;
	[tilespmem:$0x1E400] =	vst v63  }
0x55: {  	_ =	swait.ge [sflag:s31], $0x1C00  }
0x56: {  	[sflag:s31] =	ssyncset.done $0x0  }
0x57: {  	[sflag:s31] =	ssyncadd.s32 $0xFFFFE400  }
0x58: {  	[bflag:$0x0] =	sbarrier.arrive $0xFFFF  }
0x59: {  	s26 =	rddreg [dreg:$0x9]  }
0x5a: {  	s11 =	sadd.s32 s26, s13;
	s26 =	simm.s32 $0x0  }
0x5b: {  	[tilespmem:s26], [sflag:$0x5] =	stream.linear.gather [hbm4b:s11+s26], $0x1400, $0x38;
	[tilespmem:$0x1E400] =	vst v63  }
0x5c: {  	_ =	swait.ge [sflag:s31], $0x1400  }
0x5d: {  	[sflag:s31] =	ssyncset.done $0x0  }
0x5e: {  	s28 =	rddreg [dreg:$0xb];
	[sflag:s31] =	ssyncadd.s32 $0xFFFFEC00  }
0x5f: {  	[tilespmem:s0], [sflag:$0x5] =	stream.linear.gather [hbm4b:s28+s26], $0x1400, $0x38;
	[tilespmem:$0x1E400] =	vst v63  }
0x60: {  	_ =	swait.ge [sflag:s31], $0x1400  }
0x61: {  	[sflag:s31] =	ssyncset.done $0x0  }
0x62: {  	[sflag:s31] =	ssyncadd.s32 $0xFFFFEC00  }
0x63: {  	[tilespmem:s30], [sflag:$0x1] =	stream.indirect.gather [hbm4b:s4+s2], $0x80, s26, s2, $0xb8;
	[tilespmem:$0x1E400] =	vst v63  }
0x64: {  	_ = 	snop  }
0x65: {  	[tilespmem:s7], [sflag:$0x2] =	stream.indirect.gather [hbm4b:s4+s2], $0x80, s6, s2, $0xb8;
	[tilespmem:$0x1E400] =	vst v63  }
0x66: {  	_ = 	snop  }
0x67: {  	[tilespmem:s9], [sflag:$0x3] =	stream.indirect.gather [hbm4b:s4+s2], $0x80, s8, s2, $0xb8;
	[tilespmem:$0x1E400] =	vst v63  }
0x68: {  	_ = 	snop  }
0x69: {  	[tilespmem:s12], [sflag:$0x4] =	stream.indirect.gather [hbm4b:s4+s2], $0x80, s10, s2, $0xb8;
	[tilespmem:$0x1E400] =	vst v63  }
0x6a: {  	_ =	swait.ge [sflag:s15], $0x2000  }
0x6b: {  	[sflag:s15] =	ssyncset.done $0x0  }
0x6c: {  	s28 =	simm.s32 $0x1400;
	[sflag:s15] =	ssyncadd.s32 $0xFFFFE000  }
0x6d: {  	[spmem:s1] =	stream.indirect.scatter.add.f32 [tilespmem:s30], [sflag:$0x1], $0x80, s28, s2, $0xb8;
	[tilespmem:$0x1E400] =	vst v63  }
0x6e: {  	_ =	swait.ge [sflag:s16], $0x2000  }
0x6f: {  	[sflag:s16] =	ssyncset.done $0x0  }
0x70: {  	s26 =	simm.s32 $0x1480;
	[sflag:s16] =	ssyncadd.s32 $0xFFFFE000  }
0x71: {  	[spmem:s1] =	stream.indirect.scatter.add.f32 [tilespmem:s7], [sflag:$0x2], $0x80, s26, s2, $0xb8;
	[tilespmem:$0x1E400] =	vst v63  }
0x72: {  	_ =	swait.ge [sflag:s19], $0x2000  }
0x73: {  	[sflag:s19] =	ssyncset.done $0x0  }
0x74: {  	s28 =	simm.s32 $0x1500;
	[sflag:s19] =	ssyncadd.s32 $0xFFFFE000  }
0x75: {  	[spmem:s1] =	stream.indirect.scatter.add.f32 [tilespmem:s9], [sflag:$0x3], $0x80, s28, s2, $0xb8;
	[tilespmem:$0x1E400] =	vst v63  }
0x76: {  	_ =	swait.ge [sflag:s20], $0x2000  }
0x77: {  	[sflag:s20] =	ssyncset.done $0x0  }
0x78: {  	s26 =	simm.s32 $0x1580;
	[sflag:s20] =	ssyncadd.s32 $0xFFFFE000  }
0x79: {  	[spmem:s1] =	stream.indirect.scatter.add.f32 [tilespmem:s12], [sflag:$0x4], $0x80, s26, s2, $0xb8;
	[tilespmem:$0x1E400] =	vst v63  }
0x7a: {  	_ =	swait.ge [sflag:s15], $0x2000  }
0x7b: {  	[sflag:s15] =	ssyncset.done $0x0  }
0x7c: {  	s28 =	simm.s32 $0x200;
	[sflag:s15] =	ssyncadd.s32 $0xFFFFE000  }
0x7d: {  	[tilespmem:s30], [sflag:$0x1] =	stream.indirect.gather [hbm4b:s4+s2], $0x80, s28, s2, $0xb8;
	[tilespmem:$0x1E400] =	vst v63  }
0x7e: {  	_ =	swait.ge [sflag:s16], $0x2000  }
0x7f: {  	[sflag:s16] =	ssyncset.done $0x0  }
0x80: {  	s26 =	simm.s32 $0x280;
	[sflag:s16] =	ssyncadd.s32 $0xFFFFE000  }
0x81: {  	[tilespmem:s7], [sflag:$0x2] =	stream.indirect.gather [hbm4b:s4+s2], $0x80, s26, s2, $0xb8;
	[tilespmem:$0x1E400] =	vst v63  }
0x82: {  	_ =	swait.ge [sflag:s19], $0x2000  }
0x83: {  	[sflag:s19] =	ssyncset.done $0x0  }
0x84: {  	s28 =	simm.s32 $0x300;
	[sflag:s19] =	ssyncadd.s32 $0xFFFFE000  }
0x85: {  	[tilespmem:s9], [sflag:$0x3] =	stream.indirect.gather [hbm4b:s4+s2], $0x80, s28, s2, $0xb8;
	[tilespmem:$0x1E400] =	vst v63  }
0x86: {  	_ =	swait.ge [sflag:s20], $0x2000  }
0x87: {  	[sflag:s20] =	ssyncset.done $0x0  }
0x88: {  	s11 =	simm.s32 $0x380;
	s26 =	simm.s32 $0x800;
	[sflag:s20] =	ssyncadd.s32 $0xFFFFE000  }
.LBB2_4:
0x89: {  	[tilespmem:s12], [sflag:$0x4] =	stream.indirect.gather [hbm4b:s4+s2], $0x80, s11, s2, $0xb8;
	[tilespmem:$0x1E400] =	vst v63  }
0x8a: {  	s11 =	smov.u32 s26  }
0x8b: {  	p1 =	sne.s32 s26, $0x4000;
	s26 =	sadd.s32 $0x800, s26;
	_ =	swait.ge [sflag:s15], $0x2000  }
0x8c: {  	s11 =	sshra.s32 s11, $0x2;
	[sflag:s15] =	ssyncset.done $0x0  }
0x8d: {  	s28 =	sadd.s32 $0x1400, s11;
	[sflag:s15] =	ssyncadd.s32 $0xFFFFE000  }
0x8e: {  	[spmem:s1] =	stream.indirect.scatter.add.f32 [tilespmem:s30], [sflag:$0x1], $0x80, s28, s2, $0xb8;
	[tilespmem:$0x1E400] =	vst v63  }
0x8f: {  	_ =	swait.ge [sflag:s16], $0x2000  }
0x90: {  	[sflag:s16] =	ssyncset.done $0x0  }
0x91: {  	s28 =	sadd.s32 $0x1480, s11;
	[sflag:s16] =	ssyncadd.s32 $0xFFFFE000  }
0x92: {  	[spmem:s1] =	stream.indirect.scatter.add.f32 [tilespmem:s7], [sflag:$0x2], $0x80, s28, s2, $0xb8;
	[tilespmem:$0x1E400] =	vst v63  }
0x93: {  	_ =	swait.ge [sflag:s19], $0x2000  }
0x94: {  	[sflag:s19] =	ssyncset.done $0x0  }
0x95: {  	s28 =	sadd.s32 $0x1500, s11;
	[sflag:s19] =	ssyncadd.s32 $0xFFFFE000  }
0x96: {  	[spmem:s1] =	stream.indirect.scatter.add.f32 [tilespmem:s9], [sflag:$0x3], $0x80, s28, s2, $0xb8;
	[tilespmem:$0x1E400] =	vst v63  }
0x97: {  	_ =	swait.ge [sflag:s20], $0x2000  }
0x98: {  	[sflag:s20] =	ssyncset.done $0x0  }
0x99: {  	s28 =	sadd.s32 $0x1580, s11;
	[sflag:s20] =	ssyncadd.s32 $0xFFFFE000  }
0x9a: {  	[spmem:s1] =	stream.indirect.scatter.add.f32 [tilespmem:s12], [sflag:$0x4], $0x80, s28, s2, $0xb8;
	[tilespmem:$0x1E400] =	vst v63  }
0x9b: {  	_ =	swait.ge [sflag:s15], $0x2000  }
0x9c: {  	[sflag:s15] =	ssyncset.done $0x0  }
0x9d: {  	s28 =	sadd.s32 $0x200, s11;
	[sflag:s15] =	ssyncadd.s32 $0xFFFFE000  }
0x9e: {  	[tilespmem:s30], [sflag:$0x1] =	stream.indirect.gather [hbm4b:s4+s2], $0x80, s28, s2, $0xb8;
	[tilespmem:$0x1E400] =	vst v63  }
0x9f: {  	_ =	swait.ge [sflag:s16], $0x2000  }
0xa0: {  	[sflag:s16] =	ssyncset.done $0x0  }
0xa1: {  	s28 =	sadd.s32 $0x280, s11;
	[sflag:s16] =	ssyncadd.s32 $0xFFFFE000  }
0xa2: {  	[tilespmem:s7], [sflag:$0x2] =	stream.indirect.gather [hbm4b:s4+s2], $0x80, s28, s2, $0xb8;
	[tilespmem:$0x1E400] =	vst v63  }
0xa3: {  	_ =	swait.ge [sflag:s19], $0x2000  }
0xa4: {  	[sflag:s19] =	ssyncset.done $0x0  }
.Ltmp1:
0xa5: {  	s28 =	sadd.s32 $0x300, s11;
	[sflag:s19] =	ssyncadd.s32 $0xFFFFE000;
	(pc) =	sbr.rel @p1 .LBB2_4-.Ltmp1, $4  }
0xa6: {  	[tilespmem:s9], [sflag:$0x3] =	stream.indirect.gather [hbm4b:s4+s2], $0x80, s28, s2, $0xb8;
	[tilespmem:$0x1E400] =	vst v63  }
0xa7: {  	_ =	swait.ge [sflag:s20], $0x2000  }
0xa8: {  	[sflag:s20] =	ssyncset.done $0x0  }
0xa9: {  	s11 =	sadd.s32 $0x380, s11;
	[sflag:s20] =	ssyncadd.s32 $0xFFFFE000  }
0xaa: {  	[tilespmem:s12], [sflag:$0x4] =	stream.indirect.gather [hbm4b:s4+s2], $0x80, s11, s2, $0xb8;
	[tilespmem:$0x1E400] =	vst v63  }
0xab: {  	_ =	swait.ge [sflag:s15], $0x2000  }
0xac: {  	[sflag:s15] =	ssyncset.done $0x0  }
0xad: {  	[sflag:s15] =	ssyncadd.s32 $0xFFFFE000  }
0xae: {  	[spmem:s1] =	stream.indirect.scatter.add.f32 [tilespmem:s30], [sflag:$0x1], $0x80, s22, s2, $0xb8;
	[tilespmem:$0x1E400] =	vst v63  }
0xaf: {  	_ =	swait.ge [sflag:s16], $0x2000  }
0xb0: {  	[sflag:s16] =	ssyncset.done $0x0  }
0xb1: {  	[sflag:s16] =	ssyncadd.s32 $0xFFFFE000  }
0xb2: {  	[spmem:s1] =	stream.indirect.scatter.add.f32 [tilespmem:s7], [sflag:$0x2], $0x80, s23, s2, $0xb8;
	[tilespmem:$0x1E400] =	vst v63  }
0xb3: {  	_ =	swait.ge [sflag:s19], $0x2000  }
0xb4: {  	[sflag:s19] =	ssyncset.done $0x0  }
0xb5: {  	[sflag:s19] =	ssyncadd.s32 $0xFFFFE000  }
0xb6: {  	[spmem:s1] =	stream.indirect.scatter.add.f32 [tilespmem:s9], [sflag:$0x3], $0x80, s24, s2, $0xb8;
	[tilespmem:$0x1E400] =	vst v63  }
0xb7: {  	_ =	swait.ge [sflag:s20], $0x2000  }
0xb8: {  	[sflag:s20] =	ssyncset.done $0x0  }
0xb9: {  	[sflag:s20] =	ssyncadd.s32 $0xFFFFE000  }
0xba: {  	[spmem:s1] =	stream.indirect.scatter.add.f32 [tilespmem:s12], [sflag:$0x4], $0x80, s25, s2, $0xb8;
	[tilespmem:$0x1E400] =	vst v63  }
0xbb: {  	_ =	swait.ge [sflag:s15], $0x2000  }
0xbc: {  	[sflag:s15] =	ssyncset.done $0x0  }
0xbd: {  	[sflag:s15] =	ssyncadd.s32 $0xFFFFE000  }
0xbe: {  	_ =	swait.ge [sflag:s16], $0x2000  }
0xbf: {  	[sflag:s16] =	ssyncset.done $0x0  }
0xc0: {  	[sflag:s16] =	ssyncadd.s32 $0xFFFFE000  }
0xc1: {  	_ =	swait.ge [sflag:s19], $0x2000  }
0xc2: {  	[sflag:s19] =	ssyncset.done $0x0  }
0xc3: {  	[sflag:s19] =	ssyncadd.s32 $0xFFFFE000  }
0xc4: {  	_ =	swait.ge [sflag:s20], $0x2000  }
0xc5: {  	[sflag:s20] =	ssyncset.done $0x0  }
0xc6: {  	s28 =	sadd.s32 s14, s13;
	s26 =	simm.s32 $0x0;
	[sflag:s20] =	ssyncadd.s32 $0xFFFFE000  }
0xc7: {  	[tilespmem:s26], [sflag:$0x5] =	stream.linear.gather [hbm4b:s28+s26], $0x1400, $0x38;
	[tilespmem:$0x1E400] =	vst v63  }
0xc8: {  	_ =	swait.ge [sflag:s31], $0x1400  }
0xc9: {  	[sflag:s31] =	ssyncset.done $0x0  }
0xca: {  	s28 =	rddreg [dreg:$0xc];
	[sflag:s31] =	ssyncadd.s32 $0xFFFFEC00  }
0xcb: {  	[tilespmem:s0], [sflag:$0x5] =	stream.linear.gather [hbm4b:s28+s26], $0x1400, $0x38;
	[tilespmem:$0x1E400] =	vst v63  }
0xcc: {  	_ =	swait.ge [sflag:s31], $0x1400  }
0xcd: {  	[sflag:s31] =	ssyncset.done $0x0  }
0xce: {  	[sflag:s31] =	ssyncadd.s32 $0xFFFFEC00  }
0xcf: {  	[tilespmem:s30], [sflag:$0x1] =	stream.indirect.gather [hbm4b:s4+s2], $0x80, s26, s2, $0xb8;
	[tilespmem:$0x1E400] =	vst v63  }
0xd0: {  	_ = 	snop  }
0xd1: {  	[tilespmem:s7], [sflag:$0x2] =	stream.indirect.gather [hbm4b:s4+s2], $0x80, s6, s2, $0xb8;
	[tilespmem:$0x1E400] =	vst v63  }
0xd2: {  	_ = 	snop  }
0xd3: {  	[tilespmem:s9], [sflag:$0x3] =	stream.indirect.gather [hbm4b:s4+s2], $0x80, s8, s2, $0xb8;
	[tilespmem:$0x1E400] =	vst v63  }
0xd4: {  	_ = 	snop  }
0xd5: {  	[tilespmem:s12], [sflag:$0x4] =	stream.indirect.gather [hbm4b:s4+s2], $0x80, s10, s2, $0xb8;
	[tilespmem:$0x1E400] =	vst v63  }
0xd6: {  	_ =	swait.ge [sflag:s15], $0x2000  }
0xd7: {  	[sflag:s15] =	ssyncset.done $0x0  }
0xd8: {  	s28 =	simm.s32 $0x1400;
	[sflag:s15] =	ssyncadd.s32 $0xFFFFE000  }
0xd9: {  	[spmem:s1] =	stream.indirect.scatter.add.f32 [tilespmem:s30], [sflag:$0x1], $0x80, s28, s2, $0xb8;
	[tilespmem:$0x1E400] =	vst v63  }
0xda: {  	_ =	swait.ge [sflag:s16], $0x2000  }
0xdb: {  	[sflag:s16] =	ssyncset.done $0x0  }
0xdc: {  	s26 =	simm.s32 $0x1480;
	[sflag:s16] =	ssyncadd.s32 $0xFFFFE000  }
0xdd: {  	[spmem:s1] =	stream.indirect.scatter.add.f32 [tilespmem:s7], [sflag:$0x2], $0x80, s26, s2, $0xb8;
	[tilespmem:$0x1E400] =	vst v63  }
0xde: {  	_ =	swait.ge [sflag:s19], $0x2000  }
0xdf: {  	[sflag:s19] =	ssyncset.done $0x0  }
0xe0: {  	s28 =	simm.s32 $0x1500;
	[sflag:s19] =	ssyncadd.s32 $0xFFFFE000  }
0xe1: {  	[spmem:s1] =	stream.indirect.scatter.add.f32 [tilespmem:s9], [sflag:$0x3], $0x80, s28, s2, $0xb8;
	[tilespmem:$0x1E400] =	vst v63  }
0xe2: {  	_ =	swait.ge [sflag:s20], $0x2000  }
0xe3: {  	[sflag:s20] =	ssyncset.done $0x0  }
0xe4: {  	s26 =	simm.s32 $0x1580;
	[sflag:s20] =	ssyncadd.s32 $0xFFFFE000  }
0xe5: {  	[spmem:s1] =	stream.indirect.scatter.add.f32 [tilespmem:s12], [sflag:$0x4], $0x80, s26, s2, $0xb8;
	[tilespmem:$0x1E400] =	vst v63  }
0xe6: {  	_ =	swait.ge [sflag:s15], $0x2000  }
0xe7: {  	[sflag:s15] =	ssyncset.done $0x0  }
0xe8: {  	s28 =	simm.s32 $0x200;
	[sflag:s15] =	ssyncadd.s32 $0xFFFFE000  }
0xe9: {  	[tilespmem:s30], [sflag:$0x1] =	stream.indirect.gather [hbm4b:s4+s2], $0x80, s28, s2, $0xb8;
	[tilespmem:$0x1E400] =	vst v63  }
0xea: {  	_ =	swait.ge [sflag:s16], $0x2000  }
0xeb: {  	[sflag:s16] =	ssyncset.done $0x0  }
0xec: {  	s26 =	simm.s32 $0x280;
	[sflag:s16] =	ssyncadd.s32 $0xFFFFE000  }
0xed: {  	[tilespmem:s7], [sflag:$0x2] =	stream.indirect.gather [hbm4b:s4+s2], $0x80, s26, s2, $0xb8;
	[tilespmem:$0x1E400] =	vst v63  }
0xee: {  	_ =	swait.ge [sflag:s19], $0x2000  }
0xef: {  	[sflag:s19] =	ssyncset.done $0x0  }
0xf0: {  	s28 =	simm.s32 $0x300;
	[sflag:s19] =	ssyncadd.s32 $0xFFFFE000  }
0xf1: {  	[tilespmem:s9], [sflag:$0x3] =	stream.indirect.gather [hbm4b:s4+s2], $0x80, s28, s2, $0xb8;
	[tilespmem:$0x1E400] =	vst v63  }
0xf2: {  	_ =	swait.ge [sflag:s20], $0x2000  }
0xf3: {  	[sflag:s20] =	ssyncset.done $0x0  }
0xf4: {  	s11 =	simm.s32 $0x380;
	s26 =	simm.s32 $0x800;
	[sflag:s20] =	ssyncadd.s32 $0xFFFFE000  }
.LBB2_6:
0xf5: {  	[tilespmem:s12], [sflag:$0x4] =	stream.indirect.gather [hbm4b:s4+s2], $0x80, s11, s2, $0xb8;
	[tilespmem:$0x1E400] =	vst v63  }
0xf6: {  	s11 =	smov.u32 s26  }
0xf7: {  	p1 =	sne.s32 s26, $0x4000;
	s26 =	sadd.s32 $0x800, s26;
	_ =	swait.ge [sflag:s15], $0x2000  }
0xf8: {  	s11 =	sshra.s32 s11, $0x2;
	[sflag:s15] =	ssyncset.done $0x0  }
0xf9: {  	s28 =	sadd.s32 $0x1400, s11;
	[sflag:s15] =	ssyncadd.s32 $0xFFFFE000  }
0xfa: {  	[spmem:s1] =	stream.indirect.scatter.add.f32 [tilespmem:s30], [sflag:$0x1], $0x80, s28, s2, $0xb8;
	[tilespmem:$0x1E400] =	vst v63  }
0xfb: {  	_ =	swait.ge [sflag:s16], $0x2000  }
0xfc: {  	[sflag:s16] =	ssyncset.done $0x0  }
0xfd: {  	s28 =	sadd.s32 $0x1480, s11;
	[sflag:s16] =	ssyncadd.s32 $0xFFFFE000  }
0xfe: {  	[spmem:s1] =	stream.indirect.scatter.add.f32 [tilespmem:s7], [sflag:$0x2], $0x80, s28, s2, $0xb8;
	[tilespmem:$0x1E400] =	vst v63  }
0xff: {  	_ =	swait.ge [sflag:s19], $0x2000  }
0x100: {  	[sflag:s19] =	ssyncset.done $0x0  }
0x101: {  	s28 =	sadd.s32 $0x1500, s11;
	[sflag:s19] =	ssyncadd.s32 $0xFFFFE000  }
0x102: {  	[spmem:s1] =	stream.indirect.scatter.add.f32 [tilespmem:s9], [sflag:$0x3], $0x80, s28, s2, $0xb8;
	[tilespmem:$0x1E400] =	vst v63  }
0x103: {  	_ =	swait.ge [sflag:s20], $0x2000  }
0x104: {  	[sflag:s20] =	ssyncset.done $0x0  }
0x105: {  	s28 =	sadd.s32 $0x1580, s11;
	[sflag:s20] =	ssyncadd.s32 $0xFFFFE000  }
0x106: {  	[spmem:s1] =	stream.indirect.scatter.add.f32 [tilespmem:s12], [sflag:$0x4], $0x80, s28, s2, $0xb8;
	[tilespmem:$0x1E400] =	vst v63  }
0x107: {  	_ =	swait.ge [sflag:s15], $0x2000  }
0x108: {  	[sflag:s15] =	ssyncset.done $0x0  }
0x109: {  	s28 =	sadd.s32 $0x200, s11;
	[sflag:s15] =	ssyncadd.s32 $0xFFFFE000  }
0x10a: {  	[tilespmem:s30], [sflag:$0x1] =	stream.indirect.gather [hbm4b:s4+s2], $0x80, s28, s2, $0xb8;
	[tilespmem:$0x1E400] =	vst v63  }
0x10b: {  	_ =	swait.ge [sflag:s16], $0x2000  }
0x10c: {  	[sflag:s16] =	ssyncset.done $0x0  }
0x10d: {  	s28 =	sadd.s32 $0x280, s11;
	[sflag:s16] =	ssyncadd.s32 $0xFFFFE000  }
0x10e: {  	[tilespmem:s7], [sflag:$0x2] =	stream.indirect.gather [hbm4b:s4+s2], $0x80, s28, s2, $0xb8;
	[tilespmem:$0x1E400] =	vst v63  }
0x10f: {  	_ =	swait.ge [sflag:s19], $0x2000  }
0x110: {  	[sflag:s19] =	ssyncset.done $0x0  }
.Ltmp2:
0x111: {  	s28 =	sadd.s32 $0x300, s11;
	[sflag:s19] =	ssyncadd.s32 $0xFFFFE000;
	(pc) =	sbr.rel @p1 .LBB2_6-.Ltmp2, $4  }
0x112: {  	[tilespmem:s9], [sflag:$0x3] =	stream.indirect.gather [hbm4b:s4+s2], $0x80, s28, s2, $0xb8;
	[tilespmem:$0x1E400] =	vst v63  }
0x113: {  	_ =	swait.ge [sflag:s20], $0x2000  }
0x114: {  	[sflag:s20] =	ssyncset.done $0x0  }
0x115: {  	s11 =	sadd.s32 $0x380, s11;
	[sflag:s20] =	ssyncadd.s32 $0xFFFFE000  }
0x116: {  	[tilespmem:s12], [sflag:$0x4] =	stream.indirect.gather [hbm4b:s4+s2], $0x80, s11, s2, $0xb8;
	[tilespmem:$0x1E400] =	vst v63  }
0x117: {  	_ =	swait.ge [sflag:s15], $0x2000  }
0x118: {  	[sflag:s15] =	ssyncset.done $0x0  }
0x119: {  	[sflag:s15] =	ssyncadd.s32 $0xFFFFE000  }
0x11a: {  	[spmem:s1] =	stream.indirect.scatter.add.f32 [tilespmem:s30], [sflag:$0x1], $0x80, s22, s2, $0xb8;
	[tilespmem:$0x1E400] =	vst v63  }
0x11b: {  	_ =	swait.ge [sflag:s16], $0x2000  }
0x11c: {  	[sflag:s16] =	ssyncset.done $0x0  }
0x11d: {  	[sflag:s16] =	ssyncadd.s32 $0xFFFFE000  }
0x11e: {  	[spmem:s1] =	stream.indirect.scatter.add.f32 [tilespmem:s7], [sflag:$0x2], $0x80, s23, s2, $0xb8;
	[tilespmem:$0x1E400] =	vst v63  }
0x11f: {  	_ =	swait.ge [sflag:s19], $0x2000  }
0x120: {  	[sflag:s19] =	ssyncset.done $0x0  }
0x121: {  	[sflag:s19] =	ssyncadd.s32 $0xFFFFE000  }
0x122: {  	[spmem:s1] =	stream.indirect.scatter.add.f32 [tilespmem:s9], [sflag:$0x3], $0x80, s24, s2, $0xb8;
	[tilespmem:$0x1E400] =	vst v63  }
0x123: {  	_ =	swait.ge [sflag:s20], $0x2000  }
0x124: {  	[sflag:s20] =	ssyncset.done $0x0  }
0x125: {  	[sflag:s20] =	ssyncadd.s32 $0xFFFFE000  }
0x126: {  	[spmem:s1] =	stream.indirect.scatter.add.f32 [tilespmem:s12], [sflag:$0x4], $0x80, s25, s2, $0xb8;
	[tilespmem:$0x1E400] =	vst v63  }
0x127: {  	_ =	swait.ge [sflag:s15], $0x2000  }
0x128: {  	[sflag:s15] =	ssyncset.done $0x0  }
0x129: {  	[sflag:s15] =	ssyncadd.s32 $0xFFFFE000  }
0x12a: {  	_ =	swait.ge [sflag:s16], $0x2000  }
0x12b: {  	[sflag:s16] =	ssyncset.done $0x0  }
0x12c: {  	[sflag:s16] =	ssyncadd.s32 $0xFFFFE000  }
0x12d: {  	_ =	swait.ge [sflag:s19], $0x2000  }
0x12e: {  	[sflag:s19] =	ssyncset.done $0x0  }
0x12f: {  	[sflag:s19] =	ssyncadd.s32 $0xFFFFE000  }
0x130: {  	_ =	swait.ge [sflag:s20], $0x2000  }
0x131: {  	[sflag:s20] =	ssyncset.done $0x0  }
0x132: {  	s28 =	sadd.s32 s17, s13;
	s26 =	simm.s32 $0x0;
	[sflag:s20] =	ssyncadd.s32 $0xFFFFE000  }
0x133: {  	[tilespmem:s26], [sflag:$0x5] =	stream.linear.gather [hbm4b:s28+s26], $0x1400, $0x38;
	[tilespmem:$0x1E400] =	vst v63  }
0x134: {  	_ =	swait.ge [sflag:s31], $0x1400  }
0x135: {  	[sflag:s31] =	ssyncset.done $0x0  }
0x136: {  	s28 =	rddreg [dreg:$0xd];
	[sflag:s31] =	ssyncadd.s32 $0xFFFFEC00  }
0x137: {  	[tilespmem:s0], [sflag:$0x5] =	stream.linear.gather [hbm4b:s28+s26], $0x1400, $0x38;
	[tilespmem:$0x1E400] =	vst v63  }
0x138: {  	_ =	swait.ge [sflag:s31], $0x1400  }
0x139: {  	[sflag:s31] =	ssyncset.done $0x0  }
0x13a: {  	[sflag:s31] =	ssyncadd.s32 $0xFFFFEC00  }
0x13b: {  	[tilespmem:s30], [sflag:$0x1] =	stream.indirect.gather [hbm4b:s4+s2], $0x80, s26, s2, $0xb8;
	[tilespmem:$0x1E400] =	vst v63  }
0x13c: {  	_ = 	snop  }
0x13d: {  	[tilespmem:s7], [sflag:$0x2] =	stream.indirect.gather [hbm4b:s4+s2], $0x80, s6, s2, $0xb8;
	[tilespmem:$0x1E400] =	vst v63  }
0x13e: {  	_ = 	snop  }
0x13f: {  	[tilespmem:s9], [sflag:$0x3] =	stream.indirect.gather [hbm4b:s4+s2], $0x80, s8, s2, $0xb8;
	[tilespmem:$0x1E400] =	vst v63  }
0x140: {  	_ = 	snop  }
0x141: {  	[tilespmem:s12], [sflag:$0x4] =	stream.indirect.gather [hbm4b:s4+s2], $0x80, s10, s2, $0xb8;
	[tilespmem:$0x1E400] =	vst v63  }
0x142: {  	_ =	swait.ge [sflag:s15], $0x2000  }
0x143: {  	[sflag:s15] =	ssyncset.done $0x0  }
0x144: {  	s28 =	simm.s32 $0x1400;
	[sflag:s15] =	ssyncadd.s32 $0xFFFFE000  }
0x145: {  	[spmem:s1] =	stream.indirect.scatter.add.f32 [tilespmem:s30], [sflag:$0x1], $0x80, s28, s2, $0xb8;
	[tilespmem:$0x1E400] =	vst v63  }
0x146: {  	_ =	swait.ge [sflag:s16], $0x2000  }
0x147: {  	[sflag:s16] =	ssyncset.done $0x0  }
0x148: {  	s26 =	simm.s32 $0x1480;
	[sflag:s16] =	ssyncadd.s32 $0xFFFFE000  }
0x149: {  	[spmem:s1] =	stream.indirect.scatter.add.f32 [tilespmem:s7], [sflag:$0x2], $0x80, s26, s2, $0xb8;
	[tilespmem:$0x1E400] =	vst v63  }
0x14a: {  	_ =	swait.ge [sflag:s19], $0x2000  }
0x14b: {  	[sflag:s19] =	ssyncset.done $0x0  }
0x14c: {  	s28 =	simm.s32 $0x1500;
	[sflag:s19] =	ssyncadd.s32 $0xFFFFE000  }
0x14d: {  	[spmem:s1] =	stream.indirect.scatter.add.f32 [tilespmem:s9], [sflag:$0x3], $0x80, s28, s2, $0xb8;
	[tilespmem:$0x1E400] =	vst v63  }
0x14e: {  	_ =	swait.ge [sflag:s20], $0x2000  }
0x14f: {  	[sflag:s20] =	ssyncset.done $0x0  }
0x150: {  	s26 =	simm.s32 $0x1580;
	[sflag:s20] =	ssyncadd.s32 $0xFFFFE000  }
0x151: {  	[spmem:s1] =	stream.indirect.scatter.add.f32 [tilespmem:s12], [sflag:$0x4], $0x80, s26, s2, $0xb8;
	[tilespmem:$0x1E400] =	vst v63  }
0x152: {  	_ =	swait.ge [sflag:s15], $0x2000  }
0x153: {  	[sflag:s15] =	ssyncset.done $0x0  }
0x154: {  	s28 =	simm.s32 $0x200;
	[sflag:s15] =	ssyncadd.s32 $0xFFFFE000  }
0x155: {  	[tilespmem:s30], [sflag:$0x1] =	stream.indirect.gather [hbm4b:s4+s2], $0x80, s28, s2, $0xb8;
	[tilespmem:$0x1E400] =	vst v63  }
0x156: {  	_ =	swait.ge [sflag:s16], $0x2000  }
0x157: {  	[sflag:s16] =	ssyncset.done $0x0  }
0x158: {  	s26 =	simm.s32 $0x280;
	[sflag:s16] =	ssyncadd.s32 $0xFFFFE000  }
0x159: {  	[tilespmem:s7], [sflag:$0x2] =	stream.indirect.gather [hbm4b:s4+s2], $0x80, s26, s2, $0xb8;
	[tilespmem:$0x1E400] =	vst v63  }
0x15a: {  	_ =	swait.ge [sflag:s19], $0x2000  }
0x15b: {  	[sflag:s19] =	ssyncset.done $0x0  }
0x15c: {  	s28 =	simm.s32 $0x300;
	[sflag:s19] =	ssyncadd.s32 $0xFFFFE000  }
0x15d: {  	[tilespmem:s9], [sflag:$0x3] =	stream.indirect.gather [hbm4b:s4+s2], $0x80, s28, s2, $0xb8;
	[tilespmem:$0x1E400] =	vst v63  }
0x15e: {  	_ =	swait.ge [sflag:s20], $0x2000  }
0x15f: {  	[sflag:s20] =	ssyncset.done $0x0  }
0x160: {  	s11 =	simm.s32 $0x380;
	s26 =	simm.s32 $0x800;
	[sflag:s20] =	ssyncadd.s32 $0xFFFFE000  }
.LBB2_8:
0x161: {  	[tilespmem:s12], [sflag:$0x4] =	stream.indirect.gather [hbm4b:s4+s2], $0x80, s11, s2, $0xb8;
	[tilespmem:$0x1E400] =	vst v63  }
0x162: {  	s11 =	smov.u32 s26  }
0x163: {  	p1 =	sne.s32 s26, $0x4000;
	s26 =	sadd.s32 $0x800, s26;
	_ =	swait.ge [sflag:s15], $0x2000  }
0x164: {  	s11 =	sshra.s32 s11, $0x2;
	[sflag:s15] =	ssyncset.done $0x0  }
0x165: {  	s28 =	sadd.s32 $0x1400, s11;
	[sflag:s15] =	ssyncadd.s32 $0xFFFFE000  }
0x166: {  	[spmem:s1] =	stream.indirect.scatter.add.f32 [tilespmem:s30], [sflag:$0x1], $0x80, s28, s2, $0xb8;
	[tilespmem:$0x1E400] =	vst v63  }
0x167: {  	_ =	swait.ge [sflag:s16], $0x2000  }
0x168: {  	[sflag:s16] =	ssyncset.done $0x0  }
0x169: {  	s28 =	sadd.s32 $0x1480, s11;
	[sflag:s16] =	ssyncadd.s32 $0xFFFFE000  }
0x16a: {  	[spmem:s1] =	stream.indirect.scatter.add.f32 [tilespmem:s7], [sflag:$0x2], $0x80, s28, s2, $0xb8;
	[tilespmem:$0x1E400] =	vst v63  }
0x16b: {  	_ =	swait.ge [sflag:s19], $0x2000  }
0x16c: {  	[sflag:s19] =	ssyncset.done $0x0  }
0x16d: {  	s28 =	sadd.s32 $0x1500, s11;
	[sflag:s19] =	ssyncadd.s32 $0xFFFFE000  }
0x16e: {  	[spmem:s1] =	stream.indirect.scatter.add.f32 [tilespmem:s9], [sflag:$0x3], $0x80, s28, s2, $0xb8;
	[tilespmem:$0x1E400] =	vst v63  }
0x16f: {  	_ =	swait.ge [sflag:s20], $0x2000  }
0x170: {  	[sflag:s20] =	ssyncset.done $0x0  }
0x171: {  	s28 =	sadd.s32 $0x1580, s11;
	[sflag:s20] =	ssyncadd.s32 $0xFFFFE000  }
0x172: {  	[spmem:s1] =	stream.indirect.scatter.add.f32 [tilespmem:s12], [sflag:$0x4], $0x80, s28, s2, $0xb8;
	[tilespmem:$0x1E400] =	vst v63  }
0x173: {  	_ =	swait.ge [sflag:s15], $0x2000  }
0x174: {  	[sflag:s15] =	ssyncset.done $0x0  }
0x175: {  	s28 =	sadd.s32 $0x200, s11;
	[sflag:s15] =	ssyncadd.s32 $0xFFFFE000  }
0x176: {  	[tilespmem:s30], [sflag:$0x1] =	stream.indirect.gather [hbm4b:s4+s2], $0x80, s28, s2, $0xb8;
	[tilespmem:$0x1E400] =	vst v63  }
0x177: {  	_ =	swait.ge [sflag:s16], $0x2000  }
0x178: {  	[sflag:s16] =	ssyncset.done $0x0  }
0x179: {  	s28 =	sadd.s32 $0x280, s11;
	[sflag:s16] =	ssyncadd.s32 $0xFFFFE000  }
0x17a: {  	[tilespmem:s7], [sflag:$0x2] =	stream.indirect.gather [hbm4b:s4+s2], $0x80, s28, s2, $0xb8;
	[tilespmem:$0x1E400] =	vst v63  }
0x17b: {  	_ =	swait.ge [sflag:s19], $0x2000  }
0x17c: {  	[sflag:s19] =	ssyncset.done $0x0  }
.Ltmp3:
0x17d: {  	s28 =	sadd.s32 $0x300, s11;
	[sflag:s19] =	ssyncadd.s32 $0xFFFFE000;
	(pc) =	sbr.rel @p1 .LBB2_8-.Ltmp3, $4  }
0x17e: {  	[tilespmem:s9], [sflag:$0x3] =	stream.indirect.gather [hbm4b:s4+s2], $0x80, s28, s2, $0xb8;
	[tilespmem:$0x1E400] =	vst v63  }
0x17f: {  	_ =	swait.ge [sflag:s20], $0x2000  }
0x180: {  	[sflag:s20] =	ssyncset.done $0x0  }
0x181: {  	s11 =	sadd.s32 $0x380, s11;
	[sflag:s20] =	ssyncadd.s32 $0xFFFFE000  }
0x182: {  	[tilespmem:s12], [sflag:$0x4] =	stream.indirect.gather [hbm4b:s4+s2], $0x80, s11, s2, $0xb8;
	[tilespmem:$0x1E400] =	vst v63  }
0x183: {  	_ =	swait.ge [sflag:s15], $0x2000  }
0x184: {  	[sflag:s15] =	ssyncset.done $0x0  }
0x185: {  	[sflag:s15] =	ssyncadd.s32 $0xFFFFE000  }
0x186: {  	[spmem:s1] =	stream.indirect.scatter.add.f32 [tilespmem:s30], [sflag:$0x1], $0x80, s22, s2, $0xb8;
	[tilespmem:$0x1E400] =	vst v63  }
0x187: {  	_ =	swait.ge [sflag:s16], $0x2000  }
0x188: {  	[sflag:s16] =	ssyncset.done $0x0  }
0x189: {  	[sflag:s16] =	ssyncadd.s32 $0xFFFFE000  }
0x18a: {  	[spmem:s1] =	stream.indirect.scatter.add.f32 [tilespmem:s7], [sflag:$0x2], $0x80, s23, s2, $0xb8;
	[tilespmem:$0x1E400] =	vst v63  }
0x18b: {  	_ =	swait.ge [sflag:s19], $0x2000  }
0x18c: {  	[sflag:s19] =	ssyncset.done $0x0  }
0x18d: {  	[sflag:s19] =	ssyncadd.s32 $0xFFFFE000  }
0x18e: {  	[spmem:s1] =	stream.indirect.scatter.add.f32 [tilespmem:s9], [sflag:$0x3], $0x80, s24, s2, $0xb8;
	[tilespmem:$0x1E400] =	vst v63  }
0x18f: {  	_ =	swait.ge [sflag:s20], $0x2000  }
0x190: {  	[sflag:s20] =	ssyncset.done $0x0  }
0x191: {  	[sflag:s20] =	ssyncadd.s32 $0xFFFFE000  }
0x192: {  	[spmem:s1] =	stream.indirect.scatter.add.f32 [tilespmem:s12], [sflag:$0x4], $0x80, s25, s2, $0xb8;
	[tilespmem:$0x1E400] =	vst v63  }
0x193: {  	_ =	swait.ge [sflag:s15], $0x2000  }
0x194: {  	[sflag:s15] =	ssyncset.done $0x0  }
0x195: {  	[sflag:s15] =	ssyncadd.s32 $0xFFFFE000  }
0x196: {  	_ =	swait.ge [sflag:s16], $0x2000  }
0x197: {  	[sflag:s16] =	ssyncset.done $0x0  }
0x198: {  	[sflag:s16] =	ssyncadd.s32 $0xFFFFE000  }
0x199: {  	_ =	swait.ge [sflag:s19], $0x2000  }
0x19a: {  	[sflag:s19] =	ssyncset.done $0x0  }
0x19b: {  	[sflag:s19] =	ssyncadd.s32 $0xFFFFE000  }
0x19c: {  	_ =	swait.ge [sflag:s20], $0x2000  }
0x19d: {  	[sflag:s20] =	ssyncset.done $0x0  }
0x19e: {  	s28 =	sadd.s32 s18, s13;
	s26 =	simm.s32 $0x0;
	[sflag:s20] =	ssyncadd.s32 $0xFFFFE000  }
0x19f: {  	[tilespmem:s26], [sflag:$0x5] =	stream.linear.gather [hbm4b:s28+s26], $0x1400, $0x38;
	[tilespmem:$0x1E400] =	vst v63  }
0x1a0: {  	_ =	swait.ge [sflag:s31], $0x1400  }
0x1a1: {  	[sflag:s31] =	ssyncset.done $0x0  }
0x1a2: {  	s28 =	rddreg [dreg:$0xe];
	[sflag:s31] =	ssyncadd.s32 $0xFFFFEC00  }
0x1a3: {  	[tilespmem:s0], [sflag:$0x5] =	stream.linear.gather [hbm4b:s28+s26], $0x1400, $0x38;
	[tilespmem:$0x1E400] =	vst v63  }
0x1a4: {  	_ =	swait.ge [sflag:s31], $0x1400  }
0x1a5: {  	[sflag:s31] =	ssyncset.done $0x0  }
0x1a6: {  	[sflag:s31] =	ssyncadd.s32 $0xFFFFEC00  }
0x1a7: {  	[tilespmem:s30], [sflag:$0x1] =	stream.indirect.gather [hbm4b:s4+s2], $0x80, s26, s2, $0xb8;
	[tilespmem:$0x1E400] =	vst v63  }
0x1a8: {  	_ = 	snop  }
0x1a9: {  	[tilespmem:s7], [sflag:$0x2] =	stream.indirect.gather [hbm4b:s4+s2], $0x80, s6, s2, $0xb8;
	[tilespmem:$0x1E400] =	vst v63  }
0x1aa: {  	_ = 	snop  }
0x1ab: {  	[tilespmem:s9], [sflag:$0x3] =	stream.indirect.gather [hbm4b:s4+s2], $0x80, s8, s2, $0xb8;
	[tilespmem:$0x1E400] =	vst v63  }
0x1ac: {  	_ = 	snop  }
0x1ad: {  	[tilespmem:s12], [sflag:$0x4] =	stream.indirect.gather [hbm4b:s4+s2], $0x80, s10, s2, $0xb8;
	[tilespmem:$0x1E400] =	vst v63  }
0x1ae: {  	_ =	swait.ge [sflag:s15], $0x2000  }
0x1af: {  	[sflag:s15] =	ssyncset.done $0x0  }
0x1b0: {  	s28 =	simm.s32 $0x1400;
	[sflag:s15] =	ssyncadd.s32 $0xFFFFE000  }
0x1b1: {  	[spmem:s1] =	stream.indirect.scatter.add.f32 [tilespmem:s30], [sflag:$0x1], $0x80, s28, s2, $0xb8;
	[tilespmem:$0x1E400] =	vst v63  }
0x1b2: {  	_ =	swait.ge [sflag:s16], $0x2000  }
0x1b3: {  	[sflag:s16] =	ssyncset.done $0x0  }
0x1b4: {  	s26 =	simm.s32 $0x1480;
	[sflag:s16] =	ssyncadd.s32 $0xFFFFE000  }
0x1b5: {  	[spmem:s1] =	stream.indirect.scatter.add.f32 [tilespmem:s7], [sflag:$0x2], $0x80, s26, s2, $0xb8;
	[tilespmem:$0x1E400] =	vst v63  }
0x1b6: {  	_ =	swait.ge [sflag:s19], $0x2000  }
0x1b7: {  	[sflag:s19] =	ssyncset.done $0x0  }
0x1b8: {  	s28 =	simm.s32 $0x1500;
	[sflag:s19] =	ssyncadd.s32 $0xFFFFE000  }
0x1b9: {  	[spmem:s1] =	stream.indirect.scatter.add.f32 [tilespmem:s9], [sflag:$0x3], $0x80, s28, s2, $0xb8;
	[tilespmem:$0x1E400] =	vst v63  }
0x1ba: {  	_ =	swait.ge [sflag:s20], $0x2000  }
0x1bb: {  	[sflag:s20] =	ssyncset.done $0x0  }
0x1bc: {  	s26 =	simm.s32 $0x1580;
	[sflag:s20] =	ssyncadd.s32 $0xFFFFE000  }
0x1bd: {  	[spmem:s1] =	stream.indirect.scatter.add.f32 [tilespmem:s12], [sflag:$0x4], $0x80, s26, s2, $0xb8;
	[tilespmem:$0x1E400] =	vst v63  }
0x1be: {  	_ =	swait.ge [sflag:s15], $0x2000  }
0x1bf: {  	[sflag:s15] =	ssyncset.done $0x0  }
0x1c0: {  	s28 =	simm.s32 $0x200;
	[sflag:s15] =	ssyncadd.s32 $0xFFFFE000  }
0x1c1: {  	[tilespmem:s30], [sflag:$0x1] =	stream.indirect.gather [hbm4b:s4+s2], $0x80, s28, s2, $0xb8;
	[tilespmem:$0x1E400] =	vst v63  }
0x1c2: {  	_ =	swait.ge [sflag:s16], $0x2000  }
0x1c3: {  	[sflag:s16] =	ssyncset.done $0x0  }
0x1c4: {  	s26 =	simm.s32 $0x280;
	[sflag:s16] =	ssyncadd.s32 $0xFFFFE000  }
0x1c5: {  	[tilespmem:s7], [sflag:$0x2] =	stream.indirect.gather [hbm4b:s4+s2], $0x80, s26, s2, $0xb8;
	[tilespmem:$0x1E400] =	vst v63  }
0x1c6: {  	_ =	swait.ge [sflag:s19], $0x2000  }
0x1c7: {  	[sflag:s19] =	ssyncset.done $0x0  }
0x1c8: {  	s28 =	simm.s32 $0x300;
	[sflag:s19] =	ssyncadd.s32 $0xFFFFE000  }
0x1c9: {  	[tilespmem:s9], [sflag:$0x3] =	stream.indirect.gather [hbm4b:s4+s2], $0x80, s28, s2, $0xb8;
	[tilespmem:$0x1E400] =	vst v63  }
0x1ca: {  	_ =	swait.ge [sflag:s20], $0x2000  }
0x1cb: {  	[sflag:s20] =	ssyncset.done $0x0  }
0x1cc: {  	s11 =	simm.s32 $0x380;
	s26 =	simm.s32 $0x800;
	[sflag:s20] =	ssyncadd.s32 $0xFFFFE000  }
.LBB2_10:
0x1cd: {  	[tilespmem:s12], [sflag:$0x4] =	stream.indirect.gather [hbm4b:s4+s2], $0x80, s11, s2, $0xb8;
	[tilespmem:$0x1E400] =	vst v63  }
0x1ce: {  	s11 =	smov.u32 s26  }
0x1cf: {  	p1 =	sne.s32 s26, $0x4000;
	s26 =	sadd.s32 $0x800, s26;
	_ =	swait.ge [sflag:s15], $0x2000  }
0x1d0: {  	s11 =	sshra.s32 s11, $0x2;
	[sflag:s15] =	ssyncset.done $0x0  }
0x1d1: {  	s28 =	sadd.s32 $0x1400, s11;
	[sflag:s15] =	ssyncadd.s32 $0xFFFFE000  }
0x1d2: {  	[spmem:s1] =	stream.indirect.scatter.add.f32 [tilespmem:s30], [sflag:$0x1], $0x80, s28, s2, $0xb8;
	[tilespmem:$0x1E400] =	vst v63  }
0x1d3: {  	_ =	swait.ge [sflag:s16], $0x2000  }
0x1d4: {  	[sflag:s16] =	ssyncset.done $0x0  }
0x1d5: {  	s28 =	sadd.s32 $0x1480, s11;
	[sflag:s16] =	ssyncadd.s32 $0xFFFFE000  }
0x1d6: {  	[spmem:s1] =	stream.indirect.scatter.add.f32 [tilespmem:s7], [sflag:$0x2], $0x80, s28, s2, $0xb8;
	[tilespmem:$0x1E400] =	vst v63  }
0x1d7: {  	_ =	swait.ge [sflag:s19], $0x2000  }
0x1d8: {  	[sflag:s19] =	ssyncset.done $0x0  }
0x1d9: {  	s28 =	sadd.s32 $0x1500, s11;
	[sflag:s19] =	ssyncadd.s32 $0xFFFFE000  }
0x1da: {  	[spmem:s1] =	stream.indirect.scatter.add.f32 [tilespmem:s9], [sflag:$0x3], $0x80, s28, s2, $0xb8;
	[tilespmem:$0x1E400] =	vst v63  }
0x1db: {  	_ =	swait.ge [sflag:s20], $0x2000  }
0x1dc: {  	[sflag:s20] =	ssyncset.done $0x0  }
0x1dd: {  	s28 =	sadd.s32 $0x1580, s11;
	[sflag:s20] =	ssyncadd.s32 $0xFFFFE000  }
0x1de: {  	[spmem:s1] =	stream.indirect.scatter.add.f32 [tilespmem:s12], [sflag:$0x4], $0x80, s28, s2, $0xb8;
	[tilespmem:$0x1E400] =	vst v63  }
0x1df: {  	_ =	swait.ge [sflag:s15], $0x2000  }
0x1e0: {  	[sflag:s15] =	ssyncset.done $0x0  }
0x1e1: {  	s28 =	sadd.s32 $0x200, s11;
	[sflag:s15] =	ssyncadd.s32 $0xFFFFE000  }
0x1e2: {  	[tilespmem:s30], [sflag:$0x1] =	stream.indirect.gather [hbm4b:s4+s2], $0x80, s28, s2, $0xb8;
	[tilespmem:$0x1E400] =	vst v63  }
0x1e3: {  	_ =	swait.ge [sflag:s16], $0x2000  }
0x1e4: {  	[sflag:s16] =	ssyncset.done $0x0  }
0x1e5: {  	s28 =	sadd.s32 $0x280, s11;
	[sflag:s16] =	ssyncadd.s32 $0xFFFFE000  }
0x1e6: {  	[tilespmem:s7], [sflag:$0x2] =	stream.indirect.gather [hbm4b:s4+s2], $0x80, s28, s2, $0xb8;
	[tilespmem:$0x1E400] =	vst v63  }
0x1e7: {  	_ =	swait.ge [sflag:s19], $0x2000  }
0x1e8: {  	[sflag:s19] =	ssyncset.done $0x0  }
.Ltmp4:
0x1e9: {  	s28 =	sadd.s32 $0x300, s11;
	[sflag:s19] =	ssyncadd.s32 $0xFFFFE000;
	(pc) =	sbr.rel @p1 .LBB2_10-.Ltmp4, $4  }
0x1ea: {  	[tilespmem:s9], [sflag:$0x3] =	stream.indirect.gather [hbm4b:s4+s2], $0x80, s28, s2, $0xb8;
	[tilespmem:$0x1E400] =	vst v63  }
0x1eb: {  	_ =	swait.ge [sflag:s20], $0x2000  }
0x1ec: {  	[sflag:s20] =	ssyncset.done $0x0  }
0x1ed: {  	s11 =	sadd.s32 $0x380, s11;
	[sflag:s20] =	ssyncadd.s32 $0xFFFFE000  }
0x1ee: {  	[tilespmem:s12], [sflag:$0x4] =	stream.indirect.gather [hbm4b:s4+s2], $0x80, s11, s2, $0xb8;
	[tilespmem:$0x1E400] =	vst v63  }
0x1ef: {  	_ =	swait.ge [sflag:s15], $0x2000  }
0x1f0: {  	[sflag:s15] =	ssyncset.done $0x0  }
0x1f1: {  	[sflag:s15] =	ssyncadd.s32 $0xFFFFE000  }
0x1f2: {  	[spmem:s1] =	stream.indirect.scatter.add.f32 [tilespmem:s30], [sflag:$0x1], $0x80, s22, s2, $0xb8;
	[tilespmem:$0x1E400] =	vst v63  }
0x1f3: {  	_ =	swait.ge [sflag:s16], $0x2000  }
0x1f4: {  	[sflag:s16] =	ssyncset.done $0x0  }
0x1f5: {  	[sflag:s16] =	ssyncadd.s32 $0xFFFFE000  }
0x1f6: {  	[spmem:s1] =	stream.indirect.scatter.add.f32 [tilespmem:s7], [sflag:$0x2], $0x80, s23, s2, $0xb8;
	[tilespmem:$0x1E400] =	vst v63  }
0x1f7: {  	_ =	swait.ge [sflag:s19], $0x2000  }
0x1f8: {  	[sflag:s19] =	ssyncset.done $0x0  }
0x1f9: {  	[sflag:s19] =	ssyncadd.s32 $0xFFFFE000  }
0x1fa: {  	[spmem:s1] =	stream.indirect.scatter.add.f32 [tilespmem:s9], [sflag:$0x3], $0x80, s24, s2, $0xb8;
	[tilespmem:$0x1E400] =	vst v63  }
0x1fb: {  	_ =	swait.ge [sflag:s20], $0x2000  }
0x1fc: {  	[sflag:s20] =	ssyncset.done $0x0  }
0x1fd: {  	[sflag:s20] =	ssyncadd.s32 $0xFFFFE000  }
0x1fe: {  	[spmem:s1] =	stream.indirect.scatter.add.f32 [tilespmem:s12], [sflag:$0x4], $0x80, s25, s2, $0xb8;
	[tilespmem:$0x1E400] =	vst v63  }
0x1ff: {  	_ =	swait.ge [sflag:s15], $0x2000  }
0x200: {  	[sflag:s15] =	ssyncset.done $0x0  }
0x201: {  	[sflag:s15] =	ssyncadd.s32 $0xFFFFE000  }
0x202: {  	_ =	swait.ge [sflag:s16], $0x2000  }
0x203: {  	[sflag:s16] =	ssyncset.done $0x0  }
0x204: {  	[sflag:s16] =	ssyncadd.s32 $0xFFFFE000  }
0x205: {  	_ =	swait.ge [sflag:s19], $0x2000  }
0x206: {  	[sflag:s19] =	ssyncset.done $0x0  }
0x207: {  	[sflag:s19] =	ssyncadd.s32 $0xFFFFE000  }
0x208: {  	_ =	swait.ge [sflag:s20], $0x2000  }
0x209: {  	[sflag:s20] =	ssyncset.done $0x0  }
0x20a: {  	[sflag:s20] =	ssyncadd.s32 $0xFFFFE000  }
0x20b: {  	s26 =	stileid.u32;
	[bflag:$0x0] =	sbarrier.arrive $0xFFFF  }
0x20c: {  	s11 =	sshll.u32 s26, $0x6;
	s26 =	rddreg [dreg:$0x10]  }
0x20d: {  	s11 =	sor.u32 $0x1C05, s11;
	s28 =	rddreg [dreg:$0x11]  }
0x20e: {  	[hbm:s26], [sflag:s11] =	dma.local [spmem:s28], $0x2700  }
0x20f: {  	_ =	swait.ge [sflag:s31], $0x2700  }
0x210: {  	[sflag:s31] =	ssyncset.done $0x0  }
0x211: {  	s26 =	sadd.s32 @!p0 $0x27000, s21;
	s28 =	rddreg [dreg:$0x12];
	[sflag:s31] =	ssyncadd.s32 $0xFFFFD900  }
0x212: {  	[hbm:s26], [sflag:s11] =	dma.local @!p0 [spmem:s28], $0x100  }
0x213: {  	s11 =	simm.s32 @!p0 $0x5  }
0x214: {  	_ =	swait.ge @!p0 [sflag:s11], $0x100  }
0x215: {  	s3 =	sadd.s32 $0x1, s3;
	s28 =	rddreg [dreg:$0xf]  }
0x216: {  	p1 =	sne.s32 s3, s28  }
.Ltmp5:
0x217: {  	_ = 	snop;
	(pc) =	sbr.rel @p1 .LBB2_1-.Ltmp5, $3  }
0x218: {  	_ =	sdelay $0x1  }
0x219: {  	[sflag:s11] =	ssyncset.done @!p0 $0x0  }
0x21a: {  	[sflag:s11] =	ssyncadd.s32 @!p0 $0xFFFFFF00  }
0x21b: {  	_ =	sfence.sel $0x180000  }
0x21c: {  	[bflag:$0x0] =	sbarrier.arrive $0xFFFF  }
0x21d: {  	_ =	strace $0x9000004D  }
0x21e: {  	s0 =	stileid.u32;
	[bflag:$0x2] =	sbarrier.arrive $0xFFFF  }
0x21f: {  	p0 =	sne.s32 s0, $0x0;
	s0 =	rddreg [dreg:$0x3]  }
0x220: {  	s0 =	sadd.s32 @!p0 $0x100000, s0  }
0x221: {  	[sflag:s0] =	ssyncadd.tile.s32 @!p0 $0x1;
	_ =	shalt  }
.Lfunc_end2:
_tile_overlayer_lowered:
.L_overlay_start_2:
0x222: {  	(tag) =	ssettag $0x2  }
0x223: {  	s0 =	rddreg [dreg:$0x0];
	s2 =	stileid.u32  }
0x224: {  	s1 =	rddreg [dreg:$0x1];
	p0 =	sne.s32 s2, $0x0  }
0x225: {  	s3 =	rddreg [dreg:$0x2];
	[bflag:$0x3] =	sbarrier.arrive $0xFFFF;
	s2 =	simm.s32 @!p0 $0x1C05  }
0x226: {  	[timem:s3], [sflag:s2] =	dma.local @!p0 [hbm:s0], s1  }
0x227: {  	s0 =	simm.s32 @!p0 $0x5  }
0x228: {  	_ =	swait.ge @!p0 [sflag:s0], s1  }
0x229: {  	s1 =	ssub.s32 @!p0 $0x0, s1;
	[sflag:s0] =	ssyncset.done @!p0 $0x0  }
0x22a: {  	[sflag:s0] =	ssyncadd.s32 @!p0 s1  }
0x22b: {  	[bflag:$0x3] =	sbarrier.arrive $0xFFFF  }
0x22c: {  	_ =	shalt  }

// kernel: kernel.7.cloned.1.call-start
scs
__scs_entry_jumppad:
0x0: {  	(pc) =	sbr.rel $0x88, $3  }
0x1: {  	(tag) =	ssettag $0x0;
	lr =	simm.s32 $0x1  }
0x2: {  	[smem:$0x3F99] =	sst lr;
	_ =	strace $0xD0000000  }
0x3: {  	_ = 	snop  }
0x4: {  	_ = 	snop  }
0x5: {  	_ = 	snop  }
0x6: {  	_ = 	snop  }
0x7: {  	_ = 	snop  }
__scs_overlays_trampoline_lowered:
0x8: {  	[smem:$0x3FA8] =	sst s0  }
0x9: {  	[smem:$0x3FA9] =	sst s1  }
0xa: {  	[smem:$0x3FAA] =	sst s2  }
0xb: {  	[smem:$0x3FAB] =	sst s3  }
0xc: {  	[smem:$0x3FAC] =	sst s4  }
0xd: {  	[smem:$0x3FAD] =	sst s5  }
0xe: {  	[smem:$0x3FAE] =	sst s6  }
0xf: {  	[smem:$0x3FAF] =	sst s7  }
0x10: {  	[smem:$0x3FB0] =	sst s8  }
0x11: {  	[smem:$0x3FB1] =	sst s9;
	s0 =	simm.s32 @!p0 $0x0  }
0x12: {  	s1 =	sld [smem:$0x3F97];
	s0 =	simm.s32 @p0 $0x1  }
0x13: {  	[smem:$0x3FB2] =	sst s0;
	s0 =	simm.s32 @!p1 $0x0  }
0x14: {  	s2 =	sld [smem:$0x3F96];
	s0 =	simm.s32 @p1 $0x1  }
0x15: {  	[smem:$0x3FB3] =	sst s0;
	s0 =	simm.s32 @!p2 $0x0  }
0x16: {  	s3 =	sld [smem:$0x3FDB];
	s0 =	simm.s32 @p2 $0x1  }
0x17: {  	s4 =	simm.s32 $0x1BF5;
	[smem:$0x3FB5] =	sst s0  }
0x18: {  	s0 =	sld [smem:$0x3F98];
	_ =	swait.ge [sflag:s4], $0x0  }
0x19: {  	s7 =	sld [smem:$0x3F99]  }
0x1a: {  	s8 =	sadd.s32 $0xFFFFE003, lr  }
0x1b: {  	s9 =	sadd.s32 $0xFFFFFEF7, lr;
	s5 =	simm.s32 $0xFFFFFFFF;
	p2 =	slt.u32 s8, $0xFFFFF086  }
0x1c: {  	p1 =	slt.u32 s9, $0xF7A;
	s5 =	simm.s32 @!p2 $0x0  }
0x1d: {  	s5 =	simm.s32 @p1 $0x1;
	p0 =	seq.s32 s7, s2  }
0x1e: {  	s7 =	smul.u32 @!p0 $0xF7A, s2;
	p2 =	seq.s32 @!p0 s5, $0x0  }
0x1f: {  	s9 =	smul.u32 $0xF7A, s1;
	s8 =	simm.s32 @!p0 $0x1BF5;
	p2 =	por !p2, p0  }
0x20: {  	[sflag:s8] =	ssyncset.s32 @!p0 $0xFFFFF086;
	s6 =	sadd.s32 @!p0 s3, s7;
	s7 =	simm.s32 @!p0 $0x108  }
0x21: {  	s3 =	sadd.s32 s3, s9;
	s6 =	sadd.s32 @!p0 $0x88, s6;
	s7 =	simm.s32 @p2 $0x1082  }
0x22: {  	[simem:s7], [sflag:s8] =	dma.local @!p0 [hbm:s6], $0xF7A  }
0x23: {  	s9 =	sor.u32 $0xD0000000, s2;
	s6 =	simm.s32 $0x108;
	_ =	swait.ge @!p0 [sflag:s8], $0x0  }
0x24: {  	s3 =	sadd.s32 $0x88, s3;
	s6 =	simm.s32 @!p1 $0x1082;
	[sflag:s4] =	ssyncset.s32 $0xFFFFF086  }
0x25: {  	[simem:s6], [sflag:s4] =	dma.local [hbm:s3], $0xF7A  }
0x26: {  	[smem:$0x3F99] =	sst s1;
	(tag) =	ssettag s2;
	_ =	strace s9  }
0x27: {  	s1 =	sld [smem:$0x3FA9]  }
0x28: {  	s2 =	sld [smem:$0x3FAA]  }
0x29: {  	s4 =	sld [smem:$0x3FAC]  }
0x2a: {  	p0 =	seq.s32 s5, $0x0;
	s5 =	sld [smem:$0x3FAD]  }
0x2b: {  	s6 =	sld [smem:$0x3FAE]  }
0x2c: {  	s7 =	sld [smem:$0x3FAF]  }
0x2d: {  	s3 =	simm.s32 $0x108;
	s8 =	sld [smem:$0x3FB0]  }
0x2e: {  	s3 =	simm.s32 @!p0 $0x1082;
	s9 =	sld [smem:$0x3FB1]  }
0x2f: {  	lr =	sadd.s32 s0, s3;
	s0 =	sld [smem:$0x3FA8]  }
0x30: {  	s3 =	sld [smem:$0x3FAB]  }
0x31: {  	[smem:$0x3FB4] =	sst s10  }
0x32: {  	s10 =	sld [smem:$0x3FB2];
	_ =	sdelay $0x3  }
0x33: {  	p0 =	seq.s32 s10, $0x1;
	s10 =	sld [smem:$0x3FB4];
	_ =	sdelay $0x3  }
0x34: {  	[smem:$0x3FB4] =	sst s10  }
0x35: {  	s10 =	sld [smem:$0x3FB3];
	_ =	sdelay $0x3  }
0x36: {  	p1 =	seq.s32 s10, $0x1;
	s10 =	sld [smem:$0x3FB4];
	_ =	sdelay $0x3  }
0x37: {  	[smem:$0x3FB4] =	sst s10  }
0x38: {  	s10 =	sld [smem:$0x3FB5]  }
0x39: {  	_ = 	snop;
	(pc) =	sbr.ind lr, $3  }
0x3a: {  	_ = 	snop  }
0x3b: {  	_ = 	snop  }
0x3c: {  	p2 =	seq.s32 s10, $0x1;
	s10 =	sld [smem:$0x3FB4]  }
0x3d: {  	_ =	shalt  }
0x3e: {  	_ =	shalt  }
0x3f: {  	_ =	shalt  }
0x40: {  	_ =	shalt  }
0x41: {  	_ =	shalt  }
0x42: {  	_ =	shalt  }
0x43: {  	_ =	shalt  }
0x44: {  	_ =	shalt  }
0x45: {  	_ =	shalt  }
0x46: {  	_ =	shalt  }
0x47: {  	_ =	shalt  }
0x48: {  	_ =	shalt  }
0x49: {  	_ =	shalt  }
0x4a: {  	_ =	shalt  }
0x4b: {  	_ =	shalt  }
0x4c: {  	_ =	shalt  }
0x4d: {  	_ =	shalt  }
0x4e: {  	_ =	shalt  }
0x4f: {  	_ =	shalt  }
0x50: {  	_ =	shalt  }
0x51: {  	_ =	shalt  }
0x52: {  	_ =	shalt  }
0x53: {  	_ =	shalt  }
0x54: {  	_ =	shalt  }
0x55: {  	_ =	shalt  }
0x56: {  	_ =	shalt  }
0x57: {  	_ =	shalt  }
0x58: {  	_ =	shalt  }
0x59: {  	_ =	shalt  }
0x5a: {  	_ =	shalt  }
0x5b: {  	_ =	shalt  }
0x5c: {  	_ =	shalt  }
0x5d: {  	_ =	shalt  }
0x5e: {  	_ =	shalt  }
0x5f: {  	_ =	shalt  }
0x60: {  	_ =	shalt  }
0x61: {  	_ =	shalt  }
0x62: {  	_ =	shalt  }
0x63: {  	_ =	shalt  }
0x64: {  	_ =	shalt  }
0x65: {  	_ =	shalt  }
0x66: {  	_ =	shalt  }
0x67: {  	_ =	shalt  }
0x68: {  	_ =	shalt  }
0x69: {  	_ =	shalt  }
0x6a: {  	_ =	shalt  }
0x6b: {  	_ =	shalt  }
0x6c: {  	_ =	shalt  }
0x6d: {  	_ =	shalt  }
0x6e: {  	_ =	shalt  }
0x6f: {  	_ =	shalt  }
0x70: {  	_ =	shalt  }
0x71: {  	_ =	shalt  }
0x72: {  	_ =	shalt  }
0x73: {  	_ =	shalt  }
0x74: {  	_ =	shalt  }
0x75: {  	_ =	shalt  }
0x76: {  	_ =	shalt  }
0x77: {  	_ =	shalt  }
0x78: {  	_ =	shalt  }
0x79: {  	_ =	shalt  }
0x7a: {  	_ =	shalt  }
0x7b: {  	_ =	shalt  }
0x7c: {  	_ =	shalt  }
0x7d: {  	_ =	shalt  }
0x7e: {  	_ =	shalt  }
0x7f: {  	_ =	shalt  }
0x80: {  	_ =	shalt  }
0x81: {  	_ =	shalt  }
0x82: {  	_ =	shalt  }
0x83: {  	_ =	shalt  }
0x84: {  	_ =	shalt  }
0x85: {  	_ =	shalt  }
0x86: {  	_ =	shalt  }
0x87: {  	_ =	shalt  }
.Lfunc_end0:
.L_simem_size_0:
called_computation_lowered:
.L_overlay_start_0:
0x88: {  	s2 =	sld [smem:$0x3FD9]  }
0x89: {  	s3 =	sld [smem:$0x3FFE];
	_ =	sdelay $0x1  }
0x8a: {  	s1 =	srdreg.scid  }
0x8b: {  	s0 =	sand.u32 $0x1, s1  }
0x8c: {  	s17 =	sshll.u32 s0, $0xA;
	s2 =	sadd.s32 s3, s2  }
0x8d: {  	s2 =	sadd.s32 s2, s17  }
0x8e: {  	[smem:$0x3FC0] =	sst s2  }
0x8f: {  	_ = 	snop  }
0x90: {  	(tm) =	ssettm $0x1  }
0x91: {  	s18 =	sld [smem:$0x3FFB];
	_ =	sdelay $0x3  }
0x92: {  	_ =	strace s18  }
0x93: {  	s2 =	sld [smem:$0x3FFC];
	_ =	sdelay $0x3  }
0x94: {  	_ =	strace s2  }
0x95: {  	s2 =	sld [smem:$0x3FFD];
	_ =	sdelay $0x3  }
0x96: {  	_ =	strace s2  }
0x97: {  	_ =	strace $0x8FFFFFFF  }
0x98: {  	s19 =	sld [smem:$0x3FDB];
	_ =	sdelay $0x1  }
0x99: {  	s20 =	simm.s32 $_scs_section_size  }
0x9a: {  	s4 =	simm.s32 $_size__tile_overlayer_lowered;
	s5 =	simm.s32 $_tile_overlayer_lowered  }
0x9b: {  	s6 =	simm.s32 $0x1BFF;
	s21 =	sshll.u32 s5, $0x1;
	s3 =	sadd.s32 s20, s19  }
0x9c: {  	s22 =	simm.s32 $0x0;
	s4 =	sshll.u32 s4, $0x1;
	s5 =	sadd.s32 s21, s3  }
0x9d: {  	[timem:s22], [sflag:s6] =	dma.local [hbm:s5], s4  }
0x9e: {  	_ =	swait.ge [sflag:s6], s4  }
0x9f: {  	s4 =	ssub.s32 $0x0, s4;
	[sflag:s6] =	ssyncset.done $0x0  }
0xa0: {  	[sflag:s6] =	ssyncadd.s32 s4;
	_ =	sdelay $0x1  }
0xa1: {  	s23 =	simm.s32 $0x1B8B  }
0xa2: {  	_ =	swait.ge [sflag:s23], $0x1  }
0xa3: {  	[sflag:s23] =	ssyncset.done $0x0  }
0xa4: {  	[sflag:s23] =	ssyncadd.s32 $0xFFFFFFFF  }
0xa5: {  	s4 =	sld [smem:$0x0]  }
0xa6: {  	s5 =	sand.u32 $0xFFFFFFFE, s1  }
0xa7: {  	p0 =	sne.s32 s1, s5  }
0xa8: {  	s5 =	sshll.u32 @p0 s5, $0xE  }
0xa9: {  	s5 =	sadd.s32 @p0 $0x11B8D, s5;
	s6 =	sshll.u32 @p0 s4, $0x11  }
0xaa: {  	s5 =	sor.u32 @p0 s6, s5  }
0xab: {  	[sflag:s5] =	ssyncadd.remote.s32 @p0 $0x1;
	_ =	sdelay $0x1  }
0xac: {  	s5 =	simm.s32 @p0 $0x1B8D  }
0xad: {  	_ =	swait.eq @p0 [sflag:s5], $0x1  }
0xae: {  	[sflag:s5] =	ssyncadd.s32 @p0 $0xFFFFFFFF  }
0xaf: {  	s6 =	sshll.u32 @!p0 s1, $0xE  }
0xb0: {  	s6 =	sor.u32 @!p0 $0x4000, s6;
	s5 =	simm.s32 @!p0 $0x1B8D  }
0xb1: {  	s4 =	sshll.u32 @!p0 s4, $0x11;
	s6 =	sadd.s32 @!p0 $0x11B8D, s6;
	_ =	swait.eq @!p0 [sflag:s5], $0x1  }
0xb2: {  	s4 =	sor.u32 @!p0 s4, s6;
	[sflag:s5] =	ssyncadd.s32 @!p0 $0xFFFFFFFF  }
0xb3: {  	s25 =	simm.s32 $0x1B8E;
	s24 =	sld [smem:$0x3FFE];
	[sflag:s4] =	ssyncadd.remote.s32 @!p0 $0x1  }
0xb4: {  	s26 =	simm.s32 $execute0_lowered;
	[smem:$0x3FD2] =	sst s25  }
0xb5: {  	s5 =	sshll.u32 s26, $0x1;
	_ =	strace $0x80000049;
	[dreg:$0x1] =	wrdreg $0xFFFFFFFF  }
0xb6: {  	s28 =	simm.s32 $_size_execute0_lowered;
	s3 =	sadd.s32 s3, s5;
	[dreg:$0x0] =	wrdreg $0x0  }
0xb7: {  	s5 =	sshll.u32 s28, $0x1;
	[dreg:$0x2] =	wrdreg s3  }
0xb8: {  	[dreg:$0x3] =	wrdreg s5  }
0xb9: {  	[dreg:$0x4] =	wrdreg $0xC0  }
0xba: {  	_ =	task [dreg:s22], $0x5FFFF  }
0xbb: {  	[dreg:$0x1] =	wrdreg $0xFFFFFFFF  }
0xbc: {  	[dreg:$0x0] =	wrdreg $0x60  }
0xbd: {  	[dreg:$0x2] =	wrdreg s24  }
0xbe: {  	[dreg:$0x3] =	wrdreg $0x48000  }
0xbf: {  	[dreg:$0x4] =	wrdreg $0x9  }
0xc0: {  	_ =	task.clear_ibuf [dreg:s22], $0x5FFFF;
	_ =	strace $0x90000049  }
0xc1: {  	s29 =	simm.s32 $0x9;
	_ =	strace $0x8000004B  }
0xc2: {  	_ =	swait.ge [sflag:s29], $0x1  }
0xc3: {  	[sflag:s29] =	ssyncadd.s32 $0xFFFFFFFF  }
0xc4: {  	_ =	strace $0x9000004B  }
0xc5: {  	_ =	sfence  }
0xc6: {  	s30 =	sld [smem:$0x0];
	_ =	sdelay $0x2  }
0xc7: {  	s31 =	sshll.u32 s1, $0xD;
	s1 =	sshrl.u32 s1, $0x2  }
0xc8: {  	s4 =	sand.u32 $0x4000, s31;
	s1 =	sadd.s32 s1, s30  }
0xc9: {  	s0 =	sor.u32 s4, s0;
	s1 =	sshll.u32 s1, $0x11  }
0xca: {  	s0 =	sor.u32 s1, s0  }
0xcb: {  	s0 =	sadd.s32 $0x8F2B, s0  }
0xcc: {  	[sflag:s0] =	ssyncadd.remote.s32 $0x1  }
0xcd: {  	_ =	sfence.sel $0xFFFF  }
0xce: {  	[dreg:$0x0] =	wrdreg $0xFFFFFFFF;
	(pc) =	sbr.abs _section_cstart, $3  }
0xcf: {  	[dreg:$0x1] =	wrdreg $0xFFFFFFFF  }
0xd0: {  	_ =	task.clear_ibuf [dreg:s22], $0x2FFFF;
	_ =	strace $0x9FFFFFFF  }
0xd1: {  	(tm) =	ssettm $0x7FFFFFFF  }
tec
execute0_lowered:
.L_overlay_start_1:
0x0: {  	(tag) =	ssettag $0x1  }
0x1: {  	s5 =	rddreg [dreg:$0x0]  }
0x2: {  	s0 =	srdreg.scid;
	s2 =	rddreg [dreg:$0x1]  }
0x3: {  	s3 =	simm.s32 $0x0;
	s4 =	sand.u32 $0x1, s0;
	s0 =	stileid.u32  }
0x4: {  	s18 =	simm.s32 $0x1;
	s19 =	simm.s32 $0x40;
	s7 =	smul.u32 $0x4F000, s0  }
0x5: {  	[smem:$0x7FF] =	sst s3;
	s22 =	sadd.s32 $0x138000, s2;
	s8 =	smul.u32 $0x27100, s4  }
0x6: {  	s1 =	sshll.u32 s4, $0x4;
	s4 =	ssub.s32 $0x2, s4;
	s17 =	smul.u32 $0x4E000, s0  }
0x7: {  	s20 =	smul.u32 $0x2700, s0;
	p0 =	sne.s32 s0, $0xF;
	s6 =	sor.u32 s0, s1  }
0x8: {  	s1 =	rddreg [dreg:$0x2];
	_ =	strace $0x8000004A;
	s31 =	sshrl.u32 s4, $0x1  }
0x9: {  	s22 =	sshrl.u32 @!p0 s22, $0x3;
	s6 =	smul.u32 $0x500, s6;
	s7 =	sshrl.u32 s7, $0x2  }
0xa: {  	s15 =	sadd.s32 s8, s5;
	s16 =	ssub.s32 s4, s31;
	s17 =	sshrl.u32 s17, $0x2  }
0xb: {  	s4 =	sadd.s32 s7, s2;
	s15 =	sadd.s32 $0x6EA00, s15;
	s21 =	sadd.s32 s17, s2  }
0xc: {  	s16 =	smax.u32 s16, $0x1;
	s17 =	simm.s32 $0x2800;
	s14 =	sadd.s32 s6, s5  }
0xd: {  	s5 =	sadd.s32 $0x2000, s4;
	s6 =	sadd.s32 $0x4000, s4;
	s7 =	sadd.s32 $0x6000, s4  }
0xe: {  	s8 =	sadd.s32 $0x8000, s4;
	s9 =	sadd.s32 $0xA000, s4;
	s10 =	sadd.s32 $0xC000, s4  }
0xf: {  	s11 =	sadd.s32 $0xE000, s4;
	s12 =	sadd.s32 $0x10000, s4;
	s13 =	sadd.s32 $0x12000, s4  }
0x10: {  	v0 =	vimm.f32 $0.0e+00;
	v1 =	vimm.f32 $1.000000000e+00;
	s20 =	sadd.s32 s20, s15;
	s21 =	sshrl.u32 s21, $0x3;
	s14 =	sadd.s32 $0x2800, s14  }
.LBB2_1:
0x11: {  	s23 =	simm.s32 $0x0;
	s24 =	simm.s32 $0x200  }
.LBB2_2:
0x12: {  	p1 =	sne.s32 s24, $0x7E00;
	[tilespmem:s23+$0x2870] =	vst v0  }
0x13: {  	[tilespmem:s23+$0x2800] =	vst v0  }
0x14: {  	[tilespmem:s23+$0x2810] =	vst v0  }
.Ltmp0:
0x15: {  	[tilespmem:s23+$0x2820] =	vst v0;
	(pc) =	sbr.rel @p1 .LBB2_2-.Ltmp0, $4  }
0x16: {  	[tilespmem:s23+$0x2830] =	vst v0  }
0x17: {  	[tilespmem:s23+$0x2840] =	vst v0  }
0x18: {  	[tilespmem:s23+$0x2850] =	vst v0  }
0x19: {  	[tilespmem:s23+$0x2860] =	vst v0;
	s23 =	sshra.s32 s24, $0x2;
	s24 =	sadd.s32 $0x200, s24  }
0x1a: {  	[tilespmem:s23+$0x2870] =	vst v0  }
0x1b: {  	[tilespmem:s23+$0x2800] =	vst v0  }
0x1c: {  	[tilespmem:s23+$0x2810] =	vst v0  }
0x1d: {  	[tilespmem:s23+$0x2820] =	vst v0  }
0x1e: {  	[tilespmem:s23+$0x2830] =	vst v0  }
0x1f: {  	[tilespmem:s23+$0x2840] =	vst v0  }
0x20: {  	[tilespmem:s23+$0x2850] =	vst v0  }
0x21: {  	[tilespmem:s23+$0x2860] =	vst v0  }
0x22: {  	[spmem:s4] =	stream.linear.scatter [tilespmem:s17], [sflag:$0x1], $0x2000, $0x38;
	[tilespmem:$0x18400] =	vst v63  }
0x23: {  	_ =	swait.ge [sflag:s18], $0x2000  }
0x24: {  	[sflag:s18] =	ssyncset.done $0x0  }
0x25: {  	[sflag:s18] =	ssyncadd.s32 $0xFFFFE000  }
0x26: {  	[spmem:s5] =	stream.linear.scatter [tilespmem:s17], [sflag:$0x1], $0x2000, $0x38;
	[tilespmem:$0x18400] =	vst v63  }
0x27: {  	_ =	swait.ge [sflag:s18], $0x2000  }
0x28: {  	[sflag:s18] =	ssyncset.done $0x0  }
0x29: {  	[sflag:s18] =	ssyncadd.s32 $0xFFFFE000  }
0x2a: {  	[spmem:s6] =	stream.linear.scatter [tilespmem:s17], [sflag:$0x1], $0x2000, $0x38;
	[tilespmem:$0x18400] =	vst v63  }
0x2b: {  	_ =	swait.ge [sflag:s18], $0x2000  }
0x2c: {  	[sflag:s18] =	ssyncset.done $0x0  }
0x2d: {  	[sflag:s18] =	ssyncadd.s32 $0xFFFFE000  }
0x2e: {  	[spmem:s7] =	stream.linear.scatter [tilespmem:s17], [sflag:$0x1], $0x2000, $0x38;
	[tilespmem:$0x18400] =	vst v63  }
0x2f: {  	_ =	swait.ge [sflag:s18], $0x2000  }
0x30: {  	[sflag:s18] =	ssyncset.done $0x0  }
0x31: {  	[sflag:s18] =	ssyncadd.s32 $0xFFFFE000  }
0x32: {  	[spmem:s8] =	stream.linear.scatter [tilespmem:s17], [sflag:$0x1], $0x2000, $0x38;
	[tilespmem:$0x18400] =	vst v63  }
0x33: {  	_ =	swait.ge [sflag:s18], $0x2000  }
0x34: {  	[sflag:s18] =	ssyncset.done $0x0  }
0x35: {  	[sflag:s18] =	ssyncadd.s32 $0xFFFFE000  }
0x36: {  	[spmem:s9] =	stream.linear.scatter [tilespmem:s17], [sflag:$0x1], $0x2000, $0x38;
	[tilespmem:$0x18400] =	vst v63  }
0x37: {  	_ =	swait.ge [sflag:s18], $0x2000  }
0x38: {  	[sflag:s18] =	ssyncset.done $0x0  }
0x39: {  	[sflag:s18] =	ssyncadd.s32 $0xFFFFE000  }
0x3a: {  	[spmem:s10] =	stream.linear.scatter [tilespmem:s17], [sflag:$0x1], $0x2000, $0x38;
	[tilespmem:$0x18400] =	vst v63  }
0x3b: {  	_ =	swait.ge [sflag:s18], $0x2000  }
0x3c: {  	[sflag:s18] =	ssyncset.done $0x0  }
0x3d: {  	[sflag:s18] =	ssyncadd.s32 $0xFFFFE000  }
0x3e: {  	[spmem:s11] =	stream.linear.scatter [tilespmem:s17], [sflag:$0x1], $0x2000, $0x38;
	[tilespmem:$0x18400] =	vst v63  }
0x3f: {  	_ =	swait.ge [sflag:s18], $0x2000  }
0x40: {  	[sflag:s18] =	ssyncset.done $0x0  }
0x41: {  	[sflag:s18] =	ssyncadd.s32 $0xFFFFE000  }
0x42: {  	[spmem:s12] =	stream.linear.scatter [tilespmem:s17], [sflag:$0x1], $0x2000, $0x38;
	[tilespmem:$0x18400] =	vst v63  }
0x43: {  	_ =	swait.ge [sflag:s18], $0x2000  }
0x44: {  	[sflag:s18] =	ssyncset.done $0x0  }
0x45: {  	[sflag:s18] =	ssyncadd.s32 $0xFFFFE000  }
0x46: {  	[spmem:s13] =	stream.linear.scatter [tilespmem:s17], [sflag:$0x1], $0x1C00, $0x38;
	[tilespmem:$0x18400] =	vst v63  }
0x47: {  	_ =	swait.ge [sflag:s18], $0x1C00  }
0x48: {  	[sflag:s18] =	ssyncset.done $0x0  }
0x49: {  	s23 =	simm.s32 $0x0;
	s24 =	simm.s32 $0x200;
	[sflag:s18] =	ssyncadd.s32 $0xFFFFE400  }
.LBB2_4:
0x4a: {  	p1 =	sne.s32 s24, $0x7E00;
	[tilespmem:s23+$0x2870] =	vst v1  }
0x4b: {  	[tilespmem:s23+$0x2800] =	vst v1  }
0x4c: {  	[tilespmem:s23+$0x2810] =	vst v1  }
.Ltmp1:
0x4d: {  	[tilespmem:s23+$0x2820] =	vst v1;
	(pc) =	sbr.rel @p1 .LBB2_4-.Ltmp1, $4  }
0x4e: {  	[tilespmem:s23+$0x2830] =	vst v1  }
0x4f: {  	[tilespmem:s23+$0x2840] =	vst v1  }
0x50: {  	[tilespmem:s23+$0x2850] =	vst v1  }
0x51: {  	[tilespmem:s23+$0x2860] =	vst v1;
	s23 =	sshra.s32 s24, $0x2;
	s24 =	sadd.s32 $0x200, s24  }
0x52: {  	[tilespmem:s23+$0x2870] =	vst v1  }
0x53: {  	[tilespmem:s23+$0x2800] =	vst v1  }
0x54: {  	[tilespmem:s23+$0x2810] =	vst v1  }
0x55: {  	[tilespmem:s23+$0x2820] =	vst v1  }
0x56: {  	[tilespmem:s23+$0x2830] =	vst v1  }
0x57: {  	[tilespmem:s23+$0x2840] =	vst v1  }
0x58: {  	[tilespmem:s23+$0x2850] =	vst v1  }
0x59: {  	[tilespmem:s23+$0x2860] =	vst v1;
	s30 =	simm.s32 $0x0  }
0x5a: {  	[tilespmem:s30], [sflag:$0x1] =	stream.linear.gather [hbm4b:s14+s30], $0x2800, $0x38;
	[tilespmem:$0x18400] =	vst v63  }
0x5b: {  	_ =	swait.ge [sflag:s18], $0x2800  }
0x5c: {  	[sflag:s18] =	ssyncset.done $0x0  }
0x5d: {  	[sflag:s18] =	ssyncadd.s32 $0xFFFFD800  }
0x5e: {  	s31 =	simm.s32 $0x0;
	[bflag:$0x0] =	sbarrier.arrive $0xFFFF  }
0x5f: {  	[spmem:s2] =	stream.indirect.scatter.add.f32 [tilespmem:s17], [sflag:$0x1], $0x80, s31, s19, $0xb8;
	[tilespmem:$0x18400] =	vst v63  }
0x60: {  	_ =	swait.ge [sflag:s18], $0x2000  }
0x61: {  	s23 =	simm.s32 $0x200;
	[sflag:s18] =	ssyncset.done $0x0  }
.LBB2_6:
0x62: {  	s24 =	sshra.s32 s23, $0x2;
	[sflag:s18] =	ssyncadd.s32 $0xFFFFE000;
	p1 =	sne.s32 s23, $0x9E00  }
0x63: {  	[spmem:s2] =	stream.indirect.scatter.add.f32 [tilespmem:s17], [sflag:$0x1], $0x80, s24, s19, $0xb8;
	[tilespmem:$0x18400] =	vst v63  }
.Ltmp2:
0x64: {  	_ = 	snop;
	(pc) =	sbr.rel @p1 .LBB2_6-.Ltmp2, $4  }
0x65: {  	_ = 	snop  }
0x66: {  	s23 =	sadd.s32 $0x200, s23  }
0x67: {  	_ =	swait.ge [sflag:s18], $0x2000  }
0x68: {  	[sflag:s18] =	ssyncset.done $0x0  }
0x69: {  	[sflag:s18] =	ssyncadd.s32 $0xFFFFE000;
	s23 =	sshll.u32 s0, $0x6  }
0x6a: {  	[bflag:$0x0] =	sbarrier.arrive $0xFFFF;
	s23 =	sor.u32 $0x1C01, s23  }
0x6b: {  	[hbm:s20], [sflag:s23] =	dma.local [spmem:s21], $0x2700  }
0x6c: {  	_ =	swait.ge [sflag:s18], $0x2700  }
0x6d: {  	s3 =	sadd.s32 $0x1, s3;
	[sflag:s18] =	ssyncset.done $0x0  }
0x6e: {  	s24 =	sadd.s32 @!p0 $0x27000, s15;
	p1 =	sne.s32 s3, s16;
	[sflag:s18] =	ssyncadd.s32 $0xFFFFD900  }
0x6f: {  	[hbm:s24], [sflag:s23] =	dma.local @!p0 [spmem:s22], $0x100  }
.Ltmp3:
0x70: {  	_ = 	snop;
	(pc) =	sbr.rel @p1 .LBB2_1-.Ltmp3, $4  }
0x71: {  	s23 =	simm.s32 @!p0 $0x1  }
0x72: {  	_ =	swait.ge @!p0 [sflag:s23], $0x100  }
0x73: {  	[sflag:s23] =	ssyncset.done @!p0 $0x0  }
0x74: {  	[sflag:s23] =	ssyncadd.s32 @!p0 $0xFFFFFF00  }
0x75: {  	_ =	sfence.sel $0x180000  }
0x76: {  	[bflag:$0x0] =	sbarrier.arrive $0xFFFF  }
0x77: {  	p0 =	sne.s32 s0, $0x0;
	_ =	strace $0x9000004A  }
0x78: {  	s0 =	sadd.s32 @!p0 $0x100000, s1;
	[bflag:$0x2] =	sbarrier.arrive $0xFFFF  }
0x79: {  	[sflag:s0] =	ssyncadd.tile.s32 @!p0 $0x1;
	_ =	shalt  }
.Lfunc_end2:
_tile_overlayer_lowered:
.L_overlay_start_2:
0x7a: {  	(tag) =	ssettag $0x2  }
0x7b: {  	s0 =	rddreg [dreg:$0x0];
	s2 =	stileid.u32  }
0x7c: {  	s1 =	rddreg [dreg:$0x1];
	p0 =	sne.s32 s2, $0x0  }
0x7d: {  	s3 =	rddreg [dreg:$0x2];
	[bflag:$0x3] =	sbarrier.arrive $0xFFFF;
	s2 =	simm.s32 @!p0 $0x1C01  }
0x7e: {  	[timem:s3], [sflag:s2] =	dma.local @!p0 [hbm:s0], s1  }
0x7f: {  	s0 =	simm.s32 @!p0 $0x1  }
0x80: {  	_ =	swait.ge @!p0 [sflag:s0], s1  }
0x81: {  	s1 =	ssub.s32 @!p0 $0x0, s1;
	[sflag:s0] =	ssyncset.done @!p0 $0x0  }
0x82: {  	[sflag:s0] =	ssyncadd.s32 @!p0 s1  }
0x83: {  	[bflag:$0x3] =	sbarrier.arrive $0xFFFF  }
0x84: {  	_ =	shalt  }

</sc_bundles>
